<compile_context>
chip_gen: v7x
topology: tpu7x:2x2x1
jax: 0.10.2.dev20260603
libtpu: 0.0.44.dev20260713+nightly
codegen_flags: <defaults>
</compile_context>

<pallas_src>
import jax
import jax.numpy as jnp
from jax import lax
from jax.experimental import pallas as pl
from jax.experimental.pallas import tpu as pltpu
from jax.experimental.pallas import tpu_sc as plsc

B, L, D = 4096, 200, 64
V = 1_000_000
B_BLKS = B // 128
N = B * L
NC, NS = 2, 16
NW = NC * NS
ROWS_PER_W = N // NW
GATHER = 128
N_ITERS = ROWS_PER_W // GATHER
IDX_ROWS = ROWS_PER_W // GATHER
VB = 4096
PBLKS = 123
OFFSET = PBLKS * VB
WT_BLKS = (V + VB - 1) // VB - 1
TDIMS = (((0,), (0,)), ((), ()))


def _pack_body(wa_ref, wb_ref, eye_ref, o_ref):
    ta = lax.dot_general(wa_ref[...], eye_ref[...], TDIMS,
                         preferred_element_type=jnp.float32)
    tb = lax.dot_general(wb_ref[...], eye_ref[...], TDIMS,
                         preferred_element_type=jnp.float32)
    o_ref[...] = jnp.concatenate([ta, tb], axis=1)


def _gather_body(idx_hbm, table_hbm, out_hbm, idx_v, sidx, rows_v,
                 g_sem0, g_sem1, s_sem0, s_sem1):
    wid = lax.axis_index("s") * NC + lax.axis_index("c")
    out_base = wid * ROWS_PER_W
    g_sems = (g_sem0, g_sem1)
    s_sems = (s_sem0, s_sem1)

    def make_sidx(t, buf):
        for k in range(8):
            v = idx_v[t, pl.ds(16 * k, 16)]
            sidx[buf, pl.ds(16 * k, 16)] = jnp.where(v >= OFFSET,
                                                     v - OFFSET, v)

    def issue_gather(t, buf):
        make_sidx(t, buf)
        pltpu.async_copy(table_hbm.at[sidx.at[buf]],
                         rows_v.at[buf], g_sems[buf])

    def wait_gather(buf):
        pltpu.make_async_copy(table_hbm.at[sidx.at[buf]],
                              rows_v.at[buf], g_sems[buf]).wait()

    def issue_store(t, buf):
        pltpu.async_copy(rows_v.at[buf],
                         out_hbm.at[pl.ds(out_base + t * GATHER, GATHER)],
                         s_sems[buf])

    def wait_store(buf):
        pltpu.make_async_copy(rows_v.at[buf],
                              out_hbm.at[pl.ds(out_base, GATHER)],
                              s_sems[buf]).wait()

    pltpu.sync_copy(idx_hbm.at[pl.ds(wid * IDX_ROWS, IDX_ROWS)], idx_v)

    issue_gather(0, 0)
    issue_gather(1, 1)

    def body(tt, carry):
        t0 = tt * 2
        t1 = t0 + 1
        wait_gather(0)
        issue_store(t0 - 2, 0)
        wait_gather(1)
        issue_store(t1 - 2, 1)
        wait_store(0)
        issue_gather(t0, 0)
        wait_store(1)
        issue_gather(t1, 1)
        return carry

    lax.fori_loop(1, N_ITERS // 2, body, 0)

    wait_gather(0)
    issue_store(N_ITERS - 2, 0)
    wait_gather(1)
    issue_store(N_ITERS - 1, 1)
    wait_store(0)
    wait_store(1)


LU = 4


def _untangle_body(g_ref, i_ref, eye_ref, o_ref):
    eye = eye_ref[...]
    for ll in range(LU):
        for bb in range(B_BLKS):
            blk = g_ref[pl.ds((ll * B_BLKS + bb) * 128, 128), :]
            t = lax.dot_general(blk, eye, TDIMS,
                                preferred_element_type=jnp.float32)
            row = i_ref[ll, bb]
            hi = row >= OFFSET
            o_ref[ll, :, bb] = jnp.where(hi[None, :], t[64:],
                                         t[:64]).reshape(8, 8, 128)


def kernel(x, W):
    idx = x.T.reshape(N // GATHER, GATHER).astype(jnp.int32)
    wt = W.T
    eye64 = jnp.eye(64, dtype=jnp.float32)
    eye128 = jnp.eye(128, dtype=jnp.float32)

    table = pl.pallas_call(
        _pack_body,
        grid=(PBLKS,),
        in_specs=[
            pl.BlockSpec((D, VB), lambda b: (0, b)),
            pl.BlockSpec((D, VB),
                         lambda b: (0, jnp.minimum(PBLKS + b, WT_BLKS))),
            pl.BlockSpec((D, D), lambda b: (0, 0)),
        ],
        out_specs=pl.BlockSpec((VB, 128), lambda b: (b, 0)),
        out_shape=jax.ShapeDtypeStruct((OFFSET, 128), jnp.float32),
    )(wt, wt, eye64)

    mesh = plsc.VectorSubcoreMesh(core_axis_name="c", subcore_axis_name="s")
    run = pl.kernel(
        _gather_body,
        out_type=jax.ShapeDtypeStruct((N, 128), jnp.float32),
        mesh=mesh,
        scratch_types=[
            pltpu.VMEM((IDX_ROWS, GATHER), jnp.int32),
            pltpu.VMEM((2, GATHER), jnp.int32),
            pltpu.VMEM((2, GATHER, 128), jnp.float32),
            pltpu.SemaphoreType.DMA,
            pltpu.SemaphoreType.DMA,
            pltpu.SemaphoreType.DMA,
            pltpu.SemaphoreType.DMA,
        ],
        compiler_params=pltpu.CompilerParams(use_tc_tiling_on_sc=True),
    )
    g = run(idx, table)

    out5 = pl.pallas_call(
        _untangle_body,
        grid=(L // LU,),
        in_specs=[
            pl.BlockSpec((LU * B, 128), lambda l: (l, 0)),
            pl.BlockSpec((LU, B_BLKS, 128), lambda l: (l, 0, 0)),
            pl.BlockSpec((128, 128), lambda l: (0, 0)),
        ],
        out_specs=pl.BlockSpec((LU, 8, B_BLKS, 8, 128),
                               lambda l: (l, 0, 0, 0, 0)),
        out_shape=jax.ShapeDtypeStruct((L, 8, B_BLKS, 8, 128), jnp.float32),
    )(g, idx.reshape(L, B_BLKS, 128), eye128)

    return out5.transpose(2, 4, 0, 1, 3).reshape(B, L, D)

# --- scband reference (transcript-rebuilt; emitter-appended) ---
"""Pipeline reference for scband-embedding-42271068127375 (READ-ONLY COPY).

The authoritative reference and input builder live on the scoring server;
editing this copy changes nothing except your own understanding.
"""

import jax, jax.numpy as jnp
import numpy as np

NUM_EMBEDDINGS = 1000000
EMBEDDING_DIM = 64

def setup_inputs(seed: int = 0) -> dict:
    key = jax.random.key(seed)
    k_idx, k_w = jax.random.split(key)
    x = jax.random.randint(k_idx, (4096, 200), 0, NUM_EMBEDDINGS, dtype=jnp.int64 if jax.config.jax_enable_x64 else jnp.int32)
    # trunc_normal_(std=1, a=-3, b=3)
    W = jax.random.truncated_normal(k_w, -3.0, 3.0, (NUM_EMBEDDINGS, EMBEDDING_DIM), dtype=jnp.float32)
    return {"x": x, "W": W}

def reference(x, W):
    # Embedding lookup: W[x] -> [B, L, D]
    return jnp.take(W, x, axis=0)

if __name__ == "__main__":
    import jax
    _d = setup_inputs()
    print(jax.jit(kernel)(*tuple(_d.values())))

</pallas_src>

<mosaic_0001>
#map = affine_map<(d0, d1) -> (0, 0)>
module attributes {stable_mosaic.version = 14 : i64} {
  func.func @_gather_body(%arg0: i32, %arg1: i32, %arg2: memref<6400x128xi32, #tpu.memory_space<hbm>>, %arg3: memref<503808x128xf32, #tpu.memory_space<hbm>>, %arg4: memref<819200x128xf32, #tpu.memory_space<hbm>>, %arg5: memref<200x128xi32, #tpu.memory_space<vmem>>, %arg6: memref<2x128xi32, #tpu.memory_space<vmem>>, %arg7: memref<2x128x128xf32, #tpu.memory_space<vmem>>, %arg8: memref<!tpu.dma_semaphore, #tpu.memory_space<semaphore_mem>>, %arg9: memref<!tpu.dma_semaphore, #tpu.memory_space<semaphore_mem>>, %arg10: memref<!tpu.dma_semaphore, #tpu.memory_space<semaphore_mem>>, %arg11: memref<!tpu.dma_semaphore, #tpu.memory_space<semaphore_mem>>) attributes {dimension_semantics = [#tpu.dimension_semantics<core_parallel>, #tpu.dimension_semantics<subcore_parallel>], iteration_bounds = array<i64: 2, 16>, scalar_prefetch = 0 : i64, scratch_operands = 7 : i64, tpu.core_type = #tpu.core_type<sc_vector_subcore>, window_params = [{transform_indices = #map}, {transform_indices = #map}, {transform_indices = #map}]} {
    %mul3A = arith.constant 2 : i32
    %mul3A_0 = arith.muli %arg1, %mul3A : i32
    %add3A = arith.addi %mul3A_0, %arg0 : i32
    %mul3A_1 = arith.constant 25600 : i32
    %mul3A_2 = arith.muli %add3A, %mul3A_1 : i32
    %mul3A_3 = arith.constant 200 : i32
    %mul3A_4 = arith.muli %add3A, %mul3A_3 : i32
    "tpu.region"() ({
      %run_scoped3A = tpu.sem_alloc : memref<!tpu.dma_semaphore, #tpu.memory_space<semaphore_mem>>
      %dma_start3A_395 = arith.constant 0 : i32
      %dma_start3A_396 = tpu.memref_slice %arg2[%mul3A_4, %dma_start3A_395] : memref<6400x128xi32, #tpu.memory_space<hbm>> -> memref<200x128xi32, #tpu.memory_space<hbm>>
      %dma_start3A_397 = arith.constant 0 : i32
      %dma_start3A_398 = tpu.memref_slice %arg2[%mul3A_4, %dma_start3A_397] : memref<6400x128xi32, #tpu.memory_space<hbm>> -> memref<200x128xi32, #tpu.memory_space<hbm>>
      tpu.enqueue_dma source(%dma_start3A_398 : memref<200x128xi32, #tpu.memory_space<hbm>>) target(%arg5 : memref<200x128xi32, #tpu.memory_space<vmem>>) target_semaphore(%run_scoped3A : memref<!tpu.dma_semaphore, #tpu.memory_space<semaphore_mem>>)
      %dma_wait3A_399 = arith.constant 0 : i32
      %dma_wait3A_400 = tpu.memref_slice %arg2[%mul3A_4, %dma_wait3A_399] : memref<6400x128xi32, #tpu.memory_space<hbm>> -> memref<200x128xi32, #tpu.memory_space<hbm>>
      %dma_wait3A_401 = arith.constant 0 : i32
      %dma_wait3A_402 = tpu.memref_slice %arg2[%mul3A_4, %dma_wait3A_401] : memref<6400x128xi32, #tpu.memory_space<hbm>> -> memref<200x128xi32, #tpu.memory_space<hbm>>
      tpu.wait_dma2 semaphore(%run_scoped3A : memref<!tpu.dma_semaphore, #tpu.memory_space<semaphore_mem>>) src(%dma_wait3A_402 : memref<200x128xi32, #tpu.memory_space<hbm>>) dst(%arg5 : memref<200x128xi32, #tpu.memory_space<vmem>>)
      tpu.yield
    }) : () -> ()
    %get3A = arith.constant 0 : i32
    %get3A_5 = arith.index_cast %get3A : i32 to index
    %get3A_6 = arith.constant 0 : index
    %get3A_7 = tpu.vector_load %arg5[%get3A_5, %get3A_6] {strides = array<i32>} : memref<200x128xi32, #tpu.memory_space<vmem>>, vector<1x16xi32>,
    %get3A_8 = vector.shape_cast %get3A_7 : vector<1x16xi32> to vector<16xi32>
    %ge3A = arith.constant 503808 : i32
    %ge3A_9 = vector.broadcast %ge3A : i32 to vector<16xi32>
    %ge3A_10 = arith.cmpi sge, %get3A_8, %ge3A_9 : vector<16xi32>
    %sub3A = arith.constant 503808 : i32
    %sub3A_11 = vector.broadcast %sub3A : i32 to vector<16xi32>
    %sub3A_12 = arith.subi %get3A_8, %sub3A_11 : vector<16xi32>
    %select_n3A = arith.select %ge3A_10, %sub3A_12, %get3A_8 : vector<16xi1>, vector<16xi32>
    %swap3A = arith.constant 0 : i32
    %swap3A_13 = arith.index_cast %swap3A : i32 to index
    %swap3A_14 = arith.constant 0 : index
    %swap3A_15 = tpu.vector_load %arg6[%swap3A_13, %swap3A_14] {strides = array<i32>} : memref<2x128xi32, #tpu.memory_space<vmem>>, vector<1x16xi32>,
    %swap3A_16 = vector.shape_cast %swap3A_15 : vector<1x16xi32> to vector<16xi32>
    %swap3A_17 = vector.shape_cast %select_n3A : vector<16xi32> to vector<1x16xi32>
    tpu.vector_store %arg6[%swap3A_13, %swap3A_14], %swap3A_17 {strides = array<i32>} : memref<2x128xi32, #tpu.memory_space<vmem>>, vector<1x16xi32>,
    %get3A_18 = arith.constant 0 : i32
    %get3A_19 = arith.index_cast %get3A_18 : i32 to index
    %get3A_20 = arith.constant 16 : index
    %get3A_21 = tpu.vector_load %arg5[%get3A_19, %get3A_20] {strides = array<i32>} : memref<200x128xi32, #tpu.memory_space<vmem>>, vector<1x16xi32>,
    %get3A_22 = vector.shape_cast %get3A_21 : vector<1x16xi32> to vector<16xi32>
    %ge3A_23 = arith.constant 503808 : i32
    %ge3A_24 = vector.broadcast %ge3A_23 : i32 to vector<16xi32>
    %ge3A_25 = arith.cmpi sge, %get3A_22, %ge3A_24 : vector<16xi32>
    %sub3A_26 = arith.constant 503808 : i32
    %sub3A_27 = vector.broadcast %sub3A_26 : i32 to vector<16xi32>
    %sub3A_28 = arith.subi %get3A_22, %sub3A_27 : vector<16xi32>
    %select_n3A_29 = arith.select %ge3A_25, %sub3A_28, %get3A_22 : vector<16xi1>, vector<16xi32>
    %swap3A_30 = arith.constant 0 : i32
    %swap3A_31 = arith.index_cast %swap3A_30 : i32 to index
    %swap3A_32 = arith.constant 16 : index
    %swap3A_33 = tpu.vector_load %arg6[%swap3A_31, %swap3A_32] {strides = array<i32>} : memref<2x128xi32, #tpu.memory_space<vmem>>, vector<1x16xi32>,
    %swap3A_34 = vector.shape_cast %swap3A_33 : vector<1x16xi32> to vector<16xi32>
    %swap3A_35 = vector.shape_cast %select_n3A_29 : vector<16xi32> to vector<1x16xi32>
    tpu.vector_store %arg6[%swap3A_31, %swap3A_32], %swap3A_35 {strides = array<i32>} : memref<2x128xi32, #tpu.memory_space<vmem>>, vector<1x16xi32>,
    %get3A_36 = arith.constant 0 : i32
    %get3A_37 = arith.index_cast %get3A_36 : i32 to index
    %get3A_38 = arith.constant 32 : index
    %get3A_39 = tpu.vector_load %arg5[%get3A_37, %get3A_38] {strides = array<i32>} : memref<200x128xi32, #tpu.memory_space<vmem>>, vector<1x16xi32>,
    %get3A_40 = vector.shape_cast %get3A_39 : vector<1x16xi32> to vector<16xi32>
    %ge3A_41 = arith.constant 503808 : i32
    %ge3A_42 = vector.broadcast %ge3A_41 : i32 to vector<16xi32>
    %ge3A_43 = arith.cmpi sge, %get3A_40, %ge3A_42 : vector<16xi32>
    %sub3A_44 = arith.constant 503808 : i32
    %sub3A_45 = vector.broadcast %sub3A_44 : i32 to vector<16xi32>
    %sub3A_46 = arith.subi %get3A_40, %sub3A_45 : vector<16xi32>
    %select_n3A_47 = arith.select %ge3A_43, %sub3A_46, %get3A_40 : vector<16xi1>, vector<16xi32>
    %swap3A_48 = arith.constant 0 : i32
    %swap3A_49 = arith.index_cast %swap3A_48 : i32 to index
    %swap3A_50 = arith.constant 32 : index
    %swap3A_51 = tpu.vector_load %arg6[%swap3A_49, %swap3A_50] {strides = array<i32>} : memref<2x128xi32, #tpu.memory_space<vmem>>, vector<1x16xi32>,
    %swap3A_52 = vector.shape_cast %swap3A_51 : vector<1x16xi32> to vector<16xi32>
    %swap3A_53 = vector.shape_cast %select_n3A_47 : vector<16xi32> to vector<1x16xi32>
    tpu.vector_store %arg6[%swap3A_49, %swap3A_50], %swap3A_53 {strides = array<i32>} : memref<2x128xi32, #tpu.memory_space<vmem>>, vector<1x16xi32>,
    %get3A_54 = arith.constant 0 : i32
    %get3A_55 = arith.index_cast %get3A_54 : i32 to index
    %get3A_56 = arith.constant 48 : index
    %get3A_57 = tpu.vector_load %arg5[%get3A_55, %get3A_56] {strides = array<i32>} : memref<200x128xi32, #tpu.memory_space<vmem>>, vector<1x16xi32>,
    %get3A_58 = vector.shape_cast %get3A_57 : vector<1x16xi32> to vector<16xi32>
    %ge3A_59 = arith.constant 503808 : i32
    %ge3A_60 = vector.broadcast %ge3A_59 : i32 to vector<16xi32>
    %ge3A_61 = arith.cmpi sge, %get3A_58, %ge3A_60 : vector<16xi32>
    %sub3A_62 = arith.constant 503808 : i32
    %sub3A_63 = vector.broadcast %sub3A_62 : i32 to vector<16xi32>
    %sub3A_64 = arith.subi %get3A_58, %sub3A_63 : vector<16xi32>
    %select_n3A_65 = arith.select %ge3A_61, %sub3A_64, %get3A_58 : vector<16xi1>, vector<16xi32>
    %swap3A_66 = arith.constant 0 : i32
    %swap3A_67 = arith.index_cast %swap3A_66 : i32 to index
    %swap3A_68 = arith.constant 48 : index
    %swap3A_69 = tpu.vector_load %arg6[%swap3A_67, %swap3A_68] {strides = array<i32>} : memref<2x128xi32, #tpu.memory_space<vmem>>, vector<1x16xi32>,
    %swap3A_70 = vector.shape_cast %swap3A_69 : vector<1x16xi32> to vector<16xi32>
    %swap3A_71 = vector.shape_cast %select_n3A_65 : vector<16xi32> to vector<1x16xi32>
    tpu.vector_store %arg6[%swap3A_67, %swap3A_68], %swap3A_71 {strides = array<i32>} : memref<2x128xi32, #tpu.memory_space<vmem>>, vector<1x16xi32>,
    %get3A_72 = arith.constant 0 : i32
    %get3A_73 = arith.index_cast %get3A_72 : i32 to index
    %get3A_74 = arith.constant 64 : index
    %get3A_75 = tpu.vector_load %arg5[%get3A_73, %get3A_74] {strides = array<i32>} : memref<200x128xi32, #tpu.memory_space<vmem>>, vector<1x16xi32>,
    %get3A_76 = vector.shape_cast %get3A_75 : vector<1x16xi32> to vector<16xi32>
    %ge3A_77 = arith.constant 503808 : i32
    %ge3A_78 = vector.broadcast %ge3A_77 : i32 to vector<16xi32>
    %ge3A_79 = arith.cmpi sge, %get3A_76, %ge3A_78 : vector<16xi32>
    %sub3A_80 = arith.constant 503808 : i32
    %sub3A_81 = vector.broadcast %sub3A_80 : i32 to vector<16xi32>
    %sub3A_82 = arith.subi %get3A_76, %sub3A_81 : vector<16xi32>
    %select_n3A_83 = arith.select %ge3A_79, %sub3A_82, %get3A_76 : vector<16xi1>, vector<16xi32>
    %swap3A_84 = arith.constant 0 : i32
    %swap3A_85 = arith.index_cast %swap3A_84 : i32 to index
    %swap3A_86 = arith.constant 64 : index
    %swap3A_87 = tpu.vector_load %arg6[%swap3A_85, %swap3A_86] {strides = array<i32>} : memref<2x128xi32, #tpu.memory_space<vmem>>, vector<1x16xi32>,
    %swap3A_88 = vector.shape_cast %swap3A_87 : vector<1x16xi32> to vector<16xi32>
    %swap3A_89 = vector.shape_cast %select_n3A_83 : vector<16xi32> to vector<1x16xi32>
    tpu.vector_store %arg6[%swap3A_85, %swap3A_86], %swap3A_89 {strides = array<i32>} : memref<2x128xi32, #tpu.memory_space<vmem>>, vector<1x16xi32>,
    %get3A_90 = arith.constant 0 : i32
    %get3A_91 = arith.index_cast %get3A_90 : i32 to index
    %get3A_92 = arith.constant 80 : index
    %get3A_93 = tpu.vector_load %arg5[%get3A_91, %get3A_92] {strides = array<i32>} : memref<200x128xi32, #tpu.memory_space<vmem>>, vector<1x16xi32>,
    %get3A_94 = vector.shape_cast %get3A_93 : vector<1x16xi32> to vector<16xi32>
    %ge3A_95 = arith.constant 503808 : i32
    %ge3A_96 = vector.broadcast %ge3A_95 : i32 to vector<16xi32>
    %ge3A_97 = arith.cmpi sge, %get3A_94, %ge3A_96 : vector<16xi32>
    %sub3A_98 = arith.constant 503808 : i32
    %sub3A_99 = vector.broadcast %sub3A_98 : i32 to vector<16xi32>
    %sub3A_100 = arith.subi %get3A_94, %sub3A_99 : vector<16xi32>
    %select_n3A_101 = arith.select %ge3A_97, %sub3A_100, %get3A_94 : vector<16xi1>, vector<16xi32>
    %swap3A_102 = arith.constant 0 : i32
    %swap3A_103 = arith.index_cast %swap3A_102 : i32 to index
    %swap3A_104 = arith.constant 80 : index
    %swap3A_105 = tpu.vector_load %arg6[%swap3A_103, %swap3A_104] {strides = array<i32>} : memref<2x128xi32, #tpu.memory_space<vmem>>, vector<1x16xi32>,
    %swap3A_106 = vector.shape_cast %swap3A_105 : vector<1x16xi32> to vector<16xi32>
    %swap3A_107 = vector.shape_cast %select_n3A_101 : vector<16xi32> to vector<1x16xi32>
    tpu.vector_store %arg6[%swap3A_103, %swap3A_104], %swap3A_107 {strides = array<i32>} : memref<2x128xi32, #tpu.memory_space<vmem>>, vector<1x16xi32>,
    %get3A_108 = arith.constant 0 : i32
    %get3A_109 = arith.index_cast %get3A_108 : i32 to index
    %get3A_110 = arith.constant 96 : index
    %get3A_111 = tpu.vector_load %arg5[%get3A_109, %get3A_110] {strides = array<i32>} : memref<200x128xi32, #tpu.memory_space<vmem>>, vector<1x16xi32>,
    %get3A_112 = vector.shape_cast %get3A_111 : vector<1x16xi32> to vector<16xi32>
    %ge3A_113 = arith.constant 503808 : i32
    %ge3A_114 = vector.broadcast %ge3A_113 : i32 to vector<16xi32>
    %ge3A_115 = arith.cmpi sge, %get3A_112, %ge3A_114 : vector<16xi32>
    %sub3A_116 = arith.constant 503808 : i32
    %sub3A_117 = vector.broadcast %sub3A_116 : i32 to vector<16xi32>
    %sub3A_118 = arith.subi %get3A_112, %sub3A_117 : vector<16xi32>
    %select_n3A_119 = arith.select %ge3A_115, %sub3A_118, %get3A_112 : vector<16xi1>, vector<16xi32>
    %swap3A_120 = arith.constant 0 : i32
    %swap3A_121 = arith.index_cast %swap3A_120 : i32 to index
    %swap3A_122 = arith.constant 96 : index
    %swap3A_123 = tpu.vector_load %arg6[%swap3A_121, %swap3A_122] {strides = array<i32>} : memref<2x128xi32, #tpu.memory_space<vmem>>, vector<1x16xi32>,
    %swap3A_124 = vector.shape_cast %swap3A_123 : vector<1x16xi32> to vector<16xi32>
    %swap3A_125 = vector.shape_cast %select_n3A_119 : vector<16xi32> to vector<1x16xi32>
    tpu.vector_store %arg6[%swap3A_121, %swap3A_122], %swap3A_125 {strides = array<i32>} : memref<2x128xi32, #tpu.memory_space<vmem>>, vector<1x16xi32>,
    %get3A_126 = arith.constant 0 : i32
    %get3A_127 = arith.index_cast %get3A_126 : i32 to index
    %get3A_128 = arith.constant 112 : index
    %get3A_129 = tpu.vector_load %arg5[%get3A_127, %get3A_128] {strides = array<i32>} : memref<200x128xi32, #tpu.memory_space<vmem>>, vector<1x16xi32>,
    %get3A_130 = vector.shape_cast %get3A_129 : vector<1x16xi32> to vector<16xi32>
    %ge3A_131 = arith.constant 503808 : i32
    %ge3A_132 = vector.broadcast %ge3A_131 : i32 to vector<16xi32>
    %ge3A_133 = arith.cmpi sge, %get3A_130, %ge3A_132 : vector<16xi32>
    %sub3A_134 = arith.constant 503808 : i32
    %sub3A_135 = vector.broadcast %sub3A_134 : i32 to vector<16xi32>
    %sub3A_136 = arith.subi %get3A_130, %sub3A_135 : vector<16xi32>
    %select_n3A_137 = arith.select %ge3A_133, %sub3A_136, %get3A_130 : vector<16xi1>, vector<16xi32>
    %swap3A_138 = arith.constant 0 : i32
    %swap3A_139 = arith.index_cast %swap3A_138 : i32 to index
    %swap3A_140 = arith.constant 112 : index
    %swap3A_141 = tpu.vector_load %arg6[%swap3A_139, %swap3A_140] {strides = array<i32>} : memref<2x128xi32, #tpu.memory_space<vmem>>, vector<1x16xi32>,
    %swap3A_142 = vector.shape_cast %swap3A_141 : vector<1x16xi32> to vector<16xi32>
    %swap3A_143 = vector.shape_cast %select_n3A_137 : vector<16xi32> to vector<1x16xi32>
    tpu.vector_store %arg6[%swap3A_139, %swap3A_140], %swap3A_143 {strides = array<i32>} : memref<2x128xi32, #tpu.memory_space<vmem>>, vector<1x16xi32>,
    %dma_start3A = arith.constant 0 : i32
    %dma_start3A_144 = arith.constant 0 : i32
    %dma_start3A_145 = arith.constant 0 : i32
    %dma_start3A_146 = arith.constant 0 : i32
    %dma_start3A_147 = tpu.memref_slice %arg7[%dma_start3A_144, %dma_start3A_145, %dma_start3A_146] : memref<2x128x128xf32, #tpu.memory_space<vmem>> -> memref<1x128x128xf32, #tpu.memory_space<vmem>>
    %dma_start3A_148 = tpu.memref_squeeze %dma_start3A_147 : memref<1x128x128xf32, #tpu.memory_space<vmem>> -> memref<128x128xf32, #tpu.memory_space<vmem>>
    %dma_start3A_149 = arith.constant 0 : i32
    %dma_start3A_150 = tpu.memref_slice %arg6[%dma_start3A, %dma_start3A_149] : memref<2x128xi32, #tpu.memory_space<vmem>> -> memref<1x128xi32, #tpu.memory_space<vmem>>
    %dma_start3A_151 = tpu.memref_squeeze %dma_start3A_150 : memref<1x128xi32, #tpu.memory_space<vmem>> -> memref<128xi32, #tpu.memory_space<vmem>>
    %dma_start3A_152 = arith.constant 0 : i32
    %dma_start3A_153 = arith.constant 0 : i32
    %dma_start3A_154 = tpu.memref_slice %arg3[%dma_start3A_152, %dma_start3A_153] : memref<503808x128xf32, #tpu.memory_space<hbm>> -> memref<503808x128xf32, #tpu.memory_space<hbm>>
    tpu.enqueue_indirect_dma source(%dma_start3A_154 : memref<503808x128xf32, #tpu.memory_space<hbm>>) target(%dma_start3A_148 : memref<128x128xf32, #tpu.memory_space<vmem>>) offsets(%dma_start3A_151 : memref<128xi32, #tpu.memory_space<vmem>>) semaphore(%arg8 : memref<!tpu.dma_semaphore, #tpu.memory_space<semaphore_mem>>)
    %get3A_155 = arith.constant 1 : i32
    %get3A_156 = arith.index_cast %get3A_155 : i32 to index
    %get3A_157 = arith.constant 0 : index
    %get3A_158 = tpu.vector_load %arg5[%get3A_156, %get3A_157] {strides = array<i32>} : memref<200x128xi32, #tpu.memory_space<vmem>>, vector<1x16xi32>,
    %get3A_159 = vector.shape_cast %get3A_158 : vector<1x16xi32> to vector<16xi32>
    %ge3A_160 = arith.constant 503808 : i32
    %ge3A_161 = vector.broadcast %ge3A_160 : i32 to vector<16xi32>
    %ge3A_162 = arith.cmpi sge, %get3A_159, %ge3A_161 : vector<16xi32>
    %sub3A_163 = arith.constant 503808 : i32
    %sub3A_164 = vector.broadcast %sub3A_163 : i32 to vector<16xi32>
    %sub3A_165 = arith.subi %get3A_159, %sub3A_164 : vector<16xi32>
    %select_n3A_166 = arith.select %ge3A_162, %sub3A_165, %get3A_159 : vector<16xi1>, vector<16xi32>
    %swap3A_167 = arith.constant 1 : i32
    %swap3A_168 = arith.index_cast %swap3A_167 : i32 to index
    %swap3A_169 = arith.constant 0 : index
    %swap3A_170 = tpu.vector_load %arg6[%swap3A_168, %swap3A_169] {strides = array<i32>} : memref<2x128xi32, #tpu.memory_space<vmem>>, vector<1x16xi32>,
    %swap3A_171 = vector.shape_cast %swap3A_170 : vector<1x16xi32> to vector<16xi32>
    %swap3A_172 = vector.shape_cast %select_n3A_166 : vector<16xi32> to vector<1x16xi32>
    tpu.vector_store %arg6[%swap3A_168, %swap3A_169], %swap3A_172 {strides = array<i32>} : memref<2x128xi32, #tpu.memory_space<vmem>>, vector<1x16xi32>,
    %get3A_173 = arith.constant 1 : i32
    %get3A_174 = arith.index_cast %get3A_173 : i32 to index
    %get3A_175 = arith.constant 16 : index
    %get3A_176 = tpu.vector_load %arg5[%get3A_174, %get3A_175] {strides = array<i32>} : memref<200x128xi32, #tpu.memory_space<vmem>>, vector<1x16xi32>,
    %get3A_177 = vector.shape_cast %get3A_176 : vector<1x16xi32> to vector<16xi32>
    %ge3A_178 = arith.constant 503808 : i32
    %ge3A_179 = vector.broadcast %ge3A_178 : i32 to vector<16xi32>
    %ge3A_180 = arith.cmpi sge, %get3A_177, %ge3A_179 : vector<16xi32>
    %sub3A_181 = arith.constant 503808 : i32
    %sub3A_182 = vector.broadcast %sub3A_181 : i32 to vector<16xi32>
    %sub3A_183 = arith.subi %get3A_177, %sub3A_182 : vector<16xi32>
    %select_n3A_184 = arith.select %ge3A_180, %sub3A_183, %get3A_177 : vector<16xi1>, vector<16xi32>
    %swap3A_185 = arith.constant 1 : i32
    %swap3A_186 = arith.index_cast %swap3A_185 : i32 to index
    %swap3A_187 = arith.constant 16 : index
    %swap3A_188 = tpu.vector_load %arg6[%swap3A_186, %swap3A_187] {strides = array<i32>} : memref<2x128xi32, #tpu.memory_space<vmem>>, vector<1x16xi32>,
    %swap3A_189 = vector.shape_cast %swap3A_188 : vector<1x16xi32> to vector<16xi32>
    %swap3A_190 = vector.shape_cast %select_n3A_184 : vector<16xi32> to vector<1x16xi32>
    tpu.vector_store %arg6[%swap3A_186, %swap3A_187], %swap3A_190 {strides = array<i32>} : memref<2x128xi32, #tpu.memory_space<vmem>>, vector<1x16xi32>,
    %get3A_191 = arith.constant 1 : i32
    %get3A_192 = arith.index_cast %get3A_191 : i32 to index
    %get3A_193 = arith.constant 32 : index
    %get3A_194 = tpu.vector_load %arg5[%get3A_192, %get3A_193] {strides = array<i32>} : memref<200x128xi32, #tpu.memory_space<vmem>>, vector<1x16xi32>,
    %get3A_195 = vector.shape_cast %get3A_194 : vector<1x16xi32> to vector<16xi32>
    %ge3A_196 = arith.constant 503808 : i32
    %ge3A_197 = vector.broadcast %ge3A_196 : i32 to vector<16xi32>
    %ge3A_198 = arith.cmpi sge, %get3A_195, %ge3A_197 : vector<16xi32>
    %sub3A_199 = arith.constant 503808 : i32
    %sub3A_200 = vector.broadcast %sub3A_199 : i32 to vector<16xi32>
    %sub3A_201 = arith.subi %get3A_195, %sub3A_200 : vector<16xi32>
    %select_n3A_202 = arith.select %ge3A_198, %sub3A_201, %get3A_195 : vector<16xi1>, vector<16xi32>
    %swap3A_203 = arith.constant 1 : i32
    %swap3A_204 = arith.index_cast %swap3A_203 : i32 to index
    %swap3A_205 = arith.constant 32 : index
    %swap3A_206 = tpu.vector_load %arg6[%swap3A_204, %swap3A_205] {strides = array<i32>} : memref<2x128xi32, #tpu.memory_space<vmem>>, vector<1x16xi32>,
    %swap3A_207 = vector.shape_cast %swap3A_206 : vector<1x16xi32> to vector<16xi32>
    %swap3A_208 = vector.shape_cast %select_n3A_202 : vector<16xi32> to vector<1x16xi32>
    tpu.vector_store %arg6[%swap3A_204, %swap3A_205], %swap3A_208 {strides = array<i32>} : memref<2x128xi32, #tpu.memory_space<vmem>>, vector<1x16xi32>,
    %get3A_209 = arith.constant 1 : i32
    %get3A_210 = arith.index_cast %get3A_209 : i32 to index
    %get3A_211 = arith.constant 48 : index
    %get3A_212 = tpu.vector_load %arg5[%get3A_210, %get3A_211] {strides = array<i32>} : memref<200x128xi32, #tpu.memory_space<vmem>>, vector<1x16xi32>,
    %get3A_213 = vector.shape_cast %get3A_212 : vector<1x16xi32> to vector<16xi32>
    %ge3A_214 = arith.constant 503808 : i32
    %ge3A_215 = vector.broadcast %ge3A_214 : i32 to vector<16xi32>
    %ge3A_216 = arith.cmpi sge, %get3A_213, %ge3A_215 : vector<16xi32>
    %sub3A_217 = arith.constant 503808 : i32
    %sub3A_218 = vector.broadcast %sub3A_217 : i32 to vector<16xi32>
    %sub3A_219 = arith.subi %get3A_213, %sub3A_218 : vector<16xi32>
    %select_n3A_220 = arith.select %ge3A_216, %sub3A_219, %get3A_213 : vector<16xi1>, vector<16xi32>
    %swap3A_221 = arith.constant 1 : i32
    %swap3A_222 = arith.index_cast %swap3A_221 : i32 to index
    %swap3A_223 = arith.constant 48 : index
    %swap3A_224 = tpu.vector_load %arg6[%swap3A_222, %swap3A_223] {strides = array<i32>} : memref<2x128xi32, #tpu.memory_space<vmem>>, vector<1x16xi32>,
    %swap3A_225 = vector.shape_cast %swap3A_224 : vector<1x16xi32> to vector<16xi32>
    %swap3A_226 = vector.shape_cast %select_n3A_220 : vector<16xi32> to vector<1x16xi32>
    tpu.vector_store %arg6[%swap3A_222, %swap3A_223], %swap3A_226 {strides = array<i32>} : memref<2x128xi32, #tpu.memory_space<vmem>>, vector<1x16xi32>,
    %get3A_227 = arith.constant 1 : i32
    %get3A_228 = arith.index_cast %get3A_227 : i32 to index
    %get3A_229 = arith.constant 64 : index
    %get3A_230 = tpu.vector_load %arg5[%get3A_228, %get3A_229] {strides = array<i32>} : memref<200x128xi32, #tpu.memory_space<vmem>>, vector<1x16xi32>,
    %get3A_231 = vector.shape_cast %get3A_230 : vector<1x16xi32> to vector<16xi32>
    %ge3A_232 = arith.constant 503808 : i32
    %ge3A_233 = vector.broadcast %ge3A_232 : i32 to vector<16xi32>
    %ge3A_234 = arith.cmpi sge, %get3A_231, %ge3A_233 : vector<16xi32>
    %sub3A_235 = arith.constant 503808 : i32
    %sub3A_236 = vector.broadcast %sub3A_235 : i32 to vector<16xi32>
    %sub3A_237 = arith.subi %get3A_231, %sub3A_236 : vector<16xi32>
    %select_n3A_238 = arith.select %ge3A_234, %sub3A_237, %get3A_231 : vector<16xi1>, vector<16xi32>
    %swap3A_239 = arith.constant 1 : i32
    %swap3A_240 = arith.index_cast %swap3A_239 : i32 to index
    %swap3A_241 = arith.constant 64 : index
    %swap3A_242 = tpu.vector_load %arg6[%swap3A_240, %swap3A_241] {strides = array<i32>} : memref<2x128xi32, #tpu.memory_space<vmem>>, vector<1x16xi32>,
    %swap3A_243 = vector.shape_cast %swap3A_242 : vector<1x16xi32> to vector<16xi32>
    %swap3A_244 = vector.shape_cast %select_n3A_238 : vector<16xi32> to vector<1x16xi32>
    tpu.vector_store %arg6[%swap3A_240, %swap3A_241], %swap3A_244 {strides = array<i32>} : memref<2x128xi32, #tpu.memory_space<vmem>>, vector<1x16xi32>,
    %get3A_245 = arith.constant 1 : i32
    %get3A_246 = arith.index_cast %get3A_245 : i32 to index
    %get3A_247 = arith.constant 80 : index
    %get3A_248 = tpu.vector_load %arg5[%get3A_246, %get3A_247] {strides = array<i32>} : memref<200x128xi32, #tpu.memory_space<vmem>>, vector<1x16xi32>,
    %get3A_249 = vector.shape_cast %get3A_248 : vector<1x16xi32> to vector<16xi32>
    %ge3A_250 = arith.constant 503808 : i32
    %ge3A_251 = vector.broadcast %ge3A_250 : i32 to vector<16xi32>
    %ge3A_252 = arith.cmpi sge, %get3A_249, %ge3A_251 : vector<16xi32>
    %sub3A_253 = arith.constant 503808 : i32
    %sub3A_254 = vector.broadcast %sub3A_253 : i32 to vector<16xi32>
    %sub3A_255 = arith.subi %get3A_249, %sub3A_254 : vector<16xi32>
    %select_n3A_256 = arith.select %ge3A_252, %sub3A_255, %get3A_249 : vector<16xi1>, vector<16xi32>
    %swap3A_257 = arith.constant 1 : i32
    %swap3A_258 = arith.index_cast %swap3A_257 : i32 to index
    %swap3A_259 = arith.constant 80 : index
    %swap3A_260 = tpu.vector_load %arg6[%swap3A_258, %swap3A_259] {strides = array<i32>} : memref<2x128xi32, #tpu.memory_space<vmem>>, vector<1x16xi32>,
    %swap3A_261 = vector.shape_cast %swap3A_260 : vector<1x16xi32> to vector<16xi32>
    %swap3A_262 = vector.shape_cast %select_n3A_256 : vector<16xi32> to vector<1x16xi32>
    tpu.vector_store %arg6[%swap3A_258, %swap3A_259], %swap3A_262 {strides = array<i32>} : memref<2x128xi32, #tpu.memory_space<vmem>>, vector<1x16xi32>,
    %get3A_263 = arith.constant 1 : i32
    %get3A_264 = arith.index_cast %get3A_263 : i32 to index
    %get3A_265 = arith.constant 96 : index
    %get3A_266 = tpu.vector_load %arg5[%get3A_264, %get3A_265] {strides = array<i32>} : memref<200x128xi32, #tpu.memory_space<vmem>>, vector<1x16xi32>,
    %get3A_267 = vector.shape_cast %get3A_266 : vector<1x16xi32> to vector<16xi32>
    %ge3A_268 = arith.constant 503808 : i32
    %ge3A_269 = vector.broadcast %ge3A_268 : i32 to vector<16xi32>
    %ge3A_270 = arith.cmpi sge, %get3A_267, %ge3A_269 : vector<16xi32>
    %sub3A_271 = arith.constant 503808 : i32
    %sub3A_272 = vector.broadcast %sub3A_271 : i32 to vector<16xi32>
    %sub3A_273 = arith.subi %get3A_267, %sub3A_272 : vector<16xi32>
    %select_n3A_274 = arith.select %ge3A_270, %sub3A_273, %get3A_267 : vector<16xi1>, vector<16xi32>
    %swap3A_275 = arith.constant 1 : i32
    %swap3A_276 = arith.index_cast %swap3A_275 : i32 to index
    %swap3A_277 = arith.constant 96 : index
    %swap3A_278 = tpu.vector_load %arg6[%swap3A_276, %swap3A_277] {strides = array<i32>} : memref<2x128xi32, #tpu.memory_space<vmem>>, vector<1x16xi32>,
    %swap3A_279 = vector.shape_cast %swap3A_278 : vector<1x16xi32> to vector<16xi32>
    %swap3A_280 = vector.shape_cast %select_n3A_274 : vector<16xi32> to vector<1x16xi32>
    tpu.vector_store %arg6[%swap3A_276, %swap3A_277], %swap3A_280 {strides = array<i32>} : memref<2x128xi32, #tpu.memory_space<vmem>>, vector<1x16xi32>,
    %get3A_281 = arith.constant 1 : i32
    %get3A_282 = arith.index_cast %get3A_281 : i32 to index
    %get3A_283 = arith.constant 112 : index
    %get3A_284 = tpu.vector_load %arg5[%get3A_282, %get3A_283] {strides = array<i32>} : memref<200x128xi32, #tpu.memory_space<vmem>>, vector<1x16xi32>,
    %get3A_285 = vector.shape_cast %get3A_284 : vector<1x16xi32> to vector<16xi32>
    %ge3A_286 = arith.constant 503808 : i32
    %ge3A_287 = vector.broadcast %ge3A_286 : i32 to vector<16xi32>
    %ge3A_288 = arith.cmpi sge, %get3A_285, %ge3A_287 : vector<16xi32>
    %sub3A_289 = arith.constant 503808 : i32
    %sub3A_290 = vector.broadcast %sub3A_289 : i32 to vector<16xi32>
    %sub3A_291 = arith.subi %get3A_285, %sub3A_290 : vector<16xi32>
    %select_n3A_292 = arith.select %ge3A_288, %sub3A_291, %get3A_285 : vector<16xi1>, vector<16xi32>
    %swap3A_293 = arith.constant 1 : i32
    %swap3A_294 = arith.index_cast %swap3A_293 : i32 to index
    %swap3A_295 = arith.constant 112 : index
    %swap3A_296 = tpu.vector_load %arg6[%swap3A_294, %swap3A_295] {strides = array<i32>} : memref<2x128xi32, #tpu.memory_space<vmem>>, vector<1x16xi32>,
    %swap3A_297 = vector.shape_cast %swap3A_296 : vector<1x16xi32> to vector<16xi32>
    %swap3A_298 = vector.shape_cast %select_n3A_292 : vector<16xi32> to vector<1x16xi32>
    tpu.vector_store %arg6[%swap3A_294, %swap3A_295], %swap3A_298 {strides = array<i32>} : memref<2x128xi32, #tpu.memory_space<vmem>>, vector<1x16xi32>,
    %dma_start3A_299 = arith.constant 1 : i32
    %dma_start3A_300 = arith.constant 1 : i32
    %dma_start3A_301 = arith.constant 0 : i32
    %dma_start3A_302 = arith.constant 0 : i32
    %dma_start3A_303 = tpu.memref_slice %arg7[%dma_start3A_300, %dma_start3A_301, %dma_start3A_302] : memref<2x128x128xf32, #tpu.memory_space<vmem>> -> memref<1x128x128xf32, #tpu.memory_space<vmem>>
    %dma_start3A_304 = tpu.memref_squeeze %dma_start3A_303 : memref<1x128x128xf32, #tpu.memory_space<vmem>> -> memref<128x128xf32, #tpu.memory_space<vmem>>
    %dma_start3A_305 = arith.constant 0 : i32
    %dma_start3A_306 = tpu.memref_slice %arg6[%dma_start3A_299, %dma_start3A_305] : memref<2x128xi32, #tpu.memory_space<vmem>> -> memref<1x128xi32, #tpu.memory_space<vmem>>
    %dma_start3A_307 = tpu.memref_squeeze %dma_start3A_306 : memref<1x128xi32, #tpu.memory_space<vmem>> -> memref<128xi32, #tpu.memory_space<vmem>>
    %dma_start3A_308 = arith.constant 0 : i32
    %dma_start3A_309 = arith.constant 0 : i32
    %dma_start3A_310 = tpu.memref_slice %arg3[%dma_start3A_308, %dma_start3A_309] : memref<503808x128xf32, #tpu.memory_space<hbm>> -> memref<503808x128xf32, #tpu.memory_space<hbm>>
    tpu.enqueue_indirect_dma source(%dma_start3A_310 : memref<503808x128xf32, #tpu.memory_space<hbm>>) target(%dma_start3A_304 : memref<128x128xf32, #tpu.memory_space<vmem>>) offsets(%dma_start3A_307 : memref<128xi32, #tpu.memory_space<vmem>>) semaphore(%arg9 : memref<!tpu.dma_semaphore, #tpu.memory_space<semaphore_mem>>)
    %scan3A = arith.constant 0 : i32
    %scan3A_311 = arith.constant 1 : i32
    %scan3A_312 = arith.constant 99 : i32
    %scan3A_313 = arith.addi %scan3A_311, %scan3A_312 : i32
    %scan3A_314 = arith.constant 1 : i32
    scf.for %scan3A_395 = %scan3A_311 to %scan3A_313 step %scan3A_314  : i32 {
      %mul3A_396 = arith.constant 2 : i32
      %mul3A_397 = arith.muli %scan3A_395, %mul3A_396 : i32
      %add3A_398 = arith.constant 1 : i32
      %add3A_399 = arith.addi %mul3A_397, %add3A_398 : i32
      %dma_wait3A_400 = arith.constant 0 : i32
      %dma_wait3A_401 = arith.constant 0 : i32
      %dma_wait3A_402 = arith.constant 0 : i32
      %dma_wait3A_403 = arith.constant 0 : i32
      %dma_wait3A_404 = tpu.memref_slice %arg7[%dma_wait3A_401, %dma_wait3A_402, %dma_wait3A_403] : memref<2x128x128xf32, #tpu.memory_space<vmem>> -> memref<1x128x128xf32, #tpu.memory_space<vmem>>
      %dma_wait3A_405 = tpu.memref_squeeze %dma_wait3A_404 : memref<1x128x128xf32, #tpu.memory_space<vmem>> -> memref<128x128xf32, #tpu.memory_space<vmem>>
      %dma_wait3A_406 = arith.constant 0 : i32
      %dma_wait3A_407 = tpu.memref_slice %arg6[%dma_wait3A_400, %dma_wait3A_406] : memref<2x128xi32, #tpu.memory_space<vmem>> -> memref<1x128xi32, #tpu.memory_space<vmem>>
      %dma_wait3A_408 = tpu.memref_squeeze %dma_wait3A_407 : memref<1x128xi32, #tpu.memory_space<vmem>> -> memref<128xi32, #tpu.memory_space<vmem>>
      %dma_wait3A_409 = arith.constant 0 : i32
      %dma_wait3A_410 = arith.constant 0 : i32
      %dma_wait3A_411 = tpu.memref_slice %arg3[%dma_wait3A_409, %dma_wait3A_410] : memref<503808x128xf32, #tpu.memory_space<hbm>> -> memref<503808x128xf32, #tpu.memory_space<hbm>>
      tpu.wait_indirect_dma semaphore(%arg8 : memref<!tpu.dma_semaphore, #tpu.memory_space<semaphore_mem>>) src(%dma_wait3A_411 : memref<503808x128xf32, #tpu.memory_space<hbm>>) dst(%dma_wait3A_405 : memref<128x128xf32, #tpu.memory_space<vmem>>)
      %sub3A_412 = arith.constant 2 : i32
      %sub3A_413 = arith.subi %mul3A_397, %sub3A_412 : i32
      %mul3A_414 = arith.constant 128 : i32
      %mul3A_415 = arith.muli %sub3A_413, %mul3A_414 : i32
      %add3A_416 = arith.addi %mul3A_2, %mul3A_415 : i32
      %dma_start3A_417 = arith.constant 0 : i32
      %dma_start3A_418 = arith.constant 0 : i32
      %dma_start3A_419 = arith.constant 0 : i32
      %dma_start3A_420 = tpu.memref_slice %arg7[%dma_start3A_417, %dma_start3A_418, %dma_start3A_419] : memref<2x128x128xf32, #tpu.memory_space<vmem>> -> memref<1x128x128xf32, #tpu.memory_space<vmem>>
      %dma_start3A_421 = tpu.memref_squeeze %dma_start3A_420 : memref<1x128x128xf32, #tpu.memory_space<vmem>> -> memref<128x128xf32, #tpu.memory_space<vmem>>
      %dma_start3A_422 = arith.constant 0 : i32
      %dma_start3A_423 = tpu.memref_slice %arg4[%add3A_416, %dma_start3A_422] : memref<819200x128xf32, #tpu.memory_space<hbm>> -> memref<128x128xf32, #tpu.memory_space<hbm>>
      %dma_start3A_424 = arith.constant 0 : i32
      %dma_start3A_425 = tpu.memref_slice %arg4[%add3A_416, %dma_start3A_424] : memref<819200x128xf32, #tpu.memory_space<hbm>> -> memref<128x128xf32, #tpu.memory_space<hbm>>
      %dma_start3A_426 = arith.constant 0 : i32
      %dma_start3A_427 = arith.constant 0 : i32
      %dma_start3A_428 = tpu.memref_slice %arg7[%dma_start3A_417, %dma_start3A_426, %dma_start3A_427] : memref<2x128x128xf32, #tpu.memory_space<vmem>> -> memref<1x128x128xf32, #tpu.memory_space<vmem>>
      %dma_start3A_429 = tpu.memref_squeeze %dma_start3A_428 : memref<1x128x128xf32, #tpu.memory_space<vmem>> -> memref<128x128xf32, #tpu.memory_space<vmem>>
      tpu.enqueue_dma source(%dma_start3A_429 : memref<128x128xf32, #tpu.memory_space<vmem>>) target(%dma_start3A_425 : memref<128x128xf32, #tpu.memory_space<hbm>>) target_semaphore(%arg10 : memref<!tpu.dma_semaphore, #tpu.memory_space<semaphore_mem>>)
      %dma_wait3A_430 = arith.constant 1 : i32
      %dma_wait3A_431 = arith.constant 1 : i32
      %dma_wait3A_432 = arith.constant 0 : i32
      %dma_wait3A_433 = arith.constant 0 : i32
      %dma_wait3A_434 = tpu.memref_slice %arg7[%dma_wait3A_431, %dma_wait3A_432, %dma_wait3A_433] : memref<2x128x128xf32, #tpu.memory_space<vmem>> -> memref<1x128x128xf32, #tpu.memory_space<vmem>>
      %dma_wait3A_435 = tpu.memref_squeeze %dma_wait3A_434 : memref<1x128x128xf32, #tpu.memory_space<vmem>> -> memref<128x128xf32, #tpu.memory_space<vmem>>
      %dma_wait3A_436 = arith.constant 0 : i32
      %dma_wait3A_437 = tpu.memref_slice %arg6[%dma_wait3A_430, %dma_wait3A_436] : memref<2x128xi32, #tpu.memory_space<vmem>> -> memref<1x128xi32, #tpu.memory_space<vmem>>
      %dma_wait3A_438 = tpu.memref_squeeze %dma_wait3A_437 : memref<1x128xi32, #tpu.memory_space<vmem>> -> memref<128xi32, #tpu.memory_space<vmem>>
      %dma_wait3A_439 = arith.constant 0 : i32
      %dma_wait3A_440 = arith.constant 0 : i32
      %dma_wait3A_441 = tpu.memref_slice %arg3[%dma_wait3A_439, %dma_wait3A_440] : memref<503808x128xf32, #tpu.memory_space<hbm>> -> memref<503808x128xf32, #tpu.memory_space<hbm>>
      tpu.wait_indirect_dma semaphore(%arg9 : memref<!tpu.dma_semaphore, #tpu.memory_space<semaphore_mem>>) src(%dma_wait3A_441 : memref<503808x128xf32, #tpu.memory_space<hbm>>) dst(%dma_wait3A_435 : memref<128x128xf32, #tpu.memory_space<vmem>>)
      %sub3A_442 = arith.constant 2 : i32
      %sub3A_443 = arith.subi %add3A_399, %sub3A_442 : i32
      %mul3A_444 = arith.constant 128 : i32
      %mul3A_445 = arith.muli %sub3A_443, %mul3A_444 : i32
      %add3A_446 = arith.addi %mul3A_2, %mul3A_445 : i32
      %dma_start3A_447 = arith.constant 1 : i32
      %dma_start3A_448 = arith.constant 0 : i32
      %dma_start3A_449 = arith.constant 0 : i32
      %dma_start3A_450 = tpu.memref_slice %arg7[%dma_start3A_447, %dma_start3A_448, %dma_start3A_449] : memref<2x128x128xf32, #tpu.memory_space<vmem>> -> memref<1x128x128xf32, #tpu.memory_space<vmem>>
      %dma_start3A_451 = tpu.memref_squeeze %dma_start3A_450 : memref<1x128x128xf32, #tpu.memory_space<vmem>> -> memref<128x128xf32, #tpu.memory_space<vmem>>
      %dma_start3A_452 = arith.constant 0 : i32
      %dma_start3A_453 = tpu.memref_slice %arg4[%add3A_446, %dma_start3A_452] : memref<819200x128xf32, #tpu.memory_space<hbm>> -> memref<128x128xf32, #tpu.memory_space<hbm>>
      %dma_start3A_454 = arith.constant 0 : i32
      %dma_start3A_455 = tpu.memref_slice %arg4[%add3A_446, %dma_start3A_454] : memref<819200x128xf32, #tpu.memory_space<hbm>> -> memref<128x128xf32, #tpu.memory_space<hbm>>
      %dma_start3A_456 = arith.constant 0 : i32
      %dma_start3A_457 = arith.constant 0 : i32
      %dma_start3A_458 = tpu.memref_slice %arg7[%dma_start3A_447, %dma_start3A_456, %dma_start3A_457] : memref<2x128x128xf32, #tpu.memory_space<vmem>> -> memref<1x128x128xf32, #tpu.memory_space<vmem>>
      %dma_start3A_459 = tpu.memref_squeeze %dma_start3A_458 : memref<1x128x128xf32, #tpu.memory_space<vmem>> -> memref<128x128xf32, #tpu.memory_space<vmem>>
      tpu.enqueue_dma source(%dma_start3A_459 : memref<128x128xf32, #tpu.memory_space<vmem>>) target(%dma_start3A_455 : memref<128x128xf32, #tpu.memory_space<hbm>>) target_semaphore(%arg11 : memref<!tpu.dma_semaphore, #tpu.memory_space<semaphore_mem>>)
      %dma_wait3A_460 = arith.constant 0 : i32
      %dma_wait3A_461 = arith.constant 0 : i32
      %dma_wait3A_462 = arith.constant 0 : i32
      %dma_wait3A_463 = tpu.memref_slice %arg7[%dma_wait3A_460, %dma_wait3A_461, %dma_wait3A_462] : memref<2x128x128xf32, #tpu.memory_space<vmem>> -> memref<1x128x128xf32, #tpu.memory_space<vmem>>
      %dma_wait3A_464 = tpu.memref_squeeze %dma_wait3A_463 : memref<1x128x128xf32, #tpu.memory_space<vmem>> -> memref<128x128xf32, #tpu.memory_space<vmem>>
      %dma_wait3A_465 = arith.constant 0 : i32
      %dma_wait3A_466 = tpu.memref_slice %arg4[%mul3A_2, %dma_wait3A_465] : memref<819200x128xf32, #tpu.memory_space<hbm>> -> memref<128x128xf32, #tpu.memory_space<hbm>>
      %dma_wait3A_467 = arith.constant 0 : i32
      %dma_wait3A_468 = tpu.memref_slice %arg4[%mul3A_2, %dma_wait3A_467] : memref<819200x128xf32, #tpu.memory_space<hbm>> -> memref<128x128xf32, #tpu.memory_space<hbm>>
      %dma_wait3A_469 = arith.constant 0 : i32
      %dma_wait3A_470 = arith.constant 0 : i32
      %dma_wait3A_471 = tpu.memref_slice %arg7[%dma_wait3A_460, %dma_wait3A_469, %dma_wait3A_470] : memref<2x128x128xf32, #tpu.memory_space<vmem>> -> memref<1x128x128xf32, #tpu.memory_space<vmem>>
      %dma_wait3A_472 = tpu.memref_squeeze %dma_wait3A_471 : memref<1x128x128xf32, #tpu.memory_space<vmem>> -> memref<128x128xf32, #tpu.memory_space<vmem>>
      tpu.wait_dma2 semaphore(%arg10 : memref<!tpu.dma_semaphore, #tpu.memory_space<semaphore_mem>>) src(%dma_wait3A_472 : memref<128x128xf32, #tpu.memory_space<vmem>>) dst(%dma_wait3A_468 : memref<128x128xf32, #tpu.memory_space<hbm>>)
      %get3A_473 = arith.index_cast %mul3A_397 : i32 to index
      %get3A_474 = arith.constant 0 : index
      %get3A_475 = tpu.vector_load %arg5[%get3A_473, %get3A_474] {strides = array<i32>} : memref<200x128xi32, #tpu.memory_space<vmem>>, vector<1x16xi32>,
      %get3A_476 = vector.shape_cast %get3A_475 : vector<1x16xi32> to vector<16xi32>
      %ge3A_477 = arith.constant 503808 : i32
      %ge3A_478 = vector.broadcast %ge3A_477 : i32 to vector<16xi32>
      %ge3A_479 = arith.cmpi sge, %get3A_476, %ge3A_478 : vector<16xi32>
      %sub3A_480 = arith.constant 503808 : i32
      %sub3A_481 = vector.broadcast %sub3A_480 : i32 to vector<16xi32>
      %sub3A_482 = arith.subi %get3A_476, %sub3A_481 : vector<16xi32>
      %select_n3A_483 = arith.select %ge3A_479, %sub3A_482, %get3A_476 : vector<16xi1>, vector<16xi32>
      %swap3A_484 = arith.constant 0 : i32
      %swap3A_485 = arith.index_cast %swap3A_484 : i32 to index
      %swap3A_486 = arith.constant 0 : index
      %swap3A_487 = tpu.vector_load %arg6[%swap3A_485, %swap3A_486] {strides = array<i32>} : memref<2x128xi32, #tpu.memory_space<vmem>>, vector<1x16xi32>,
      %swap3A_488 = vector.shape_cast %swap3A_487 : vector<1x16xi32> to vector<16xi32>
      %swap3A_489 = vector.shape_cast %select_n3A_483 : vector<16xi32> to vector<1x16xi32>
      tpu.vector_store %arg6[%swap3A_485, %swap3A_486], %swap3A_489 {strides = array<i32>} : memref<2x128xi32, #tpu.memory_space<vmem>>, vector<1x16xi32>,
      %get3A_490 = arith.index_cast %mul3A_397 : i32 to index
      %get3A_491 = arith.constant 16 : index
      %get3A_492 = tpu.vector_load %arg5[%get3A_490, %get3A_491] {strides = array<i32>} : memref<200x128xi32, #tpu.memory_space<vmem>>, vector<1x16xi32>,
      %get3A_493 = vector.shape_cast %get3A_492 : vector<1x16xi32> to vector<16xi32>
      %ge3A_494 = arith.constant 503808 : i32
      %ge3A_495 = vector.broadcast %ge3A_494 : i32 to vector<16xi32>
      %ge3A_496 = arith.cmpi sge, %get3A_493, %ge3A_495 : vector<16xi32>
      %sub3A_497 = arith.constant 503808 : i32
      %sub3A_498 = vector.broadcast %sub3A_497 : i32 to vector<16xi32>
      %sub3A_499 = arith.subi %get3A_493, %sub3A_498 : vector<16xi32>
      %select_n3A_500 = arith.select %ge3A_496, %sub3A_499, %get3A_493 : vector<16xi1>, vector<16xi32>
      %swap3A_501 = arith.constant 0 : i32
      %swap3A_502 = arith.index_cast %swap3A_501 : i32 to index
      %swap3A_503 = arith.constant 16 : index
      %swap3A_504 = tpu.vector_load %arg6[%swap3A_502, %swap3A_503] {strides = array<i32>} : memref<2x128xi32, #tpu.memory_space<vmem>>, vector<1x16xi32>,
      %swap3A_505 = vector.shape_cast %swap3A_504 : vector<1x16xi32> to vector<16xi32>
      %swap3A_506 = vector.shape_cast %select_n3A_500 : vector<16xi32> to vector<1x16xi32>
      tpu.vector_store %arg6[%swap3A_502, %swap3A_503], %swap3A_506 {strides = array<i32>} : memref<2x128xi32, #tpu.memory_space<vmem>>, vector<1x16xi32>,
      %get3A_507 = arith.index_cast %mul3A_397 : i32 to index
      %get3A_508 = arith.constant 32 : index
      %get3A_509 = tpu.vector_load %arg5[%get3A_507, %get3A_508] {strides = array<i32>} : memref<200x128xi32, #tpu.memory_space<vmem>>, vector<1x16xi32>,
      %get3A_510 = vector.shape_cast %get3A_509 : vector<1x16xi32> to vector<16xi32>
      %ge3A_511 = arith.constant 503808 : i32
      %ge3A_512 = vector.broadcast %ge3A_511 : i32 to vector<16xi32>
      %ge3A_513 = arith.cmpi sge, %get3A_510, %ge3A_512 : vector<16xi32>
      %sub3A_514 = arith.constant 503808 : i32
      %sub3A_515 = vector.broadcast %sub3A_514 : i32 to vector<16xi32>
      %sub3A_516 = arith.subi %get3A_510, %sub3A_515 : vector<16xi32>
      %select_n3A_517 = arith.select %ge3A_513, %sub3A_516, %get3A_510 : vector<16xi1>, vector<16xi32>
      %swap3A_518 = arith.constant 0 : i32
      %swap3A_519 = arith.index_cast %swap3A_518 : i32 to index
      %swap3A_520 = arith.constant 32 : index
      %swap3A_521 = tpu.vector_load %arg6[%swap3A_519, %swap3A_520] {strides = array<i32>} : memref<2x128xi32, #tpu.memory_space<vmem>>, vector<1x16xi32>,
      %swap3A_522 = vector.shape_cast %swap3A_521 : vector<1x16xi32> to vector<16xi32>
      %swap3A_523 = vector.shape_cast %select_n3A_517 : vector<16xi32> to vector<1x16xi32>
      tpu.vector_store %arg6[%swap3A_519, %swap3A_520], %swap3A_523 {strides = array<i32>} : memref<2x128xi32, #tpu.memory_space<vmem>>, vector<1x16xi32>,
      %get3A_524 = arith.index_cast %mul3A_397 : i32 to index
      %get3A_525 = arith.constant 48 : index
      %get3A_526 = tpu.vector_load %arg5[%get3A_524, %get3A_525] {strides = array<i32>} : memref<200x128xi32, #tpu.memory_space<vmem>>, vector<1x16xi32>,
      %get3A_527 = vector.shape_cast %get3A_526 : vector<1x16xi32> to vector<16xi32>
      %ge3A_528 = arith.constant 503808 : i32
      %ge3A_529 = vector.broadcast %ge3A_528 : i32 to vector<16xi32>
      %ge3A_530 = arith.cmpi sge, %get3A_527, %ge3A_529 : vector<16xi32>
      %sub3A_531 = arith.constant 503808 : i32
      %sub3A_532 = vector.broadcast %sub3A_531 : i32 to vector<16xi32>
      %sub3A_533 = arith.subi %get3A_527, %sub3A_532 : vector<16xi32>
      %select_n3A_534 = arith.select %ge3A_530, %sub3A_533, %get3A_527 : vector<16xi1>, vector<16xi32>
      %swap3A_535 = arith.constant 0 : i32
      %swap3A_536 = arith.index_cast %swap3A_535 : i32 to index
      %swap3A_537 = arith.constant 48 : index
      %swap3A_538 = tpu.vector_load %arg6[%swap3A_536, %swap3A_537] {strides = array<i32>} : memref<2x128xi32, #tpu.memory_space<vmem>>, vector<1x16xi32>,
      %swap3A_539 = vector.shape_cast %swap3A_538 : vector<1x16xi32> to vector<16xi32>
      %swap3A_540 = vector.shape_cast %select_n3A_534 : vector<16xi32> to vector<1x16xi32>
      tpu.vector_store %arg6[%swap3A_536, %swap3A_537], %swap3A_540 {strides = array<i32>} : memref<2x128xi32, #tpu.memory_space<vmem>>, vector<1x16xi32>,
      %get3A_541 = arith.index_cast %mul3A_397 : i32 to index
      %get3A_542 = arith.constant 64 : index
      %get3A_543 = tpu.vector_load %arg5[%get3A_541, %get3A_542] {strides = array<i32>} : memref<200x128xi32, #tpu.memory_space<vmem>>, vector<1x16xi32>,
      %get3A_544 = vector.shape_cast %get3A_543 : vector<1x16xi32> to vector<16xi32>
      %ge3A_545 = arith.constant 503808 : i32
      %ge3A_546 = vector.broadcast %ge3A_545 : i32 to vector<16xi32>
      %ge3A_547 = arith.cmpi sge, %get3A_544, %ge3A_546 : vector<16xi32>
      %sub3A_548 = arith.constant 503808 : i32
      %sub3A_549 = vector.broadcast %sub3A_548 : i32 to vector<16xi32>
      %sub3A_550 = arith.subi %get3A_544, %sub3A_549 : vector<16xi32>
      %select_n3A_551 = arith.select %ge3A_547, %sub3A_550, %get3A_544 : vector<16xi1>, vector<16xi32>
      %swap3A_552 = arith.constant 0 : i32
      %swap3A_553 = arith.index_cast %swap3A_552 : i32 to index
      %swap3A_554 = arith.constant 64 : index
      %swap3A_555 = tpu.vector_load %arg6[%swap3A_553, %swap3A_554] {strides = array<i32>} : memref<2x128xi32, #tpu.memory_space<vmem>>, vector<1x16xi32>,
      %swap3A_556 = vector.shape_cast %swap3A_555 : vector<1x16xi32> to vector<16xi32>
      %swap3A_557 = vector.shape_cast %select_n3A_551 : vector<16xi32> to vector<1x16xi32>
      tpu.vector_store %arg6[%swap3A_553, %swap3A_554], %swap3A_557 {strides = array<i32>} : memref<2x128xi32, #tpu.memory_space<vmem>>, vector<1x16xi32>,
      %get3A_558 = arith.index_cast %mul3A_397 : i32 to index
      %get3A_559 = arith.constant 80 : index
      %get3A_560 = tpu.vector_load %arg5[%get3A_558, %get3A_559] {strides = array<i32>} : memref<200x128xi32, #tpu.memory_space<vmem>>, vector<1x16xi32>,
      %get3A_561 = vector.shape_cast %get3A_560 : vector<1x16xi32> to vector<16xi32>
      %ge3A_562 = arith.constant 503808 : i32
      %ge3A_563 = vector.broadcast %ge3A_562 : i32 to vector<16xi32>
      %ge3A_564 = arith.cmpi sge, %get3A_561, %ge3A_563 : vector<16xi32>
      %sub3A_565 = arith.constant 503808 : i32
      %sub3A_566 = vector.broadcast %sub3A_565 : i32 to vector<16xi32>
      %sub3A_567 = arith.subi %get3A_561, %sub3A_566 : vector<16xi32>
      %select_n3A_568 = arith.select %ge3A_564, %sub3A_567, %get3A_561 : vector<16xi1>, vector<16xi32>
      %swap3A_569 = arith.constant 0 : i32
      %swap3A_570 = arith.index_cast %swap3A_569 : i32 to index
      %swap3A_571 = arith.constant 80 : index
      %swap3A_572 = tpu.vector_load %arg6[%swap3A_570, %swap3A_571] {strides = array<i32>} : memref<2x128xi32, #tpu.memory_space<vmem>>, vector<1x16xi32>,
      %swap3A_573 = vector.shape_cast %swap3A_572 : vector<1x16xi32> to vector<16xi32>
      %swap3A_574 = vector.shape_cast %select_n3A_568 : vector<16xi32> to vector<1x16xi32>
      tpu.vector_store %arg6[%swap3A_570, %swap3A_571], %swap3A_574 {strides = array<i32>} : memref<2x128xi32, #tpu.memory_space<vmem>>, vector<1x16xi32>,
      %get3A_575 = arith.index_cast %mul3A_397 : i32 to index
      %get3A_576 = arith.constant 96 : index
      %get3A_577 = tpu.vector_load %arg5[%get3A_575, %get3A_576] {strides = array<i32>} : memref<200x128xi32, #tpu.memory_space<vmem>>, vector<1x16xi32>,
      %get3A_578 = vector.shape_cast %get3A_577 : vector<1x16xi32> to vector<16xi32>
      %ge3A_579 = arith.constant 503808 : i32
      %ge3A_580 = vector.broadcast %ge3A_579 : i32 to vector<16xi32>
      %ge3A_581 = arith.cmpi sge, %get3A_578, %ge3A_580 : vector<16xi32>
      %sub3A_582 = arith.constant 503808 : i32
      %sub3A_583 = vector.broadcast %sub3A_582 : i32 to vector<16xi32>
      %sub3A_584 = arith.subi %get3A_578, %sub3A_583 : vector<16xi32>
      %select_n3A_585 = arith.select %ge3A_581, %sub3A_584, %get3A_578 : vector<16xi1>, vector<16xi32>
      %swap3A_586 = arith.constant 0 : i32
      %swap3A_587 = arith.index_cast %swap3A_586 : i32 to index
      %swap3A_588 = arith.constant 96 : index
      %swap3A_589 = tpu.vector_load %arg6[%swap3A_587, %swap3A_588] {strides = array<i32>} : memref<2x128xi32, #tpu.memory_space<vmem>>, vector<1x16xi32>,
      %swap3A_590 = vector.shape_cast %swap3A_589 : vector<1x16xi32> to vector<16xi32>
      %swap3A_591 = vector.shape_cast %select_n3A_585 : vector<16xi32> to vector<1x16xi32>
      tpu.vector_store %arg6[%swap3A_587, %swap3A_588], %swap3A_591 {strides = array<i32>} : memref<2x128xi32, #tpu.memory_space<vmem>>, vector<1x16xi32>,
      %get3A_592 = arith.index_cast %mul3A_397 : i32 to index
      %get3A_593 = arith.constant 112 : index
      %get3A_594 = tpu.vector_load %arg5[%get3A_592, %get3A_593] {strides = array<i32>} : memref<200x128xi32, #tpu.memory_space<vmem>>, vector<1x16xi32>,
      %get3A_595 = vector.shape_cast %get3A_594 : vector<1x16xi32> to vector<16xi32>
      %ge3A_596 = arith.constant 503808 : i32
      %ge3A_597 = vector.broadcast %ge3A_596 : i32 to vector<16xi32>
      %ge3A_598 = arith.cmpi sge, %get3A_595, %ge3A_597 : vector<16xi32>
      %sub3A_599 = arith.constant 503808 : i32
      %sub3A_600 = vector.broadcast %sub3A_599 : i32 to vector<16xi32>
      %sub3A_601 = arith.subi %get3A_595, %sub3A_600 : vector<16xi32>
      %select_n3A_602 = arith.select %ge3A_598, %sub3A_601, %get3A_595 : vector<16xi1>, vector<16xi32>
      %swap3A_603 = arith.constant 0 : i32
      %swap3A_604 = arith.index_cast %swap3A_603 : i32 to index
      %swap3A_605 = arith.constant 112 : index
      %swap3A_606 = tpu.vector_load %arg6[%swap3A_604, %swap3A_605] {strides = array<i32>} : memref<2x128xi32, #tpu.memory_space<vmem>>, vector<1x16xi32>,
      %swap3A_607 = vector.shape_cast %swap3A_606 : vector<1x16xi32> to vector<16xi32>
      %swap3A_608 = vector.shape_cast %select_n3A_602 : vector<16xi32> to vector<1x16xi32>
      tpu.vector_store %arg6[%swap3A_604, %swap3A_605], %swap3A_608 {strides = array<i32>} : memref<2x128xi32, #tpu.memory_space<vmem>>, vector<1x16xi32>,
      %dma_start3A_609 = arith.constant 0 : i32
      %dma_start3A_610 = arith.constant 0 : i32
      %dma_start3A_611 = arith.constant 0 : i32
      %dma_start3A_612 = arith.constant 0 : i32
      %dma_start3A_613 = tpu.memref_slice %arg7[%dma_start3A_610, %dma_start3A_611, %dma_start3A_612] : memref<2x128x128xf32, #tpu.memory_space<vmem>> -> memref<1x128x128xf32, #tpu.memory_space<vmem>>
      %dma_start3A_614 = tpu.memref_squeeze %dma_start3A_613 : memref<1x128x128xf32, #tpu.memory_space<vmem>> -> memref<128x128xf32, #tpu.memory_space<vmem>>
      %dma_start3A_615 = arith.constant 0 : i32
      %dma_start3A_616 = tpu.memref_slice %arg6[%dma_start3A_609, %dma_start3A_615] : memref<2x128xi32, #tpu.memory_space<vmem>> -> memref<1x128xi32, #tpu.memory_space<vmem>>
      %dma_start3A_617 = tpu.memref_squeeze %dma_start3A_616 : memref<1x128xi32, #tpu.memory_space<vmem>> -> memref<128xi32, #tpu.memory_space<vmem>>
      %dma_start3A_618 = arith.constant 0 : i32
      %dma_start3A_619 = arith.constant 0 : i32
      %dma_start3A_620 = tpu.memref_slice %arg3[%dma_start3A_618, %dma_start3A_619] : memref<503808x128xf32, #tpu.memory_space<hbm>> -> memref<503808x128xf32, #tpu.memory_space<hbm>>
      tpu.enqueue_indirect_dma source(%dma_start3A_620 : memref<503808x128xf32, #tpu.memory_space<hbm>>) target(%dma_start3A_614 : memref<128x128xf32, #tpu.memory_space<vmem>>) offsets(%dma_start3A_617 : memref<128xi32, #tpu.memory_space<vmem>>) semaphore(%arg8 : memref<!tpu.dma_semaphore, #tpu.memory_space<semaphore_mem>>)
      %dma_wait3A_621 = arith.constant 1 : i32
      %dma_wait3A_622 = arith.constant 0 : i32
      %dma_wait3A_623 = arith.constant 0 : i32
      %dma_wait3A_624 = tpu.memref_slice %arg7[%dma_wait3A_621, %dma_wait3A_622, %dma_wait3A_623] : memref<2x128x128xf32, #tpu.memory_space<vmem>> -> memref<1x128x128xf32, #tpu.memory_space<vmem>>
      %dma_wait3A_625 = tpu.memref_squeeze %dma_wait3A_624 : memref<1x128x128xf32, #tpu.memory_space<vmem>> -> memref<128x128xf32, #tpu.memory_space<vmem>>
      %dma_wait3A_626 = arith.constant 0 : i32
      %dma_wait3A_627 = tpu.memref_slice %arg4[%mul3A_2, %dma_wait3A_626] : memref<819200x128xf32, #tpu.memory_space<hbm>> -> memref<128x128xf32, #tpu.memory_space<hbm>>
      %dma_wait3A_628 = arith.constant 0 : i32
      %dma_wait3A_629 = tpu.memref_slice %arg4[%mul3A_2, %dma_wait3A_628] : memref<819200x128xf32, #tpu.memory_space<hbm>> -> memref<128x128xf32, #tpu.memory_space<hbm>>
      %dma_wait3A_630 = arith.constant 0 : i32
      %dma_wait3A_631 = arith.constant 0 : i32
      %dma_wait3A_632 = tpu.memref_slice %arg7[%dma_wait3A_621, %dma_wait3A_630, %dma_wait3A_631] : memref<2x128x128xf32, #tpu.memory_space<vmem>> -> memref<1x128x128xf32, #tpu.memory_space<vmem>>
      %dma_wait3A_633 = tpu.memref_squeeze %dma_wait3A_632 : memref<1x128x128xf32, #tpu.memory_space<vmem>> -> memref<128x128xf32, #tpu.memory_space<vmem>>
      tpu.wait_dma2 semaphore(%arg11 : memref<!tpu.dma_semaphore, #tpu.memory_space<semaphore_mem>>) src(%dma_wait3A_633 : memref<128x128xf32, #tpu.memory_space<vmem>>) dst(%dma_wait3A_629 : memref<128x128xf32, #tpu.memory_space<hbm>>)
      %get3A_634 = arith.index_cast %add3A_399 : i32 to index
      %get3A_635 = arith.constant 0 : index
      %get3A_636 = tpu.vector_load %arg5[%get3A_634, %get3A_635] {strides = array<i32>} : memref<200x128xi32, #tpu.memory_space<vmem>>, vector<1x16xi32>,
      %get3A_637 = vector.shape_cast %get3A_636 : vector<1x16xi32> to vector<16xi32>
      %ge3A_638 = arith.constant 503808 : i32
      %ge3A_639 = vector.broadcast %ge3A_638 : i32 to vector<16xi32>
      %ge3A_640 = arith.cmpi sge, %get3A_637, %ge3A_639 : vector<16xi32>
      %sub3A_641 = arith.constant 503808 : i32
      %sub3A_642 = vector.broadcast %sub3A_641 : i32 to vector<16xi32>
      %sub3A_643 = arith.subi %get3A_637, %sub3A_642 : vector<16xi32>
      %select_n3A_644 = arith.select %ge3A_640, %sub3A_643, %get3A_637 : vector<16xi1>, vector<16xi32>
      %swap3A_645 = arith.constant 1 : i32
      %swap3A_646 = arith.index_cast %swap3A_645 : i32 to index
      %swap3A_647 = arith.constant 0 : index
      %swap3A_648 = tpu.vector_load %arg6[%swap3A_646, %swap3A_647] {strides = array<i32>} : memref<2x128xi32, #tpu.memory_space<vmem>>, vector<1x16xi32>,
      %swap3A_649 = vector.shape_cast %swap3A_648 : vector<1x16xi32> to vector<16xi32>
      %swap3A_650 = vector.shape_cast %select_n3A_644 : vector<16xi32> to vector<1x16xi32>
      tpu.vector_store %arg6[%swap3A_646, %swap3A_647], %swap3A_650 {strides = array<i32>} : memref<2x128xi32, #tpu.memory_space<vmem>>, vector<1x16xi32>,
      %get3A_651 = arith.index_cast %add3A_399 : i32 to index
      %get3A_652 = arith.constant 16 : index
      %get3A_653 = tpu.vector_load %arg5[%get3A_651, %get3A_652] {strides = array<i32>} : memref<200x128xi32, #tpu.memory_space<vmem>>, vector<1x16xi32>,
      %get3A_654 = vector.shape_cast %get3A_653 : vector<1x16xi32> to vector<16xi32>
      %ge3A_655 = arith.constant 503808 : i32
      %ge3A_656 = vector.broadcast %ge3A_655 : i32 to vector<16xi32>
      %ge3A_657 = arith.cmpi sge, %get3A_654, %ge3A_656 : vector<16xi32>
      %sub3A_658 = arith.constant 503808 : i32
      %sub3A_659 = vector.broadcast %sub3A_658 : i32 to vector<16xi32>
      %sub3A_660 = arith.subi %get3A_654, %sub3A_659 : vector<16xi32>
      %select_n3A_661 = arith.select %ge3A_657, %sub3A_660, %get3A_654 : vector<16xi1>, vector<16xi32>
      %swap3A_662 = arith.constant 1 : i32
      %swap3A_663 = arith.index_cast %swap3A_662 : i32 to index
      %swap3A_664 = arith.constant 16 : index
      %swap3A_665 = tpu.vector_load %arg6[%swap3A_663, %swap3A_664] {strides = array<i32>} : memref<2x128xi32, #tpu.memory_space<vmem>>, vector<1x16xi32>,
      %swap3A_666 = vector.shape_cast %swap3A_665 : vector<1x16xi32> to vector<16xi32>
      %swap3A_667 = vector.shape_cast %select_n3A_661 : vector<16xi32> to vector<1x16xi32>
      tpu.vector_store %arg6[%swap3A_663, %swap3A_664], %swap3A_667 {strides = array<i32>} : memref<2x128xi32, #tpu.memory_space<vmem>>, vector<1x16xi32>,
      %get3A_668 = arith.index_cast %add3A_399 : i32 to index
      %get3A_669 = arith.constant 32 : index
      %get3A_670 = tpu.vector_load %arg5[%get3A_668, %get3A_669] {strides = array<i32>} : memref<200x128xi32, #tpu.memory_space<vmem>>, vector<1x16xi32>,
      %get3A_671 = vector.shape_cast %get3A_670 : vector<1x16xi32> to vector<16xi32>
      %ge3A_672 = arith.constant 503808 : i32
      %ge3A_673 = vector.broadcast %ge3A_672 : i32 to vector<16xi32>
      %ge3A_674 = arith.cmpi sge, %get3A_671, %ge3A_673 : vector<16xi32>
      %sub3A_675 = arith.constant 503808 : i32
      %sub3A_676 = vector.broadcast %sub3A_675 : i32 to vector<16xi32>
      %sub3A_677 = arith.subi %get3A_671, %sub3A_676 : vector<16xi32>
      %select_n3A_678 = arith.select %ge3A_674, %sub3A_677, %get3A_671 : vector<16xi1>, vector<16xi32>
      %swap3A_679 = arith.constant 1 : i32
      %swap3A_680 = arith.index_cast %swap3A_679 : i32 to index
      %swap3A_681 = arith.constant 32 : index
      %swap3A_682 = tpu.vector_load %arg6[%swap3A_680, %swap3A_681] {strides = array<i32>} : memref<2x128xi32, #tpu.memory_space<vmem>>, vector<1x16xi32>,
      %swap3A_683 = vector.shape_cast %swap3A_682 : vector<1x16xi32> to vector<16xi32>
      %swap3A_684 = vector.shape_cast %select_n3A_678 : vector<16xi32> to vector<1x16xi32>
      tpu.vector_store %arg6[%swap3A_680, %swap3A_681], %swap3A_684 {strides = array<i32>} : memref<2x128xi32, #tpu.memory_space<vmem>>, vector<1x16xi32>,
      %get3A_685 = arith.index_cast %add3A_399 : i32 to index
      %get3A_686 = arith.constant 48 : index
      %get3A_687 = tpu.vector_load %arg5[%get3A_685, %get3A_686] {strides = array<i32>} : memref<200x128xi32, #tpu.memory_space<vmem>>, vector<1x16xi32>,
      %get3A_688 = vector.shape_cast %get3A_687 : vector<1x16xi32> to vector<16xi32>
      %ge3A_689 = arith.constant 503808 : i32
      %ge3A_690 = vector.broadcast %ge3A_689 : i32 to vector<16xi32>
      %ge3A_691 = arith.cmpi sge, %get3A_688, %ge3A_690 : vector<16xi32>
      %sub3A_692 = arith.constant 503808 : i32
      %sub3A_693 = vector.broadcast %sub3A_692 : i32 to vector<16xi32>
      %sub3A_694 = arith.subi %get3A_688, %sub3A_693 : vector<16xi32>
      %select_n3A_695 = arith.select %ge3A_691, %sub3A_694, %get3A_688 : vector<16xi1>, vector<16xi32>
      %swap3A_696 = arith.constant 1 : i32
      %swap3A_697 = arith.index_cast %swap3A_696 : i32 to index
      %swap3A_698 = arith.constant 48 : index
      %swap3A_699 = tpu.vector_load %arg6[%swap3A_697, %swap3A_698] {strides = array<i32>} : memref<2x128xi32, #tpu.memory_space<vmem>>, vector<1x16xi32>,
      %swap3A_700 = vector.shape_cast %swap3A_699 : vector<1x16xi32> to vector<16xi32>
      %swap3A_701 = vector.shape_cast %select_n3A_695 : vector<16xi32> to vector<1x16xi32>
      tpu.vector_store %arg6[%swap3A_697, %swap3A_698], %swap3A_701 {strides = array<i32>} : memref<2x128xi32, #tpu.memory_space<vmem>>, vector<1x16xi32>,
      %get3A_702 = arith.index_cast %add3A_399 : i32 to index
      %get3A_703 = arith.constant 64 : index
      %get3A_704 = tpu.vector_load %arg5[%get3A_702, %get3A_703] {strides = array<i32>} : memref<200x128xi32, #tpu.memory_space<vmem>>, vector<1x16xi32>,
      %get3A_705 = vector.shape_cast %get3A_704 : vector<1x16xi32> to vector<16xi32>
      %ge3A_706 = arith.constant 503808 : i32
      %ge3A_707 = vector.broadcast %ge3A_706 : i32 to vector<16xi32>
      %ge3A_708 = arith.cmpi sge, %get3A_705, %ge3A_707 : vector<16xi32>
      %sub3A_709 = arith.constant 503808 : i32
      %sub3A_710 = vector.broadcast %sub3A_709 : i32 to vector<16xi32>
      %sub3A_711 = arith.subi %get3A_705, %sub3A_710 : vector<16xi32>
      %select_n3A_712 = arith.select %ge3A_708, %sub3A_711, %get3A_705 : vector<16xi1>, vector<16xi32>
      %swap3A_713 = arith.constant 1 : i32
      %swap3A_714 = arith.index_cast %swap3A_713 : i32 to index
      %swap3A_715 = arith.constant 64 : index
      %swap3A_716 = tpu.vector_load %arg6[%swap3A_714, %swap3A_715] {strides = array<i32>} : memref<2x128xi32, #tpu.memory_space<vmem>>, vector<1x16xi32>,
      %swap3A_717 = vector.shape_cast %swap3A_716 : vector<1x16xi32> to vector<16xi32>
      %swap3A_718 = vector.shape_cast %select_n3A_712 : vector<16xi32> to vector<1x16xi32>
      tpu.vector_store %arg6[%swap3A_714, %swap3A_715], %swap3A_718 {strides = array<i32>} : memref<2x128xi32, #tpu.memory_space<vmem>>, vector<1x16xi32>,
      %get3A_719 = arith.index_cast %add3A_399 : i32 to index
      %get3A_720 = arith.constant 80 : index
      %get3A_721 = tpu.vector_load %arg5[%get3A_719, %get3A_720] {strides = array<i32>} : memref<200x128xi32, #tpu.memory_space<vmem>>, vector<1x16xi32>,
      %get3A_722 = vector.shape_cast %get3A_721 : vector<1x16xi32> to vector<16xi32>
      %ge3A_723 = arith.constant 503808 : i32
      %ge3A_724 = vector.broadcast %ge3A_723 : i32 to vector<16xi32>
      %ge3A_725 = arith.cmpi sge, %get3A_722, %ge3A_724 : vector<16xi32>
      %sub3A_726 = arith.constant 503808 : i32
      %sub3A_727 = vector.broadcast %sub3A_726 : i32 to vector<16xi32>
      %sub3A_728 = arith.subi %get3A_722, %sub3A_727 : vector<16xi32>
      %select_n3A_729 = arith.select %ge3A_725, %sub3A_728, %get3A_722 : vector<16xi1>, vector<16xi32>
      %swap3A_730 = arith.constant 1 : i32
      %swap3A_731 = arith.index_cast %swap3A_730 : i32 to index
      %swap3A_732 = arith.constant 80 : index
      %swap3A_733 = tpu.vector_load %arg6[%swap3A_731, %swap3A_732] {strides = array<i32>} : memref<2x128xi32, #tpu.memory_space<vmem>>, vector<1x16xi32>,
      %swap3A_734 = vector.shape_cast %swap3A_733 : vector<1x16xi32> to vector<16xi32>
      %swap3A_735 = vector.shape_cast %select_n3A_729 : vector<16xi32> to vector<1x16xi32>
      tpu.vector_store %arg6[%swap3A_731, %swap3A_732], %swap3A_735 {strides = array<i32>} : memref<2x128xi32, #tpu.memory_space<vmem>>, vector<1x16xi32>,
      %get3A_736 = arith.index_cast %add3A_399 : i32 to index
      %get3A_737 = arith.constant 96 : index
      %get3A_738 = tpu.vector_load %arg5[%get3A_736, %get3A_737] {strides = array<i32>} : memref<200x128xi32, #tpu.memory_space<vmem>>, vector<1x16xi32>,
      %get3A_739 = vector.shape_cast %get3A_738 : vector<1x16xi32> to vector<16xi32>
      %ge3A_740 = arith.constant 503808 : i32
      %ge3A_741 = vector.broadcast %ge3A_740 : i32 to vector<16xi32>
      %ge3A_742 = arith.cmpi sge, %get3A_739, %ge3A_741 : vector<16xi32>
      %sub3A_743 = arith.constant 503808 : i32
      %sub3A_744 = vector.broadcast %sub3A_743 : i32 to vector<16xi32>
      %sub3A_745 = arith.subi %get3A_739, %sub3A_744 : vector<16xi32>
      %select_n3A_746 = arith.select %ge3A_742, %sub3A_745, %get3A_739 : vector<16xi1>, vector<16xi32>
      %swap3A_747 = arith.constant 1 : i32
      %swap3A_748 = arith.index_cast %swap3A_747 : i32 to index
      %swap3A_749 = arith.constant 96 : index
      %swap3A_750 = tpu.vector_load %arg6[%swap3A_748, %swap3A_749] {strides = array<i32>} : memref<2x128xi32, #tpu.memory_space<vmem>>, vector<1x16xi32>,
      %swap3A_751 = vector.shape_cast %swap3A_750 : vector<1x16xi32> to vector<16xi32>
      %swap3A_752 = vector.shape_cast %select_n3A_746 : vector<16xi32> to vector<1x16xi32>
      tpu.vector_store %arg6[%swap3A_748, %swap3A_749], %swap3A_752 {strides = array<i32>} : memref<2x128xi32, #tpu.memory_space<vmem>>, vector<1x16xi32>,
      %get3A_753 = arith.index_cast %add3A_399 : i32 to index
      %get3A_754 = arith.constant 112 : index
      %get3A_755 = tpu.vector_load %arg5[%get3A_753, %get3A_754] {strides = array<i32>} : memref<200x128xi32, #tpu.memory_space<vmem>>, vector<1x16xi32>,
      %get3A_756 = vector.shape_cast %get3A_755 : vector<1x16xi32> to vector<16xi32>
      %ge3A_757 = arith.constant 503808 : i32
      %ge3A_758 = vector.broadcast %ge3A_757 : i32 to vector<16xi32>
      %ge3A_759 = arith.cmpi sge, %get3A_756, %ge3A_758 : vector<16xi32>
      %sub3A_760 = arith.constant 503808 : i32
      %sub3A_761 = vector.broadcast %sub3A_760 : i32 to vector<16xi32>
      %sub3A_762 = arith.subi %get3A_756, %sub3A_761 : vector<16xi32>
      %select_n3A_763 = arith.select %ge3A_759, %sub3A_762, %get3A_756 : vector<16xi1>, vector<16xi32>
      %swap3A_764 = arith.constant 1 : i32
      %swap3A_765 = arith.index_cast %swap3A_764 : i32 to index
      %swap3A_766 = arith.constant 112 : index
      %swap3A_767 = tpu.vector_load %arg6[%swap3A_765, %swap3A_766] {strides = array<i32>} : memref<2x128xi32, #tpu.memory_space<vmem>>, vector<1x16xi32>,
      %swap3A_768 = vector.shape_cast %swap3A_767 : vector<1x16xi32> to vector<16xi32>
      %swap3A_769 = vector.shape_cast %select_n3A_763 : vector<16xi32> to vector<1x16xi32>
      tpu.vector_store %arg6[%swap3A_765, %swap3A_766], %swap3A_769 {strides = array<i32>} : memref<2x128xi32, #tpu.memory_space<vmem>>, vector<1x16xi32>,
      %dma_start3A_770 = arith.constant 1 : i32
      %dma_start3A_771 = arith.constant 1 : i32
      %dma_start3A_772 = arith.constant 0 : i32
      %dma_start3A_773 = arith.constant 0 : i32
      %dma_start3A_774 = tpu.memref_slice %arg7[%dma_start3A_771, %dma_start3A_772, %dma_start3A_773] : memref<2x128x128xf32, #tpu.memory_space<vmem>> -> memref<1x128x128xf32, #tpu.memory_space<vmem>>
      %dma_start3A_775 = tpu.memref_squeeze %dma_start3A_774 : memref<1x128x128xf32, #tpu.memory_space<vmem>> -> memref<128x128xf32, #tpu.memory_space<vmem>>
      %dma_start3A_776 = arith.constant 0 : i32
      %dma_start3A_777 = tpu.memref_slice %arg6[%dma_start3A_770, %dma_start3A_776] : memref<2x128xi32, #tpu.memory_space<vmem>> -> memref<1x128xi32, #tpu.memory_space<vmem>>
      %dma_start3A_778 = tpu.memref_squeeze %dma_start3A_777 : memref<1x128xi32, #tpu.memory_space<vmem>> -> memref<128xi32, #tpu.memory_space<vmem>>
      %dma_start3A_779 = arith.constant 0 : i32
      %dma_start3A_780 = arith.constant 0 : i32
      %dma_start3A_781 = tpu.memref_slice %arg3[%dma_start3A_779, %dma_start3A_780] : memref<503808x128xf32, #tpu.memory_space<hbm>> -> memref<503808x128xf32, #tpu.memory_space<hbm>>
      tpu.enqueue_indirect_dma source(%dma_start3A_781 : memref<503808x128xf32, #tpu.memory_space<hbm>>) target(%dma_start3A_775 : memref<128x128xf32, #tpu.memory_space<vmem>>) offsets(%dma_start3A_778 : memref<128xi32, #tpu.memory_space<vmem>>) semaphore(%arg9 : memref<!tpu.dma_semaphore, #tpu.memory_space<semaphore_mem>>)
    }
    %scan3A_315 = arith.constant 99 : i32
    %dma_wait3A = arith.constant 0 : i32
    %dma_wait3A_316 = arith.constant 0 : i32
    %dma_wait3A_317 = arith.constant 0 : i32
    %dma_wait3A_318 = arith.constant 0 : i32
    %dma_wait3A_319 = tpu.memref_slice %arg7[%dma_wait3A_316, %dma_wait3A_317, %dma_wait3A_318] : memref<2x128x128xf32, #tpu.memory_space<vmem>> -> memref<1x128x128xf32, #tpu.memory_space<vmem>>
    %dma_wait3A_320 = tpu.memref_squeeze %dma_wait3A_319 : memref<1x128x128xf32, #tpu.memory_space<vmem>> -> memref<128x128xf32, #tpu.memory_space<vmem>>
    %dma_wait3A_321 = arith.constant 0 : i32
    %dma_wait3A_322 = tpu.memref_slice %arg6[%dma_wait3A, %dma_wait3A_321] : memref<2x128xi32, #tpu.memory_space<vmem>> -> memref<1x128xi32, #tpu.memory_space<vmem>>
    %dma_wait3A_323 = tpu.memref_squeeze %dma_wait3A_322 : memref<1x128xi32, #tpu.memory_space<vmem>> -> memref<128xi32, #tpu.memory_space<vmem>>
    %dma_wait3A_324 = arith.constant 0 : i32
    %dma_wait3A_325 = arith.constant 0 : i32
    %dma_wait3A_326 = tpu.memref_slice %arg3[%dma_wait3A_324, %dma_wait3A_325] : memref<503808x128xf32, #tpu.memory_space<hbm>> -> memref<503808x128xf32, #tpu.memory_space<hbm>>
    tpu.wait_indirect_dma semaphore(%arg8 : memref<!tpu.dma_semaphore, #tpu.memory_space<semaphore_mem>>) src(%dma_wait3A_326 : memref<503808x128xf32, #tpu.memory_space<hbm>>) dst(%dma_wait3A_320 : memref<128x128xf32, #tpu.memory_space<vmem>>)
    %add3A_327 = arith.constant 25344 : i32
    %add3A_328 = arith.addi %mul3A_2, %add3A_327 : i32
    %dma_start3A_329 = arith.constant 0 : i32
    %dma_start3A_330 = arith.constant 0 : i32
    %dma_start3A_331 = arith.constant 0 : i32
    %dma_start3A_332 = tpu.memref_slice %arg7[%dma_start3A_329, %dma_start3A_330, %dma_start3A_331] : memref<2x128x128xf32, #tpu.memory_space<vmem>> -> memref<1x128x128xf32, #tpu.memory_space<vmem>>
    %dma_start3A_333 = tpu.memref_squeeze %dma_start3A_332 : memref<1x128x128xf32, #tpu.memory_space<vmem>> -> memref<128x128xf32, #tpu.memory_space<vmem>>
    %dma_start3A_334 = arith.constant 0 : i32
    %dma_start3A_335 = tpu.memref_slice %arg4[%add3A_328, %dma_start3A_334] : memref<819200x128xf32, #tpu.memory_space<hbm>> -> memref<128x128xf32, #tpu.memory_space<hbm>>
    %dma_start3A_336 = arith.constant 0 : i32
    %dma_start3A_337 = tpu.memref_slice %arg4[%add3A_328, %dma_start3A_336] : memref<819200x128xf32, #tpu.memory_space<hbm>> -> memref<128x128xf32, #tpu.memory_space<hbm>>
    %dma_start3A_338 = arith.constant 0 : i32
    %dma_start3A_339 = arith.constant 0 : i32
    %dma_start3A_340 = tpu.memref_slice %arg7[%dma_start3A_329, %dma_start3A_338, %dma_start3A_339] : memref<2x128x128xf32, #tpu.memory_space<vmem>> -> memref<1x128x128xf32, #tpu.memory_space<vmem>>
    %dma_start3A_341 = tpu.memref_squeeze %dma_start3A_340 : memref<1x128x128xf32, #tpu.memory_space<vmem>> -> memref<128x128xf32, #tpu.memory_space<vmem>>
    tpu.enqueue_dma source(%dma_start3A_341 : memref<128x128xf32, #tpu.memory_space<vmem>>) target(%dma_start3A_337 : memref<128x128xf32, #tpu.memory_space<hbm>>) target_semaphore(%arg10 : memref<!tpu.dma_semaphore, #tpu.memory_space<semaphore_mem>>)
    %dma_wait3A_342 = arith.constant 1 : i32
    %dma_wait3A_343 = arith.constant 1 : i32
    %dma_wait3A_344 = arith.constant 0 : i32
    %dma_wait3A_345 = arith.constant 0 : i32
    %dma_wait3A_346 = tpu.memref_slice %arg7[%dma_wait3A_343, %dma_wait3A_344, %dma_wait3A_345] : memref<2x128x128xf32, #tpu.memory_space<vmem>> -> memref<1x128x128xf32, #tpu.memory_space<vmem>>
    %dma_wait3A_347 = tpu.memref_squeeze %dma_wait3A_346 : memref<1x128x128xf32, #tpu.memory_space<vmem>> -> memref<128x128xf32, #tpu.memory_space<vmem>>
    %dma_wait3A_348 = arith.constant 0 : i32
    %dma_wait3A_349 = tpu.memref_slice %arg6[%dma_wait3A_342, %dma_wait3A_348] : memref<2x128xi32, #tpu.memory_space<vmem>> -> memref<1x128xi32, #tpu.memory_space<vmem>>
    %dma_wait3A_350 = tpu.memref_squeeze %dma_wait3A_349 : memref<1x128xi32, #tpu.memory_space<vmem>> -> memref<128xi32, #tpu.memory_space<vmem>>
    %dma_wait3A_351 = arith.constant 0 : i32
    %dma_wait3A_352 = arith.constant 0 : i32
    %dma_wait3A_353 = tpu.memref_slice %arg3[%dma_wait3A_351, %dma_wait3A_352] : memref<503808x128xf32, #tpu.memory_space<hbm>> -> memref<503808x128xf32, #tpu.memory_space<hbm>>
    tpu.wait_indirect_dma semaphore(%arg9 : memref<!tpu.dma_semaphore, #tpu.memory_space<semaphore_mem>>) src(%dma_wait3A_353 : memref<503808x128xf32, #tpu.memory_space<hbm>>) dst(%dma_wait3A_347 : memref<128x128xf32, #tpu.memory_space<vmem>>)
    %add3A_354 = arith.constant 25472 : i32
    %add3A_355 = arith.addi %mul3A_2, %add3A_354 : i32
    %dma_start3A_356 = arith.constant 1 : i32
    %dma_start3A_357 = arith.constant 0 : i32
    %dma_start3A_358 = arith.constant 0 : i32
    %dma_start3A_359 = tpu.memref_slice %arg7[%dma_start3A_356, %dma_start3A_357, %dma_start3A_358] : memref<2x128x128xf32, #tpu.memory_space<vmem>> -> memref<1x128x128xf32, #tpu.memory_space<vmem>>
    %dma_start3A_360 = tpu.memref_squeeze %dma_start3A_359 : memref<1x128x128xf32, #tpu.memory_space<vmem>> -> memref<128x128xf32, #tpu.memory_space<vmem>>
    %dma_start3A_361 = arith.constant 0 : i32
    %dma_start3A_362 = tpu.memref_slice %arg4[%add3A_355, %dma_start3A_361] : memref<819200x128xf32, #tpu.memory_space<hbm>> -> memref<128x128xf32, #tpu.memory_space<hbm>>
    %dma_start3A_363 = arith.constant 0 : i32
    %dma_start3A_364 = tpu.memref_slice %arg4[%add3A_355, %dma_start3A_363] : memref<819200x128xf32, #tpu.memory_space<hbm>> -> memref<128x128xf32, #tpu.memory_space<hbm>>
    %dma_start3A_365 = arith.constant 0 : i32
    %dma_start3A_366 = arith.constant 0 : i32
    %dma_start3A_367 = tpu.memref_slice %arg7[%dma_start3A_356, %dma_start3A_365, %dma_start3A_366] : memref<2x128x128xf32, #tpu.memory_space<vmem>> -> memref<1x128x128xf32, #tpu.memory_space<vmem>>
    %dma_start3A_368 = tpu.memref_squeeze %dma_start3A_367 : memref<1x128x128xf32, #tpu.memory_space<vmem>> -> memref<128x128xf32, #tpu.memory_space<vmem>>
    tpu.enqueue_dma source(%dma_start3A_368 : memref<128x128xf32, #tpu.memory_space<vmem>>) target(%dma_start3A_364 : memref<128x128xf32, #tpu.memory_space<hbm>>) target_semaphore(%arg11 : memref<!tpu.dma_semaphore, #tpu.memory_space<semaphore_mem>>)
    %dma_wait3A_369 = arith.constant 0 : i32
    %dma_wait3A_370 = arith.constant 0 : i32
    %dma_wait3A_371 = arith.constant 0 : i32
    %dma_wait3A_372 = tpu.memref_slice %arg7[%dma_wait3A_369, %dma_wait3A_370, %dma_wait3A_371] : memref<2x128x128xf32, #tpu.memory_space<vmem>> -> memref<1x128x128xf32, #tpu.memory_space<vmem>>
    %dma_wait3A_373 = tpu.memref_squeeze %dma_wait3A_372 : memref<1x128x128xf32, #tpu.memory_space<vmem>> -> memref<128x128xf32, #tpu.memory_space<vmem>>
    %dma_wait3A_374 = arith.constant 0 : i32
    %dma_wait3A_375 = tpu.memref_slice %arg4[%mul3A_2, %dma_wait3A_374] : memref<819200x128xf32, #tpu.memory_space<hbm>> -> memref<128x128xf32, #tpu.memory_space<hbm>>
    %dma_wait3A_376 = arith.constant 0 : i32
    %dma_wait3A_377 = tpu.memref_slice %arg4[%mul3A_2, %dma_wait3A_376] : memref<819200x128xf32, #tpu.memory_space<hbm>> -> memref<128x128xf32, #tpu.memory_space<hbm>>
    %dma_wait3A_378 = arith.constant 0 : i32
    %dma_wait3A_379 = arith.constant 0 : i32
    %dma_wait3A_380 = tpu.memref_slice %arg7[%dma_wait3A_369, %dma_wait3A_378, %dma_wait3A_379] : memref<2x128x128xf32, #tpu.memory_space<vmem>> -> memref<1x128x128xf32, #tpu.memory_space<vmem>>
    %dma_wait3A_381 = tpu.memref_squeeze %dma_wait3A_380 : memref<1x128x128xf32, #tpu.memory_space<vmem>> -> memref<128x128xf32, #tpu.memory_space<vmem>>
    tpu.wait_dma2 semaphore(%arg10 : memref<!tpu.dma_semaphore, #tpu.memory_space<semaphore_mem>>) src(%dma_wait3A_381 : memref<128x128xf32, #tpu.memory_space<vmem>>) dst(%dma_wait3A_377 : memref<128x128xf32, #tpu.memory_space<hbm>>)
    %dma_wait3A_382 = arith.constant 1 : i32
    %dma_wait3A_383 = arith.constant 0 : i32
    %dma_wait3A_384 = arith.constant 0 : i32
    %dma_wait3A_385 = tpu.memref_slice %arg7[%dma_wait3A_382, %dma_wait3A_383, %dma_wait3A_384] : memref<2x128x128xf32, #tpu.memory_space<vmem>> -> memref<1x128x128xf32, #tpu.memory_space<vmem>>
    %dma_wait3A_386 = tpu.memref_squeeze %dma_wait3A_385 : memref<1x128x128xf32, #tpu.memory_space<vmem>> -> memref<128x128xf32, #tpu.memory_space<vmem>>
    %dma_wait3A_387 = arith.constant 0 : i32
    %dma_wait3A_388 = tpu.memref_slice %arg4[%mul3A_2, %dma_wait3A_387] : memref<819200x128xf32, #tpu.memory_space<hbm>> -> memref<128x128xf32, #tpu.memory_space<hbm>>
    %dma_wait3A_389 = arith.constant 0 : i32
    %dma_wait3A_390 = tpu.memref_slice %arg4[%mul3A_2, %dma_wait3A_389] : memref<819200x128xf32, #tpu.memory_space<hbm>> -> memref<128x128xf32, #tpu.memory_space<hbm>>
    %dma_wait3A_391 = arith.constant 0 : i32
    %dma_wait3A_392 = arith.constant 0 : i32
    %dma_wait3A_393 = tpu.memref_slice %arg7[%dma_wait3A_382, %dma_wait3A_391, %dma_wait3A_392] : memref<2x128x128xf32, #tpu.memory_space<vmem>> -> memref<1x128x128xf32, #tpu.memory_space<vmem>>
    %dma_wait3A_394 = tpu.memref_squeeze %dma_wait3A_393 : memref<1x128x128xf32, #tpu.memory_space<vmem>> -> memref<128x128xf32, #tpu.memory_space<vmem>>
    tpu.wait_dma2 semaphore(%arg11 : memref<!tpu.dma_semaphore, #tpu.memory_space<semaphore_mem>>) src(%dma_wait3A_394 : memref<128x128xf32, #tpu.memory_space<vmem>>) dst(%dma_wait3A_390 : memref<128x128xf32, #tpu.memory_space<hbm>>)
    return
  }
}

module attributes {stable_mosaic.version = 14 : i64} {
  func.func @_pack_body(%arg0: i32, %arg1: memref<64x4096xf32, #tpu.memory_space<vmem>>, %arg2: memref<64x4096xf32, #tpu.memory_space<vmem>>, %arg3: memref<64x64xf32, #tpu.memory_space<vmem>>, %arg4: memref<4096x128xf32, #tpu.memory_space<vmem>>) attributes {dimension_semantics = [#tpu.dimension_semantics<arbitrary>], iteration_bounds = array<i64: 123>, scalar_prefetch = 0 : i64, scratch_operands = 0 : i64, tpu.core_type = #tpu.core_type<tc>, window_params = [{transform_indices = @transform_0, window_bounds = array<i64: 64, 4096>}, {transform_indices = @transform_1, window_bounds = array<i64: 64, 4096>}, {pipeline_mode = #tpu.pipeline_mode<synchronous>, transform_indices = @transform_2, window_bounds = array<i64: 64, 64>}, {transform_indices = @transform_3, window_bounds = array<i64: 4096, 128>}]} {
    %get3A = arith.constant 0 : index
    %get3A_0 = arith.constant 0 : index
    %get3A_1 = vector.load %arg1[%get3A, %get3A_0] : memref<64x4096xf32, #tpu.memory_space<vmem>>, vector<64x4096xf32>
    %get3A_2 = arith.constant 0 : index
    %get3A_3 = arith.constant 0 : index
    %get3A_4 = vector.load %arg3[%get3A_2, %get3A_3] : memref<64x64xf32, #tpu.memory_space<vmem>>, vector<64x64xf32>
    %dot_general3A = arith.constant dense<0.000000e+00> : vector<4096x64xf32>
    %dot_general3A_5 = tpu.matmul %get3A_1, %get3A_4, %dot_general3A {dimension_numbers = #tpu.dot_dimension_numbers<[0], [0], [1], [1], [0, 1, 1, 1], [], []>, transpose_lhs_hint = false} : vector<64x4096xf32>, vector<64x64xf32>, vector<4096x64xf32> -> vector<4096x64xf32>
    %get3A_6 = arith.constant 0 : index
    %get3A_7 = arith.constant 0 : index
    %get3A_8 = vector.load %arg2[%get3A_6, %get3A_7] : memref<64x4096xf32, #tpu.memory_space<vmem>>, vector<64x4096xf32>
    %get3A_9 = arith.constant 0 : index
    %get3A_10 = arith.constant 0 : index
    %get3A_11 = vector.load %arg3[%get3A_9, %get3A_10] : memref<64x64xf32, #tpu.memory_space<vmem>>, vector<64x64xf32>
    %dot_general3A_12 = arith.constant dense<0.000000e+00> : vector<4096x64xf32>
    %dot_general3A_13 = tpu.matmul %get3A_8, %get3A_11, %dot_general3A_12 {dimension_numbers = #tpu.dot_dimension_numbers<[0], [0], [1], [1], [0, 1, 1, 1], [], []>, transpose_lhs_hint = false} : vector<64x4096xf32>, vector<64x64xf32>, vector<4096x64xf32> -> vector<4096x64xf32>
    %concatenate3A = tpu.concatenate %dot_general3A_5, %dot_general3A_13 in 1 : vector<4096x64xf32>, vector<4096x64xf32> -> vector<4096x128xf32>
    %swap3A = arith.constant 0 : index
    %swap3A_14 = arith.constant 0 : index
    %swap3A_15 = vector.load %arg4[%swap3A, %swap3A_14] : memref<4096x128xf32, #tpu.memory_space<vmem>>, vector<4096x128xf32>
    tpu.vector_store %arg4[%swap3A, %swap3A_14], %concatenate3A {strides = array<i32>} : memref<4096x128xf32, #tpu.memory_space<vmem>>, vector<4096x128xf32>,
    return
  }
  func.func @transform_0(%arg0: i32) -> (i32, i32) {
    %c0_i32 = arith.constant 0 : i32
    %c0_i32_0 = arith.constant 0 : i32
    return %c0_i32, %arg0 : i32, i32
  }
  func.func @transform_1(%arg0: i32) -> (i32, i32) {
    %add3A = arith.constant 123 : i32
    %add3A_0 = arith.addi %add3A, %arg0 : i32
    %min3A = arith.constant 244 : i32
    %min3A_1 = arith.minsi %add3A_0, %min3A : i32
    %c0_i32 = arith.constant 0 : i32
    %c0_i32_2 = arith.constant 0 : i32
    return %c0_i32, %min3A_1 : i32, i32
  }
  func.func @transform_2(%arg0: i32) -> (i32, i32) {
    %c0_i32 = arith.constant 0 : i32
    %c0_i32_0 = arith.constant 0 : i32
    %c0_i32_1 = arith.constant 0 : i32
    return %c0_i32, %c0_i32_0 : i32, i32
  }
  func.func @transform_3(%arg0: i32) -> (i32, i32) {
    %c0_i32 = arith.constant 0 : i32
    %c0_i32_0 = arith.constant 0 : i32
    return %arg0, %c0_i32 : i32, i32
  }
}

module attributes {stable_mosaic.version = 14 : i64} {
  func.func @_untangle_body(%arg0: i32, %arg1: memref<16384x128xf32, #tpu.memory_space<vmem>>, %arg2: memref<4x32x128xi32, #tpu.memory_space<vmem>>, %arg3: memref<128x128xf32, #tpu.memory_space<vmem>>, %arg4: memref<4x8x32x8x128xf32, #tpu.memory_space<vmem>>) attributes {dimension_semantics = [#tpu.dimension_semantics<arbitrary>], iteration_bounds = array<i64: 50>, scalar_prefetch = 0 : i64, scratch_operands = 0 : i64, tpu.core_type = #tpu.core_type<tc>, window_params = [{transform_indices = @transform_0, window_bounds = array<i64: 16384, 128>}, {transform_indices = @transform_1, window_bounds = array<i64: 4, 32, 128>}, {pipeline_mode = #tpu.pipeline_mode<synchronous>, transform_indices = @transform_2, window_bounds = array<i64: 128, 128>}, {transform_indices = @transform_3, window_bounds = array<i64: 4, 8, 32, 8, 128>}]} {
    %get3A = arith.constant 0 : index
    %get3A_0 = arith.constant 0 : index
    %get3A_1 = vector.load %arg3[%get3A, %get3A_0] : memref<128x128xf32, #tpu.memory_space<vmem>>, vector<128x128xf32>
    %get3A_2 = arith.constant 0 : index
    %get3A_3 = arith.constant 0 : index
    %get3A_4 = vector.load %arg1[%get3A_2, %get3A_3] : memref<16384x128xf32, #tpu.memory_space<vmem>>, vector<128x128xf32>
    %dot_general3A = arith.constant dense<0.000000e+00> : vector<128x128xf32>
    %dot_general3A_5 = tpu.matmul %get3A_4, %get3A_1, %dot_general3A {dimension_numbers = #tpu.dot_dimension_numbers<[0], [0], [1], [1], [0, 1, 1, 1], [], []>, transpose_lhs_hint = false} : vector<128x128xf32>, vector<128x128xf32>, vector<128x128xf32> -> vector<128x128xf32>
    %get3A_6 = arith.constant 0 : index
    %get3A_7 = arith.constant 0 : index
    %get3A_8 = arith.constant 0 : index
    %get3A_9 = vector.load %arg2[%get3A_6, %get3A_7, %get3A_8] : memref<4x32x128xi32, #tpu.memory_space<vmem>>, vector<1x1x128xi32>
    %get3A_10 = vector.shape_cast %get3A_9 : vector<1x1x128xi32> to vector<128xi32>
    %ge3A = arith.constant 503808 : i32
    %ge3A_11 = vector.broadcast %ge3A : i32 to vector<128xi32>
    %ge3A_12 = arith.cmpi sge, %get3A_10, %ge3A_11 : vector<128xi32>
    %broadcast_in_dim3A = vector.shape_cast %ge3A_12 : vector<128xi1> to vector<1x128xi1>
    %slice3A = vector.extract_strided_slice %dot_general3A_5 {offsets = [64, 0], sizes = [64, 128], strides = [1, 1]} : vector<128x128xf32> to vector<64x128xf32>
    %slice3A_13 = vector.extract_strided_slice %dot_general3A_5 {offsets = [0, 0], sizes = [64, 128], strides = [1, 1]} : vector<128x128xf32> to vector<64x128xf32>
    %broadcast_in_dim3A_14 = vector.shape_cast %broadcast_in_dim3A : vector<1x128xi1> to vector<1x128xi1>
    %broadcast_in_dim3A_15 = vector.broadcast %broadcast_in_dim3A_14 : vector<1x128xi1> to vector<64x128xi1>
    %select_n3A = arith.select %broadcast_in_dim3A_15, %slice3A, %slice3A_13 : vector<64x128xi1>, vector<64x128xf32>
    %reshape3A = vector.shape_cast %select_n3A : vector<64x128xf32> to vector<8x8x128xf32>
    %swap3A = arith.constant 0 : index
    %swap3A_16 = arith.constant 0 : index
    %swap3A_17 = arith.constant 0 : index
    %swap3A_18 = arith.constant 0 : index
    %swap3A_19 = arith.constant 0 : index
    %swap3A_20 = vector.load %arg4[%swap3A, %swap3A_16, %swap3A_17, %swap3A_18, %swap3A_19] : memref<4x8x32x8x128xf32, #tpu.memory_space<vmem>>, vector<1x8x1x8x128xf32>
    %swap3A_21 = vector.shape_cast %swap3A_20 : vector<1x8x1x8x128xf32> to vector<8x8x128xf32>
    %swap3A_22 = vector.shape_cast %reshape3A : vector<8x8x128xf32> to vector<1x8x1x8x128xf32>
    tpu.vector_store %arg4[%swap3A, %swap3A_16, %swap3A_17, %swap3A_18, %swap3A_19], %swap3A_22 {strides = array<i32>} : memref<4x8x32x8x128xf32, #tpu.memory_space<vmem>>, vector<1x8x1x8x128xf32>,
    %get3A_23 = arith.constant 128 : index
    %get3A_24 = arith.constant 0 : index
    %get3A_25 = vector.load %arg1[%get3A_23, %get3A_24] : memref<16384x128xf32, #tpu.memory_space<vmem>>, vector<128x128xf32>
    %dot_general3A_26 = arith.constant dense<0.000000e+00> : vector<128x128xf32>
    %dot_general3A_27 = tpu.matmul %get3A_25, %get3A_1, %dot_general3A_26 {dimension_numbers = #tpu.dot_dimension_numbers<[0], [0], [1], [1], [0, 1, 1, 1], [], []>, transpose_lhs_hint = false} : vector<128x128xf32>, vector<128x128xf32>, vector<128x128xf32> -> vector<128x128xf32>
    %get3A_28 = arith.constant 0 : index
    %get3A_29 = arith.constant 1 : index
    %get3A_30 = arith.constant 0 : index
    %get3A_31 = vector.load %arg2[%get3A_28, %get3A_29, %get3A_30] : memref<4x32x128xi32, #tpu.memory_space<vmem>>, vector<1x1x128xi32>
    %get3A_32 = vector.shape_cast %get3A_31 : vector<1x1x128xi32> to vector<128xi32>
    %ge3A_33 = arith.constant 503808 : i32
    %ge3A_34 = vector.broadcast %ge3A_33 : i32 to vector<128xi32>
    %ge3A_35 = arith.cmpi sge, %get3A_32, %ge3A_34 : vector<128xi32>
    %broadcast_in_dim3A_36 = vector.shape_cast %ge3A_35 : vector<128xi1> to vector<1x128xi1>
    %slice3A_37 = vector.extract_strided_slice %dot_general3A_27 {offsets = [64, 0], sizes = [64, 128], strides = [1, 1]} : vector<128x128xf32> to vector<64x128xf32>
    %slice3A_38 = vector.extract_strided_slice %dot_general3A_27 {offsets = [0, 0], sizes = [64, 128], strides = [1, 1]} : vector<128x128xf32> to vector<64x128xf32>
    %broadcast_in_dim3A_39 = vector.shape_cast %broadcast_in_dim3A_36 : vector<1x128xi1> to vector<1x128xi1>
    %broadcast_in_dim3A_40 = vector.broadcast %broadcast_in_dim3A_39 : vector<1x128xi1> to vector<64x128xi1>
    %select_n3A_41 = arith.select %broadcast_in_dim3A_40, %slice3A_37, %slice3A_38 : vector<64x128xi1>, vector<64x128xf32>
    %reshape3A_42 = vector.shape_cast %select_n3A_41 : vector<64x128xf32> to vector<8x8x128xf32>
    %swap3A_43 = arith.constant 0 : index
    %swap3A_44 = arith.constant 0 : index
    %swap3A_45 = arith.constant 1 : index
    %swap3A_46 = arith.constant 0 : index
    %swap3A_47 = arith.constant 0 : index
    %swap3A_48 = vector.load %arg4[%swap3A_43, %swap3A_44, %swap3A_45, %swap3A_46, %swap3A_47] : memref<4x8x32x8x128xf32, #tpu.memory_space<vmem>>, vector<1x8x1x8x128xf32>
    %swap3A_49 = vector.shape_cast %swap3A_48 : vector<1x8x1x8x128xf32> to vector<8x8x128xf32>
    %swap3A_50 = vector.shape_cast %reshape3A_42 : vector<8x8x128xf32> to vector<1x8x1x8x128xf32>
    tpu.vector_store %arg4[%swap3A_43, %swap3A_44, %swap3A_45, %swap3A_46, %swap3A_47], %swap3A_50 {strides = array<i32>} : memref<4x8x32x8x128xf32, #tpu.memory_space<vmem>>, vector<1x8x1x8x128xf32>,
    %get3A_51 = arith.constant 256 : index
    %get3A_52 = arith.constant 0 : index
    %get3A_53 = vector.load %arg1[%get3A_51, %get3A_52] : memref<16384x128xf32, #tpu.memory_space<vmem>>, vector<128x128xf32>
    %dot_general3A_54 = arith.constant dense<0.000000e+00> : vector<128x128xf32>
    %dot_general3A_55 = tpu.matmul %get3A_53, %get3A_1, %dot_general3A_54 {dimension_numbers = #tpu.dot_dimension_numbers<[0], [0], [1], [1], [0, 1, 1, 1], [], []>, transpose_lhs_hint = false} : vector<128x128xf32>, vector<128x128xf32>, vector<128x128xf32> -> vector<128x128xf32>
    %get3A_56 = arith.constant 0 : index
    %get3A_57 = arith.constant 2 : index
    %get3A_58 = arith.constant 0 : index
    %get3A_59 = vector.load %arg2[%get3A_56, %get3A_57, %get3A_58] : memref<4x32x128xi32, #tpu.memory_space<vmem>>, vector<1x1x128xi32>
    %get3A_60 = vector.shape_cast %get3A_59 : vector<1x1x128xi32> to vector<128xi32>
    %ge3A_61 = arith.constant 503808 : i32
    %ge3A_62 = vector.broadcast %ge3A_61 : i32 to vector<128xi32>
    %ge3A_63 = arith.cmpi sge, %get3A_60, %ge3A_62 : vector<128xi32>
    %broadcast_in_dim3A_64 = vector.shape_cast %ge3A_63 : vector<128xi1> to vector<1x128xi1>
    %slice3A_65 = vector.extract_strided_slice %dot_general3A_55 {offsets = [64, 0], sizes = [64, 128], strides = [1, 1]} : vector<128x128xf32> to vector<64x128xf32>
    %slice3A_66 = vector.extract_strided_slice %dot_general3A_55 {offsets = [0, 0], sizes = [64, 128], strides = [1, 1]} : vector<128x128xf32> to vector<64x128xf32>
    %broadcast_in_dim3A_67 = vector.shape_cast %broadcast_in_dim3A_64 : vector<1x128xi1> to vector<1x128xi1>
    %broadcast_in_dim3A_68 = vector.broadcast %broadcast_in_dim3A_67 : vector<1x128xi1> to vector<64x128xi1>
    %select_n3A_69 = arith.select %broadcast_in_dim3A_68, %slice3A_65, %slice3A_66 : vector<64x128xi1>, vector<64x128xf32>
    %reshape3A_70 = vector.shape_cast %select_n3A_69 : vector<64x128xf32> to vector<8x8x128xf32>
    %swap3A_71 = arith.constant 0 : index
    %swap3A_72 = arith.constant 0 : index
    %swap3A_73 = arith.constant 2 : index
    %swap3A_74 = arith.constant 0 : index
    %swap3A_75 = arith.constant 0 : index
    %swap3A_76 = vector.load %arg4[%swap3A_71, %swap3A_72, %swap3A_73, %swap3A_74, %swap3A_75] : memref<4x8x32x8x128xf32, #tpu.memory_space<vmem>>, vector<1x8x1x8x128xf32>
    %swap3A_77 = vector.shape_cast %swap3A_76 : vector<1x8x1x8x128xf32> to vector<8x8x128xf32>
    %swap3A_78 = vector.shape_cast %reshape3A_70 : vector<8x8x128xf32> to vector<1x8x1x8x128xf32>
    tpu.vector_store %arg4[%swap3A_71, %swap3A_72, %swap3A_73, %swap3A_74, %swap3A_75], %swap3A_78 {strides = array<i32>} : memref<4x8x32x8x128xf32, #tpu.memory_space<vmem>>, vector<1x8x1x8x128xf32>,
    %get3A_79 = arith.constant 384 : index
    %get3A_80 = arith.constant 0 : index
    %get3A_81 = vector.load %arg1[%get3A_79, %get3A_80] : memref<16384x128xf32, #tpu.memory_space<vmem>>, vector<128x128xf32>
    %dot_general3A_82 = arith.constant dense<0.000000e+00> : vector<128x128xf32>
    %dot_general3A_83 = tpu.matmul %get3A_81, %get3A_1, %dot_general3A_82 {dimension_numbers = #tpu.dot_dimension_numbers<[0], [0], [1], [1], [0, 1, 1, 1], [], []>, transpose_lhs_hint = false} : vector<128x128xf32>, vector<128x128xf32>, vector<128x128xf32> -> vector<128x128xf32>
    %get3A_84 = arith.constant 0 : index
    %get3A_85 = arith.constant 3 : index
    %get3A_86 = arith.constant 0 : index
    %get3A_87 = vector.load %arg2[%get3A_84, %get3A_85, %get3A_86] : memref<4x32x128xi32, #tpu.memory_space<vmem>>, vector<1x1x128xi32>
    %get3A_88 = vector.shape_cast %get3A_87 : vector<1x1x128xi32> to vector<128xi32>
    %ge3A_89 = arith.constant 503808 : i32
    %ge3A_90 = vector.broadcast %ge3A_89 : i32 to vector<128xi32>
    %ge3A_91 = arith.cmpi sge, %get3A_88, %ge3A_90 : vector<128xi32>
    %broadcast_in_dim3A_92 = vector.shape_cast %ge3A_91 : vector<128xi1> to vector<1x128xi1>
    %slice3A_93 = vector.extract_strided_slice %dot_general3A_83 {offsets = [64, 0], sizes = [64, 128], strides = [1, 1]} : vector<128x128xf32> to vector<64x128xf32>
    %slice3A_94 = vector.extract_strided_slice %dot_general3A_83 {offsets = [0, 0], sizes = [64, 128], strides = [1, 1]} : vector<128x128xf32> to vector<64x128xf32>
    %broadcast_in_dim3A_95 = vector.shape_cast %broadcast_in_dim3A_92 : vector<1x128xi1> to vector<1x128xi1>
    %broadcast_in_dim3A_96 = vector.broadcast %broadcast_in_dim3A_95 : vector<1x128xi1> to vector<64x128xi1>
    %select_n3A_97 = arith.select %broadcast_in_dim3A_96, %slice3A_93, %slice3A_94 : vector<64x128xi1>, vector<64x128xf32>
    %reshape3A_98 = vector.shape_cast %select_n3A_97 : vector<64x128xf32> to vector<8x8x128xf32>
    %swap3A_99 = arith.constant 0 : index
    %swap3A_100 = arith.constant 0 : index
    %swap3A_101 = arith.constant 3 : index
    %swap3A_102 = arith.constant 0 : index
    %swap3A_103 = arith.constant 0 : index
    %swap3A_104 = vector.load %arg4[%swap3A_99, %swap3A_100, %swap3A_101, %swap3A_102, %swap3A_103] : memref<4x8x32x8x128xf32, #tpu.memory_space<vmem>>, vector<1x8x1x8x128xf32>
    %swap3A_105 = vector.shape_cast %swap3A_104 : vector<1x8x1x8x128xf32> to vector<8x8x128xf32>
    %swap3A_106 = vector.shape_cast %reshape3A_98 : vector<8x8x128xf32> to vector<1x8x1x8x128xf32>
    tpu.vector_store %arg4[%swap3A_99, %swap3A_100, %swap3A_101, %swap3A_102, %swap3A_103], %swap3A_106 {strides = array<i32>} : memref<4x8x32x8x128xf32, #tpu.memory_space<vmem>>, vector<1x8x1x8x128xf32>,
    %get3A_107 = arith.constant 512 : index
    %get3A_108 = arith.constant 0 : index
    %get3A_109 = vector.load %arg1[%get3A_107, %get3A_108] : memref<16384x128xf32, #tpu.memory_space<vmem>>, vector<128x128xf32>
    %dot_general3A_110 = arith.constant dense<0.000000e+00> : vector<128x128xf32>
    %dot_general3A_111 = tpu.matmul %get3A_109, %get3A_1, %dot_general3A_110 {dimension_numbers = #tpu.dot_dimension_numbers<[0], [0], [1], [1], [0, 1, 1, 1], [], []>, transpose_lhs_hint = false} : vector<128x128xf32>, vector<128x128xf32>, vector<128x128xf32> -> vector<128x128xf32>
    %get3A_112 = arith.constant 0 : index
    %get3A_113 = arith.constant 4 : index
    %get3A_114 = arith.constant 0 : index
    %get3A_115 = vector.load %arg2[%get3A_112, %get3A_113, %get3A_114] : memref<4x32x128xi32, #tpu.memory_space<vmem>>, vector<1x1x128xi32>
    %get3A_116 = vector.shape_cast %get3A_115 : vector<1x1x128xi32> to vector<128xi32>
    %ge3A_117 = arith.constant 503808 : i32
    %ge3A_118 = vector.broadcast %ge3A_117 : i32 to vector<128xi32>
    %ge3A_119 = arith.cmpi sge, %get3A_116, %ge3A_118 : vector<128xi32>
    %broadcast_in_dim3A_120 = vector.shape_cast %ge3A_119 : vector<128xi1> to vector<1x128xi1>
    %slice3A_121 = vector.extract_strided_slice %dot_general3A_111 {offsets = [64, 0], sizes = [64, 128], strides = [1, 1]} : vector<128x128xf32> to vector<64x128xf32>
    %slice3A_122 = vector.extract_strided_slice %dot_general3A_111 {offsets = [0, 0], sizes = [64, 128], strides = [1, 1]} : vector<128x128xf32> to vector<64x128xf32>
    %broadcast_in_dim3A_123 = vector.shape_cast %broadcast_in_dim3A_120 : vector<1x128xi1> to vector<1x128xi1>
    %broadcast_in_dim3A_124 = vector.broadcast %broadcast_in_dim3A_123 : vector<1x128xi1> to vector<64x128xi1>
    %select_n3A_125 = arith.select %broadcast_in_dim3A_124, %slice3A_121, %slice3A_122 : vector<64x128xi1>, vector<64x128xf32>
    %reshape3A_126 = vector.shape_cast %select_n3A_125 : vector<64x128xf32> to vector<8x8x128xf32>
    %swap3A_127 = arith.constant 0 : index
    %swap3A_128 = arith.constant 0 : index
    %swap3A_129 = arith.constant 4 : index
    %swap3A_130 = arith.constant 0 : index
    %swap3A_131 = arith.constant 0 : index
    %swap3A_132 = vector.load %arg4[%swap3A_127, %swap3A_128, %swap3A_129, %swap3A_130, %swap3A_131] : memref<4x8x32x8x128xf32, #tpu.memory_space<vmem>>, vector<1x8x1x8x128xf32>
    %swap3A_133 = vector.shape_cast %swap3A_132 : vector<1x8x1x8x128xf32> to vector<8x8x128xf32>
    %swap3A_134 = vector.shape_cast %reshape3A_126 : vector<8x8x128xf32> to vector<1x8x1x8x128xf32>
    tpu.vector_store %arg4[%swap3A_127, %swap3A_128, %swap3A_129, %swap3A_130, %swap3A_131], %swap3A_134 {strides = array<i32>} : memref<4x8x32x8x128xf32, #tpu.memory_space<vmem>>, vector<1x8x1x8x128xf32>,
    %get3A_135 = arith.constant 640 : index
    %get3A_136 = arith.constant 0 : index
    %get3A_137 = vector.load %arg1[%get3A_135, %get3A_136] : memref<16384x128xf32, #tpu.memory_space<vmem>>, vector<128x128xf32>
    %dot_general3A_138 = arith.constant dense<0.000000e+00> : vector<128x128xf32>
    %dot_general3A_139 = tpu.matmul %get3A_137, %get3A_1, %dot_general3A_138 {dimension_numbers = #tpu.dot_dimension_numbers<[0], [0], [1], [1], [0, 1, 1, 1], [], []>, transpose_lhs_hint = false} : vector<128x128xf32>, vector<128x128xf32>, vector<128x128xf32> -> vector<128x128xf32>
    %get3A_140 = arith.constant 0 : index
    %get3A_141 = arith.constant 5 : index
    %get3A_142 = arith.constant 0 : index
    %get3A_143 = vector.load %arg2[%get3A_140, %get3A_141, %get3A_142] : memref<4x32x128xi32, #tpu.memory_space<vmem>>, vector<1x1x128xi32>
    %get3A_144 = vector.shape_cast %get3A_143 : vector<1x1x128xi32> to vector<128xi32>
    %ge3A_145 = arith.constant 503808 : i32
    %ge3A_146 = vector.broadcast %ge3A_145 : i32 to vector<128xi32>
    %ge3A_147 = arith.cmpi sge, %get3A_144, %ge3A_146 : vector<128xi32>
    %broadcast_in_dim3A_148 = vector.shape_cast %ge3A_147 : vector<128xi1> to vector<1x128xi1>
    %slice3A_149 = vector.extract_strided_slice %dot_general3A_139 {offsets = [64, 0], sizes = [64, 128], strides = [1, 1]} : vector<128x128xf32> to vector<64x128xf32>
    %slice3A_150 = vector.extract_strided_slice %dot_general3A_139 {offsets = [0, 0], sizes = [64, 128], strides = [1, 1]} : vector<128x128xf32> to vector<64x128xf32>
    %broadcast_in_dim3A_151 = vector.shape_cast %broadcast_in_dim3A_148 : vector<1x128xi1> to vector<1x128xi1>
    %broadcast_in_dim3A_152 = vector.broadcast %broadcast_in_dim3A_151 : vector<1x128xi1> to vector<64x128xi1>
    %select_n3A_153 = arith.select %broadcast_in_dim3A_152, %slice3A_149, %slice3A_150 : vector<64x128xi1>, vector<64x128xf32>
    %reshape3A_154 = vector.shape_cast %select_n3A_153 : vector<64x128xf32> to vector<8x8x128xf32>
    %swap3A_155 = arith.constant 0 : index
    %swap3A_156 = arith.constant 0 : index
    %swap3A_157 = arith.constant 5 : index
    %swap3A_158 = arith.constant 0 : index
    %swap3A_159 = arith.constant 0 : index
    %swap3A_160 = vector.load %arg4[%swap3A_155, %swap3A_156, %swap3A_157, %swap3A_158, %swap3A_159] : memref<4x8x32x8x128xf32, #tpu.memory_space<vmem>>, vector<1x8x1x8x128xf32>
    %swap3A_161 = vector.shape_cast %swap3A_160 : vector<1x8x1x8x128xf32> to vector<8x8x128xf32>
    %swap3A_162 = vector.shape_cast %reshape3A_154 : vector<8x8x128xf32> to vector<1x8x1x8x128xf32>
    tpu.vector_store %arg4[%swap3A_155, %swap3A_156, %swap3A_157, %swap3A_158, %swap3A_159], %swap3A_162 {strides = array<i32>} : memref<4x8x32x8x128xf32, #tpu.memory_space<vmem>>, vector<1x8x1x8x128xf32>,
    %get3A_163 = arith.constant 768 : index
    %get3A_164 = arith.constant 0 : index
    %get3A_165 = vector.load %arg1[%get3A_163, %get3A_164] : memref<16384x128xf32, #tpu.memory_space<vmem>>, vector<128x128xf32>
    %dot_general3A_166 = arith.constant dense<0.000000e+00> : vector<128x128xf32>
    %dot_general3A_167 = tpu.matmul %get3A_165, %get3A_1, %dot_general3A_166 {dimension_numbers = #tpu.dot_dimension_numbers<[0], [0], [1], [1], [0, 1, 1, 1], [], []>, transpose_lhs_hint = false} : vector<128x128xf32>, vector<128x128xf32>, vector<128x128xf32> -> vector<128x128xf32>
    %get3A_168 = arith.constant 0 : index
    %get3A_169 = arith.constant 6 : index
    %get3A_170 = arith.constant 0 : index
    %get3A_171 = vector.load %arg2[%get3A_168, %get3A_169, %get3A_170] : memref<4x32x128xi32, #tpu.memory_space<vmem>>, vector<1x1x128xi32>
    %get3A_172 = vector.shape_cast %get3A_171 : vector<1x1x128xi32> to vector<128xi32>
    %ge3A_173 = arith.constant 503808 : i32
    %ge3A_174 = vector.broadcast %ge3A_173 : i32 to vector<128xi32>
    %ge3A_175 = arith.cmpi sge, %get3A_172, %ge3A_174 : vector<128xi32>
    %broadcast_in_dim3A_176 = vector.shape_cast %ge3A_175 : vector<128xi1> to vector<1x128xi1>
    %slice3A_177 = vector.extract_strided_slice %dot_general3A_167 {offsets = [64, 0], sizes = [64, 128], strides = [1, 1]} : vector<128x128xf32> to vector<64x128xf32>
    %slice3A_178 = vector.extract_strided_slice %dot_general3A_167 {offsets = [0, 0], sizes = [64, 128], strides = [1, 1]} : vector<128x128xf32> to vector<64x128xf32>
    %broadcast_in_dim3A_179 = vector.shape_cast %broadcast_in_dim3A_176 : vector<1x128xi1> to vector<1x128xi1>
    %broadcast_in_dim3A_180 = vector.broadcast %broadcast_in_dim3A_179 : vector<1x128xi1> to vector<64x128xi1>
    %select_n3A_181 = arith.select %broadcast_in_dim3A_180, %slice3A_177, %slice3A_178 : vector<64x128xi1>, vector<64x128xf32>
    %reshape3A_182 = vector.shape_cast %select_n3A_181 : vector<64x128xf32> to vector<8x8x128xf32>
    %swap3A_183 = arith.constant 0 : index
    %swap3A_184 = arith.constant 0 : index
    %swap3A_185 = arith.constant 6 : index
    %swap3A_186 = arith.constant 0 : index
    %swap3A_187 = arith.constant 0 : index
    %swap3A_188 = vector.load %arg4[%swap3A_183, %swap3A_184, %swap3A_185, %swap3A_186, %swap3A_187] : memref<4x8x32x8x128xf32, #tpu.memory_space<vmem>>, vector<1x8x1x8x128xf32>
    %swap3A_189 = vector.shape_cast %swap3A_188 : vector<1x8x1x8x128xf32> to vector<8x8x128xf32>
    %swap3A_190 = vector.shape_cast %reshape3A_182 : vector<8x8x128xf32> to vector<1x8x1x8x128xf32>
    tpu.vector_store %arg4[%swap3A_183, %swap3A_184, %swap3A_185, %swap3A_186, %swap3A_187], %swap3A_190 {strides = array<i32>} : memref<4x8x32x8x128xf32, #tpu.memory_space<vmem>>, vector<1x8x1x8x128xf32>,
    %get3A_191 = arith.constant 896 : index
    %get3A_192 = arith.constant 0 : index
    %get3A_193 = vector.load %arg1[%get3A_191, %get3A_192] : memref<16384x128xf32, #tpu.memory_space<vmem>>, vector<128x128xf32>
    %dot_general3A_194 = arith.constant dense<0.000000e+00> : vector<128x128xf32>
    %dot_general3A_195 = tpu.matmul %get3A_193, %get3A_1, %dot_general3A_194 {dimension_numbers = #tpu.dot_dimension_numbers<[0], [0], [1], [1], [0, 1, 1, 1], [], []>, transpose_lhs_hint = false} : vector<128x128xf32>, vector<128x128xf32>, vector<128x128xf32> -> vector<128x128xf32>
    %get3A_196 = arith.constant 0 : index
    %get3A_197 = arith.constant 7 : index
    %get3A_198 = arith.constant 0 : index
    %get3A_199 = vector.load %arg2[%get3A_196, %get3A_197, %get3A_198] : memref<4x32x128xi32, #tpu.memory_space<vmem>>, vector<1x1x128xi32>
    %get3A_200 = vector.shape_cast %get3A_199 : vector<1x1x128xi32> to vector<128xi32>
    %ge3A_201 = arith.constant 503808 : i32
    %ge3A_202 = vector.broadcast %ge3A_201 : i32 to vector<128xi32>
    %ge3A_203 = arith.cmpi sge, %get3A_200, %ge3A_202 : vector<128xi32>
    %broadcast_in_dim3A_204 = vector.shape_cast %ge3A_203 : vector<128xi1> to vector<1x128xi1>
    %slice3A_205 = vector.extract_strided_slice %dot_general3A_195 {offsets = [64, 0], sizes = [64, 128], strides = [1, 1]} : vector<128x128xf32> to vector<64x128xf32>
    %slice3A_206 = vector.extract_strided_slice %dot_general3A_195 {offsets = [0, 0], sizes = [64, 128], strides = [1, 1]} : vector<128x128xf32> to vector<64x128xf32>
    %broadcast_in_dim3A_207 = vector.shape_cast %broadcast_in_dim3A_204 : vector<1x128xi1> to vector<1x128xi1>
    %broadcast_in_dim3A_208 = vector.broadcast %broadcast_in_dim3A_207 : vector<1x128xi1> to vector<64x128xi1>
    %select_n3A_209 = arith.select %broadcast_in_dim3A_208, %slice3A_205, %slice3A_206 : vector<64x128xi1>, vector<64x128xf32>
    %reshape3A_210 = vector.shape_cast %select_n3A_209 : vector<64x128xf32> to vector<8x8x128xf32>
    %swap3A_211 = arith.constant 0 : index
    %swap3A_212 = arith.constant 0 : index
    %swap3A_213 = arith.constant 7 : index
    %swap3A_214 = arith.constant 0 : index
    %swap3A_215 = arith.constant 0 : index
    %swap3A_216 = vector.load %arg4[%swap3A_211, %swap3A_212, %swap3A_213, %swap3A_214, %swap3A_215] : memref<4x8x32x8x128xf32, #tpu.memory_space<vmem>>, vector<1x8x1x8x128xf32>
    %swap3A_217 = vector.shape_cast %swap3A_216 : vector<1x8x1x8x128xf32> to vector<8x8x128xf32>
    %swap3A_218 = vector.shape_cast %reshape3A_210 : vector<8x8x128xf32> to vector<1x8x1x8x128xf32>
    tpu.vector_store %arg4[%swap3A_211, %swap3A_212, %swap3A_213, %swap3A_214, %swap3A_215], %swap3A_218 {strides = array<i32>} : memref<4x8x32x8x128xf32, #tpu.memory_space<vmem>>, vector<1x8x1x8x128xf32>,
    %get3A_219 = arith.constant 1024 : index
    %get3A_220 = arith.constant 0 : index
    %get3A_221 = vector.load %arg1[%get3A_219, %get3A_220] : memref<16384x128xf32, #tpu.memory_space<vmem>>, vector<128x128xf32>
    %dot_general3A_222 = arith.constant dense<0.000000e+00> : vector<128x128xf32>
    %dot_general3A_223 = tpu.matmul %get3A_221, %get3A_1, %dot_general3A_222 {dimension_numbers = #tpu.dot_dimension_numbers<[0], [0], [1], [1], [0, 1, 1, 1], [], []>, transpose_lhs_hint = false} : vector<128x128xf32>, vector<128x128xf32>, vector<128x128xf32> -> vector<128x128xf32>
    %get3A_224 = arith.constant 0 : index
    %get3A_225 = arith.constant 8 : index
    %get3A_226 = arith.constant 0 : index
    %get3A_227 = vector.load %arg2[%get3A_224, %get3A_225, %get3A_226] : memref<4x32x128xi32, #tpu.memory_space<vmem>>, vector<1x1x128xi32>
    %get3A_228 = vector.shape_cast %get3A_227 : vector<1x1x128xi32> to vector<128xi32>
    %ge3A_229 = arith.constant 503808 : i32
    %ge3A_230 = vector.broadcast %ge3A_229 : i32 to vector<128xi32>
    %ge3A_231 = arith.cmpi sge, %get3A_228, %ge3A_230 : vector<128xi32>
    %broadcast_in_dim3A_232 = vector.shape_cast %ge3A_231 : vector<128xi1> to vector<1x128xi1>
    %slice3A_233 = vector.extract_strided_slice %dot_general3A_223 {offsets = [64, 0], sizes = [64, 128], strides = [1, 1]} : vector<128x128xf32> to vector<64x128xf32>
    %slice3A_234 = vector.extract_strided_slice %dot_general3A_223 {offsets = [0, 0], sizes = [64, 128], strides = [1, 1]} : vector<128x128xf32> to vector<64x128xf32>
    %broadcast_in_dim3A_235 = vector.shape_cast %broadcast_in_dim3A_232 : vector<1x128xi1> to vector<1x128xi1>
    %broadcast_in_dim3A_236 = vector.broadcast %broadcast_in_dim3A_235 : vector<1x128xi1> to vector<64x128xi1>
    %select_n3A_237 = arith.select %broadcast_in_dim3A_236, %slice3A_233, %slice3A_234 : vector<64x128xi1>, vector<64x128xf32>
    %reshape3A_238 = vector.shape_cast %select_n3A_237 : vector<64x128xf32> to vector<8x8x128xf32>
    %swap3A_239 = arith.constant 0 : index
    %swap3A_240 = arith.constant 0 : index
    %swap3A_241 = arith.constant 8 : index
    %swap3A_242 = arith.constant 0 : index
    %swap3A_243 = arith.constant 0 : index
    %swap3A_244 = vector.load %arg4[%swap3A_239, %swap3A_240, %swap3A_241, %swap3A_242, %swap3A_243] : memref<4x8x32x8x128xf32, #tpu.memory_space<vmem>>, vector<1x8x1x8x128xf32>
    %swap3A_245 = vector.shape_cast %swap3A_244 : vector<1x8x1x8x128xf32> to vector<8x8x128xf32>
    %swap3A_246 = vector.shape_cast %reshape3A_238 : vector<8x8x128xf32> to vector<1x8x1x8x128xf32>
    tpu.vector_store %arg4[%swap3A_239, %swap3A_240, %swap3A_241, %swap3A_242, %swap3A_243], %swap3A_246 {strides = array<i32>} : memref<4x8x32x8x128xf32, #tpu.memory_space<vmem>>, vector<1x8x1x8x128xf32>,
    %get3A_247 = arith.constant 1152 : index
    %get3A_248 = arith.constant 0 : index
    %get3A_249 = vector.load %arg1[%get3A_247, %get3A_248] : memref<16384x128xf32, #tpu.memory_space<vmem>>, vector<128x128xf32>
    %dot_general3A_250 = arith.constant dense<0.000000e+00> : vector<128x128xf32>
    %dot_general3A_251 = tpu.matmul %get3A_249, %get3A_1, %dot_general3A_250 {dimension_numbers = #tpu.dot_dimension_numbers<[0], [0], [1], [1], [0, 1, 1, 1], [], []>, transpose_lhs_hint = false} : vector<128x128xf32>, vector<128x128xf32>, vector<128x128xf32> -> vector<128x128xf32>
    %get3A_252 = arith.constant 0 : index
    %get3A_253 = arith.constant 9 : index
    %get3A_254 = arith.constant 0 : index
    %get3A_255 = vector.load %arg2[%get3A_252, %get3A_253, %get3A_254] : memref<4x32x128xi32, #tpu.memory_space<vmem>>, vector<1x1x128xi32>
    %get3A_256 = vector.shape_cast %get3A_255 : vector<1x1x128xi32> to vector<128xi32>
    %ge3A_257 = arith.constant 503808 : i32
    %ge3A_258 = vector.broadcast %ge3A_257 : i32 to vector<128xi32>
    %ge3A_259 = arith.cmpi sge, %get3A_256, %ge3A_258 : vector<128xi32>
    %broadcast_in_dim3A_260 = vector.shape_cast %ge3A_259 : vector<128xi1> to vector<1x128xi1>
    %slice3A_261 = vector.extract_strided_slice %dot_general3A_251 {offsets = [64, 0], sizes = [64, 128], strides = [1, 1]} : vector<128x128xf32> to vector<64x128xf32>
    %slice3A_262 = vector.extract_strided_slice %dot_general3A_251 {offsets = [0, 0], sizes = [64, 128], strides = [1, 1]} : vector<128x128xf32> to vector<64x128xf32>
    %broadcast_in_dim3A_263 = vector.shape_cast %broadcast_in_dim3A_260 : vector<1x128xi1> to vector<1x128xi1>
    %broadcast_in_dim3A_264 = vector.broadcast %broadcast_in_dim3A_263 : vector<1x128xi1> to vector<64x128xi1>
    %select_n3A_265 = arith.select %broadcast_in_dim3A_264, %slice3A_261, %slice3A_262 : vector<64x128xi1>, vector<64x128xf32>
    %reshape3A_266 = vector.shape_cast %select_n3A_265 : vector<64x128xf32> to vector<8x8x128xf32>
    %swap3A_267 = arith.constant 0 : index
    %swap3A_268 = arith.constant 0 : index
    %swap3A_269 = arith.constant 9 : index
    %swap3A_270 = arith.constant 0 : index
    %swap3A_271 = arith.constant 0 : index
    %swap3A_272 = vector.load %arg4[%swap3A_267, %swap3A_268, %swap3A_269, %swap3A_270, %swap3A_271] : memref<4x8x32x8x128xf32, #tpu.memory_space<vmem>>, vector<1x8x1x8x128xf32>
    %swap3A_273 = vector.shape_cast %swap3A_272 : vector<1x8x1x8x128xf32> to vector<8x8x128xf32>
    %swap3A_274 = vector.shape_cast %reshape3A_266 : vector<8x8x128xf32> to vector<1x8x1x8x128xf32>
    tpu.vector_store %arg4[%swap3A_267, %swap3A_268, %swap3A_269, %swap3A_270, %swap3A_271], %swap3A_274 {strides = array<i32>} : memref<4x8x32x8x128xf32, #tpu.memory_space<vmem>>, vector<1x8x1x8x128xf32>,
    %get3A_275 = arith.constant 1280 : index
    %get3A_276 = arith.constant 0 : index
    %get3A_277 = vector.load %arg1[%get3A_275, %get3A_276] : memref<16384x128xf32, #tpu.memory_space<vmem>>, vector<128x128xf32>
    %dot_general3A_278 = arith.constant dense<0.000000e+00> : vector<128x128xf32>
    %dot_general3A_279 = tpu.matmul %get3A_277, %get3A_1, %dot_general3A_278 {dimension_numbers = #tpu.dot_dimension_numbers<[0], [0], [1], [1], [0, 1, 1, 1], [], []>, transpose_lhs_hint = false} : vector<128x128xf32>, vector<128x128xf32>, vector<128x128xf32> -> vector<128x128xf32>
    %get3A_280 = arith.constant 0 : index
    %get3A_281 = arith.constant 10 : index
    %get3A_282 = arith.constant 0 : index
    %get3A_283 = vector.load %arg2[%get3A_280, %get3A_281, %get3A_282] : memref<4x32x128xi32, #tpu.memory_space<vmem>>, vector<1x1x128xi32>
    %get3A_284 = vector.shape_cast %get3A_283 : vector<1x1x128xi32> to vector<128xi32>
    %ge3A_285 = arith.constant 503808 : i32
    %ge3A_286 = vector.broadcast %ge3A_285 : i32 to vector<128xi32>
    %ge3A_287 = arith.cmpi sge, %get3A_284, %ge3A_286 : vector<128xi32>
    %broadcast_in_dim3A_288 = vector.shape_cast %ge3A_287 : vector<128xi1> to vector<1x128xi1>
    %slice3A_289 = vector.extract_strided_slice %dot_general3A_279 {offsets = [64, 0], sizes = [64, 128], strides = [1, 1]} : vector<128x128xf32> to vector<64x128xf32>
    %slice3A_290 = vector.extract_strided_slice %dot_general3A_279 {offsets = [0, 0], sizes = [64, 128], strides = [1, 1]} : vector<128x128xf32> to vector<64x128xf32>
    %broadcast_in_dim3A_291 = vector.shape_cast %broadcast_in_dim3A_288 : vector<1x128xi1> to vector<1x128xi1>
    %broadcast_in_dim3A_292 = vector.broadcast %broadcast_in_dim3A_291 : vector<1x128xi1> to vector<64x128xi1>
    %select_n3A_293 = arith.select %broadcast_in_dim3A_292, %slice3A_289, %slice3A_290 : vector<64x128xi1>, vector<64x128xf32>
    %reshape3A_294 = vector.shape_cast %select_n3A_293 : vector<64x128xf32> to vector<8x8x128xf32>
    %swap3A_295 = arith.constant 0 : index
    %swap3A_296 = arith.constant 0 : index
    %swap3A_297 = arith.constant 10 : index
    %swap3A_298 = arith.constant 0 : index
    %swap3A_299 = arith.constant 0 : index
    %swap3A_300 = vector.load %arg4[%swap3A_295, %swap3A_296, %swap3A_297, %swap3A_298, %swap3A_299] : memref<4x8x32x8x128xf32, #tpu.memory_space<vmem>>, vector<1x8x1x8x128xf32>
    %swap3A_301 = vector.shape_cast %swap3A_300 : vector<1x8x1x8x128xf32> to vector<8x8x128xf32>
    %swap3A_302 = vector.shape_cast %reshape3A_294 : vector<8x8x128xf32> to vector<1x8x1x8x128xf32>
    tpu.vector_store %arg4[%swap3A_295, %swap3A_296, %swap3A_297, %swap3A_298, %swap3A_299], %swap3A_302 {strides = array<i32>} : memref<4x8x32x8x128xf32, #tpu.memory_space<vmem>>, vector<1x8x1x8x128xf32>,
    %get3A_303 = arith.constant 1408 : index
    %get3A_304 = arith.constant 0 : index
    %get3A_305 = vector.load %arg1[%get3A_303, %get3A_304] : memref<16384x128xf32, #tpu.memory_space<vmem>>, vector<128x128xf32>
    %dot_general3A_306 = arith.constant dense<0.000000e+00> : vector<128x128xf32>
    %dot_general3A_307 = tpu.matmul %get3A_305, %get3A_1, %dot_general3A_306 {dimension_numbers = #tpu.dot_dimension_numbers<[0], [0], [1], [1], [0, 1, 1, 1], [], []>, transpose_lhs_hint = false} : vector<128x128xf32>, vector<128x128xf32>, vector<128x128xf32> -> vector<128x128xf32>
    %get3A_308 = arith.constant 0 : index
    %get3A_309 = arith.constant 11 : index
    %get3A_310 = arith.constant 0 : index
    %get3A_311 = vector.load %arg2[%get3A_308, %get3A_309, %get3A_310] : memref<4x32x128xi32, #tpu.memory_space<vmem>>, vector<1x1x128xi32>
    %get3A_312 = vector.shape_cast %get3A_311 : vector<1x1x128xi32> to vector<128xi32>
    %ge3A_313 = arith.constant 503808 : i32
    %ge3A_314 = vector.broadcast %ge3A_313 : i32 to vector<128xi32>
    %ge3A_315 = arith.cmpi sge, %get3A_312, %ge3A_314 : vector<128xi32>
    %broadcast_in_dim3A_316 = vector.shape_cast %ge3A_315 : vector<128xi1> to vector<1x128xi1>
    %slice3A_317 = vector.extract_strided_slice %dot_general3A_307 {offsets = [64, 0], sizes = [64, 128], strides = [1, 1]} : vector<128x128xf32> to vector<64x128xf32>
    %slice3A_318 = vector.extract_strided_slice %dot_general3A_307 {offsets = [0, 0], sizes = [64, 128], strides = [1, 1]} : vector<128x128xf32> to vector<64x128xf32>
    %broadcast_in_dim3A_319 = vector.shape_cast %broadcast_in_dim3A_316 : vector<1x128xi1> to vector<1x128xi1>
    %broadcast_in_dim3A_320 = vector.broadcast %broadcast_in_dim3A_319 : vector<1x128xi1> to vector<64x128xi1>
    %select_n3A_321 = arith.select %broadcast_in_dim3A_320, %slice3A_317, %slice3A_318 : vector<64x128xi1>, vector<64x128xf32>
    %reshape3A_322 = vector.shape_cast %select_n3A_321 : vector<64x128xf32> to vector<8x8x128xf32>
    %swap3A_323 = arith.constant 0 : index
    %swap3A_324 = arith.constant 0 : index
    %swap3A_325 = arith.constant 11 : index
    %swap3A_326 = arith.constant 0 : index
    %swap3A_327 = arith.constant 0 : index
    %swap3A_328 = vector.load %arg4[%swap3A_323, %swap3A_324, %swap3A_325, %swap3A_326, %swap3A_327] : memref<4x8x32x8x128xf32, #tpu.memory_space<vmem>>, vector<1x8x1x8x128xf32>
    %swap3A_329 = vector.shape_cast %swap3A_328 : vector<1x8x1x8x128xf32> to vector<8x8x128xf32>
    %swap3A_330 = vector.shape_cast %reshape3A_322 : vector<8x8x128xf32> to vector<1x8x1x8x128xf32>
    tpu.vector_store %arg4[%swap3A_323, %swap3A_324, %swap3A_325, %swap3A_326, %swap3A_327], %swap3A_330 {strides = array<i32>} : memref<4x8x32x8x128xf32, #tpu.memory_space<vmem>>, vector<1x8x1x8x128xf32>,
    %get3A_331 = arith.constant 1536 : index
    %get3A_332 = arith.constant 0 : index
    %get3A_333 = vector.load %arg1[%get3A_331, %get3A_332] : memref<16384x128xf32, #tpu.memory_space<vmem>>, vector<128x128xf32>
    %dot_general3A_334 = arith.constant dense<0.000000e+00> : vector<128x128xf32>
    %dot_general3A_335 = tpu.matmul %get3A_333, %get3A_1, %dot_general3A_334 {dimension_numbers = #tpu.dot_dimension_numbers<[0], [0], [1], [1], [0, 1, 1, 1], [], []>, transpose_lhs_hint = false} : vector<128x128xf32>, vector<128x128xf32>, vector<128x128xf32> -> vector<128x128xf32>
    %get3A_336 = arith.constant 0 : index
    %get3A_337 = arith.constant 12 : index
    %get3A_338 = arith.constant 0 : index
    %get3A_339 = vector.load %arg2[%get3A_336, %get3A_337, %get3A_338] : memref<4x32x128xi32, #tpu.memory_space<vmem>>, vector<1x1x128xi32>
    %get3A_340 = vector.shape_cast %get3A_339 : vector<1x1x128xi32> to vector<128xi32>
    %ge3A_341 = arith.constant 503808 : i32
    %ge3A_342 = vector.broadcast %ge3A_341 : i32 to vector<128xi32>
    %ge3A_343 = arith.cmpi sge, %get3A_340, %ge3A_342 : vector<128xi32>
    %broadcast_in_dim3A_344 = vector.shape_cast %ge3A_343 : vector<128xi1> to vector<1x128xi1>
    %slice3A_345 = vector.extract_strided_slice %dot_general3A_335 {offsets = [64, 0], sizes = [64, 128], strides = [1, 1]} : vector<128x128xf32> to vector<64x128xf32>
    %slice3A_346 = vector.extract_strided_slice %dot_general3A_335 {offsets = [0, 0], sizes = [64, 128], strides = [1, 1]} : vector<128x128xf32> to vector<64x128xf32>
    %broadcast_in_dim3A_347 = vector.shape_cast %broadcast_in_dim3A_344 : vector<1x128xi1> to vector<1x128xi1>
    %broadcast_in_dim3A_348 = vector.broadcast %broadcast_in_dim3A_347 : vector<1x128xi1> to vector<64x128xi1>
    %select_n3A_349 = arith.select %broadcast_in_dim3A_348, %slice3A_345, %slice3A_346 : vector<64x128xi1>, vector<64x128xf32>
    %reshape3A_350 = vector.shape_cast %select_n3A_349 : vector<64x128xf32> to vector<8x8x128xf32>
    %swap3A_351 = arith.constant 0 : index
    %swap3A_352 = arith.constant 0 : index
    %swap3A_353 = arith.constant 12 : index
    %swap3A_354 = arith.constant 0 : index
    %swap3A_355 = arith.constant 0 : index
    %swap3A_356 = vector.load %arg4[%swap3A_351, %swap3A_352, %swap3A_353, %swap3A_354, %swap3A_355] : memref<4x8x32x8x128xf32, #tpu.memory_space<vmem>>, vector<1x8x1x8x128xf32>
    %swap3A_357 = vector.shape_cast %swap3A_356 : vector<1x8x1x8x128xf32> to vector<8x8x128xf32>
    %swap3A_358 = vector.shape_cast %reshape3A_350 : vector<8x8x128xf32> to vector<1x8x1x8x128xf32>
    tpu.vector_store %arg4[%swap3A_351, %swap3A_352, %swap3A_353, %swap3A_354, %swap3A_355], %swap3A_358 {strides = array<i32>} : memref<4x8x32x8x128xf32, #tpu.memory_space<vmem>>, vector<1x8x1x8x128xf32>,
    %get3A_359 = arith.constant 1664 : index
    %get3A_360 = arith.constant 0 : index
    %get3A_361 = vector.load %arg1[%get3A_359, %get3A_360] : memref<16384x128xf32, #tpu.memory_space<vmem>>, vector<128x128xf32>
    %dot_general3A_362 = arith.constant dense<0.000000e+00> : vector<128x128xf32>
    %dot_general3A_363 = tpu.matmul %get3A_361, %get3A_1, %dot_general3A_362 {dimension_numbers = #tpu.dot_dimension_numbers<[0], [0], [1], [1], [0, 1, 1, 1], [], []>, transpose_lhs_hint = false} : vector<128x128xf32>, vector<128x128xf32>, vector<128x128xf32> -> vector<128x128xf32>
    %get3A_364 = arith.constant 0 : index
    %get3A_365 = arith.constant 13 : index
    %get3A_366 = arith.constant 0 : index
    %get3A_367 = vector.load %arg2[%get3A_364, %get3A_365, %get3A_366] : memref<4x32x128xi32, #tpu.memory_space<vmem>>, vector<1x1x128xi32>
    %get3A_368 = vector.shape_cast %get3A_367 : vector<1x1x128xi32> to vector<128xi32>
    %ge3A_369 = arith.constant 503808 : i32
    %ge3A_370 = vector.broadcast %ge3A_369 : i32 to vector<128xi32>
    %ge3A_371 = arith.cmpi sge, %get3A_368, %ge3A_370 : vector<128xi32>
    %broadcast_in_dim3A_372 = vector.shape_cast %ge3A_371 : vector<128xi1> to vector<1x128xi1>
    %slice3A_373 = vector.extract_strided_slice %dot_general3A_363 {offsets = [64, 0], sizes = [64, 128], strides = [1, 1]} : vector<128x128xf32> to vector<64x128xf32>
    %slice3A_374 = vector.extract_strided_slice %dot_general3A_363 {offsets = [0, 0], sizes = [64, 128], strides = [1, 1]} : vector<128x128xf32> to vector<64x128xf32>
    %broadcast_in_dim3A_375 = vector.shape_cast %broadcast_in_dim3A_372 : vector<1x128xi1> to vector<1x128xi1>
    %broadcast_in_dim3A_376 = vector.broadcast %broadcast_in_dim3A_375 : vector<1x128xi1> to vector<64x128xi1>
    %select_n3A_377 = arith.select %broadcast_in_dim3A_376, %slice3A_373, %slice3A_374 : vector<64x128xi1>, vector<64x128xf32>
    %reshape3A_378 = vector.shape_cast %select_n3A_377 : vector<64x128xf32> to vector<8x8x128xf32>
    %swap3A_379 = arith.constant 0 : index
    %swap3A_380 = arith.constant 0 : index
    %swap3A_381 = arith.constant 13 : index
    %swap3A_382 = arith.constant 0 : index
    %swap3A_383 = arith.constant 0 : index
    %swap3A_384 = vector.load %arg4[%swap3A_379, %swap3A_380, %swap3A_381, %swap3A_382, %swap3A_383] : memref<4x8x32x8x128xf32, #tpu.memory_space<vmem>>, vector<1x8x1x8x128xf32>
    %swap3A_385 = vector.shape_cast %swap3A_384 : vector<1x8x1x8x128xf32> to vector<8x8x128xf32>
    %swap3A_386 = vector.shape_cast %reshape3A_378 : vector<8x8x128xf32> to vector<1x8x1x8x128xf32>
    tpu.vector_store %arg4[%swap3A_379, %swap3A_380, %swap3A_381, %swap3A_382, %swap3A_383], %swap3A_386 {strides = array<i32>} : memref<4x8x32x8x128xf32, #tpu.memory_space<vmem>>, vector<1x8x1x8x128xf32>,
    %get3A_387 = arith.constant 1792 : index
    %get3A_388 = arith.constant 0 : index
    %get3A_389 = vector.load %arg1[%get3A_387, %get3A_388] : memref<16384x128xf32, #tpu.memory_space<vmem>>, vector<128x128xf32>
    %dot_general3A_390 = arith.constant dense<0.000000e+00> : vector<128x128xf32>
    %dot_general3A_391 = tpu.matmul %get3A_389, %get3A_1, %dot_general3A_390 {dimension_numbers = #tpu.dot_dimension_numbers<[0], [0], [1], [1], [0, 1, 1, 1], [], []>, transpose_lhs_hint = false} : vector<128x128xf32>, vector<128x128xf32>, vector<128x128xf32> -> vector<128x128xf32>
    %get3A_392 = arith.constant 0 : index
    %get3A_393 = arith.constant 14 : index
    %get3A_394 = arith.constant 0 : index
    %get3A_395 = vector.load %arg2[%get3A_392, %get3A_393, %get3A_394] : memref<4x32x128xi32, #tpu.memory_space<vmem>>, vector<1x1x128xi32>
    %get3A_396 = vector.shape_cast %get3A_395 : vector<1x1x128xi32> to vector<128xi32>
    %ge3A_397 = arith.constant 503808 : i32
    %ge3A_398 = vector.broadcast %ge3A_397 : i32 to vector<128xi32>
    %ge3A_399 = arith.cmpi sge, %get3A_396, %ge3A_398 : vector<128xi32>
    %broadcast_in_dim3A_400 = vector.shape_cast %ge3A_399 : vector<128xi1> to vector<1x128xi1>
    %slice3A_401 = vector.extract_strided_slice %dot_general3A_391 {offsets = [64, 0], sizes = [64, 128], strides = [1, 1]} : vector<128x128xf32> to vector<64x128xf32>
    %slice3A_402 = vector.extract_strided_slice %dot_general3A_391 {offsets = [0, 0], sizes = [64, 128], strides = [1, 1]} : vector<128x128xf32> to vector<64x128xf32>
    %broadcast_in_dim3A_403 = vector.shape_cast %broadcast_in_dim3A_400 : vector<1x128xi1> to vector<1x128xi1>
    %broadcast_in_dim3A_404 = vector.broadcast %broadcast_in_dim3A_403 : vector<1x128xi1> to vector<64x128xi1>
    %select_n3A_405 = arith.select %broadcast_in_dim3A_404, %slice3A_401, %slice3A_402 : vector<64x128xi1>, vector<64x128xf32>
    %reshape3A_406 = vector.shape_cast %select_n3A_405 : vector<64x128xf32> to vector<8x8x128xf32>
    %swap3A_407 = arith.constant 0 : index
    %swap3A_408 = arith.constant 0 : index
    %swap3A_409 = arith.constant 14 : index
    %swap3A_410 = arith.constant 0 : index
    %swap3A_411 = arith.constant 0 : index
    %swap3A_412 = vector.load %arg4[%swap3A_407, %swap3A_408, %swap3A_409, %swap3A_410, %swap3A_411] : memref<4x8x32x8x128xf32, #tpu.memory_space<vmem>>, vector<1x8x1x8x128xf32>
    %swap3A_413 = vector.shape_cast %swap3A_412 : vector<1x8x1x8x128xf32> to vector<8x8x128xf32>
    %swap3A_414 = vector.shape_cast %reshape3A_406 : vector<8x8x128xf32> to vector<1x8x1x8x128xf32>
    tpu.vector_store %arg4[%swap3A_407, %swap3A_408, %swap3A_409, %swap3A_410, %swap3A_411], %swap3A_414 {strides = array<i32>} : memref<4x8x32x8x128xf32, #tpu.memory_space<vmem>>, vector<1x8x1x8x128xf32>,
    %get3A_415 = arith.constant 1920 : index
    %get3A_416 = arith.constant 0 : index
    %get3A_417 = vector.load %arg1[%get3A_415, %get3A_416] : memref<16384x128xf32, #tpu.memory_space<vmem>>, vector<128x128xf32>
    %dot_general3A_418 = arith.constant dense<0.000000e+00> : vector<128x128xf32>
    %dot_general3A_419 = tpu.matmul %get3A_417, %get3A_1, %dot_general3A_418 {dimension_numbers = #tpu.dot_dimension_numbers<[0], [0], [1], [1], [0, 1, 1, 1], [], []>, transpose_lhs_hint = false} : vector<128x128xf32>, vector<128x128xf32>, vector<128x128xf32> -> vector<128x128xf32>
    %get3A_420 = arith.constant 0 : index
    %get3A_421 = arith.constant 15 : index
    %get3A_422 = arith.constant 0 : index
    %get3A_423 = vector.load %arg2[%get3A_420, %get3A_421, %get3A_422] : memref<4x32x128xi32, #tpu.memory_space<vmem>>, vector<1x1x128xi32>
    %get3A_424 = vector.shape_cast %get3A_423 : vector<1x1x128xi32> to vector<128xi32>
    %ge3A_425 = arith.constant 503808 : i32
    %ge3A_426 = vector.broadcast %ge3A_425 : i32 to vector<128xi32>
    %ge3A_427 = arith.cmpi sge, %get3A_424, %ge3A_426 : vector<128xi32>
    %broadcast_in_dim3A_428 = vector.shape_cast %ge3A_427 : vector<128xi1> to vector<1x128xi1>
    %slice3A_429 = vector.extract_strided_slice %dot_general3A_419 {offsets = [64, 0], sizes = [64, 128], strides = [1, 1]} : vector<128x128xf32> to vector<64x128xf32>
    %slice3A_430 = vector.extract_strided_slice %dot_general3A_419 {offsets = [0, 0], sizes = [64, 128], strides = [1, 1]} : vector<128x128xf32> to vector<64x128xf32>
    %broadcast_in_dim3A_431 = vector.shape_cast %broadcast_in_dim3A_428 : vector<1x128xi1> to vector<1x128xi1>
    %broadcast_in_dim3A_432 = vector.broadcast %broadcast_in_dim3A_431 : vector<1x128xi1> to vector<64x128xi1>
    %select_n3A_433 = arith.select %broadcast_in_dim3A_432, %slice3A_429, %slice3A_430 : vector<64x128xi1>, vector<64x128xf32>
    %reshape3A_434 = vector.shape_cast %select_n3A_433 : vector<64x128xf32> to vector<8x8x128xf32>
    %swap3A_435 = arith.constant 0 : index
    %swap3A_436 = arith.constant 0 : index
    %swap3A_437 = arith.constant 15 : index
    %swap3A_438 = arith.constant 0 : index
    %swap3A_439 = arith.constant 0 : index
    %swap3A_440 = vector.load %arg4[%swap3A_435, %swap3A_436, %swap3A_437, %swap3A_438, %swap3A_439] : memref<4x8x32x8x128xf32, #tpu.memory_space<vmem>>, vector<1x8x1x8x128xf32>
    %swap3A_441 = vector.shape_cast %swap3A_440 : vector<1x8x1x8x128xf32> to vector<8x8x128xf32>
    %swap3A_442 = vector.shape_cast %reshape3A_434 : vector<8x8x128xf32> to vector<1x8x1x8x128xf32>
    tpu.vector_store %arg4[%swap3A_435, %swap3A_436, %swap3A_437, %swap3A_438, %swap3A_439], %swap3A_442 {strides = array<i32>} : memref<4x8x32x8x128xf32, #tpu.memory_space<vmem>>, vector<1x8x1x8x128xf32>,
    %get3A_443 = arith.constant 2048 : index
    %get3A_444 = arith.constant 0 : index
    %get3A_445 = vector.load %arg1[%get3A_443, %get3A_444] : memref<16384x128xf32, #tpu.memory_space<vmem>>, vector<128x128xf32>
    %dot_general3A_446 = arith.constant dense<0.000000e+00> : vector<128x128xf32>
    %dot_general3A_447 = tpu.matmul %get3A_445, %get3A_1, %dot_general3A_446 {dimension_numbers = #tpu.dot_dimension_numbers<[0], [0], [1], [1], [0, 1, 1, 1], [], []>, transpose_lhs_hint = false} : vector<128x128xf32>, vector<128x128xf32>, vector<128x128xf32> -> vector<128x128xf32>
    %get3A_448 = arith.constant 0 : index
    %get3A_449 = arith.constant 16 : index
    %get3A_450 = arith.constant 0 : index
    %get3A_451 = vector.load %arg2[%get3A_448, %get3A_449, %get3A_450] : memref<4x32x128xi32, #tpu.memory_space<vmem>>, vector<1x1x128xi32>
    %get3A_452 = vector.shape_cast %get3A_451 : vector<1x1x128xi32> to vector<128xi32>
    %ge3A_453 = arith.constant 503808 : i32
    %ge3A_454 = vector.broadcast %ge3A_453 : i32 to vector<128xi32>
    %ge3A_455 = arith.cmpi sge, %get3A_452, %ge3A_454 : vector<128xi32>
    %broadcast_in_dim3A_456 = vector.shape_cast %ge3A_455 : vector<128xi1> to vector<1x128xi1>
    %slice3A_457 = vector.extract_strided_slice %dot_general3A_447 {offsets = [64, 0], sizes = [64, 128], strides = [1, 1]} : vector<128x128xf32> to vector<64x128xf32>
    %slice3A_458 = vector.extract_strided_slice %dot_general3A_447 {offsets = [0, 0], sizes = [64, 128], strides = [1, 1]} : vector<128x128xf32> to vector<64x128xf32>
    %broadcast_in_dim3A_459 = vector.shape_cast %broadcast_in_dim3A_456 : vector<1x128xi1> to vector<1x128xi1>
    %broadcast_in_dim3A_460 = vector.broadcast %broadcast_in_dim3A_459 : vector<1x128xi1> to vector<64x128xi1>
    %select_n3A_461 = arith.select %broadcast_in_dim3A_460, %slice3A_457, %slice3A_458 : vector<64x128xi1>, vector<64x128xf32>
    %reshape3A_462 = vector.shape_cast %select_n3A_461 : vector<64x128xf32> to vector<8x8x128xf32>
    %swap3A_463 = arith.constant 0 : index
    %swap3A_464 = arith.constant 0 : index
    %swap3A_465 = arith.constant 16 : index
    %swap3A_466 = arith.constant 0 : index
    %swap3A_467 = arith.constant 0 : index
    %swap3A_468 = vector.load %arg4[%swap3A_463, %swap3A_464, %swap3A_465, %swap3A_466, %swap3A_467] : memref<4x8x32x8x128xf32, #tpu.memory_space<vmem>>, vector<1x8x1x8x128xf32>
    %swap3A_469 = vector.shape_cast %swap3A_468 : vector<1x8x1x8x128xf32> to vector<8x8x128xf32>
    %swap3A_470 = vector.shape_cast %reshape3A_462 : vector<8x8x128xf32> to vector<1x8x1x8x128xf32>
    tpu.vector_store %arg4[%swap3A_463, %swap3A_464, %swap3A_465, %swap3A_466, %swap3A_467], %swap3A_470 {strides = array<i32>} : memref<4x8x32x8x128xf32, #tpu.memory_space<vmem>>, vector<1x8x1x8x128xf32>,
    %get3A_471 = arith.constant 2176 : index
    %get3A_472 = arith.constant 0 : index
    %get3A_473 = vector.load %arg1[%get3A_471, %get3A_472] : memref<16384x128xf32, #tpu.memory_space<vmem>>, vector<128x128xf32>
    %dot_general3A_474 = arith.constant dense<0.000000e+00> : vector<128x128xf32>
    %dot_general3A_475 = tpu.matmul %get3A_473, %get3A_1, %dot_general3A_474 {dimension_numbers = #tpu.dot_dimension_numbers<[0], [0], [1], [1], [0, 1, 1, 1], [], []>, transpose_lhs_hint = false} : vector<128x128xf32>, vector<128x128xf32>, vector<128x128xf32> -> vector<128x128xf32>
    %get3A_476 = arith.constant 0 : index
    %get3A_477 = arith.constant 17 : index
    %get3A_478 = arith.constant 0 : index
    %get3A_479 = vector.load %arg2[%get3A_476, %get3A_477, %get3A_478] : memref<4x32x128xi32, #tpu.memory_space<vmem>>, vector<1x1x128xi32>
    %get3A_480 = vector.shape_cast %get3A_479 : vector<1x1x128xi32> to vector<128xi32>
    %ge3A_481 = arith.constant 503808 : i32
    %ge3A_482 = vector.broadcast %ge3A_481 : i32 to vector<128xi32>
    %ge3A_483 = arith.cmpi sge, %get3A_480, %ge3A_482 : vector<128xi32>
    %broadcast_in_dim3A_484 = vector.shape_cast %ge3A_483 : vector<128xi1> to vector<1x128xi1>
    %slice3A_485 = vector.extract_strided_slice %dot_general3A_475 {offsets = [64, 0], sizes = [64, 128], strides = [1, 1]} : vector<128x128xf32> to vector<64x128xf32>
    %slice3A_486 = vector.extract_strided_slice %dot_general3A_475 {offsets = [0, 0], sizes = [64, 128], strides = [1, 1]} : vector<128x128xf32> to vector<64x128xf32>
    %broadcast_in_dim3A_487 = vector.shape_cast %broadcast_in_dim3A_484 : vector<1x128xi1> to vector<1x128xi1>
    %broadcast_in_dim3A_488 = vector.broadcast %broadcast_in_dim3A_487 : vector<1x128xi1> to vector<64x128xi1>
    %select_n3A_489 = arith.select %broadcast_in_dim3A_488, %slice3A_485, %slice3A_486 : vector<64x128xi1>, vector<64x128xf32>
    %reshape3A_490 = vector.shape_cast %select_n3A_489 : vector<64x128xf32> to vector<8x8x128xf32>
    %swap3A_491 = arith.constant 0 : index
    %swap3A_492 = arith.constant 0 : index
    %swap3A_493 = arith.constant 17 : index
    %swap3A_494 = arith.constant 0 : index
    %swap3A_495 = arith.constant 0 : index
    %swap3A_496 = vector.load %arg4[%swap3A_491, %swap3A_492, %swap3A_493, %swap3A_494, %swap3A_495] : memref<4x8x32x8x128xf32, #tpu.memory_space<vmem>>, vector<1x8x1x8x128xf32>
    %swap3A_497 = vector.shape_cast %swap3A_496 : vector<1x8x1x8x128xf32> to vector<8x8x128xf32>
    %swap3A_498 = vector.shape_cast %reshape3A_490 : vector<8x8x128xf32> to vector<1x8x1x8x128xf32>
    tpu.vector_store %arg4[%swap3A_491, %swap3A_492, %swap3A_493, %swap3A_494, %swap3A_495], %swap3A_498 {strides = array<i32>} : memref<4x8x32x8x128xf32, #tpu.memory_space<vmem>>, vector<1x8x1x8x128xf32>,
    %get3A_499 = arith.constant 2304 : index
    %get3A_500 = arith.constant 0 : index
    %get3A_501 = vector.load %arg1[%get3A_499, %get3A_500] : memref<16384x128xf32, #tpu.memory_space<vmem>>, vector<128x128xf32>
    %dot_general3A_502 = arith.constant dense<0.000000e+00> : vector<128x128xf32>
    %dot_general3A_503 = tpu.matmul %get3A_501, %get3A_1, %dot_general3A_502 {dimension_numbers = #tpu.dot_dimension_numbers<[0], [0], [1], [1], [0, 1, 1, 1], [], []>, transpose_lhs_hint = false} : vector<128x128xf32>, vector<128x128xf32>, vector<128x128xf32> -> vector<128x128xf32>
    %get3A_504 = arith.constant 0 : index
    %get3A_505 = arith.constant 18 : index
    %get3A_506 = arith.constant 0 : index
    %get3A_507 = vector.load %arg2[%get3A_504, %get3A_505, %get3A_506] : memref<4x32x128xi32, #tpu.memory_space<vmem>>, vector<1x1x128xi32>
    %get3A_508 = vector.shape_cast %get3A_507 : vector<1x1x128xi32> to vector<128xi32>
    %ge3A_509 = arith.constant 503808 : i32
    %ge3A_510 = vector.broadcast %ge3A_509 : i32 to vector<128xi32>
    %ge3A_511 = arith.cmpi sge, %get3A_508, %ge3A_510 : vector<128xi32>
    %broadcast_in_dim3A_512 = vector.shape_cast %ge3A_511 : vector<128xi1> to vector<1x128xi1>
    %slice3A_513 = vector.extract_strided_slice %dot_general3A_503 {offsets = [64, 0], sizes = [64, 128], strides = [1, 1]} : vector<128x128xf32> to vector<64x128xf32>
    %slice3A_514 = vector.extract_strided_slice %dot_general3A_503 {offsets = [0, 0], sizes = [64, 128], strides = [1, 1]} : vector<128x128xf32> to vector<64x128xf32>
    %broadcast_in_dim3A_515 = vector.shape_cast %broadcast_in_dim3A_512 : vector<1x128xi1> to vector<1x128xi1>
    %broadcast_in_dim3A_516 = vector.broadcast %broadcast_in_dim3A_515 : vector<1x128xi1> to vector<64x128xi1>
    %select_n3A_517 = arith.select %broadcast_in_dim3A_516, %slice3A_513, %slice3A_514 : vector<64x128xi1>, vector<64x128xf32>
    %reshape3A_518 = vector.shape_cast %select_n3A_517 : vector<64x128xf32> to vector<8x8x128xf32>
    %swap3A_519 = arith.constant 0 : index
    %swap3A_520 = arith.constant 0 : index
    %swap3A_521 = arith.constant 18 : index
    %swap3A_522 = arith.constant 0 : index
    %swap3A_523 = arith.constant 0 : index
    %swap3A_524 = vector.load %arg4[%swap3A_519, %swap3A_520, %swap3A_521, %swap3A_522, %swap3A_523] : memref<4x8x32x8x128xf32, #tpu.memory_space<vmem>>, vector<1x8x1x8x128xf32>
    %swap3A_525 = vector.shape_cast %swap3A_524 : vector<1x8x1x8x128xf32> to vector<8x8x128xf32>
    %swap3A_526 = vector.shape_cast %reshape3A_518 : vector<8x8x128xf32> to vector<1x8x1x8x128xf32>
    tpu.vector_store %arg4[%swap3A_519, %swap3A_520, %swap3A_521, %swap3A_522, %swap3A_523], %swap3A_526 {strides = array<i32>} : memref<4x8x32x8x128xf32, #tpu.memory_space<vmem>>, vector<1x8x1x8x128xf32>,
    %get3A_527 = arith.constant 2432 : index
    %get3A_528 = arith.constant 0 : index
    %get3A_529 = vector.load %arg1[%get3A_527, %get3A_528] : memref<16384x128xf32, #tpu.memory_space<vmem>>, vector<128x128xf32>
    %dot_general3A_530 = arith.constant dense<0.000000e+00> : vector<128x128xf32>
    %dot_general3A_531 = tpu.matmul %get3A_529, %get3A_1, %dot_general3A_530 {dimension_numbers = #tpu.dot_dimension_numbers<[0], [0], [1], [1], [0, 1, 1, 1], [], []>, transpose_lhs_hint = false} : vector<128x128xf32>, vector<128x128xf32>, vector<128x128xf32> -> vector<128x128xf32>
    %get3A_532 = arith.constant 0 : index
    %get3A_533 = arith.constant 19 : index
    %get3A_534 = arith.constant 0 : index
    %get3A_535 = vector.load %arg2[%get3A_532, %get3A_533, %get3A_534] : memref<4x32x128xi32, #tpu.memory_space<vmem>>, vector<1x1x128xi32>
    %get3A_536 = vector.shape_cast %get3A_535 : vector<1x1x128xi32> to vector<128xi32>
    %ge3A_537 = arith.constant 503808 : i32
    %ge3A_538 = vector.broadcast %ge3A_537 : i32 to vector<128xi32>
    %ge3A_539 = arith.cmpi sge, %get3A_536, %ge3A_538 : vector<128xi32>
    %broadcast_in_dim3A_540 = vector.shape_cast %ge3A_539 : vector<128xi1> to vector<1x128xi1>
    %slice3A_541 = vector.extract_strided_slice %dot_general3A_531 {offsets = [64, 0], sizes = [64, 128], strides = [1, 1]} : vector<128x128xf32> to vector<64x128xf32>
    %slice3A_542 = vector.extract_strided_slice %dot_general3A_531 {offsets = [0, 0], sizes = [64, 128], strides = [1, 1]} : vector<128x128xf32> to vector<64x128xf32>
    %broadcast_in_dim3A_543 = vector.shape_cast %broadcast_in_dim3A_540 : vector<1x128xi1> to vector<1x128xi1>
    %broadcast_in_dim3A_544 = vector.broadcast %broadcast_in_dim3A_543 : vector<1x128xi1> to vector<64x128xi1>
    %select_n3A_545 = arith.select %broadcast_in_dim3A_544, %slice3A_541, %slice3A_542 : vector<64x128xi1>, vector<64x128xf32>
    %reshape3A_546 = vector.shape_cast %select_n3A_545 : vector<64x128xf32> to vector<8x8x128xf32>
    %swap3A_547 = arith.constant 0 : index
    %swap3A_548 = arith.constant 0 : index
    %swap3A_549 = arith.constant 19 : index
    %swap3A_550 = arith.constant 0 : index
    %swap3A_551 = arith.constant 0 : index
    %swap3A_552 = vector.load %arg4[%swap3A_547, %swap3A_548, %swap3A_549, %swap3A_550, %swap3A_551] : memref<4x8x32x8x128xf32, #tpu.memory_space<vmem>>, vector<1x8x1x8x128xf32>
    %swap3A_553 = vector.shape_cast %swap3A_552 : vector<1x8x1x8x128xf32> to vector<8x8x128xf32>
    %swap3A_554 = vector.shape_cast %reshape3A_546 : vector<8x8x128xf32> to vector<1x8x1x8x128xf32>
    tpu.vector_store %arg4[%swap3A_547, %swap3A_548, %swap3A_549, %swap3A_550, %swap3A_551], %swap3A_554 {strides = array<i32>} : memref<4x8x32x8x128xf32, #tpu.memory_space<vmem>>, vector<1x8x1x8x128xf32>,
    %get3A_555 = arith.constant 2560 : index
    %get3A_556 = arith.constant 0 : index
    %get3A_557 = vector.load %arg1[%get3A_555, %get3A_556] : memref<16384x128xf32, #tpu.memory_space<vmem>>, vector<128x128xf32>
    %dot_general3A_558 = arith.constant dense<0.000000e+00> : vector<128x128xf32>
    %dot_general3A_559 = tpu.matmul %get3A_557, %get3A_1, %dot_general3A_558 {dimension_numbers = #tpu.dot_dimension_numbers<[0], [0], [1], [1], [0, 1, 1, 1], [], []>, transpose_lhs_hint = false} : vector<128x128xf32>, vector<128x128xf32>, vector<128x128xf32> -> vector<128x128xf32>
    %get3A_560 = arith.constant 0 : index
    %get3A_561 = arith.constant 20 : index
    %get3A_562 = arith.constant 0 : index
    %get3A_563 = vector.load %arg2[%get3A_560, %get3A_561, %get3A_562] : memref<4x32x128xi32, #tpu.memory_space<vmem>>, vector<1x1x128xi32>
    %get3A_564 = vector.shape_cast %get3A_563 : vector<1x1x128xi32> to vector<128xi32>
    %ge3A_565 = arith.constant 503808 : i32
    %ge3A_566 = vector.broadcast %ge3A_565 : i32 to vector<128xi32>
    %ge3A_567 = arith.cmpi sge, %get3A_564, %ge3A_566 : vector<128xi32>
    %broadcast_in_dim3A_568 = vector.shape_cast %ge3A_567 : vector<128xi1> to vector<1x128xi1>
    %slice3A_569 = vector.extract_strided_slice %dot_general3A_559 {offsets = [64, 0], sizes = [64, 128], strides = [1, 1]} : vector<128x128xf32> to vector<64x128xf32>
    %slice3A_570 = vector.extract_strided_slice %dot_general3A_559 {offsets = [0, 0], sizes = [64, 128], strides = [1, 1]} : vector<128x128xf32> to vector<64x128xf32>
    %broadcast_in_dim3A_571 = vector.shape_cast %broadcast_in_dim3A_568 : vector<1x128xi1> to vector<1x128xi1>
    %broadcast_in_dim3A_572 = vector.broadcast %broadcast_in_dim3A_571 : vector<1x128xi1> to vector<64x128xi1>
    %select_n3A_573 = arith.select %broadcast_in_dim3A_572, %slice3A_569, %slice3A_570 : vector<64x128xi1>, vector<64x128xf32>
    %reshape3A_574 = vector.shape_cast %select_n3A_573 : vector<64x128xf32> to vector<8x8x128xf32>
    %swap3A_575 = arith.constant 0 : index
    %swap3A_576 = arith.constant 0 : index
    %swap3A_577 = arith.constant 20 : index
    %swap3A_578 = arith.constant 0 : index
    %swap3A_579 = arith.constant 0 : index
    %swap3A_580 = vector.load %arg4[%swap3A_575, %swap3A_576, %swap3A_577, %swap3A_578, %swap3A_579] : memref<4x8x32x8x128xf32, #tpu.memory_space<vmem>>, vector<1x8x1x8x128xf32>
    %swap3A_581 = vector.shape_cast %swap3A_580 : vector<1x8x1x8x128xf32> to vector<8x8x128xf32>
    %swap3A_582 = vector.shape_cast %reshape3A_574 : vector<8x8x128xf32> to vector<1x8x1x8x128xf32>
    tpu.vector_store %arg4[%swap3A_575, %swap3A_576, %swap3A_577, %swap3A_578, %swap3A_579], %swap3A_582 {strides = array<i32>} : memref<4x8x32x8x128xf32, #tpu.memory_space<vmem>>, vector<1x8x1x8x128xf32>,
    %get3A_583 = arith.constant 2688 : index
    %get3A_584 = arith.constant 0 : index
    %get3A_585 = vector.load %arg1[%get3A_583, %get3A_584] : memref<16384x128xf32, #tpu.memory_space<vmem>>, vector<128x128xf32>
    %dot_general3A_586 = arith.constant dense<0.000000e+00> : vector<128x128xf32>
    %dot_general3A_587 = tpu.matmul %get3A_585, %get3A_1, %dot_general3A_586 {dimension_numbers = #tpu.dot_dimension_numbers<[0], [0], [1], [1], [0, 1, 1, 1], [], []>, transpose_lhs_hint = false} : vector<128x128xf32>, vector<128x128xf32>, vector<128x128xf32> -> vector<128x128xf32>
    %get3A_588 = arith.constant 0 : index
    %get3A_589 = arith.constant 21 : index
    %get3A_590 = arith.constant 0 : index
    %get3A_591 = vector.load %arg2[%get3A_588, %get3A_589, %get3A_590] : memref<4x32x128xi32, #tpu.memory_space<vmem>>, vector<1x1x128xi32>
    %get3A_592 = vector.shape_cast %get3A_591 : vector<1x1x128xi32> to vector<128xi32>
    %ge3A_593 = arith.constant 503808 : i32
    %ge3A_594 = vector.broadcast %ge3A_593 : i32 to vector<128xi32>
    %ge3A_595 = arith.cmpi sge, %get3A_592, %ge3A_594 : vector<128xi32>
    %broadcast_in_dim3A_596 = vector.shape_cast %ge3A_595 : vector<128xi1> to vector<1x128xi1>
    %slice3A_597 = vector.extract_strided_slice %dot_general3A_587 {offsets = [64, 0], sizes = [64, 128], strides = [1, 1]} : vector<128x128xf32> to vector<64x128xf32>
    %slice3A_598 = vector.extract_strided_slice %dot_general3A_587 {offsets = [0, 0], sizes = [64, 128], strides = [1, 1]} : vector<128x128xf32> to vector<64x128xf32>
    %broadcast_in_dim3A_599 = vector.shape_cast %broadcast_in_dim3A_596 : vector<1x128xi1> to vector<1x128xi1>
    %broadcast_in_dim3A_600 = vector.broadcast %broadcast_in_dim3A_599 : vector<1x128xi1> to vector<64x128xi1>
    %select_n3A_601 = arith.select %broadcast_in_dim3A_600, %slice3A_597, %slice3A_598 : vector<64x128xi1>, vector<64x128xf32>
    %reshape3A_602 = vector.shape_cast %select_n3A_601 : vector<64x128xf32> to vector<8x8x128xf32>
    %swap3A_603 = arith.constant 0 : index
    %swap3A_604 = arith.constant 0 : index
    %swap3A_605 = arith.constant 21 : index
    %swap3A_606 = arith.constant 0 : index
    %swap3A_607 = arith.constant 0 : index
    %swap3A_608 = vector.load %arg4[%swap3A_603, %swap3A_604, %swap3A_605, %swap3A_606, %swap3A_607] : memref<4x8x32x8x128xf32, #tpu.memory_space<vmem>>, vector<1x8x1x8x128xf32>
    %swap3A_609 = vector.shape_cast %swap3A_608 : vector<1x8x1x8x128xf32> to vector<8x8x128xf32>
    %swap3A_610 = vector.shape_cast %reshape3A_602 : vector<8x8x128xf32> to vector<1x8x1x8x128xf32>
    tpu.vector_store %arg4[%swap3A_603, %swap3A_604, %swap3A_605, %swap3A_606, %swap3A_607], %swap3A_610 {strides = array<i32>} : memref<4x8x32x8x128xf32, #tpu.memory_space<vmem>>, vector<1x8x1x8x128xf32>,
    %get3A_611 = arith.constant 2816 : index
    %get3A_612 = arith.constant 0 : index
    %get3A_613 = vector.load %arg1[%get3A_611, %get3A_612] : memref<16384x128xf32, #tpu.memory_space<vmem>>, vector<128x128xf32>
    %dot_general3A_614 = arith.constant dense<0.000000e+00> : vector<128x128xf32>
    %dot_general3A_615 = tpu.matmul %get3A_613, %get3A_1, %dot_general3A_614 {dimension_numbers = #tpu.dot_dimension_numbers<[0], [0], [1], [1], [0, 1, 1, 1], [], []>, transpose_lhs_hint = false} : vector<128x128xf32>, vector<128x128xf32>, vector<128x128xf32> -> vector<128x128xf32>
    %get3A_616 = arith.constant 0 : index
    %get3A_617 = arith.constant 22 : index
    %get3A_618 = arith.constant 0 : index
    %get3A_619 = vector.load %arg2[%get3A_616, %get3A_617, %get3A_618] : memref<4x32x128xi32, #tpu.memory_space<vmem>>, vector<1x1x128xi32>
    %get3A_620 = vector.shape_cast %get3A_619 : vector<1x1x128xi32> to vector<128xi32>
    %ge3A_621 = arith.constant 503808 : i32
    %ge3A_622 = vector.broadcast %ge3A_621 : i32 to vector<128xi32>
    %ge3A_623 = arith.cmpi sge, %get3A_620, %ge3A_622 : vector<128xi32>
    %broadcast_in_dim3A_624 = vector.shape_cast %ge3A_623 : vector<128xi1> to vector<1x128xi1>
    %slice3A_625 = vector.extract_strided_slice %dot_general3A_615 {offsets = [64, 0], sizes = [64, 128], strides = [1, 1]} : vector<128x128xf32> to vector<64x128xf32>
    %slice3A_626 = vector.extract_strided_slice %dot_general3A_615 {offsets = [0, 0], sizes = [64, 128], strides = [1, 1]} : vector<128x128xf32> to vector<64x128xf32>
    %broadcast_in_dim3A_627 = vector.shape_cast %broadcast_in_dim3A_624 : vector<1x128xi1> to vector<1x128xi1>
    %broadcast_in_dim3A_628 = vector.broadcast %broadcast_in_dim3A_627 : vector<1x128xi1> to vector<64x128xi1>
    %select_n3A_629 = arith.select %broadcast_in_dim3A_628, %slice3A_625, %slice3A_626 : vector<64x128xi1>, vector<64x128xf32>
    %reshape3A_630 = vector.shape_cast %select_n3A_629 : vector<64x128xf32> to vector<8x8x128xf32>
    %swap3A_631 = arith.constant 0 : index
    %swap3A_632 = arith.constant 0 : index
    %swap3A_633 = arith.constant 22 : index
    %swap3A_634 = arith.constant 0 : index
    %swap3A_635 = arith.constant 0 : index
    %swap3A_636 = vector.load %arg4[%swap3A_631, %swap3A_632, %swap3A_633, %swap3A_634, %swap3A_635] : memref<4x8x32x8x128xf32, #tpu.memory_space<vmem>>, vector<1x8x1x8x128xf32>
    %swap3A_637 = vector.shape_cast %swap3A_636 : vector<1x8x1x8x128xf32> to vector<8x8x128xf32>
    %swap3A_638 = vector.shape_cast %reshape3A_630 : vector<8x8x128xf32> to vector<1x8x1x8x128xf32>
    tpu.vector_store %arg4[%swap3A_631, %swap3A_632, %swap3A_633, %swap3A_634, %swap3A_635], %swap3A_638 {strides = array<i32>} : memref<4x8x32x8x128xf32, #tpu.memory_space<vmem>>, vector<1x8x1x8x128xf32>,
    %get3A_639 = arith.constant 2944 : index
    %get3A_640 = arith.constant 0 : index
    %get3A_641 = vector.load %arg1[%get3A_639, %get3A_640] : memref<16384x128xf32, #tpu.memory_space<vmem>>, vector<128x128xf32>
    %dot_general3A_642 = arith.constant dense<0.000000e+00> : vector<128x128xf32>
    %dot_general3A_643 = tpu.matmul %get3A_641, %get3A_1, %dot_general3A_642 {dimension_numbers = #tpu.dot_dimension_numbers<[0], [0], [1], [1], [0, 1, 1, 1], [], []>, transpose_lhs_hint = false} : vector<128x128xf32>, vector<128x128xf32>, vector<128x128xf32> -> vector<128x128xf32>
    %get3A_644 = arith.constant 0 : index
    %get3A_645 = arith.constant 23 : index
    %get3A_646 = arith.constant 0 : index
    %get3A_647 = vector.load %arg2[%get3A_644, %get3A_645, %get3A_646] : memref<4x32x128xi32, #tpu.memory_space<vmem>>, vector<1x1x128xi32>
    %get3A_648 = vector.shape_cast %get3A_647 : vector<1x1x128xi32> to vector<128xi32>
    %ge3A_649 = arith.constant 503808 : i32
    %ge3A_650 = vector.broadcast %ge3A_649 : i32 to vector<128xi32>
    %ge3A_651 = arith.cmpi sge, %get3A_648, %ge3A_650 : vector<128xi32>
    %broadcast_in_dim3A_652 = vector.shape_cast %ge3A_651 : vector<128xi1> to vector<1x128xi1>
    %slice3A_653 = vector.extract_strided_slice %dot_general3A_643 {offsets = [64, 0], sizes = [64, 128], strides = [1, 1]} : vector<128x128xf32> to vector<64x128xf32>
    %slice3A_654 = vector.extract_strided_slice %dot_general3A_643 {offsets = [0, 0], sizes = [64, 128], strides = [1, 1]} : vector<128x128xf32> to vector<64x128xf32>
    %broadcast_in_dim3A_655 = vector.shape_cast %broadcast_in_dim3A_652 : vector<1x128xi1> to vector<1x128xi1>
    %broadcast_in_dim3A_656 = vector.broadcast %broadcast_in_dim3A_655 : vector<1x128xi1> to vector<64x128xi1>
    %select_n3A_657 = arith.select %broadcast_in_dim3A_656, %slice3A_653, %slice3A_654 : vector<64x128xi1>, vector<64x128xf32>
    %reshape3A_658 = vector.shape_cast %select_n3A_657 : vector<64x128xf32> to vector<8x8x128xf32>
    %swap3A_659 = arith.constant 0 : index
    %swap3A_660 = arith.constant 0 : index
    %swap3A_661 = arith.constant 23 : index
    %swap3A_662 = arith.constant 0 : index
    %swap3A_663 = arith.constant 0 : index
    %swap3A_664 = vector.load %arg4[%swap3A_659, %swap3A_660, %swap3A_661, %swap3A_662, %swap3A_663] : memref<4x8x32x8x128xf32, #tpu.memory_space<vmem>>, vector<1x8x1x8x128xf32>
    %swap3A_665 = vector.shape_cast %swap3A_664 : vector<1x8x1x8x128xf32> to vector<8x8x128xf32>
    %swap3A_666 = vector.shape_cast %reshape3A_658 : vector<8x8x128xf32> to vector<1x8x1x8x128xf32>
    tpu.vector_store %arg4[%swap3A_659, %swap3A_660, %swap3A_661, %swap3A_662, %swap3A_663], %swap3A_666 {strides = array<i32>} : memref<4x8x32x8x128xf32, #tpu.memory_space<vmem>>, vector<1x8x1x8x128xf32>,
    %get3A_667 = arith.constant 3072 : index
    %get3A_668 = arith.constant 0 : index
    %get3A_669 = vector.load %arg1[%get3A_667, %get3A_668] : memref<16384x128xf32, #tpu.memory_space<vmem>>, vector<128x128xf32>
    %dot_general3A_670 = arith.constant dense<0.000000e+00> : vector<128x128xf32>
    %dot_general3A_671 = tpu.matmul %get3A_669, %get3A_1, %dot_general3A_670 {dimension_numbers = #tpu.dot_dimension_numbers<[0], [0], [1], [1], [0, 1, 1, 1], [], []>, transpose_lhs_hint = false} : vector<128x128xf32>, vector<128x128xf32>, vector<128x128xf32> -> vector<128x128xf32>
    %get3A_672 = arith.constant 0 : index
    %get3A_673 = arith.constant 24 : index
    %get3A_674 = arith.constant 0 : index
    %get3A_675 = vector.load %arg2[%get3A_672, %get3A_673, %get3A_674] : memref<4x32x128xi32, #tpu.memory_space<vmem>>, vector<1x1x128xi32>
    %get3A_676 = vector.shape_cast %get3A_675 : vector<1x1x128xi32> to vector<128xi32>
    %ge3A_677 = arith.constant 503808 : i32
    %ge3A_678 = vector.broadcast %ge3A_677 : i32 to vector<128xi32>
    %ge3A_679 = arith.cmpi sge, %get3A_676, %ge3A_678 : vector<128xi32>
    %broadcast_in_dim3A_680 = vector.shape_cast %ge3A_679 : vector<128xi1> to vector<1x128xi1>
    %slice3A_681 = vector.extract_strided_slice %dot_general3A_671 {offsets = [64, 0], sizes = [64, 128], strides = [1, 1]} : vector<128x128xf32> to vector<64x128xf32>
    %slice3A_682 = vector.extract_strided_slice %dot_general3A_671 {offsets = [0, 0], sizes = [64, 128], strides = [1, 1]} : vector<128x128xf32> to vector<64x128xf32>
    %broadcast_in_dim3A_683 = vector.shape_cast %broadcast_in_dim3A_680 : vector<1x128xi1> to vector<1x128xi1>
    %broadcast_in_dim3A_684 = vector.broadcast %broadcast_in_dim3A_683 : vector<1x128xi1> to vector<64x128xi1>
    %select_n3A_685 = arith.select %broadcast_in_dim3A_684, %slice3A_681, %slice3A_682 : vector<64x128xi1>, vector<64x128xf32>
    %reshape3A_686 = vector.shape_cast %select_n3A_685 : vector<64x128xf32> to vector<8x8x128xf32>
    %swap3A_687 = arith.constant 0 : index
    %swap3A_688 = arith.constant 0 : index
    %swap3A_689 = arith.constant 24 : index
    %swap3A_690 = arith.constant 0 : index
    %swap3A_691 = arith.constant 0 : index
    %swap3A_692 = vector.load %arg4[%swap3A_687, %swap3A_688, %swap3A_689, %swap3A_690, %swap3A_691] : memref<4x8x32x8x128xf32, #tpu.memory_space<vmem>>, vector<1x8x1x8x128xf32>
    %swap3A_693 = vector.shape_cast %swap3A_692 : vector<1x8x1x8x128xf32> to vector<8x8x128xf32>
    %swap3A_694 = vector.shape_cast %reshape3A_686 : vector<8x8x128xf32> to vector<1x8x1x8x128xf32>
    tpu.vector_store %arg4[%swap3A_687, %swap3A_688, %swap3A_689, %swap3A_690, %swap3A_691], %swap3A_694 {strides = array<i32>} : memref<4x8x32x8x128xf32, #tpu.memory_space<vmem>>, vector<1x8x1x8x128xf32>,
    %get3A_695 = arith.constant 3200 : index
    %get3A_696 = arith.constant 0 : index
    %get3A_697 = vector.load %arg1[%get3A_695, %get3A_696] : memref<16384x128xf32, #tpu.memory_space<vmem>>, vector<128x128xf32>
    %dot_general3A_698 = arith.constant dense<0.000000e+00> : vector<128x128xf32>
    %dot_general3A_699 = tpu.matmul %get3A_697, %get3A_1, %dot_general3A_698 {dimension_numbers = #tpu.dot_dimension_numbers<[0], [0], [1], [1], [0, 1, 1, 1], [], []>, transpose_lhs_hint = false} : vector<128x128xf32>, vector<128x128xf32>, vector<128x128xf32> -> vector<128x128xf32>
    %get3A_700 = arith.constant 0 : index
    %get3A_701 = arith.constant 25 : index
    %get3A_702 = arith.constant 0 : index
    %get3A_703 = vector.load %arg2[%get3A_700, %get3A_701, %get3A_702] : memref<4x32x128xi32, #tpu.memory_space<vmem>>, vector<1x1x128xi32>
    %get3A_704 = vector.shape_cast %get3A_703 : vector<1x1x128xi32> to vector<128xi32>
    %ge3A_705 = arith.constant 503808 : i32
    %ge3A_706 = vector.broadcast %ge3A_705 : i32 to vector<128xi32>
    %ge3A_707 = arith.cmpi sge, %get3A_704, %ge3A_706 : vector<128xi32>
    %broadcast_in_dim3A_708 = vector.shape_cast %ge3A_707 : vector<128xi1> to vector<1x128xi1>
    %slice3A_709 = vector.extract_strided_slice %dot_general3A_699 {offsets = [64, 0], sizes = [64, 128], strides = [1, 1]} : vector<128x128xf32> to vector<64x128xf32>
    %slice3A_710 = vector.extract_strided_slice %dot_general3A_699 {offsets = [0, 0], sizes = [64, 128], strides = [1, 1]} : vector<128x128xf32> to vector<64x128xf32>
    %broadcast_in_dim3A_711 = vector.shape_cast %broadcast_in_dim3A_708 : vector<1x128xi1> to vector<1x128xi1>
    %broadcast_in_dim3A_712 = vector.broadcast %broadcast_in_dim3A_711 : vector<1x128xi1> to vector<64x128xi1>
    %select_n3A_713 = arith.select %broadcast_in_dim3A_712, %slice3A_709, %slice3A_710 : vector<64x128xi1>, vector<64x128xf32>
    %reshape3A_714 = vector.shape_cast %select_n3A_713 : vector<64x128xf32> to vector<8x8x128xf32>
    %swap3A_715 = arith.constant 0 : index
    %swap3A_716 = arith.constant 0 : index
    %swap3A_717 = arith.constant 25 : index
    %swap3A_718 = arith.constant 0 : index
    %swap3A_719 = arith.constant 0 : index
    %swap3A_720 = vector.load %arg4[%swap3A_715, %swap3A_716, %swap3A_717, %swap3A_718, %swap3A_719] : memref<4x8x32x8x128xf32, #tpu.memory_space<vmem>>, vector<1x8x1x8x128xf32>
    %swap3A_721 = vector.shape_cast %swap3A_720 : vector<1x8x1x8x128xf32> to vector<8x8x128xf32>
    %swap3A_722 = vector.shape_cast %reshape3A_714 : vector<8x8x128xf32> to vector<1x8x1x8x128xf32>
    tpu.vector_store %arg4[%swap3A_715, %swap3A_716, %swap3A_717, %swap3A_718, %swap3A_719], %swap3A_722 {strides = array<i32>} : memref<4x8x32x8x128xf32, #tpu.memory_space<vmem>>, vector<1x8x1x8x128xf32>,
    %get3A_723 = arith.constant 3328 : index
    %get3A_724 = arith.constant 0 : index
    %get3A_725 = vector.load %arg1[%get3A_723, %get3A_724] : memref<16384x128xf32, #tpu.memory_space<vmem>>, vector<128x128xf32>
    %dot_general3A_726 = arith.constant dense<0.000000e+00> : vector<128x128xf32>
    %dot_general3A_727 = tpu.matmul %get3A_725, %get3A_1, %dot_general3A_726 {dimension_numbers = #tpu.dot_dimension_numbers<[0], [0], [1], [1], [0, 1, 1, 1], [], []>, transpose_lhs_hint = false} : vector<128x128xf32>, vector<128x128xf32>, vector<128x128xf32> -> vector<128x128xf32>
    %get3A_728 = arith.constant 0 : index
    %get3A_729 = arith.constant 26 : index
    %get3A_730 = arith.constant 0 : index
    %get3A_731 = vector.load %arg2[%get3A_728, %get3A_729, %get3A_730] : memref<4x32x128xi32, #tpu.memory_space<vmem>>, vector<1x1x128xi32>
    %get3A_732 = vector.shape_cast %get3A_731 : vector<1x1x128xi32> to vector<128xi32>
    %ge3A_733 = arith.constant 503808 : i32
    %ge3A_734 = vector.broadcast %ge3A_733 : i32 to vector<128xi32>
    %ge3A_735 = arith.cmpi sge, %get3A_732, %ge3A_734 : vector<128xi32>
    %broadcast_in_dim3A_736 = vector.shape_cast %ge3A_735 : vector<128xi1> to vector<1x128xi1>
    %slice3A_737 = vector.extract_strided_slice %dot_general3A_727 {offsets = [64, 0], sizes = [64, 128], strides = [1, 1]} : vector<128x128xf32> to vector<64x128xf32>
    %slice3A_738 = vector.extract_strided_slice %dot_general3A_727 {offsets = [0, 0], sizes = [64, 128], strides = [1, 1]} : vector<128x128xf32> to vector<64x128xf32>
    %broadcast_in_dim3A_739 = vector.shape_cast %broadcast_in_dim3A_736 : vector<1x128xi1> to vector<1x128xi1>
    %broadcast_in_dim3A_740 = vector.broadcast %broadcast_in_dim3A_739 : vector<1x128xi1> to vector<64x128xi1>
    %select_n3A_741 = arith.select %broadcast_in_dim3A_740, %slice3A_737, %slice3A_738 : vector<64x128xi1>, vector<64x128xf32>
    %reshape3A_742 = vector.shape_cast %select_n3A_741 : vector<64x128xf32> to vector<8x8x128xf32>
    %swap3A_743 = arith.constant 0 : index
    %swap3A_744 = arith.constant 0 : index
    %swap3A_745 = arith.constant 26 : index
    %swap3A_746 = arith.constant 0 : index
    %swap3A_747 = arith.constant 0 : index
    %swap3A_748 = vector.load %arg4[%swap3A_743, %swap3A_744, %swap3A_745, %swap3A_746, %swap3A_747] : memref<4x8x32x8x128xf32, #tpu.memory_space<vmem>>, vector<1x8x1x8x128xf32>
    %swap3A_749 = vector.shape_cast %swap3A_748 : vector<1x8x1x8x128xf32> to vector<8x8x128xf32>
    %swap3A_750 = vector.shape_cast %reshape3A_742 : vector<8x8x128xf32> to vector<1x8x1x8x128xf32>
    tpu.vector_store %arg4[%swap3A_743, %swap3A_744, %swap3A_745, %swap3A_746, %swap3A_747], %swap3A_750 {strides = array<i32>} : memref<4x8x32x8x128xf32, #tpu.memory_space<vmem>>, vector<1x8x1x8x128xf32>,
    %get3A_751 = arith.constant 3456 : index
    %get3A_752 = arith.constant 0 : index
    %get3A_753 = vector.load %arg1[%get3A_751, %get3A_752] : memref<16384x128xf32, #tpu.memory_space<vmem>>, vector<128x128xf32>
    %dot_general3A_754 = arith.constant dense<0.000000e+00> : vector<128x128xf32>
    %dot_general3A_755 = tpu.matmul %get3A_753, %get3A_1, %dot_general3A_754 {dimension_numbers = #tpu.dot_dimension_numbers<[0], [0], [1], [1], [0, 1, 1, 1], [], []>, transpose_lhs_hint = false} : vector<128x128xf32>, vector<128x128xf32>, vector<128x128xf32> -> vector<128x128xf32>
    %get3A_756 = arith.constant 0 : index
    %get3A_757 = arith.constant 27 : index
    %get3A_758 = arith.constant 0 : index
    %get3A_759 = vector.load %arg2[%get3A_756, %get3A_757, %get3A_758] : memref<4x32x128xi32, #tpu.memory_space<vmem>>, vector<1x1x128xi32>
    %get3A_760 = vector.shape_cast %get3A_759 : vector<1x1x128xi32> to vector<128xi32>
    %ge3A_761 = arith.constant 503808 : i32
    %ge3A_762 = vector.broadcast %ge3A_761 : i32 to vector<128xi32>
    %ge3A_763 = arith.cmpi sge, %get3A_760, %ge3A_762 : vector<128xi32>
    %broadcast_in_dim3A_764 = vector.shape_cast %ge3A_763 : vector<128xi1> to vector<1x128xi1>
    %slice3A_765 = vector.extract_strided_slice %dot_general3A_755 {offsets = [64, 0], sizes = [64, 128], strides = [1, 1]} : vector<128x128xf32> to vector<64x128xf32>
    %slice3A_766 = vector.extract_strided_slice %dot_general3A_755 {offsets = [0, 0], sizes = [64, 128], strides = [1, 1]} : vector<128x128xf32> to vector<64x128xf32>
    %broadcast_in_dim3A_767 = vector.shape_cast %broadcast_in_dim3A_764 : vector<1x128xi1> to vector<1x128xi1>
    %broadcast_in_dim3A_768 = vector.broadcast %broadcast_in_dim3A_767 : vector<1x128xi1> to vector<64x128xi1>
    %select_n3A_769 = arith.select %broadcast_in_dim3A_768, %slice3A_765, %slice3A_766 : vector<64x128xi1>, vector<64x128xf32>
    %reshape3A_770 = vector.shape_cast %select_n3A_769 : vector<64x128xf32> to vector<8x8x128xf32>
    %swap3A_771 = arith.constant 0 : index
    %swap3A_772 = arith.constant 0 : index
    %swap3A_773 = arith.constant 27 : index
    %swap3A_774 = arith.constant 0 : index
    %swap3A_775 = arith.constant 0 : index
    %swap3A_776 = vector.load %arg4[%swap3A_771, %swap3A_772, %swap3A_773, %swap3A_774, %swap3A_775] : memref<4x8x32x8x128xf32, #tpu.memory_space<vmem>>, vector<1x8x1x8x128xf32>
    %swap3A_777 = vector.shape_cast %swap3A_776 : vector<1x8x1x8x128xf32> to vector<8x8x128xf32>
    %swap3A_778 = vector.shape_cast %reshape3A_770 : vector<8x8x128xf32> to vector<1x8x1x8x128xf32>
    tpu.vector_store %arg4[%swap3A_771, %swap3A_772, %swap3A_773, %swap3A_774, %swap3A_775], %swap3A_778 {strides = array<i32>} : memref<4x8x32x8x128xf32, #tpu.memory_space<vmem>>, vector<1x8x1x8x128xf32>,
    %get3A_779 = arith.constant 3584 : index
    %get3A_780 = arith.constant 0 : index
    %get3A_781 = vector.load %arg1[%get3A_779, %get3A_780] : memref<16384x128xf32, #tpu.memory_space<vmem>>, vector<128x128xf32>
    %dot_general3A_782 = arith.constant dense<0.000000e+00> : vector<128x128xf32>
    %dot_general3A_783 = tpu.matmul %get3A_781, %get3A_1, %dot_general3A_782 {dimension_numbers = #tpu.dot_dimension_numbers<[0], [0], [1], [1], [0, 1, 1, 1], [], []>, transpose_lhs_hint = false} : vector<128x128xf32>, vector<128x128xf32>, vector<128x128xf32> -> vector<128x128xf32>
    %get3A_784 = arith.constant 0 : index
    %get3A_785 = arith.constant 28 : index
    %get3A_786 = arith.constant 0 : index
    %get3A_787 = vector.load %arg2[%get3A_784, %get3A_785, %get3A_786] : memref<4x32x128xi32, #tpu.memory_space<vmem>>, vector<1x1x128xi32>
    %get3A_788 = vector.shape_cast %get3A_787 : vector<1x1x128xi32> to vector<128xi32>
    %ge3A_789 = arith.constant 503808 : i32
    %ge3A_790 = vector.broadcast %ge3A_789 : i32 to vector<128xi32>
    %ge3A_791 = arith.cmpi sge, %get3A_788, %ge3A_790 : vector<128xi32>
    %broadcast_in_dim3A_792 = vector.shape_cast %ge3A_791 : vector<128xi1> to vector<1x128xi1>
    %slice3A_793 = vector.extract_strided_slice %dot_general3A_783 {offsets = [64, 0], sizes = [64, 128], strides = [1, 1]} : vector<128x128xf32> to vector<64x128xf32>
    %slice3A_794 = vector.extract_strided_slice %dot_general3A_783 {offsets = [0, 0], sizes = [64, 128], strides = [1, 1]} : vector<128x128xf32> to vector<64x128xf32>
    %broadcast_in_dim3A_795 = vector.shape_cast %broadcast_in_dim3A_792 : vector<1x128xi1> to vector<1x128xi1>
    %broadcast_in_dim3A_796 = vector.broadcast %broadcast_in_dim3A_795 : vector<1x128xi1> to vector<64x128xi1>
    %select_n3A_797 = arith.select %broadcast_in_dim3A_796, %slice3A_793, %slice3A_794 : vector<64x128xi1>, vector<64x128xf32>
    %reshape3A_798 = vector.shape_cast %select_n3A_797 : vector<64x128xf32> to vector<8x8x128xf32>
    %swap3A_799 = arith.constant 0 : index
    %swap3A_800 = arith.constant 0 : index
    %swap3A_801 = arith.constant 28 : index
    %swap3A_802 = arith.constant 0 : index
    %swap3A_803 = arith.constant 0 : index
    %swap3A_804 = vector.load %arg4[%swap3A_799, %swap3A_800, %swap3A_801, %swap3A_802, %swap3A_803] : memref<4x8x32x8x128xf32, #tpu.memory_space<vmem>>, vector<1x8x1x8x128xf32>
    %swap3A_805 = vector.shape_cast %swap3A_804 : vector<1x8x1x8x128xf32> to vector<8x8x128xf32>
    %swap3A_806 = vector.shape_cast %reshape3A_798 : vector<8x8x128xf32> to vector<1x8x1x8x128xf32>
    tpu.vector_store %arg4[%swap3A_799, %swap3A_800, %swap3A_801, %swap3A_802, %swap3A_803], %swap3A_806 {strides = array<i32>} : memref<4x8x32x8x128xf32, #tpu.memory_space<vmem>>, vector<1x8x1x8x128xf32>,
    %get3A_807 = arith.constant 3712 : index
    %get3A_808 = arith.constant 0 : index
    %get3A_809 = vector.load %arg1[%get3A_807, %get3A_808] : memref<16384x128xf32, #tpu.memory_space<vmem>>, vector<128x128xf32>
    %dot_general3A_810 = arith.constant dense<0.000000e+00> : vector<128x128xf32>
    %dot_general3A_811 = tpu.matmul %get3A_809, %get3A_1, %dot_general3A_810 {dimension_numbers = #tpu.dot_dimension_numbers<[0], [0], [1], [1], [0, 1, 1, 1], [], []>, transpose_lhs_hint = false} : vector<128x128xf32>, vector<128x128xf32>, vector<128x128xf32> -> vector<128x128xf32>
    %get3A_812 = arith.constant 0 : index
    %get3A_813 = arith.constant 29 : index
    %get3A_814 = arith.constant 0 : index
    %get3A_815 = vector.load %arg2[%get3A_812, %get3A_813, %get3A_814] : memref<4x32x128xi32, #tpu.memory_space<vmem>>, vector<1x1x128xi32>
    %get3A_816 = vector.shape_cast %get3A_815 : vector<1x1x128xi32> to vector<128xi32>
    %ge3A_817 = arith.constant 503808 : i32
    %ge3A_818 = vector.broadcast %ge3A_817 : i32 to vector<128xi32>
    %ge3A_819 = arith.cmpi sge, %get3A_816, %ge3A_818 : vector<128xi32>
    %broadcast_in_dim3A_820 = vector.shape_cast %ge3A_819 : vector<128xi1> to vector<1x128xi1>
    %slice3A_821 = vector.extract_strided_slice %dot_general3A_811 {offsets = [64, 0], sizes = [64, 128], strides = [1, 1]} : vector<128x128xf32> to vector<64x128xf32>
    %slice3A_822 = vector.extract_strided_slice %dot_general3A_811 {offsets = [0, 0], sizes = [64, 128], strides = [1, 1]} : vector<128x128xf32> to vector<64x128xf32>
    %broadcast_in_dim3A_823 = vector.shape_cast %broadcast_in_dim3A_820 : vector<1x128xi1> to vector<1x128xi1>
    %broadcast_in_dim3A_824 = vector.broadcast %broadcast_in_dim3A_823 : vector<1x128xi1> to vector<64x128xi1>
    %select_n3A_825 = arith.select %broadcast_in_dim3A_824, %slice3A_821, %slice3A_822 : vector<64x128xi1>, vector<64x128xf32>
    %reshape3A_826 = vector.shape_cast %select_n3A_825 : vector<64x128xf32> to vector<8x8x128xf32>
    %swap3A_827 = arith.constant 0 : index
    %swap3A_828 = arith.constant 0 : index
    %swap3A_829 = arith.constant 29 : index
    %swap3A_830 = arith.constant 0 : index
    %swap3A_831 = arith.constant 0 : index
    %swap3A_832 = vector.load %arg4[%swap3A_827, %swap3A_828, %swap3A_829, %swap3A_830, %swap3A_831] : memref<4x8x32x8x128xf32, #tpu.memory_space<vmem>>, vector<1x8x1x8x128xf32>
    %swap3A_833 = vector.shape_cast %swap3A_832 : vector<1x8x1x8x128xf32> to vector<8x8x128xf32>
    %swap3A_834 = vector.shape_cast %reshape3A_826 : vector<8x8x128xf32> to vector<1x8x1x8x128xf32>
    tpu.vector_store %arg4[%swap3A_827, %swap3A_828, %swap3A_829, %swap3A_830, %swap3A_831], %swap3A_834 {strides = array<i32>} : memref<4x8x32x8x128xf32, #tpu.memory_space<vmem>>, vector<1x8x1x8x128xf32>,
    %get3A_835 = arith.constant 3840 : index
    %get3A_836 = arith.constant 0 : index
    %get3A_837 = vector.load %arg1[%get3A_835, %get3A_836] : memref<16384x128xf32, #tpu.memory_space<vmem>>, vector<128x128xf32>
    %dot_general3A_838 = arith.constant dense<0.000000e+00> : vector<128x128xf32>
    %dot_general3A_839 = tpu.matmul %get3A_837, %get3A_1, %dot_general3A_838 {dimension_numbers = #tpu.dot_dimension_numbers<[0], [0], [1], [1], [0, 1, 1, 1], [], []>, transpose_lhs_hint = false} : vector<128x128xf32>, vector<128x128xf32>, vector<128x128xf32> -> vector<128x128xf32>
    %get3A_840 = arith.constant 0 : index
    %get3A_841 = arith.constant 30 : index
    %get3A_842 = arith.constant 0 : index
    %get3A_843 = vector.load %arg2[%get3A_840, %get3A_841, %get3A_842] : memref<4x32x128xi32, #tpu.memory_space<vmem>>, vector<1x1x128xi32>
    %get3A_844 = vector.shape_cast %get3A_843 : vector<1x1x128xi32> to vector<128xi32>
    %ge3A_845 = arith.constant 503808 : i32
    %ge3A_846 = vector.broadcast %ge3A_845 : i32 to vector<128xi32>
    %ge3A_847 = arith.cmpi sge, %get3A_844, %ge3A_846 : vector<128xi32>
    %broadcast_in_dim3A_848 = vector.shape_cast %ge3A_847 : vector<128xi1> to vector<1x128xi1>
    %slice3A_849 = vector.extract_strided_slice %dot_general3A_839 {offsets = [64, 0], sizes = [64, 128], strides = [1, 1]} : vector<128x128xf32> to vector<64x128xf32>
    %slice3A_850 = vector.extract_strided_slice %dot_general3A_839 {offsets = [0, 0], sizes = [64, 128], strides = [1, 1]} : vector<128x128xf32> to vector<64x128xf32>
    %broadcast_in_dim3A_851 = vector.shape_cast %broadcast_in_dim3A_848 : vector<1x128xi1> to vector<1x128xi1>
    %broadcast_in_dim3A_852 = vector.broadcast %broadcast_in_dim3A_851 : vector<1x128xi1> to vector<64x128xi1>
    %select_n3A_853 = arith.select %broadcast_in_dim3A_852, %slice3A_849, %slice3A_850 : vector<64x128xi1>, vector<64x128xf32>
    %reshape3A_854 = vector.shape_cast %select_n3A_853 : vector<64x128xf32> to vector<8x8x128xf32>
    %swap3A_855 = arith.constant 0 : index
    %swap3A_856 = arith.constant 0 : index
    %swap3A_857 = arith.constant 30 : index
    %swap3A_858 = arith.constant 0 : index
    %swap3A_859 = arith.constant 0 : index
    %swap3A_860 = vector.load %arg4[%swap3A_855, %swap3A_856, %swap3A_857, %swap3A_858, %swap3A_859] : memref<4x8x32x8x128xf32, #tpu.memory_space<vmem>>, vector<1x8x1x8x128xf32>
    %swap3A_861 = vector.shape_cast %swap3A_860 : vector<1x8x1x8x128xf32> to vector<8x8x128xf32>
    %swap3A_862 = vector.shape_cast %reshape3A_854 : vector<8x8x128xf32> to vector<1x8x1x8x128xf32>
    tpu.vector_store %arg4[%swap3A_855, %swap3A_856, %swap3A_857, %swap3A_858, %swap3A_859], %swap3A_862 {strides = array<i32>} : memref<4x8x32x8x128xf32, #tpu.memory_space<vmem>>, vector<1x8x1x8x128xf32>,
    %get3A_863 = arith.constant 3968 : index
    %get3A_864 = arith.constant 0 : index
    %get3A_865 = vector.load %arg1[%get3A_863, %get3A_864] : memref<16384x128xf32, #tpu.memory_space<vmem>>, vector<128x128xf32>
    %dot_general3A_866 = arith.constant dense<0.000000e+00> : vector<128x128xf32>
    %dot_general3A_867 = tpu.matmul %get3A_865, %get3A_1, %dot_general3A_866 {dimension_numbers = #tpu.dot_dimension_numbers<[0], [0], [1], [1], [0, 1, 1, 1], [], []>, transpose_lhs_hint = false} : vector<128x128xf32>, vector<128x128xf32>, vector<128x128xf32> -> vector<128x128xf32>
    %get3A_868 = arith.constant 0 : index
    %get3A_869 = arith.constant 31 : index
    %get3A_870 = arith.constant 0 : index
    %get3A_871 = vector.load %arg2[%get3A_868, %get3A_869, %get3A_870] : memref<4x32x128xi32, #tpu.memory_space<vmem>>, vector<1x1x128xi32>
    %get3A_872 = vector.shape_cast %get3A_871 : vector<1x1x128xi32> to vector<128xi32>
    %ge3A_873 = arith.constant 503808 : i32
    %ge3A_874 = vector.broadcast %ge3A_873 : i32 to vector<128xi32>
    %ge3A_875 = arith.cmpi sge, %get3A_872, %ge3A_874 : vector<128xi32>
    %broadcast_in_dim3A_876 = vector.shape_cast %ge3A_875 : vector<128xi1> to vector<1x128xi1>
    %slice3A_877 = vector.extract_strided_slice %dot_general3A_867 {offsets = [64, 0], sizes = [64, 128], strides = [1, 1]} : vector<128x128xf32> to vector<64x128xf32>
    %slice3A_878 = vector.extract_strided_slice %dot_general3A_867 {offsets = [0, 0], sizes = [64, 128], strides = [1, 1]} : vector<128x128xf32> to vector<64x128xf32>
    %broadcast_in_dim3A_879 = vector.shape_cast %broadcast_in_dim3A_876 : vector<1x128xi1> to vector<1x128xi1>
    %broadcast_in_dim3A_880 = vector.broadcast %broadcast_in_dim3A_879 : vector<1x128xi1> to vector<64x128xi1>
    %select_n3A_881 = arith.select %broadcast_in_dim3A_880, %slice3A_877, %slice3A_878 : vector<64x128xi1>, vector<64x128xf32>
    %reshape3A_882 = vector.shape_cast %select_n3A_881 : vector<64x128xf32> to vector<8x8x128xf32>
    %swap3A_883 = arith.constant 0 : index
    %swap3A_884 = arith.constant 0 : index
    %swap3A_885 = arith.constant 31 : index
    %swap3A_886 = arith.constant 0 : index
    %swap3A_887 = arith.constant 0 : index
    %swap3A_888 = vector.load %arg4[%swap3A_883, %swap3A_884, %swap3A_885, %swap3A_886, %swap3A_887] : memref<4x8x32x8x128xf32, #tpu.memory_space<vmem>>, vector<1x8x1x8x128xf32>
    %swap3A_889 = vector.shape_cast %swap3A_888 : vector<1x8x1x8x128xf32> to vector<8x8x128xf32>
    %swap3A_890 = vector.shape_cast %reshape3A_882 : vector<8x8x128xf32> to vector<1x8x1x8x128xf32>
    tpu.vector_store %arg4[%swap3A_883, %swap3A_884, %swap3A_885, %swap3A_886, %swap3A_887], %swap3A_890 {strides = array<i32>} : memref<4x8x32x8x128xf32, #tpu.memory_space<vmem>>, vector<1x8x1x8x128xf32>,
    %get3A_891 = arith.constant 4096 : index
    %get3A_892 = arith.constant 0 : index
    %get3A_893 = vector.load %arg1[%get3A_891, %get3A_892] : memref<16384x128xf32, #tpu.memory_space<vmem>>, vector<128x128xf32>
    %dot_general3A_894 = arith.constant dense<0.000000e+00> : vector<128x128xf32>
    %dot_general3A_895 = tpu.matmul %get3A_893, %get3A_1, %dot_general3A_894 {dimension_numbers = #tpu.dot_dimension_numbers<[0], [0], [1], [1], [0, 1, 1, 1], [], []>, transpose_lhs_hint = false} : vector<128x128xf32>, vector<128x128xf32>, vector<128x128xf32> -> vector<128x128xf32>
    %get3A_896 = arith.constant 1 : index
    %get3A_897 = arith.constant 0 : index
    %get3A_898 = arith.constant 0 : index
    %get3A_899 = vector.load %arg2[%get3A_896, %get3A_897, %get3A_898] : memref<4x32x128xi32, #tpu.memory_space<vmem>>, vector<1x1x128xi32>
    %get3A_900 = vector.shape_cast %get3A_899 : vector<1x1x128xi32> to vector<128xi32>
    %ge3A_901 = arith.constant 503808 : i32
    %ge3A_902 = vector.broadcast %ge3A_901 : i32 to vector<128xi32>
    %ge3A_903 = arith.cmpi sge, %get3A_900, %ge3A_902 : vector<128xi32>
    %broadcast_in_dim3A_904 = vector.shape_cast %ge3A_903 : vector<128xi1> to vector<1x128xi1>
    %slice3A_905 = vector.extract_strided_slice %dot_general3A_895 {offsets = [64, 0], sizes = [64, 128], strides = [1, 1]} : vector<128x128xf32> to vector<64x128xf32>
    %slice3A_906 = vector.extract_strided_slice %dot_general3A_895 {offsets = [0, 0], sizes = [64, 128], strides = [1, 1]} : vector<128x128xf32> to vector<64x128xf32>
    %broadcast_in_dim3A_907 = vector.shape_cast %broadcast_in_dim3A_904 : vector<1x128xi1> to vector<1x128xi1>
    %broadcast_in_dim3A_908 = vector.broadcast %broadcast_in_dim3A_907 : vector<1x128xi1> to vector<64x128xi1>
    %select_n3A_909 = arith.select %broadcast_in_dim3A_908, %slice3A_905, %slice3A_906 : vector<64x128xi1>, vector<64x128xf32>
    %reshape3A_910 = vector.shape_cast %select_n3A_909 : vector<64x128xf32> to vector<8x8x128xf32>
    %swap3A_911 = arith.constant 1 : index
    %swap3A_912 = arith.constant 0 : index
    %swap3A_913 = arith.constant 0 : index
    %swap3A_914 = arith.constant 0 : index
    %swap3A_915 = arith.constant 0 : index
    %swap3A_916 = vector.load %arg4[%swap3A_911, %swap3A_912, %swap3A_913, %swap3A_914, %swap3A_915] : memref<4x8x32x8x128xf32, #tpu.memory_space<vmem>>, vector<1x8x1x8x128xf32>
    %swap3A_917 = vector.shape_cast %swap3A_916 : vector<1x8x1x8x128xf32> to vector<8x8x128xf32>
    %swap3A_918 = vector.shape_cast %reshape3A_910 : vector<8x8x128xf32> to vector<1x8x1x8x128xf32>
    tpu.vector_store %arg4[%swap3A_911, %swap3A_912, %swap3A_913, %swap3A_914, %swap3A_915], %swap3A_918 {strides = array<i32>} : memref<4x8x32x8x128xf32, #tpu.memory_space<vmem>>, vector<1x8x1x8x128xf32>,
    %get3A_919 = arith.constant 4224 : index
    %get3A_920 = arith.constant 0 : index
    %get3A_921 = vector.load %arg1[%get3A_919, %get3A_920] : memref<16384x128xf32, #tpu.memory_space<vmem>>, vector<128x128xf32>
    %dot_general3A_922 = arith.constant dense<0.000000e+00> : vector<128x128xf32>
    %dot_general3A_923 = tpu.matmul %get3A_921, %get3A_1, %dot_general3A_922 {dimension_numbers = #tpu.dot_dimension_numbers<[0], [0], [1], [1], [0, 1, 1, 1], [], []>, transpose_lhs_hint = false} : vector<128x128xf32>, vector<128x128xf32>, vector<128x128xf32> -> vector<128x128xf32>
    %get3A_924 = arith.constant 1 : index
    %get3A_925 = arith.constant 1 : index
    %get3A_926 = arith.constant 0 : index
    %get3A_927 = vector.load %arg2[%get3A_924, %get3A_925, %get3A_926] : memref<4x32x128xi32, #tpu.memory_space<vmem>>, vector<1x1x128xi32>
    %get3A_928 = vector.shape_cast %get3A_927 : vector<1x1x128xi32> to vector<128xi32>
    %ge3A_929 = arith.constant 503808 : i32
    %ge3A_930 = vector.broadcast %ge3A_929 : i32 to vector<128xi32>
    %ge3A_931 = arith.cmpi sge, %get3A_928, %ge3A_930 : vector<128xi32>
    %broadcast_in_dim3A_932 = vector.shape_cast %ge3A_931 : vector<128xi1> to vector<1x128xi1>
    %slice3A_933 = vector.extract_strided_slice %dot_general3A_923 {offsets = [64, 0], sizes = [64, 128], strides = [1, 1]} : vector<128x128xf32> to vector<64x128xf32>
    %slice3A_934 = vector.extract_strided_slice %dot_general3A_923 {offsets = [0, 0], sizes = [64, 128], strides = [1, 1]} : vector<128x128xf32> to vector<64x128xf32>
    %broadcast_in_dim3A_935 = vector.shape_cast %broadcast_in_dim3A_932 : vector<1x128xi1> to vector<1x128xi1>
    %broadcast_in_dim3A_936 = vector.broadcast %broadcast_in_dim3A_935 : vector<1x128xi1> to vector<64x128xi1>
    %select_n3A_937 = arith.select %broadcast_in_dim3A_936, %slice3A_933, %slice3A_934 : vector<64x128xi1>, vector<64x128xf32>
    %reshape3A_938 = vector.shape_cast %select_n3A_937 : vector<64x128xf32> to vector<8x8x128xf32>
    %swap3A_939 = arith.constant 1 : index
    %swap3A_940 = arith.constant 0 : index
    %swap3A_941 = arith.constant 1 : index
    %swap3A_942 = arith.constant 0 : index
    %swap3A_943 = arith.constant 0 : index
    %swap3A_944 = vector.load %arg4[%swap3A_939, %swap3A_940, %swap3A_941, %swap3A_942, %swap3A_943] : memref<4x8x32x8x128xf32, #tpu.memory_space<vmem>>, vector<1x8x1x8x128xf32>
    %swap3A_945 = vector.shape_cast %swap3A_944 : vector<1x8x1x8x128xf32> to vector<8x8x128xf32>
    %swap3A_946 = vector.shape_cast %reshape3A_938 : vector<8x8x128xf32> to vector<1x8x1x8x128xf32>
    tpu.vector_store %arg4[%swap3A_939, %swap3A_940, %swap3A_941, %swap3A_942, %swap3A_943], %swap3A_946 {strides = array<i32>} : memref<4x8x32x8x128xf32, #tpu.memory_space<vmem>>, vector<1x8x1x8x128xf32>,
    %get3A_947 = arith.constant 4352 : index
    %get3A_948 = arith.constant 0 : index
    %get3A_949 = vector.load %arg1[%get3A_947, %get3A_948] : memref<16384x128xf32, #tpu.memory_space<vmem>>, vector<128x128xf32>
    %dot_general3A_950 = arith.constant dense<0.000000e+00> : vector<128x128xf32>
    %dot_general3A_951 = tpu.matmul %get3A_949, %get3A_1, %dot_general3A_950 {dimension_numbers = #tpu.dot_dimension_numbers<[0], [0], [1], [1], [0, 1, 1, 1], [], []>, transpose_lhs_hint = false} : vector<128x128xf32>, vector<128x128xf32>, vector<128x128xf32> -> vector<128x128xf32>
    %get3A_952 = arith.constant 1 : index
    %get3A_953 = arith.constant 2 : index
    %get3A_954 = arith.constant 0 : index
    %get3A_955 = vector.load %arg2[%get3A_952, %get3A_953, %get3A_954] : memref<4x32x128xi32, #tpu.memory_space<vmem>>, vector<1x1x128xi32>
    %get3A_956 = vector.shape_cast %get3A_955 : vector<1x1x128xi32> to vector<128xi32>
    %ge3A_957 = arith.constant 503808 : i32
    %ge3A_958 = vector.broadcast %ge3A_957 : i32 to vector<128xi32>
    %ge3A_959 = arith.cmpi sge, %get3A_956, %ge3A_958 : vector<128xi32>
    %broadcast_in_dim3A_960 = vector.shape_cast %ge3A_959 : vector<128xi1> to vector<1x128xi1>
    %slice3A_961 = vector.extract_strided_slice %dot_general3A_951 {offsets = [64, 0], sizes = [64, 128], strides = [1, 1]} : vector<128x128xf32> to vector<64x128xf32>
    %slice3A_962 = vector.extract_strided_slice %dot_general3A_951 {offsets = [0, 0], sizes = [64, 128], strides = [1, 1]} : vector<128x128xf32> to vector<64x128xf32>
    %broadcast_in_dim3A_963 = vector.shape_cast %broadcast_in_dim3A_960 : vector<1x128xi1> to vector<1x128xi1>
    %broadcast_in_dim3A_964 = vector.broadcast %broadcast_in_dim3A_963 : vector<1x128xi1> to vector<64x128xi1>
    %select_n3A_965 = arith.select %broadcast_in_dim3A_964, %slice3A_961, %slice3A_962 : vector<64x128xi1>, vector<64x128xf32>
    %reshape3A_966 = vector.shape_cast %select_n3A_965 : vector<64x128xf32> to vector<8x8x128xf32>
    %swap3A_967 = arith.constant 1 : index
    %swap3A_968 = arith.constant 0 : index
    %swap3A_969 = arith.constant 2 : index
    %swap3A_970 = arith.constant 0 : index
    %swap3A_971 = arith.constant 0 : index
    %swap3A_972 = vector.load %arg4[%swap3A_967, %swap3A_968, %swap3A_969, %swap3A_970, %swap3A_971] : memref<4x8x32x8x128xf32, #tpu.memory_space<vmem>>, vector<1x8x1x8x128xf32>
    %swap3A_973 = vector.shape_cast %swap3A_972 : vector<1x8x1x8x128xf32> to vector<8x8x128xf32>
    %swap3A_974 = vector.shape_cast %reshape3A_966 : vector<8x8x128xf32> to vector<1x8x1x8x128xf32>
    tpu.vector_store %arg4[%swap3A_967, %swap3A_968, %swap3A_969, %swap3A_970, %swap3A_971], %swap3A_974 {strides = array<i32>} : memref<4x8x32x8x128xf32, #tpu.memory_space<vmem>>, vector<1x8x1x8x128xf32>,
    %get3A_975 = arith.constant 4480 : index
    %get3A_976 = arith.constant 0 : index
    %get3A_977 = vector.load %arg1[%get3A_975, %get3A_976] : memref<16384x128xf32, #tpu.memory_space<vmem>>, vector<128x128xf32>
    %dot_general3A_978 = arith.constant dense<0.000000e+00> : vector<128x128xf32>
    %dot_general3A_979 = tpu.matmul %get3A_977, %get3A_1, %dot_general3A_978 {dimension_numbers = #tpu.dot_dimension_numbers<[0], [0], [1], [1], [0, 1, 1, 1], [], []>, transpose_lhs_hint = false} : vector<128x128xf32>, vector<128x128xf32>, vector<128x128xf32> -> vector<128x128xf32>
    %get3A_980 = arith.constant 1 : index
    %get3A_981 = arith.constant 3 : index
    %get3A_982 = arith.constant 0 : index
    %get3A_983 = vector.load %arg2[%get3A_980, %get3A_981, %get3A_982] : memref<4x32x128xi32, #tpu.memory_space<vmem>>, vector<1x1x128xi32>
    %get3A_984 = vector.shape_cast %get3A_983 : vector<1x1x128xi32> to vector<128xi32>
    %ge3A_985 = arith.constant 503808 : i32
    %ge3A_986 = vector.broadcast %ge3A_985 : i32 to vector<128xi32>
    %ge3A_987 = arith.cmpi sge, %get3A_984, %ge3A_986 : vector<128xi32>
    %broadcast_in_dim3A_988 = vector.shape_cast %ge3A_987 : vector<128xi1> to vector<1x128xi1>
    %slice3A_989 = vector.extract_strided_slice %dot_general3A_979 {offsets = [64, 0], sizes = [64, 128], strides = [1, 1]} : vector<128x128xf32> to vector<64x128xf32>
    %slice3A_990 = vector.extract_strided_slice %dot_general3A_979 {offsets = [0, 0], sizes = [64, 128], strides = [1, 1]} : vector<128x128xf32> to vector<64x128xf32>
    %broadcast_in_dim3A_991 = vector.shape_cast %broadcast_in_dim3A_988 : vector<1x128xi1> to vector<1x128xi1>
    %broadcast_in_dim3A_992 = vector.broadcast %broadcast_in_dim3A_991 : vector<1x128xi1> to vector<64x128xi1>
    %select_n3A_993 = arith.select %broadcast_in_dim3A_992, %slice3A_989, %slice3A_990 : vector<64x128xi1>, vector<64x128xf32>
    %reshape3A_994 = vector.shape_cast %select_n3A_993 : vector<64x128xf32> to vector<8x8x128xf32>
    %swap3A_995 = arith.constant 1 : index
    %swap3A_996 = arith.constant 0 : index
    %swap3A_997 = arith.constant 3 : index
    %swap3A_998 = arith.constant 0 : index
    %swap3A_999 = arith.constant 0 : index
    %swap3A_1000 = vector.load %arg4[%swap3A_995, %swap3A_996, %swap3A_997, %swap3A_998, %swap3A_999] : memref<4x8x32x8x128xf32, #tpu.memory_space<vmem>>, vector<1x8x1x8x128xf32>
    %swap3A_1001 = vector.shape_cast %swap3A_1000 : vector<1x8x1x8x128xf32> to vector<8x8x128xf32>
    %swap3A_1002 = vector.shape_cast %reshape3A_994 : vector<8x8x128xf32> to vector<1x8x1x8x128xf32>
    tpu.vector_store %arg4[%swap3A_995, %swap3A_996, %swap3A_997, %swap3A_998, %swap3A_999], %swap3A_1002 {strides = array<i32>} : memref<4x8x32x8x128xf32, #tpu.memory_space<vmem>>, vector<1x8x1x8x128xf32>,
    %get3A_1003 = arith.constant 4608 : index
    %get3A_1004 = arith.constant 0 : index
    %get3A_1005 = vector.load %arg1[%get3A_1003, %get3A_1004] : memref<16384x128xf32, #tpu.memory_space<vmem>>, vector<128x128xf32>
    %dot_general3A_1006 = arith.constant dense<0.000000e+00> : vector<128x128xf32>
    %dot_general3A_1007 = tpu.matmul %get3A_1005, %get3A_1, %dot_general3A_1006 {dimension_numbers = #tpu.dot_dimension_numbers<[0], [0], [1], [1], [0, 1, 1, 1], [], []>, transpose_lhs_hint = false} : vector<128x128xf32>, vector<128x128xf32>, vector<128x128xf32> -> vector<128x128xf32>
    %get3A_1008 = arith.constant 1 : index
    %get3A_1009 = arith.constant 4 : index
    %get3A_1010 = arith.constant 0 : index
    %get3A_1011 = vector.load %arg2[%get3A_1008, %get3A_1009, %get3A_1010] : memref<4x32x128xi32, #tpu.memory_space<vmem>>, vector<1x1x128xi32>
    %get3A_1012 = vector.shape_cast %get3A_1011 : vector<1x1x128xi32> to vector<128xi32>
    %ge3A_1013 = arith.constant 503808 : i32
    %ge3A_1014 = vector.broadcast %ge3A_1013 : i32 to vector<128xi32>
    %ge3A_1015 = arith.cmpi sge, %get3A_1012, %ge3A_1014 : vector<128xi32>
    %broadcast_in_dim3A_1016 = vector.shape_cast %ge3A_1015 : vector<128xi1> to vector<1x128xi1>
    %slice3A_1017 = vector.extract_strided_slice %dot_general3A_1007 {offsets = [64, 0], sizes = [64, 128], strides = [1, 1]} : vector<128x128xf32> to vector<64x128xf32>
    %slice3A_1018 = vector.extract_strided_slice %dot_general3A_1007 {offsets = [0, 0], sizes = [64, 128], strides = [1, 1]} : vector<128x128xf32> to vector<64x128xf32>
    %broadcast_in_dim3A_1019 = vector.shape_cast %broadcast_in_dim3A_1016 : vector<1x128xi1> to vector<1x128xi1>
    %broadcast_in_dim3A_1020 = vector.broadcast %broadcast_in_dim3A_1019 : vector<1x128xi1> to vector<64x128xi1>
    %select_n3A_1021 = arith.select %broadcast_in_dim3A_1020, %slice3A_1017, %slice3A_1018 : vector<64x128xi1>, vector<64x128xf32>
    %reshape3A_1022 = vector.shape_cast %select_n3A_1021 : vector<64x128xf32> to vector<8x8x128xf32>
    %swap3A_1023 = arith.constant 1 : index
    %swap3A_1024 = arith.constant 0 : index
    %swap3A_1025 = arith.constant 4 : index
    %swap3A_1026 = arith.constant 0 : index
    %swap3A_1027 = arith.constant 0 : index
    %swap3A_1028 = vector.load %arg4[%swap3A_1023, %swap3A_1024, %swap3A_1025, %swap3A_1026, %swap3A_1027] : memref<4x8x32x8x128xf32, #tpu.memory_space<vmem>>, vector<1x8x1x8x128xf32>
    %swap3A_1029 = vector.shape_cast %swap3A_1028 : vector<1x8x1x8x128xf32> to vector<8x8x128xf32>
    %swap3A_1030 = vector.shape_cast %reshape3A_1022 : vector<8x8x128xf32> to vector<1x8x1x8x128xf32>
    tpu.vector_store %arg4[%swap3A_1023, %swap3A_1024, %swap3A_1025, %swap3A_1026, %swap3A_1027], %swap3A_1030 {strides = array<i32>} : memref<4x8x32x8x128xf32, #tpu.memory_space<vmem>>, vector<1x8x1x8x128xf32>,
    %get3A_1031 = arith.constant 4736 : index
    %get3A_1032 = arith.constant 0 : index
    %get3A_1033 = vector.load %arg1[%get3A_1031, %get3A_1032] : memref<16384x128xf32, #tpu.memory_space<vmem>>, vector<128x128xf32>
    %dot_general3A_1034 = arith.constant dense<0.000000e+00> : vector<128x128xf32>
    %dot_general3A_1035 = tpu.matmul %get3A_1033, %get3A_1, %dot_general3A_1034 {dimension_numbers = #tpu.dot_dimension_numbers<[0], [0], [1], [1], [0, 1, 1, 1], [], []>, transpose_lhs_hint = false} : vector<128x128xf32>, vector<128x128xf32>, vector<128x128xf32> -> vector<128x128xf32>
    %get3A_1036 = arith.constant 1 : index
    %get3A_1037 = arith.constant 5 : index
    %get3A_1038 = arith.constant 0 : index
    %get3A_1039 = vector.load %arg2[%get3A_1036, %get3A_1037, %get3A_1038] : memref<4x32x128xi32, #tpu.memory_space<vmem>>, vector<1x1x128xi32>
    %get3A_1040 = vector.shape_cast %get3A_1039 : vector<1x1x128xi32> to vector<128xi32>
    %ge3A_1041 = arith.constant 503808 : i32
    %ge3A_1042 = vector.broadcast %ge3A_1041 : i32 to vector<128xi32>
    %ge3A_1043 = arith.cmpi sge, %get3A_1040, %ge3A_1042 : vector<128xi32>
    %broadcast_in_dim3A_1044 = vector.shape_cast %ge3A_1043 : vector<128xi1> to vector<1x128xi1>
    %slice3A_1045 = vector.extract_strided_slice %dot_general3A_1035 {offsets = [64, 0], sizes = [64, 128], strides = [1, 1]} : vector<128x128xf32> to vector<64x128xf32>
    %slice3A_1046 = vector.extract_strided_slice %dot_general3A_1035 {offsets = [0, 0], sizes = [64, 128], strides = [1, 1]} : vector<128x128xf32> to vector<64x128xf32>
    %broadcast_in_dim3A_1047 = vector.shape_cast %broadcast_in_dim3A_1044 : vector<1x128xi1> to vector<1x128xi1>
    %broadcast_in_dim3A_1048 = vector.broadcast %broadcast_in_dim3A_1047 : vector<1x128xi1> to vector<64x128xi1>
    %select_n3A_1049 = arith.select %broadcast_in_dim3A_1048, %slice3A_1045, %slice3A_1046 : vector<64x128xi1>, vector<64x128xf32>
    %reshape3A_1050 = vector.shape_cast %select_n3A_1049 : vector<64x128xf32> to vector<8x8x128xf32>
    %swap3A_1051 = arith.constant 1 : index
    %swap3A_1052 = arith.constant 0 : index
    %swap3A_1053 = arith.constant 5 : index
    %swap3A_1054 = arith.constant 0 : index
    %swap3A_1055 = arith.constant 0 : index
    %swap3A_1056 = vector.load %arg4[%swap3A_1051, %swap3A_1052, %swap3A_1053, %swap3A_1054, %swap3A_1055] : memref<4x8x32x8x128xf32, #tpu.memory_space<vmem>>, vector<1x8x1x8x128xf32>
    %swap3A_1057 = vector.shape_cast %swap3A_1056 : vector<1x8x1x8x128xf32> to vector<8x8x128xf32>
    %swap3A_1058 = vector.shape_cast %reshape3A_1050 : vector<8x8x128xf32> to vector<1x8x1x8x128xf32>
    tpu.vector_store %arg4[%swap3A_1051, %swap3A_1052, %swap3A_1053, %swap3A_1054, %swap3A_1055], %swap3A_1058 {strides = array<i32>} : memref<4x8x32x8x128xf32, #tpu.memory_space<vmem>>, vector<1x8x1x8x128xf32>,
    %get3A_1059 = arith.constant 4864 : index
    %get3A_1060 = arith.constant 0 : index
    %get3A_1061 = vector.load %arg1[%get3A_1059, %get3A_1060] : memref<16384x128xf32, #tpu.memory_space<vmem>>, vector<128x128xf32>
    %dot_general3A_1062 = arith.constant dense<0.000000e+00> : vector<128x128xf32>
    %dot_general3A_1063 = tpu.matmul %get3A_1061, %get3A_1, %dot_general3A_1062 {dimension_numbers = #tpu.dot_dimension_numbers<[0], [0], [1], [1], [0, 1, 1, 1], [], []>, transpose_lhs_hint = false} : vector<128x128xf32>, vector<128x128xf32>, vector<128x128xf32> -> vector<128x128xf32>
    %get3A_1064 = arith.constant 1 : index
    %get3A_1065 = arith.constant 6 : index
    %get3A_1066 = arith.constant 0 : index
    %get3A_1067 = vector.load %arg2[%get3A_1064, %get3A_1065, %get3A_1066] : memref<4x32x128xi32, #tpu.memory_space<vmem>>, vector<1x1x128xi32>
    %get3A_1068 = vector.shape_cast %get3A_1067 : vector<1x1x128xi32> to vector<128xi32>
    %ge3A_1069 = arith.constant 503808 : i32
    %ge3A_1070 = vector.broadcast %ge3A_1069 : i32 to vector<128xi32>
    %ge3A_1071 = arith.cmpi sge, %get3A_1068, %ge3A_1070 : vector<128xi32>
    %broadcast_in_dim3A_1072 = vector.shape_cast %ge3A_1071 : vector<128xi1> to vector<1x128xi1>
    %slice3A_1073 = vector.extract_strided_slice %dot_general3A_1063 {offsets = [64, 0], sizes = [64, 128], strides = [1, 1]} : vector<128x128xf32> to vector<64x128xf32>
    %slice3A_1074 = vector.extract_strided_slice %dot_general3A_1063 {offsets = [0, 0], sizes = [64, 128], strides = [1, 1]} : vector<128x128xf32> to vector<64x128xf32>
    %broadcast_in_dim3A_1075 = vector.shape_cast %broadcast_in_dim3A_1072 : vector<1x128xi1> to vector<1x128xi1>
    %broadcast_in_dim3A_1076 = vector.broadcast %broadcast_in_dim3A_1075 : vector<1x128xi1> to vector<64x128xi1>
    %select_n3A_1077 = arith.select %broadcast_in_dim3A_1076, %slice3A_1073, %slice3A_1074 : vector<64x128xi1>, vector<64x128xf32>
    %reshape3A_1078 = vector.shape_cast %select_n3A_1077 : vector<64x128xf32> to vector<8x8x128xf32>
    %swap3A_1079 = arith.constant 1 : index
    %swap3A_1080 = arith.constant 0 : index
    %swap3A_1081 = arith.constant 6 : index
    %swap3A_1082 = arith.constant 0 : index
    %swap3A_1083 = arith.constant 0 : index
    %swap3A_1084 = vector.load %arg4[%swap3A_1079, %swap3A_1080, %swap3A_1081, %swap3A_1082, %swap3A_1083] : memref<4x8x32x8x128xf32, #tpu.memory_space<vmem>>, vector<1x8x1x8x128xf32>
    %swap3A_1085 = vector.shape_cast %swap3A_1084 : vector<1x8x1x8x128xf32> to vector<8x8x128xf32>
    %swap3A_1086 = vector.shape_cast %reshape3A_1078 : vector<8x8x128xf32> to vector<1x8x1x8x128xf32>
    tpu.vector_store %arg4[%swap3A_1079, %swap3A_1080, %swap3A_1081, %swap3A_1082, %swap3A_1083], %swap3A_1086 {strides = array<i32>} : memref<4x8x32x8x128xf32, #tpu.memory_space<vmem>>, vector<1x8x1x8x128xf32>,
    %get3A_1087 = arith.constant 4992 : index
    %get3A_1088 = arith.constant 0 : index
    %get3A_1089 = vector.load %arg1[%get3A_1087, %get3A_1088] : memref<16384x128xf32, #tpu.memory_space<vmem>>, vector<128x128xf32>
    %dot_general3A_1090 = arith.constant dense<0.000000e+00> : vector<128x128xf32>
    %dot_general3A_1091 = tpu.matmul %get3A_1089, %get3A_1, %dot_general3A_1090 {dimension_numbers = #tpu.dot_dimension_numbers<[0], [0], [1], [1], [0, 1, 1, 1], [], []>, transpose_lhs_hint = false} : vector<128x128xf32>, vector<128x128xf32>, vector<128x128xf32> -> vector<128x128xf32>
    %get3A_1092 = arith.constant 1 : index
    %get3A_1093 = arith.constant 7 : index
    %get3A_1094 = arith.constant 0 : index
    %get3A_1095 = vector.load %arg2[%get3A_1092, %get3A_1093, %get3A_1094] : memref<4x32x128xi32, #tpu.memory_space<vmem>>, vector<1x1x128xi32>
    %get3A_1096 = vector.shape_cast %get3A_1095 : vector<1x1x128xi32> to vector<128xi32>
    %ge3A_1097 = arith.constant 503808 : i32
    %ge3A_1098 = vector.broadcast %ge3A_1097 : i32 to vector<128xi32>
    %ge3A_1099 = arith.cmpi sge, %get3A_1096, %ge3A_1098 : vector<128xi32>
    %broadcast_in_dim3A_1100 = vector.shape_cast %ge3A_1099 : vector<128xi1> to vector<1x128xi1>
    %slice3A_1101 = vector.extract_strided_slice %dot_general3A_1091 {offsets = [64, 0], sizes = [64, 128], strides = [1, 1]} : vector<128x128xf32> to vector<64x128xf32>
    %slice3A_1102 = vector.extract_strided_slice %dot_general3A_1091 {offsets = [0, 0], sizes = [64, 128], strides = [1, 1]} : vector<128x128xf32> to vector<64x128xf32>
    %broadcast_in_dim3A_1103 = vector.shape_cast %broadcast_in_dim3A_1100 : vector<1x128xi1> to vector<1x128xi1>
    %broadcast_in_dim3A_1104 = vector.broadcast %broadcast_in_dim3A_1103 : vector<1x128xi1> to vector<64x128xi1>
    %select_n3A_1105 = arith.select %broadcast_in_dim3A_1104, %slice3A_1101, %slice3A_1102 : vector<64x128xi1>, vector<64x128xf32>
    %reshape3A_1106 = vector.shape_cast %select_n3A_1105 : vector<64x128xf32> to vector<8x8x128xf32>
    %swap3A_1107 = arith.constant 1 : index
    %swap3A_1108 = arith.constant 0 : index
    %swap3A_1109 = arith.constant 7 : index
    %swap3A_1110 = arith.constant 0 : index
    %swap3A_1111 = arith.constant 0 : index
    %swap3A_1112 = vector.load %arg4[%swap3A_1107, %swap3A_1108, %swap3A_1109, %swap3A_1110, %swap3A_1111] : memref<4x8x32x8x128xf32, #tpu.memory_space<vmem>>, vector<1x8x1x8x128xf32>
    %swap3A_1113 = vector.shape_cast %swap3A_1112 : vector<1x8x1x8x128xf32> to vector<8x8x128xf32>
    %swap3A_1114 = vector.shape_cast %reshape3A_1106 : vector<8x8x128xf32> to vector<1x8x1x8x128xf32>
    tpu.vector_store %arg4[%swap3A_1107, %swap3A_1108, %swap3A_1109, %swap3A_1110, %swap3A_1111], %swap3A_1114 {strides = array<i32>} : memref<4x8x32x8x128xf32, #tpu.memory_space<vmem>>, vector<1x8x1x8x128xf32>,
    %get3A_1115 = arith.constant 5120 : index
    %get3A_1116 = arith.constant 0 : index
    %get3A_1117 = vector.load %arg1[%get3A_1115, %get3A_1116] : memref<16384x128xf32, #tpu.memory_space<vmem>>, vector<128x128xf32>
    %dot_general3A_1118 = arith.constant dense<0.000000e+00> : vector<128x128xf32>
    %dot_general3A_1119 = tpu.matmul %get3A_1117, %get3A_1, %dot_general3A_1118 {dimension_numbers = #tpu.dot_dimension_numbers<[0], [0], [1], [1], [0, 1, 1, 1], [], []>, transpose_lhs_hint = false} : vector<128x128xf32>, vector<128x128xf32>, vector<128x128xf32> -> vector<128x128xf32>
    %get3A_1120 = arith.constant 1 : index
    %get3A_1121 = arith.constant 8 : index
    %get3A_1122 = arith.constant 0 : index
    %get3A_1123 = vector.load %arg2[%get3A_1120, %get3A_1121, %get3A_1122] : memref<4x32x128xi32, #tpu.memory_space<vmem>>, vector<1x1x128xi32>
    %get3A_1124 = vector.shape_cast %get3A_1123 : vector<1x1x128xi32> to vector<128xi32>
    %ge3A_1125 = arith.constant 503808 : i32
    %ge3A_1126 = vector.broadcast %ge3A_1125 : i32 to vector<128xi32>
    %ge3A_1127 = arith.cmpi sge, %get3A_1124, %ge3A_1126 : vector<128xi32>
    %broadcast_in_dim3A_1128 = vector.shape_cast %ge3A_1127 : vector<128xi1> to vector<1x128xi1>
    %slice3A_1129 = vector.extract_strided_slice %dot_general3A_1119 {offsets = [64, 0], sizes = [64, 128], strides = [1, 1]} : vector<128x128xf32> to vector<64x128xf32>
    %slice3A_1130 = vector.extract_strided_slice %dot_general3A_1119 {offsets = [0, 0], sizes = [64, 128], strides = [1, 1]} : vector<128x128xf32> to vector<64x128xf32>
    %broadcast_in_dim3A_1131 = vector.shape_cast %broadcast_in_dim3A_1128 : vector<1x128xi1> to vector<1x128xi1>
    %broadcast_in_dim3A_1132 = vector.broadcast %broadcast_in_dim3A_1131 : vector<1x128xi1> to vector<64x128xi1>
    %select_n3A_1133 = arith.select %broadcast_in_dim3A_1132, %slice3A_1129, %slice3A_1130 : vector<64x128xi1>, vector<64x128xf32>
    %reshape3A_1134 = vector.shape_cast %select_n3A_1133 : vector<64x128xf32> to vector<8x8x128xf32>
    %swap3A_1135 = arith.constant 1 : index
    %swap3A_1136 = arith.constant 0 : index
    %swap3A_1137 = arith.constant 8 : index
    %swap3A_1138 = arith.constant 0 : index
    %swap3A_1139 = arith.constant 0 : index
    %swap3A_1140 = vector.load %arg4[%swap3A_1135, %swap3A_1136, %swap3A_1137, %swap3A_1138, %swap3A_1139] : memref<4x8x32x8x128xf32, #tpu.memory_space<vmem>>, vector<1x8x1x8x128xf32>
    %swap3A_1141 = vector.shape_cast %swap3A_1140 : vector<1x8x1x8x128xf32> to vector<8x8x128xf32>
    %swap3A_1142 = vector.shape_cast %reshape3A_1134 : vector<8x8x128xf32> to vector<1x8x1x8x128xf32>
    tpu.vector_store %arg4[%swap3A_1135, %swap3A_1136, %swap3A_1137, %swap3A_1138, %swap3A_1139], %swap3A_1142 {strides = array<i32>} : memref<4x8x32x8x128xf32, #tpu.memory_space<vmem>>, vector<1x8x1x8x128xf32>,
    %get3A_1143 = arith.constant 5248 : index
    %get3A_1144 = arith.constant 0 : index
    %get3A_1145 = vector.load %arg1[%get3A_1143, %get3A_1144] : memref<16384x128xf32, #tpu.memory_space<vmem>>, vector<128x128xf32>
    %dot_general3A_1146 = arith.constant dense<0.000000e+00> : vector<128x128xf32>
    %dot_general3A_1147 = tpu.matmul %get3A_1145, %get3A_1, %dot_general3A_1146 {dimension_numbers = #tpu.dot_dimension_numbers<[0], [0], [1], [1], [0, 1, 1, 1], [], []>, transpose_lhs_hint = false} : vector<128x128xf32>, vector<128x128xf32>, vector<128x128xf32> -> vector<128x128xf32>
    %get3A_1148 = arith.constant 1 : index
    %get3A_1149 = arith.constant 9 : index
    %get3A_1150 = arith.constant 0 : index
    %get3A_1151 = vector.load %arg2[%get3A_1148, %get3A_1149, %get3A_1150] : memref<4x32x128xi32, #tpu.memory_space<vmem>>, vector<1x1x128xi32>
    %get3A_1152 = vector.shape_cast %get3A_1151 : vector<1x1x128xi32> to vector<128xi32>
    %ge3A_1153 = arith.constant 503808 : i32
    %ge3A_1154 = vector.broadcast %ge3A_1153 : i32 to vector<128xi32>
    %ge3A_1155 = arith.cmpi sge, %get3A_1152, %ge3A_1154 : vector<128xi32>
    %broadcast_in_dim3A_1156 = vector.shape_cast %ge3A_1155 : vector<128xi1> to vector<1x128xi1>
    %slice3A_1157 = vector.extract_strided_slice %dot_general3A_1147 {offsets = [64, 0], sizes = [64, 128], strides = [1, 1]} : vector<128x128xf32> to vector<64x128xf32>
    %slice3A_1158 = vector.extract_strided_slice %dot_general3A_1147 {offsets = [0, 0], sizes = [64, 128], strides = [1, 1]} : vector<128x128xf32> to vector<64x128xf32>
    %broadcast_in_dim3A_1159 = vector.shape_cast %broadcast_in_dim3A_1156 : vector<1x128xi1> to vector<1x128xi1>
    %broadcast_in_dim3A_1160 = vector.broadcast %broadcast_in_dim3A_1159 : vector<1x128xi1> to vector<64x128xi1>
    %select_n3A_1161 = arith.select %broadcast_in_dim3A_1160, %slice3A_1157, %slice3A_1158 : vector<64x128xi1>, vector<64x128xf32>
    %reshape3A_1162 = vector.shape_cast %select_n3A_1161 : vector<64x128xf32> to vector<8x8x128xf32>
    %swap3A_1163 = arith.constant 1 : index
    %swap3A_1164 = arith.constant 0 : index
    %swap3A_1165 = arith.constant 9 : index
    %swap3A_1166 = arith.constant 0 : index
    %swap3A_1167 = arith.constant 0 : index
    %swap3A_1168 = vector.load %arg4[%swap3A_1163, %swap3A_1164, %swap3A_1165, %swap3A_1166, %swap3A_1167] : memref<4x8x32x8x128xf32, #tpu.memory_space<vmem>>, vector<1x8x1x8x128xf32>
    %swap3A_1169 = vector.shape_cast %swap3A_1168 : vector<1x8x1x8x128xf32> to vector<8x8x128xf32>
    %swap3A_1170 = vector.shape_cast %reshape3A_1162 : vector<8x8x128xf32> to vector<1x8x1x8x128xf32>
    tpu.vector_store %arg4[%swap3A_1163, %swap3A_1164, %swap3A_1165, %swap3A_1166, %swap3A_1167], %swap3A_1170 {strides = array<i32>} : memref<4x8x32x8x128xf32, #tpu.memory_space<vmem>>, vector<1x8x1x8x128xf32>,
    %get3A_1171 = arith.constant 5376 : index
    %get3A_1172 = arith.constant 0 : index
    %get3A_1173 = vector.load %arg1[%get3A_1171, %get3A_1172] : memref<16384x128xf32, #tpu.memory_space<vmem>>, vector<128x128xf32>
    %dot_general3A_1174 = arith.constant dense<0.000000e+00> : vector<128x128xf32>
    %dot_general3A_1175 = tpu.matmul %get3A_1173, %get3A_1, %dot_general3A_1174 {dimension_numbers = #tpu.dot_dimension_numbers<[0], [0], [1], [1], [0, 1, 1, 1], [], []>, transpose_lhs_hint = false} : vector<128x128xf32>, vector<128x128xf32>, vector<128x128xf32> -> vector<128x128xf32>
    %get3A_1176 = arith.constant 1 : index
    %get3A_1177 = arith.constant 10 : index
    %get3A_1178 = arith.constant 0 : index
    %get3A_1179 = vector.load %arg2[%get3A_1176, %get3A_1177, %get3A_1178] : memref<4x32x128xi32, #tpu.memory_space<vmem>>, vector<1x1x128xi32>
    %get3A_1180 = vector.shape_cast %get3A_1179 : vector<1x1x128xi32> to vector<128xi32>
    %ge3A_1181 = arith.constant 503808 : i32
    %ge3A_1182 = vector.broadcast %ge3A_1181 : i32 to vector<128xi32>
    %ge3A_1183 = arith.cmpi sge, %get3A_1180, %ge3A_1182 : vector<128xi32>
    %broadcast_in_dim3A_1184 = vector.shape_cast %ge3A_1183 : vector<128xi1> to vector<1x128xi1>
    %slice3A_1185 = vector.extract_strided_slice %dot_general3A_1175 {offsets = [64, 0], sizes = [64, 128], strides = [1, 1]} : vector<128x128xf32> to vector<64x128xf32>
    %slice3A_1186 = vector.extract_strided_slice %dot_general3A_1175 {offsets = [0, 0], sizes = [64, 128], strides = [1, 1]} : vector<128x128xf32> to vector<64x128xf32>
    %broadcast_in_dim3A_1187 = vector.shape_cast %broadcast_in_dim3A_1184 : vector<1x128xi1> to vector<1x128xi1>
    %broadcast_in_dim3A_1188 = vector.broadcast %broadcast_in_dim3A_1187 : vector<1x128xi1> to vector<64x128xi1>
    %select_n3A_1189 = arith.select %broadcast_in_dim3A_1188, %slice3A_1185, %slice3A_1186 : vector<64x128xi1>, vector<64x128xf32>
    %reshape3A_1190 = vector.shape_cast %select_n3A_1189 : vector<64x128xf32> to vector<8x8x128xf32>
    %swap3A_1191 = arith.constant 1 : index
    %swap3A_1192 = arith.constant 0 : index
    %swap3A_1193 = arith.constant 10 : index
    %swap3A_1194 = arith.constant 0 : index
    %swap3A_1195 = arith.constant 0 : index
    %swap3A_1196 = vector.load %arg4[%swap3A_1191, %swap3A_1192, %swap3A_1193, %swap3A_1194, %swap3A_1195] : memref<4x8x32x8x128xf32, #tpu.memory_space<vmem>>, vector<1x8x1x8x128xf32>
    %swap3A_1197 = vector.shape_cast %swap3A_1196 : vector<1x8x1x8x128xf32> to vector<8x8x128xf32>
    %swap3A_1198 = vector.shape_cast %reshape3A_1190 : vector<8x8x128xf32> to vector<1x8x1x8x128xf32>
    tpu.vector_store %arg4[%swap3A_1191, %swap3A_1192, %swap3A_1193, %swap3A_1194, %swap3A_1195], %swap3A_1198 {strides = array<i32>} : memref<4x8x32x8x128xf32, #tpu.memory_space<vmem>>, vector<1x8x1x8x128xf32>,
    %get3A_1199 = arith.constant 5504 : index
    %get3A_1200 = arith.constant 0 : index
    %get3A_1201 = vector.load %arg1[%get3A_1199, %get3A_1200] : memref<16384x128xf32, #tpu.memory_space<vmem>>, vector<128x128xf32>
    %dot_general3A_1202 = arith.constant dense<0.000000e+00> : vector<128x128xf32>
    %dot_general3A_1203 = tpu.matmul %get3A_1201, %get3A_1, %dot_general3A_1202 {dimension_numbers = #tpu.dot_dimension_numbers<[0], [0], [1], [1], [0, 1, 1, 1], [], []>, transpose_lhs_hint = false} : vector<128x128xf32>, vector<128x128xf32>, vector<128x128xf32> -> vector<128x128xf32>
    %get3A_1204 = arith.constant 1 : index
    %get3A_1205 = arith.constant 11 : index
    %get3A_1206 = arith.constant 0 : index
    %get3A_1207 = vector.load %arg2[%get3A_1204, %get3A_1205, %get3A_1206] : memref<4x32x128xi32, #tpu.memory_space<vmem>>, vector<1x1x128xi32>
    %get3A_1208 = vector.shape_cast %get3A_1207 : vector<1x1x128xi32> to vector<128xi32>
    %ge3A_1209 = arith.constant 503808 : i32
    %ge3A_1210 = vector.broadcast %ge3A_1209 : i32 to vector<128xi32>
    %ge3A_1211 = arith.cmpi sge, %get3A_1208, %ge3A_1210 : vector<128xi32>
    %broadcast_in_dim3A_1212 = vector.shape_cast %ge3A_1211 : vector<128xi1> to vector<1x128xi1>
    %slice3A_1213 = vector.extract_strided_slice %dot_general3A_1203 {offsets = [64, 0], sizes = [64, 128], strides = [1, 1]} : vector<128x128xf32> to vector<64x128xf32>
    %slice3A_1214 = vector.extract_strided_slice %dot_general3A_1203 {offsets = [0, 0], sizes = [64, 128], strides = [1, 1]} : vector<128x128xf32> to vector<64x128xf32>
    %broadcast_in_dim3A_1215 = vector.shape_cast %broadcast_in_dim3A_1212 : vector<1x128xi1> to vector<1x128xi1>
    %broadcast_in_dim3A_1216 = vector.broadcast %broadcast_in_dim3A_1215 : vector<1x128xi1> to vector<64x128xi1>
    %select_n3A_1217 = arith.select %broadcast_in_dim3A_1216, %slice3A_1213, %slice3A_1214 : vector<64x128xi1>, vector<64x128xf32>
    %reshape3A_1218 = vector.shape_cast %select_n3A_1217 : vector<64x128xf32> to vector<8x8x128xf32>
    %swap3A_1219 = arith.constant 1 : index
    %swap3A_1220 = arith.constant 0 : index
    %swap3A_1221 = arith.constant 11 : index
    %swap3A_1222 = arith.constant 0 : index
    %swap3A_1223 = arith.constant 0 : index
    %swap3A_1224 = vector.load %arg4[%swap3A_1219, %swap3A_1220, %swap3A_1221, %swap3A_1222, %swap3A_1223] : memref<4x8x32x8x128xf32, #tpu.memory_space<vmem>>, vector<1x8x1x8x128xf32>
    %swap3A_1225 = vector.shape_cast %swap3A_1224 : vector<1x8x1x8x128xf32> to vector<8x8x128xf32>
    %swap3A_1226 = vector.shape_cast %reshape3A_1218 : vector<8x8x128xf32> to vector<1x8x1x8x128xf32>
    tpu.vector_store %arg4[%swap3A_1219, %swap3A_1220, %swap3A_1221, %swap3A_1222, %swap3A_1223], %swap3A_1226 {strides = array<i32>} : memref<4x8x32x8x128xf32, #tpu.memory_space<vmem>>, vector<1x8x1x8x128xf32>,
    %get3A_1227 = arith.constant 5632 : index
    %get3A_1228 = arith.constant 0 : index
    %get3A_1229 = vector.load %arg1[%get3A_1227, %get3A_1228] : memref<16384x128xf32, #tpu.memory_space<vmem>>, vector<128x128xf32>
    %dot_general3A_1230 = arith.constant dense<0.000000e+00> : vector<128x128xf32>
    %dot_general3A_1231 = tpu.matmul %get3A_1229, %get3A_1, %dot_general3A_1230 {dimension_numbers = #tpu.dot_dimension_numbers<[0], [0], [1], [1], [0, 1, 1, 1], [], []>, transpose_lhs_hint = false} : vector<128x128xf32>, vector<128x128xf32>, vector<128x128xf32> -> vector<128x128xf32>
    %get3A_1232 = arith.constant 1 : index
    %get3A_1233 = arith.constant 12 : index
    %get3A_1234 = arith.constant 0 : index
    %get3A_1235 = vector.load %arg2[%get3A_1232, %get3A_1233, %get3A_1234] : memref<4x32x128xi32, #tpu.memory_space<vmem>>, vector<1x1x128xi32>
    %get3A_1236 = vector.shape_cast %get3A_1235 : vector<1x1x128xi32> to vector<128xi32>
    %ge3A_1237 = arith.constant 503808 : i32
    %ge3A_1238 = vector.broadcast %ge3A_1237 : i32 to vector<128xi32>
    %ge3A_1239 = arith.cmpi sge, %get3A_1236, %ge3A_1238 : vector<128xi32>
    %broadcast_in_dim3A_1240 = vector.shape_cast %ge3A_1239 : vector<128xi1> to vector<1x128xi1>
    %slice3A_1241 = vector.extract_strided_slice %dot_general3A_1231 {offsets = [64, 0], sizes = [64, 128], strides = [1, 1]} : vector<128x128xf32> to vector<64x128xf32>
    %slice3A_1242 = vector.extract_strided_slice %dot_general3A_1231 {offsets = [0, 0], sizes = [64, 128], strides = [1, 1]} : vector<128x128xf32> to vector<64x128xf32>
    %broadcast_in_dim3A_1243 = vector.shape_cast %broadcast_in_dim3A_1240 : vector<1x128xi1> to vector<1x128xi1>
    %broadcast_in_dim3A_1244 = vector.broadcast %broadcast_in_dim3A_1243 : vector<1x128xi1> to vector<64x128xi1>
    %select_n3A_1245 = arith.select %broadcast_in_dim3A_1244, %slice3A_1241, %slice3A_1242 : vector<64x128xi1>, vector<64x128xf32>
    %reshape3A_1246 = vector.shape_cast %select_n3A_1245 : vector<64x128xf32> to vector<8x8x128xf32>
    %swap3A_1247 = arith.constant 1 : index
    %swap3A_1248 = arith.constant 0 : index
    %swap3A_1249 = arith.constant 12 : index
    %swap3A_1250 = arith.constant 0 : index
    %swap3A_1251 = arith.constant 0 : index
    %swap3A_1252 = vector.load %arg4[%swap3A_1247, %swap3A_1248, %swap3A_1249, %swap3A_1250, %swap3A_1251] : memref<4x8x32x8x128xf32, #tpu.memory_space<vmem>>, vector<1x8x1x8x128xf32>
    %swap3A_1253 = vector.shape_cast %swap3A_1252 : vector<1x8x1x8x128xf32> to vector<8x8x128xf32>
    %swap3A_1254 = vector.shape_cast %reshape3A_1246 : vector<8x8x128xf32> to vector<1x8x1x8x128xf32>
    tpu.vector_store %arg4[%swap3A_1247, %swap3A_1248, %swap3A_1249, %swap3A_1250, %swap3A_1251], %swap3A_1254 {strides = array<i32>} : memref<4x8x32x8x128xf32, #tpu.memory_space<vmem>>, vector<1x8x1x8x128xf32>,
    %get3A_1255 = arith.constant 5760 : index
    %get3A_1256 = arith.constant 0 : index
    %get3A_1257 = vector.load %arg1[%get3A_1255, %get3A_1256] : memref<16384x128xf32, #tpu.memory_space<vmem>>, vector<128x128xf32>
    %dot_general3A_1258 = arith.constant dense<0.000000e+00> : vector<128x128xf32>
    %dot_general3A_1259 = tpu.matmul %get3A_1257, %get3A_1, %dot_general3A_1258 {dimension_numbers = #tpu.dot_dimension_numbers<[0], [0], [1], [1], [0, 1, 1, 1], [], []>, transpose_lhs_hint = false} : vector<128x128xf32>, vector<128x128xf32>, vector<128x128xf32> -> vector<128x128xf32>
    %get3A_1260 = arith.constant 1 : index
    %get3A_1261 = arith.constant 13 : index
    %get3A_1262 = arith.constant 0 : index
    %get3A_1263 = vector.load %arg2[%get3A_1260, %get3A_1261, %get3A_1262] : memref<4x32x128xi32, #tpu.memory_space<vmem>>, vector<1x1x128xi32>
    %get3A_1264 = vector.shape_cast %get3A_1263 : vector<1x1x128xi32> to vector<128xi32>
    %ge3A_1265 = arith.constant 503808 : i32
    %ge3A_1266 = vector.broadcast %ge3A_1265 : i32 to vector<128xi32>
    %ge3A_1267 = arith.cmpi sge, %get3A_1264, %ge3A_1266 : vector<128xi32>
    %broadcast_in_dim3A_1268 = vector.shape_cast %ge3A_1267 : vector<128xi1> to vector<1x128xi1>
    %slice3A_1269 = vector.extract_strided_slice %dot_general3A_1259 {offsets = [64, 0], sizes = [64, 128], strides = [1, 1]} : vector<128x128xf32> to vector<64x128xf32>
    %slice3A_1270 = vector.extract_strided_slice %dot_general3A_1259 {offsets = [0, 0], sizes = [64, 128], strides = [1, 1]} : vector<128x128xf32> to vector<64x128xf32>
    %broadcast_in_dim3A_1271 = vector.shape_cast %broadcast_in_dim3A_1268 : vector<1x128xi1> to vector<1x128xi1>
    %broadcast_in_dim3A_1272 = vector.broadcast %broadcast_in_dim3A_1271 : vector<1x128xi1> to vector<64x128xi1>
    %select_n3A_1273 = arith.select %broadcast_in_dim3A_1272, %slice3A_1269, %slice3A_1270 : vector<64x128xi1>, vector<64x128xf32>
    %reshape3A_1274 = vector.shape_cast %select_n3A_1273 : vector<64x128xf32> to vector<8x8x128xf32>
    %swap3A_1275 = arith.constant 1 : index
    %swap3A_1276 = arith.constant 0 : index
    %swap3A_1277 = arith.constant 13 : index
    %swap3A_1278 = arith.constant 0 : index
    %swap3A_1279 = arith.constant 0 : index
    %swap3A_1280 = vector.load %arg4[%swap3A_1275, %swap3A_1276, %swap3A_1277, %swap3A_1278, %swap3A_1279] : memref<4x8x32x8x128xf32, #tpu.memory_space<vmem>>, vector<1x8x1x8x128xf32>
    %swap3A_1281 = vector.shape_cast %swap3A_1280 : vector<1x8x1x8x128xf32> to vector<8x8x128xf32>
    %swap3A_1282 = vector.shape_cast %reshape3A_1274 : vector<8x8x128xf32> to vector<1x8x1x8x128xf32>
    tpu.vector_store %arg4[%swap3A_1275, %swap3A_1276, %swap3A_1277, %swap3A_1278, %swap3A_1279], %swap3A_1282 {strides = array<i32>} : memref<4x8x32x8x128xf32, #tpu.memory_space<vmem>>, vector<1x8x1x8x128xf32>,
    %get3A_1283 = arith.constant 5888 : index
    %get3A_1284 = arith.constant 0 : index
    %get3A_1285 = vector.load %arg1[%get3A_1283, %get3A_1284] : memref<16384x128xf32, #tpu.memory_space<vmem>>, vector<128x128xf32>
    %dot_general3A_1286 = arith.constant dense<0.000000e+00> : vector<128x128xf32>
    %dot_general3A_1287 = tpu.matmul %get3A_1285, %get3A_1, %dot_general3A_1286 {dimension_numbers = #tpu.dot_dimension_numbers<[0], [0], [1], [1], [0, 1, 1, 1], [], []>, transpose_lhs_hint = false} : vector<128x128xf32>, vector<128x128xf32>, vector<128x128xf32> -> vector<128x128xf32>
    %get3A_1288 = arith.constant 1 : index
    %get3A_1289 = arith.constant 14 : index
    %get3A_1290 = arith.constant 0 : index
    %get3A_1291 = vector.load %arg2[%get3A_1288, %get3A_1289, %get3A_1290] : memref<4x32x128xi32, #tpu.memory_space<vmem>>, vector<1x1x128xi32>
    %get3A_1292 = vector.shape_cast %get3A_1291 : vector<1x1x128xi32> to vector<128xi32>
    %ge3A_1293 = arith.constant 503808 : i32
    %ge3A_1294 = vector.broadcast %ge3A_1293 : i32 to vector<128xi32>
    %ge3A_1295 = arith.cmpi sge, %get3A_1292, %ge3A_1294 : vector<128xi32>
    %broadcast_in_dim3A_1296 = vector.shape_cast %ge3A_1295 : vector<128xi1> to vector<1x128xi1>
    %slice3A_1297 = vector.extract_strided_slice %dot_general3A_1287 {offsets = [64, 0], sizes = [64, 128], strides = [1, 1]} : vector<128x128xf32> to vector<64x128xf32>
    %slice3A_1298 = vector.extract_strided_slice %dot_general3A_1287 {offsets = [0, 0], sizes = [64, 128], strides = [1, 1]} : vector<128x128xf32> to vector<64x128xf32>
    %broadcast_in_dim3A_1299 = vector.shape_cast %broadcast_in_dim3A_1296 : vector<1x128xi1> to vector<1x128xi1>
    %broadcast_in_dim3A_1300 = vector.broadcast %broadcast_in_dim3A_1299 : vector<1x128xi1> to vector<64x128xi1>
    %select_n3A_1301 = arith.select %broadcast_in_dim3A_1300, %slice3A_1297, %slice3A_1298 : vector<64x128xi1>, vector<64x128xf32>
    %reshape3A_1302 = vector.shape_cast %select_n3A_1301 : vector<64x128xf32> to vector<8x8x128xf32>
    %swap3A_1303 = arith.constant 1 : index
    %swap3A_1304 = arith.constant 0 : index
    %swap3A_1305 = arith.constant 14 : index
    %swap3A_1306 = arith.constant 0 : index
    %swap3A_1307 = arith.constant 0 : index
    %swap3A_1308 = vector.load %arg4[%swap3A_1303, %swap3A_1304, %swap3A_1305, %swap3A_1306, %swap3A_1307] : memref<4x8x32x8x128xf32, #tpu.memory_space<vmem>>, vector<1x8x1x8x128xf32>
    %swap3A_1309 = vector.shape_cast %swap3A_1308 : vector<1x8x1x8x128xf32> to vector<8x8x128xf32>
    %swap3A_1310 = vector.shape_cast %reshape3A_1302 : vector<8x8x128xf32> to vector<1x8x1x8x128xf32>
    tpu.vector_store %arg4[%swap3A_1303, %swap3A_1304, %swap3A_1305, %swap3A_1306, %swap3A_1307], %swap3A_1310 {strides = array<i32>} : memref<4x8x32x8x128xf32, #tpu.memory_space<vmem>>, vector<1x8x1x8x128xf32>,
    %get3A_1311 = arith.constant 6016 : index
    %get3A_1312 = arith.constant 0 : index
    %get3A_1313 = vector.load %arg1[%get3A_1311, %get3A_1312] : memref<16384x128xf32, #tpu.memory_space<vmem>>, vector<128x128xf32>
    %dot_general3A_1314 = arith.constant dense<0.000000e+00> : vector<128x128xf32>
    %dot_general3A_1315 = tpu.matmul %get3A_1313, %get3A_1, %dot_general3A_1314 {dimension_numbers = #tpu.dot_dimension_numbers<[0], [0], [1], [1], [0, 1, 1, 1], [], []>, transpose_lhs_hint = false} : vector<128x128xf32>, vector<128x128xf32>, vector<128x128xf32> -> vector<128x128xf32>
    %get3A_1316 = arith.constant 1 : index
    %get3A_1317 = arith.constant 15 : index
    %get3A_1318 = arith.constant 0 : index
    %get3A_1319 = vector.load %arg2[%get3A_1316, %get3A_1317, %get3A_1318] : memref<4x32x128xi32, #tpu.memory_space<vmem>>, vector<1x1x128xi32>
    %get3A_1320 = vector.shape_cast %get3A_1319 : vector<1x1x128xi32> to vector<128xi32>
    %ge3A_1321 = arith.constant 503808 : i32
    %ge3A_1322 = vector.broadcast %ge3A_1321 : i32 to vector<128xi32>
    %ge3A_1323 = arith.cmpi sge, %get3A_1320, %ge3A_1322 : vector<128xi32>
    %broadcast_in_dim3A_1324 = vector.shape_cast %ge3A_1323 : vector<128xi1> to vector<1x128xi1>
    %slice3A_1325 = vector.extract_strided_slice %dot_general3A_1315 {offsets = [64, 0], sizes = [64, 128], strides = [1, 1]} : vector<128x128xf32> to vector<64x128xf32>
    %slice3A_1326 = vector.extract_strided_slice %dot_general3A_1315 {offsets = [0, 0], sizes = [64, 128], strides = [1, 1]} : vector<128x128xf32> to vector<64x128xf32>
    %broadcast_in_dim3A_1327 = vector.shape_cast %broadcast_in_dim3A_1324 : vector<1x128xi1> to vector<1x128xi1>
    %broadcast_in_dim3A_1328 = vector.broadcast %broadcast_in_dim3A_1327 : vector<1x128xi1> to vector<64x128xi1>
    %select_n3A_1329 = arith.select %broadcast_in_dim3A_1328, %slice3A_1325, %slice3A_1326 : vector<64x128xi1>, vector<64x128xf32>
    %reshape3A_1330 = vector.shape_cast %select_n3A_1329 : vector<64x128xf32> to vector<8x8x128xf32>
    %swap3A_1331 = arith.constant 1 : index
    %swap3A_1332 = arith.constant 0 : index
    %swap3A_1333 = arith.constant 15 : index
    %swap3A_1334 = arith.constant 0 : index
    %swap3A_1335 = arith.constant 0 : index
    %swap3A_1336 = vector.load %arg4[%swap3A_1331, %swap3A_1332, %swap3A_1333, %swap3A_1334, %swap3A_1335] : memref<4x8x32x8x128xf32, #tpu.memory_space<vmem>>, vector<1x8x1x8x128xf32>
    %swap3A_1337 = vector.shape_cast %swap3A_1336 : vector<1x8x1x8x128xf32> to vector<8x8x128xf32>
    %swap3A_1338 = vector.shape_cast %reshape3A_1330 : vector<8x8x128xf32> to vector<1x8x1x8x128xf32>
    tpu.vector_store %arg4[%swap3A_1331, %swap3A_1332, %swap3A_1333, %swap3A_1334, %swap3A_1335], %swap3A_1338 {strides = array<i32>} : memref<4x8x32x8x128xf32, #tpu.memory_space<vmem>>, vector<1x8x1x8x128xf32>,
    %get3A_1339 = arith.constant 6144 : index
    %get3A_1340 = arith.constant 0 : index
    %get3A_1341 = vector.load %arg1[%get3A_1339, %get3A_1340] : memref<16384x128xf32, #tpu.memory_space<vmem>>, vector<128x128xf32>
    %dot_general3A_1342 = arith.constant dense<0.000000e+00> : vector<128x128xf32>
    %dot_general3A_1343 = tpu.matmul %get3A_1341, %get3A_1, %dot_general3A_1342 {dimension_numbers = #tpu.dot_dimension_numbers<[0], [0], [1], [1], [0, 1, 1, 1], [], []>, transpose_lhs_hint = false} : vector<128x128xf32>, vector<128x128xf32>, vector<128x128xf32> -> vector<128x128xf32>
    %get3A_1344 = arith.constant 1 : index
    %get3A_1345 = arith.constant 16 : index
    %get3A_1346 = arith.constant 0 : index
    %get3A_1347 = vector.load %arg2[%get3A_1344, %get3A_1345, %get3A_1346] : memref<4x32x128xi32, #tpu.memory_space<vmem>>, vector<1x1x128xi32>
    %get3A_1348 = vector.shape_cast %get3A_1347 : vector<1x1x128xi32> to vector<128xi32>
    %ge3A_1349 = arith.constant 503808 : i32
    %ge3A_1350 = vector.broadcast %ge3A_1349 : i32 to vector<128xi32>
    %ge3A_1351 = arith.cmpi sge, %get3A_1348, %ge3A_1350 : vector<128xi32>
    %broadcast_in_dim3A_1352 = vector.shape_cast %ge3A_1351 : vector<128xi1> to vector<1x128xi1>
    %slice3A_1353 = vector.extract_strided_slice %dot_general3A_1343 {offsets = [64, 0], sizes = [64, 128], strides = [1, 1]} : vector<128x128xf32> to vector<64x128xf32>
    %slice3A_1354 = vector.extract_strided_slice %dot_general3A_1343 {offsets = [0, 0], sizes = [64, 128], strides = [1, 1]} : vector<128x128xf32> to vector<64x128xf32>
    %broadcast_in_dim3A_1355 = vector.shape_cast %broadcast_in_dim3A_1352 : vector<1x128xi1> to vector<1x128xi1>
    %broadcast_in_dim3A_1356 = vector.broadcast %broadcast_in_dim3A_1355 : vector<1x128xi1> to vector<64x128xi1>
    %select_n3A_1357 = arith.select %broadcast_in_dim3A_1356, %slice3A_1353, %slice3A_1354 : vector<64x128xi1>, vector<64x128xf32>
    %reshape3A_1358 = vector.shape_cast %select_n3A_1357 : vector<64x128xf32> to vector<8x8x128xf32>
    %swap3A_1359 = arith.constant 1 : index
    %swap3A_1360 = arith.constant 0 : index
    %swap3A_1361 = arith.constant 16 : index
    %swap3A_1362 = arith.constant 0 : index
    %swap3A_1363 = arith.constant 0 : index
    %swap3A_1364 = vector.load %arg4[%swap3A_1359, %swap3A_1360, %swap3A_1361, %swap3A_1362, %swap3A_1363] : memref<4x8x32x8x128xf32, #tpu.memory_space<vmem>>, vector<1x8x1x8x128xf32>
    %swap3A_1365 = vector.shape_cast %swap3A_1364 : vector<1x8x1x8x128xf32> to vector<8x8x128xf32>
    %swap3A_1366 = vector.shape_cast %reshape3A_1358 : vector<8x8x128xf32> to vector<1x8x1x8x128xf32>
    tpu.vector_store %arg4[%swap3A_1359, %swap3A_1360, %swap3A_1361, %swap3A_1362, %swap3A_1363], %swap3A_1366 {strides = array<i32>} : memref<4x8x32x8x128xf32, #tpu.memory_space<vmem>>, vector<1x8x1x8x128xf32>,
    %get3A_1367 = arith.constant 6272 : index
    %get3A_1368 = arith.constant 0 : index
    %get3A_1369 = vector.load %arg1[%get3A_1367, %get3A_1368] : memref<16384x128xf32, #tpu.memory_space<vmem>>, vector<128x128xf32>
    %dot_general3A_1370 = arith.constant dense<0.000000e+00> : vector<128x128xf32>
    %dot_general3A_1371 = tpu.matmul %get3A_1369, %get3A_1, %dot_general3A_1370 {dimension_numbers = #tpu.dot_dimension_numbers<[0], [0], [1], [1], [0, 1, 1, 1], [], []>, transpose_lhs_hint = false} : vector<128x128xf32>, vector<128x128xf32>, vector<128x128xf32> -> vector<128x128xf32>
    %get3A_1372 = arith.constant 1 : index
    %get3A_1373 = arith.constant 17 : index
    %get3A_1374 = arith.constant 0 : index
    %get3A_1375 = vector.load %arg2[%get3A_1372, %get3A_1373, %get3A_1374] : memref<4x32x128xi32, #tpu.memory_space<vmem>>, vector<1x1x128xi32>
    %get3A_1376 = vector.shape_cast %get3A_1375 : vector<1x1x128xi32> to vector<128xi32>
    %ge3A_1377 = arith.constant 503808 : i32
    %ge3A_1378 = vector.broadcast %ge3A_1377 : i32 to vector<128xi32>
    %ge3A_1379 = arith.cmpi sge, %get3A_1376, %ge3A_1378 : vector<128xi32>
    %broadcast_in_dim3A_1380 = vector.shape_cast %ge3A_1379 : vector<128xi1> to vector<1x128xi1>
    %slice3A_1381 = vector.extract_strided_slice %dot_general3A_1371 {offsets = [64, 0], sizes = [64, 128], strides = [1, 1]} : vector<128x128xf32> to vector<64x128xf32>
    %slice3A_1382 = vector.extract_strided_slice %dot_general3A_1371 {offsets = [0, 0], sizes = [64, 128], strides = [1, 1]} : vector<128x128xf32> to vector<64x128xf32>
    %broadcast_in_dim3A_1383 = vector.shape_cast %broadcast_in_dim3A_1380 : vector<1x128xi1> to vector<1x128xi1>
    %broadcast_in_dim3A_1384 = vector.broadcast %broadcast_in_dim3A_1383 : vector<1x128xi1> to vector<64x128xi1>
    %select_n3A_1385 = arith.select %broadcast_in_dim3A_1384, %slice3A_1381, %slice3A_1382 : vector<64x128xi1>, vector<64x128xf32>
    %reshape3A_1386 = vector.shape_cast %select_n3A_1385 : vector<64x128xf32> to vector<8x8x128xf32>
    %swap3A_1387 = arith.constant 1 : index
    %swap3A_1388 = arith.constant 0 : index
    %swap3A_1389 = arith.constant 17 : index
    %swap3A_1390 = arith.constant 0 : index
    %swap3A_1391 = arith.constant 0 : index
    %swap3A_1392 = vector.load %arg4[%swap3A_1387, %swap3A_1388, %swap3A_1389, %swap3A_1390, %swap3A_1391] : memref<4x8x32x8x128xf32, #tpu.memory_space<vmem>>, vector<1x8x1x8x128xf32>
    %swap3A_1393 = vector.shape_cast %swap3A_1392 : vector<1x8x1x8x128xf32> to vector<8x8x128xf32>
    %swap3A_1394 = vector.shape_cast %reshape3A_1386 : vector<8x8x128xf32> to vector<1x8x1x8x128xf32>
    tpu.vector_store %arg4[%swap3A_1387, %swap3A_1388, %swap3A_1389, %swap3A_1390, %swap3A_1391], %swap3A_1394 {strides = array<i32>} : memref<4x8x32x8x128xf32, #tpu.memory_space<vmem>>, vector<1x8x1x8x128xf32>,
    %get3A_1395 = arith.constant 6400 : index
    %get3A_1396 = arith.constant 0 : index
    %get3A_1397 = vector.load %arg1[%get3A_1395, %get3A_1396] : memref<16384x128xf32, #tpu.memory_space<vmem>>, vector<128x128xf32>
    %dot_general3A_1398 = arith.constant dense<0.000000e+00> : vector<128x128xf32>
    %dot_general3A_1399 = tpu.matmul %get3A_1397, %get3A_1, %dot_general3A_1398 {dimension_numbers = #tpu.dot_dimension_numbers<[0], [0], [1], [1], [0, 1, 1, 1], [], []>, transpose_lhs_hint = false} : vector<128x128xf32>, vector<128x128xf32>, vector<128x128xf32> -> vector<128x128xf32>
    %get3A_1400 = arith.constant 1 : index
    %get3A_1401 = arith.constant 18 : index
    %get3A_1402 = arith.constant 0 : index
    %get3A_1403 = vector.load %arg2[%get3A_1400, %get3A_1401, %get3A_1402] : memref<4x32x128xi32, #tpu.memory_space<vmem>>, vector<1x1x128xi32>
    %get3A_1404 = vector.shape_cast %get3A_1403 : vector<1x1x128xi32> to vector<128xi32>
    %ge3A_1405 = arith.constant 503808 : i32
    %ge3A_1406 = vector.broadcast %ge3A_1405 : i32 to vector<128xi32>
    %ge3A_1407 = arith.cmpi sge, %get3A_1404, %ge3A_1406 : vector<128xi32>
    %broadcast_in_dim3A_1408 = vector.shape_cast %ge3A_1407 : vector<128xi1> to vector<1x128xi1>
    %slice3A_1409 = vector.extract_strided_slice %dot_general3A_1399 {offsets = [64, 0], sizes = [64, 128], strides = [1, 1]} : vector<128x128xf32> to vector<64x128xf32>
    %slice3A_1410 = vector.extract_strided_slice %dot_general3A_1399 {offsets = [0, 0], sizes = [64, 128], strides = [1, 1]} : vector<128x128xf32> to vector<64x128xf32>
    %broadcast_in_dim3A_1411 = vector.shape_cast %broadcast_in_dim3A_1408 : vector<1x128xi1> to vector<1x128xi1>
    %broadcast_in_dim3A_1412 = vector.broadcast %broadcast_in_dim3A_1411 : vector<1x128xi1> to vector<64x128xi1>
    %select_n3A_1413 = arith.select %broadcast_in_dim3A_1412, %slice3A_1409, %slice3A_1410 : vector<64x128xi1>, vector<64x128xf32>
    %reshape3A_1414 = vector.shape_cast %select_n3A_1413 : vector<64x128xf32> to vector<8x8x128xf32>
    %swap3A_1415 = arith.constant 1 : index
    %swap3A_1416 = arith.constant 0 : index
    %swap3A_1417 = arith.constant 18 : index
    %swap3A_1418 = arith.constant 0 : index
    %swap3A_1419 = arith.constant 0 : index
    %swap3A_1420 = vector.load %arg4[%swap3A_1415, %swap3A_1416, %swap3A_1417, %swap3A_1418, %swap3A_1419] : memref<4x8x32x8x128xf32, #tpu.memory_space<vmem>>, vector<1x8x1x8x128xf32>
    %swap3A_1421 = vector.shape_cast %swap3A_1420 : vector<1x8x1x8x128xf32> to vector<8x8x128xf32>
    %swap3A_1422 = vector.shape_cast %reshape3A_1414 : vector<8x8x128xf32> to vector<1x8x1x8x128xf32>
    tpu.vector_store %arg4[%swap3A_1415, %swap3A_1416, %swap3A_1417, %swap3A_1418, %swap3A_1419], %swap3A_1422 {strides = array<i32>} : memref<4x8x32x8x128xf32, #tpu.memory_space<vmem>>, vector<1x8x1x8x128xf32>,
    %get3A_1423 = arith.constant 6528 : index
    %get3A_1424 = arith.constant 0 : index
    %get3A_1425 = vector.load %arg1[%get3A_1423, %get3A_1424] : memref<16384x128xf32, #tpu.memory_space<vmem>>, vector<128x128xf32>
    %dot_general3A_1426 = arith.constant dense<0.000000e+00> : vector<128x128xf32>
    %dot_general3A_1427 = tpu.matmul %get3A_1425, %get3A_1, %dot_general3A_1426 {dimension_numbers = #tpu.dot_dimension_numbers<[0], [0], [1], [1], [0, 1, 1, 1], [], []>, transpose_lhs_hint = false} : vector<128x128xf32>, vector<128x128xf32>, vector<128x128xf32> -> vector<128x128xf32>
    %get3A_1428 = arith.constant 1 : index
    %get3A_1429 = arith.constant 19 : index
    %get3A_1430 = arith.constant 0 : index
    %get3A_1431 = vector.load %arg2[%get3A_1428, %get3A_1429, %get3A_1430] : memref<4x32x128xi32, #tpu.memory_space<vmem>>, vector<1x1x128xi32>
    %get3A_1432 = vector.shape_cast %get3A_1431 : vector<1x1x128xi32> to vector<128xi32>
    %ge3A_1433 = arith.constant 503808 : i32
    %ge3A_1434 = vector.broadcast %ge3A_1433 : i32 to vector<128xi32>
    %ge3A_1435 = arith.cmpi sge, %get3A_1432, %ge3A_1434 : vector<128xi32>
    %broadcast_in_dim3A_1436 = vector.shape_cast %ge3A_1435 : vector<128xi1> to vector<1x128xi1>
    %slice3A_1437 = vector.extract_strided_slice %dot_general3A_1427 {offsets = [64, 0], sizes = [64, 128], strides = [1, 1]} : vector<128x128xf32> to vector<64x128xf32>
    %slice3A_1438 = vector.extract_strided_slice %dot_general3A_1427 {offsets = [0, 0], sizes = [64, 128], strides = [1, 1]} : vector<128x128xf32> to vector<64x128xf32>
    %broadcast_in_dim3A_1439 = vector.shape_cast %broadcast_in_dim3A_1436 : vector<1x128xi1> to vector<1x128xi1>
    %broadcast_in_dim3A_1440 = vector.broadcast %broadcast_in_dim3A_1439 : vector<1x128xi1> to vector<64x128xi1>
    %select_n3A_1441 = arith.select %broadcast_in_dim3A_1440, %slice3A_1437, %slice3A_1438 : vector<64x128xi1>, vector<64x128xf32>
    %reshape3A_1442 = vector.shape_cast %select_n3A_1441 : vector<64x128xf32> to vector<8x8x128xf32>
    %swap3A_1443 = arith.constant 1 : index
    %swap3A_1444 = arith.constant 0 : index
    %swap3A_1445 = arith.constant 19 : index
    %swap3A_1446 = arith.constant 0 : index
    %swap3A_1447 = arith.constant 0 : index
    %swap3A_1448 = vector.load %arg4[%swap3A_1443, %swap3A_1444, %swap3A_1445, %swap3A_1446, %swap3A_1447] : memref<4x8x32x8x128xf32, #tpu.memory_space<vmem>>, vector<1x8x1x8x128xf32>
    %swap3A_1449 = vector.shape_cast %swap3A_1448 : vector<1x8x1x8x128xf32> to vector<8x8x128xf32>
    %swap3A_1450 = vector.shape_cast %reshape3A_1442 : vector<8x8x128xf32> to vector<1x8x1x8x128xf32>
    tpu.vector_store %arg4[%swap3A_1443, %swap3A_1444, %swap3A_1445, %swap3A_1446, %swap3A_1447], %swap3A_1450 {strides = array<i32>} : memref<4x8x32x8x128xf32, #tpu.memory_space<vmem>>, vector<1x8x1x8x128xf32>,
    %get3A_1451 = arith.constant 6656 : index
    %get3A_1452 = arith.constant 0 : index
    %get3A_1453 = vector.load %arg1[%get3A_1451, %get3A_1452] : memref<16384x128xf32, #tpu.memory_space<vmem>>, vector<128x128xf32>
    %dot_general3A_1454 = arith.constant dense<0.000000e+00> : vector<128x128xf32>
    %dot_general3A_1455 = tpu.matmul %get3A_1453, %get3A_1, %dot_general3A_1454 {dimension_numbers = #tpu.dot_dimension_numbers<[0], [0], [1], [1], [0, 1, 1, 1], [], []>, transpose_lhs_hint = false} : vector<128x128xf32>, vector<128x128xf32>, vector<128x128xf32> -> vector<128x128xf32>
    %get3A_1456 = arith.constant 1 : index
    %get3A_1457 = arith.constant 20 : index
    %get3A_1458 = arith.constant 0 : index
    %get3A_1459 = vector.load %arg2[%get3A_1456, %get3A_1457, %get3A_1458] : memref<4x32x128xi32, #tpu.memory_space<vmem>>, vector<1x1x128xi32>
    %get3A_1460 = vector.shape_cast %get3A_1459 : vector<1x1x128xi32> to vector<128xi32>
    %ge3A_1461 = arith.constant 503808 : i32
    %ge3A_1462 = vector.broadcast %ge3A_1461 : i32 to vector<128xi32>
    %ge3A_1463 = arith.cmpi sge, %get3A_1460, %ge3A_1462 : vector<128xi32>
    %broadcast_in_dim3A_1464 = vector.shape_cast %ge3A_1463 : vector<128xi1> to vector<1x128xi1>
    %slice3A_1465 = vector.extract_strided_slice %dot_general3A_1455 {offsets = [64, 0], sizes = [64, 128], strides = [1, 1]} : vector<128x128xf32> to vector<64x128xf32>
    %slice3A_1466 = vector.extract_strided_slice %dot_general3A_1455 {offsets = [0, 0], sizes = [64, 128], strides = [1, 1]} : vector<128x128xf32> to vector<64x128xf32>
    %broadcast_in_dim3A_1467 = vector.shape_cast %broadcast_in_dim3A_1464 : vector<1x128xi1> to vector<1x128xi1>
    %broadcast_in_dim3A_1468 = vector.broadcast %broadcast_in_dim3A_1467 : vector<1x128xi1> to vector<64x128xi1>
    %select_n3A_1469 = arith.select %broadcast_in_dim3A_1468, %slice3A_1465, %slice3A_1466 : vector<64x128xi1>, vector<64x128xf32>
    %reshape3A_1470 = vector.shape_cast %select_n3A_1469 : vector<64x128xf32> to vector<8x8x128xf32>
    %swap3A_1471 = arith.constant 1 : index
    %swap3A_1472 = arith.constant 0 : index
    %swap3A_1473 = arith.constant 20 : index
    %swap3A_1474 = arith.constant 0 : index
    %swap3A_1475 = arith.constant 0 : index
    %swap3A_1476 = vector.load %arg4[%swap3A_1471, %swap3A_1472, %swap3A_1473, %swap3A_1474, %swap3A_1475] : memref<4x8x32x8x128xf32, #tpu.memory_space<vmem>>, vector<1x8x1x8x128xf32>
    %swap3A_1477 = vector.shape_cast %swap3A_1476 : vector<1x8x1x8x128xf32> to vector<8x8x128xf32>
    %swap3A_1478 = vector.shape_cast %reshape3A_1470 : vector<8x8x128xf32> to vector<1x8x1x8x128xf32>
    tpu.vector_store %arg4[%swap3A_1471, %swap3A_1472, %swap3A_1473, %swap3A_1474, %swap3A_1475], %swap3A_1478 {strides = array<i32>} : memref<4x8x32x8x128xf32, #tpu.memory_space<vmem>>, vector<1x8x1x8x128xf32>,
    %get3A_1479 = arith.constant 6784 : index
    %get3A_1480 = arith.constant 0 : index
    %get3A_1481 = vector.load %arg1[%get3A_1479, %get3A_1480] : memref<16384x128xf32, #tpu.memory_space<vmem>>, vector<128x128xf32>
    %dot_general3A_1482 = arith.constant dense<0.000000e+00> : vector<128x128xf32>
    %dot_general3A_1483 = tpu.matmul %get3A_1481, %get3A_1, %dot_general3A_1482 {dimension_numbers = #tpu.dot_dimension_numbers<[0], [0], [1], [1], [0, 1, 1, 1], [], []>, transpose_lhs_hint = false} : vector<128x128xf32>, vector<128x128xf32>, vector<128x128xf32> -> vector<128x128xf32>
    %get3A_1484 = arith.constant 1 : index
    %get3A_1485 = arith.constant 21 : index
    %get3A_1486 = arith.constant 0 : index
    %get3A_1487 = vector.load %arg2[%get3A_1484, %get3A_1485, %get3A_1486] : memref<4x32x128xi32, #tpu.memory_space<vmem>>, vector<1x1x128xi32>
    %get3A_1488 = vector.shape_cast %get3A_1487 : vector<1x1x128xi32> to vector<128xi32>
    %ge3A_1489 = arith.constant 503808 : i32
    %ge3A_1490 = vector.broadcast %ge3A_1489 : i32 to vector<128xi32>
    %ge3A_1491 = arith.cmpi sge, %get3A_1488, %ge3A_1490 : vector<128xi32>
    %broadcast_in_dim3A_1492 = vector.shape_cast %ge3A_1491 : vector<128xi1> to vector<1x128xi1>
    %slice3A_1493 = vector.extract_strided_slice %dot_general3A_1483 {offsets = [64, 0], sizes = [64, 128], strides = [1, 1]} : vector<128x128xf32> to vector<64x128xf32>
    %slice3A_1494 = vector.extract_strided_slice %dot_general3A_1483 {offsets = [0, 0], sizes = [64, 128], strides = [1, 1]} : vector<128x128xf32> to vector<64x128xf32>
    %broadcast_in_dim3A_1495 = vector.shape_cast %broadcast_in_dim3A_1492 : vector<1x128xi1> to vector<1x128xi1>
    %broadcast_in_dim3A_1496 = vector.broadcast %broadcast_in_dim3A_1495 : vector<1x128xi1> to vector<64x128xi1>
    %select_n3A_1497 = arith.select %broadcast_in_dim3A_1496, %slice3A_1493, %slice3A_1494 : vector<64x128xi1>, vector<64x128xf32>
    %reshape3A_1498 = vector.shape_cast %select_n3A_1497 : vector<64x128xf32> to vector<8x8x128xf32>
    %swap3A_1499 = arith.constant 1 : index
    %swap3A_1500 = arith.constant 0 : index
    %swap3A_1501 = arith.constant 21 : index
    %swap3A_1502 = arith.constant 0 : index
    %swap3A_1503 = arith.constant 0 : index
    %swap3A_1504 = vector.load %arg4[%swap3A_1499, %swap3A_1500, %swap3A_1501, %swap3A_1502, %swap3A_1503] : memref<4x8x32x8x128xf32, #tpu.memory_space<vmem>>, vector<1x8x1x8x128xf32>
    %swap3A_1505 = vector.shape_cast %swap3A_1504 : vector<1x8x1x8x128xf32> to vector<8x8x128xf32>
    %swap3A_1506 = vector.shape_cast %reshape3A_1498 : vector<8x8x128xf32> to vector<1x8x1x8x128xf32>
    tpu.vector_store %arg4[%swap3A_1499, %swap3A_1500, %swap3A_1501, %swap3A_1502, %swap3A_1503], %swap3A_1506 {strides = array<i32>} : memref<4x8x32x8x128xf32, #tpu.memory_space<vmem>>, vector<1x8x1x8x128xf32>,
    %get3A_1507 = arith.constant 6912 : index
    %get3A_1508 = arith.constant 0 : index
    %get3A_1509 = vector.load %arg1[%get3A_1507, %get3A_1508] : memref<16384x128xf32, #tpu.memory_space<vmem>>, vector<128x128xf32>
    %dot_general3A_1510 = arith.constant dense<0.000000e+00> : vector<128x128xf32>
    %dot_general3A_1511 = tpu.matmul %get3A_1509, %get3A_1, %dot_general3A_1510 {dimension_numbers = #tpu.dot_dimension_numbers<[0], [0], [1], [1], [0, 1, 1, 1], [], []>, transpose_lhs_hint = false} : vector<128x128xf32>, vector<128x128xf32>, vector<128x128xf32> -> vector<128x128xf32>
    %get3A_1512 = arith.constant 1 : index
    %get3A_1513 = arith.constant 22 : index
    %get3A_1514 = arith.constant 0 : index
    %get3A_1515 = vector.load %arg2[%get3A_1512, %get3A_1513, %get3A_1514] : memref<4x32x128xi32, #tpu.memory_space<vmem>>, vector<1x1x128xi32>
    %get3A_1516 = vector.shape_cast %get3A_1515 : vector<1x1x128xi32> to vector<128xi32>
    %ge3A_1517 = arith.constant 503808 : i32
    %ge3A_1518 = vector.broadcast %ge3A_1517 : i32 to vector<128xi32>
    %ge3A_1519 = arith.cmpi sge, %get3A_1516, %ge3A_1518 : vector<128xi32>
    %broadcast_in_dim3A_1520 = vector.shape_cast %ge3A_1519 : vector<128xi1> to vector<1x128xi1>
    %slice3A_1521 = vector.extract_strided_slice %dot_general3A_1511 {offsets = [64, 0], sizes = [64, 128], strides = [1, 1]} : vector<128x128xf32> to vector<64x128xf32>
    %slice3A_1522 = vector.extract_strided_slice %dot_general3A_1511 {offsets = [0, 0], sizes = [64, 128], strides = [1, 1]} : vector<128x128xf32> to vector<64x128xf32>
    %broadcast_in_dim3A_1523 = vector.shape_cast %broadcast_in_dim3A_1520 : vector<1x128xi1> to vector<1x128xi1>
    %broadcast_in_dim3A_1524 = vector.broadcast %broadcast_in_dim3A_1523 : vector<1x128xi1> to vector<64x128xi1>
    %select_n3A_1525 = arith.select %broadcast_in_dim3A_1524, %slice3A_1521, %slice3A_1522 : vector<64x128xi1>, vector<64x128xf32>
    %reshape3A_1526 = vector.shape_cast %select_n3A_1525 : vector<64x128xf32> to vector<8x8x128xf32>
    %swap3A_1527 = arith.constant 1 : index
    %swap3A_1528 = arith.constant 0 : index
    %swap3A_1529 = arith.constant 22 : index
    %swap3A_1530 = arith.constant 0 : index
    %swap3A_1531 = arith.constant 0 : index
    %swap3A_1532 = vector.load %arg4[%swap3A_1527, %swap3A_1528, %swap3A_1529, %swap3A_1530, %swap3A_1531] : memref<4x8x32x8x128xf32, #tpu.memory_space<vmem>>, vector<1x8x1x8x128xf32>
    %swap3A_1533 = vector.shape_cast %swap3A_1532 : vector<1x8x1x8x128xf32> to vector<8x8x128xf32>
    %swap3A_1534 = vector.shape_cast %reshape3A_1526 : vector<8x8x128xf32> to vector<1x8x1x8x128xf32>
    tpu.vector_store %arg4[%swap3A_1527, %swap3A_1528, %swap3A_1529, %swap3A_1530, %swap3A_1531], %swap3A_1534 {strides = array<i32>} : memref<4x8x32x8x128xf32, #tpu.memory_space<vmem>>, vector<1x8x1x8x128xf32>,
    %get3A_1535 = arith.constant 7040 : index
    %get3A_1536 = arith.constant 0 : index
    %get3A_1537 = vector.load %arg1[%get3A_1535, %get3A_1536] : memref<16384x128xf32, #tpu.memory_space<vmem>>, vector<128x128xf32>
    %dot_general3A_1538 = arith.constant dense<0.000000e+00> : vector<128x128xf32>
    %dot_general3A_1539 = tpu.matmul %get3A_1537, %get3A_1, %dot_general3A_1538 {dimension_numbers = #tpu.dot_dimension_numbers<[0], [0], [1], [1], [0, 1, 1, 1], [], []>, transpose_lhs_hint = false} : vector<128x128xf32>, vector<128x128xf32>, vector<128x128xf32> -> vector<128x128xf32>
    %get3A_1540 = arith.constant 1 : index
    %get3A_1541 = arith.constant 23 : index
    %get3A_1542 = arith.constant 0 : index
    %get3A_1543 = vector.load %arg2[%get3A_1540, %get3A_1541, %get3A_1542] : memref<4x32x128xi32, #tpu.memory_space<vmem>>, vector<1x1x128xi32>
    %get3A_1544 = vector.shape_cast %get3A_1543 : vector<1x1x128xi32> to vector<128xi32>
    %ge3A_1545 = arith.constant 503808 : i32
    %ge3A_1546 = vector.broadcast %ge3A_1545 : i32 to vector<128xi32>
    %ge3A_1547 = arith.cmpi sge, %get3A_1544, %ge3A_1546 : vector<128xi32>
    %broadcast_in_dim3A_1548 = vector.shape_cast %ge3A_1547 : vector<128xi1> to vector<1x128xi1>
    %slice3A_1549 = vector.extract_strided_slice %dot_general3A_1539 {offsets = [64, 0], sizes = [64, 128], strides = [1, 1]} : vector<128x128xf32> to vector<64x128xf32>
    %slice3A_1550 = vector.extract_strided_slice %dot_general3A_1539 {offsets = [0, 0], sizes = [64, 128], strides = [1, 1]} : vector<128x128xf32> to vector<64x128xf32>
    %broadcast_in_dim3A_1551 = vector.shape_cast %broadcast_in_dim3A_1548 : vector<1x128xi1> to vector<1x128xi1>
    %broadcast_in_dim3A_1552 = vector.broadcast %broadcast_in_dim3A_1551 : vector<1x128xi1> to vector<64x128xi1>
    %select_n3A_1553 = arith.select %broadcast_in_dim3A_1552, %slice3A_1549, %slice3A_1550 : vector<64x128xi1>, vector<64x128xf32>
    %reshape3A_1554 = vector.shape_cast %select_n3A_1553 : vector<64x128xf32> to vector<8x8x128xf32>
    %swap3A_1555 = arith.constant 1 : index
    %swap3A_1556 = arith.constant 0 : index
    %swap3A_1557 = arith.constant 23 : index
    %swap3A_1558 = arith.constant 0 : index
    %swap3A_1559 = arith.constant 0 : index
    %swap3A_1560 = vector.load %arg4[%swap3A_1555, %swap3A_1556, %swap3A_1557, %swap3A_1558, %swap3A_1559] : memref<4x8x32x8x128xf32, #tpu.memory_space<vmem>>, vector<1x8x1x8x128xf32>
    %swap3A_1561 = vector.shape_cast %swap3A_1560 : vector<1x8x1x8x128xf32> to vector<8x8x128xf32>
    %swap3A_1562 = vector.shape_cast %reshape3A_1554 : vector<8x8x128xf32> to vector<1x8x1x8x128xf32>
    tpu.vector_store %arg4[%swap3A_1555, %swap3A_1556, %swap3A_1557, %swap3A_1558, %swap3A_1559], %swap3A_1562 {strides = array<i32>} : memref<4x8x32x8x128xf32, #tpu.memory_space<vmem>>, vector<1x8x1x8x128xf32>,
    %get3A_1563 = arith.constant 7168 : index
    %get3A_1564 = arith.constant 0 : index
    %get3A_1565 = vector.load %arg1[%get3A_1563, %get3A_1564] : memref<16384x128xf32, #tpu.memory_space<vmem>>, vector<128x128xf32>
    %dot_general3A_1566 = arith.constant dense<0.000000e+00> : vector<128x128xf32>
    %dot_general3A_1567 = tpu.matmul %get3A_1565, %get3A_1, %dot_general3A_1566 {dimension_numbers = #tpu.dot_dimension_numbers<[0], [0], [1], [1], [0, 1, 1, 1], [], []>, transpose_lhs_hint = false} : vector<128x128xf32>, vector<128x128xf32>, vector<128x128xf32> -> vector<128x128xf32>
    %get3A_1568 = arith.constant 1 : index
    %get3A_1569 = arith.constant 24 : index
    %get3A_1570 = arith.constant 0 : index
    %get3A_1571 = vector.load %arg2[%get3A_1568, %get3A_1569, %get3A_1570] : memref<4x32x128xi32, #tpu.memory_space<vmem>>, vector<1x1x128xi32>
    %get3A_1572 = vector.shape_cast %get3A_1571 : vector<1x1x128xi32> to vector<128xi32>
    %ge3A_1573 = arith.constant 503808 : i32
    %ge3A_1574 = vector.broadcast %ge3A_1573 : i32 to vector<128xi32>
    %ge3A_1575 = arith.cmpi sge, %get3A_1572, %ge3A_1574 : vector<128xi32>
    %broadcast_in_dim3A_1576 = vector.shape_cast %ge3A_1575 : vector<128xi1> to vector<1x128xi1>
    %slice3A_1577 = vector.extract_strided_slice %dot_general3A_1567 {offsets = [64, 0], sizes = [64, 128], strides = [1, 1]} : vector<128x128xf32> to vector<64x128xf32>
    %slice3A_1578 = vector.extract_strided_slice %dot_general3A_1567 {offsets = [0, 0], sizes = [64, 128], strides = [1, 1]} : vector<128x128xf32> to vector<64x128xf32>
    %broadcast_in_dim3A_1579 = vector.shape_cast %broadcast_in_dim3A_1576 : vector<1x128xi1> to vector<1x128xi1>
    %broadcast_in_dim3A_1580 = vector.broadcast %broadcast_in_dim3A_1579 : vector<1x128xi1> to vector<64x128xi1>
    %select_n3A_1581 = arith.select %broadcast_in_dim3A_1580, %slice3A_1577, %slice3A_1578 : vector<64x128xi1>, vector<64x128xf32>
    %reshape3A_1582 = vector.shape_cast %select_n3A_1581 : vector<64x128xf32> to vector<8x8x128xf32>
    %swap3A_1583 = arith.constant 1 : index
    %swap3A_1584 = arith.constant 0 : index
    %swap3A_1585 = arith.constant 24 : index
    %swap3A_1586 = arith.constant 0 : index
    %swap3A_1587 = arith.constant 0 : index
    %swap3A_1588 = vector.load %arg4[%swap3A_1583, %swap3A_1584, %swap3A_1585, %swap3A_1586, %swap3A_1587] : memref<4x8x32x8x128xf32, #tpu.memory_space<vmem>>, vector<1x8x1x8x128xf32>
    %swap3A_1589 = vector.shape_cast %swap3A_1588 : vector<1x8x1x8x128xf32> to vector<8x8x128xf32>
    %swap3A_1590 = vector.shape_cast %reshape3A_1582 : vector<8x8x128xf32> to vector<1x8x1x8x128xf32>
    tpu.vector_store %arg4[%swap3A_1583, %swap3A_1584, %swap3A_1585, %swap3A_1586, %swap3A_1587], %swap3A_1590 {strides = array<i32>} : memref<4x8x32x8x128xf32, #tpu.memory_space<vmem>>, vector<1x8x1x8x128xf32>,
    %get3A_1591 = arith.constant 7296 : index
    %get3A_1592 = arith.constant 0 : index
    %get3A_1593 = vector.load %arg1[%get3A_1591, %get3A_1592] : memref<16384x128xf32, #tpu.memory_space<vmem>>, vector<128x128xf32>
    %dot_general3A_1594 = arith.constant dense<0.000000e+00> : vector<128x128xf32>
    %dot_general3A_1595 = tpu.matmul %get3A_1593, %get3A_1, %dot_general3A_1594 {dimension_numbers = #tpu.dot_dimension_numbers<[0], [0], [1], [1], [0, 1, 1, 1], [], []>, transpose_lhs_hint = false} : vector<128x128xf32>, vector<128x128xf32>, vector<128x128xf32> -> vector<128x128xf32>
    %get3A_1596 = arith.constant 1 : index
    %get3A_1597 = arith.constant 25 : index
    %get3A_1598 = arith.constant 0 : index
    %get3A_1599 = vector.load %arg2[%get3A_1596, %get3A_1597, %get3A_1598] : memref<4x32x128xi32, #tpu.memory_space<vmem>>, vector<1x1x128xi32>
    %get3A_1600 = vector.shape_cast %get3A_1599 : vector<1x1x128xi32> to vector<128xi32>
    %ge3A_1601 = arith.constant 503808 : i32
    %ge3A_1602 = vector.broadcast %ge3A_1601 : i32 to vector<128xi32>
    %ge3A_1603 = arith.cmpi sge, %get3A_1600, %ge3A_1602 : vector<128xi32>
    %broadcast_in_dim3A_1604 = vector.shape_cast %ge3A_1603 : vector<128xi1> to vector<1x128xi1>
    %slice3A_1605 = vector.extract_strided_slice %dot_general3A_1595 {offsets = [64, 0], sizes = [64, 128], strides = [1, 1]} : vector<128x128xf32> to vector<64x128xf32>
    %slice3A_1606 = vector.extract_strided_slice %dot_general3A_1595 {offsets = [0, 0], sizes = [64, 128], strides = [1, 1]} : vector<128x128xf32> to vector<64x128xf32>
    %broadcast_in_dim3A_1607 = vector.shape_cast %broadcast_in_dim3A_1604 : vector<1x128xi1> to vector<1x128xi1>
    %broadcast_in_dim3A_1608 = vector.broadcast %broadcast_in_dim3A_1607 : vector<1x128xi1> to vector<64x128xi1>
    %select_n3A_1609 = arith.select %broadcast_in_dim3A_1608, %slice3A_1605, %slice3A_1606 : vector<64x128xi1>, vector<64x128xf32>
    %reshape3A_1610 = vector.shape_cast %select_n3A_1609 : vector<64x128xf32> to vector<8x8x128xf32>
    %swap3A_1611 = arith.constant 1 : index
    %swap3A_1612 = arith.constant 0 : index
    %swap3A_1613 = arith.constant 25 : index
    %swap3A_1614 = arith.constant 0 : index
    %swap3A_1615 = arith.constant 0 : index
    %swap3A_1616 = vector.load %arg4[%swap3A_1611, %swap3A_1612, %swap3A_1613, %swap3A_1614, %swap3A_1615] : memref<4x8x32x8x128xf32, #tpu.memory_space<vmem>>, vector<1x8x1x8x128xf32>
    %swap3A_1617 = vector.shape_cast %swap3A_1616 : vector<1x8x1x8x128xf32> to vector<8x8x128xf32>
    %swap3A_1618 = vector.shape_cast %reshape3A_1610 : vector<8x8x128xf32> to vector<1x8x1x8x128xf32>
    tpu.vector_store %arg4[%swap3A_1611, %swap3A_1612, %swap3A_1613, %swap3A_1614, %swap3A_1615], %swap3A_1618 {strides = array<i32>} : memref<4x8x32x8x128xf32, #tpu.memory_space<vmem>>, vector<1x8x1x8x128xf32>,
    %get3A_1619 = arith.constant 7424 : index
    %get3A_1620 = arith.constant 0 : index
    %get3A_1621 = vector.load %arg1[%get3A_1619, %get3A_1620] : memref<16384x128xf32, #tpu.memory_space<vmem>>, vector<128x128xf32>
    %dot_general3A_1622 = arith.constant dense<0.000000e+00> : vector<128x128xf32>
    %dot_general3A_1623 = tpu.matmul %get3A_1621, %get3A_1, %dot_general3A_1622 {dimension_numbers = #tpu.dot_dimension_numbers<[0], [0], [1], [1], [0, 1, 1, 1], [], []>, transpose_lhs_hint = false} : vector<128x128xf32>, vector<128x128xf32>, vector<128x128xf32> -> vector<128x128xf32>
    %get3A_1624 = arith.constant 1 : index
    %get3A_1625 = arith.constant 26 : index
    %get3A_1626 = arith.constant 0 : index
    %get3A_1627 = vector.load %arg2[%get3A_1624, %get3A_1625, %get3A_1626] : memref<4x32x128xi32, #tpu.memory_space<vmem>>, vector<1x1x128xi32>
    %get3A_1628 = vector.shape_cast %get3A_1627 : vector<1x1x128xi32> to vector<128xi32>
    %ge3A_1629 = arith.constant 503808 : i32
    %ge3A_1630 = vector.broadcast %ge3A_1629 : i32 to vector<128xi32>
    %ge3A_1631 = arith.cmpi sge, %get3A_1628, %ge3A_1630 : vector<128xi32>
    %broadcast_in_dim3A_1632 = vector.shape_cast %ge3A_1631 : vector<128xi1> to vector<1x128xi1>
    %slice3A_1633 = vector.extract_strided_slice %dot_general3A_1623 {offsets = [64, 0], sizes = [64, 128], strides = [1, 1]} : vector<128x128xf32> to vector<64x128xf32>
    %slice3A_1634 = vector.extract_strided_slice %dot_general3A_1623 {offsets = [0, 0], sizes = [64, 128], strides = [1, 1]} : vector<128x128xf32> to vector<64x128xf32>
    %broadcast_in_dim3A_1635 = vector.shape_cast %broadcast_in_dim3A_1632 : vector<1x128xi1> to vector<1x128xi1>
    %broadcast_in_dim3A_1636 = vector.broadcast %broadcast_in_dim3A_1635 : vector<1x128xi1> to vector<64x128xi1>
    %select_n3A_1637 = arith.select %broadcast_in_dim3A_1636, %slice3A_1633, %slice3A_1634 : vector<64x128xi1>, vector<64x128xf32>
    %reshape3A_1638 = vector.shape_cast %select_n3A_1637 : vector<64x128xf32> to vector<8x8x128xf32>
    %swap3A_1639 = arith.constant 1 : index
    %swap3A_1640 = arith.constant 0 : index
    %swap3A_1641 = arith.constant 26 : index
    %swap3A_1642 = arith.constant 0 : index
    %swap3A_1643 = arith.constant 0 : index
    %swap3A_1644 = vector.load %arg4[%swap3A_1639, %swap3A_1640, %swap3A_1641, %swap3A_1642, %swap3A_1643] : memref<4x8x32x8x128xf32, #tpu.memory_space<vmem>>, vector<1x8x1x8x128xf32>
    %swap3A_1645 = vector.shape_cast %swap3A_1644 : vector<1x8x1x8x128xf32> to vector<8x8x128xf32>
    %swap3A_1646 = vector.shape_cast %reshape3A_1638 : vector<8x8x128xf32> to vector<1x8x1x8x128xf32>
    tpu.vector_store %arg4[%swap3A_1639, %swap3A_1640, %swap3A_1641, %swap3A_1642, %swap3A_1643], %swap3A_1646 {strides = array<i32>} : memref<4x8x32x8x128xf32, #tpu.memory_space<vmem>>, vector<1x8x1x8x128xf32>,
    %get3A_1647 = arith.constant 7552 : index
    %get3A_1648 = arith.constant 0 : index
    %get3A_1649 = vector.load %arg1[%get3A_1647, %get3A_1648] : memref<16384x128xf32, #tpu.memory_space<vmem>>, vector<128x128xf32>
    %dot_general3A_1650 = arith.constant dense<0.000000e+00> : vector<128x128xf32>
    %dot_general3A_1651 = tpu.matmul %get3A_1649, %get3A_1, %dot_general3A_1650 {dimension_numbers = #tpu.dot_dimension_numbers<[0], [0], [1], [1], [0, 1, 1, 1], [], []>, transpose_lhs_hint = false} : vector<128x128xf32>, vector<128x128xf32>, vector<128x128xf32> -> vector<128x128xf32>
    %get3A_1652 = arith.constant 1 : index
    %get3A_1653 = arith.constant 27 : index
    %get3A_1654 = arith.constant 0 : index
    %get3A_1655 = vector.load %arg2[%get3A_1652, %get3A_1653, %get3A_1654] : memref<4x32x128xi32, #tpu.memory_space<vmem>>, vector<1x1x128xi32>
    %get3A_1656 = vector.shape_cast %get3A_1655 : vector<1x1x128xi32> to vector<128xi32>
    %ge3A_1657 = arith.constant 503808 : i32
    %ge3A_1658 = vector.broadcast %ge3A_1657 : i32 to vector<128xi32>
    %ge3A_1659 = arith.cmpi sge, %get3A_1656, %ge3A_1658 : vector<128xi32>
    %broadcast_in_dim3A_1660 = vector.shape_cast %ge3A_1659 : vector<128xi1> to vector<1x128xi1>
    %slice3A_1661 = vector.extract_strided_slice %dot_general3A_1651 {offsets = [64, 0], sizes = [64, 128], strides = [1, 1]} : vector<128x128xf32> to vector<64x128xf32>
    %slice3A_1662 = vector.extract_strided_slice %dot_general3A_1651 {offsets = [0, 0], sizes = [64, 128], strides = [1, 1]} : vector<128x128xf32> to vector<64x128xf32>
    %broadcast_in_dim3A_1663 = vector.shape_cast %broadcast_in_dim3A_1660 : vector<1x128xi1> to vector<1x128xi1>
    %broadcast_in_dim3A_1664 = vector.broadcast %broadcast_in_dim3A_1663 : vector<1x128xi1> to vector<64x128xi1>
    %select_n3A_1665 = arith.select %broadcast_in_dim3A_1664, %slice3A_1661, %slice3A_1662 : vector<64x128xi1>, vector<64x128xf32>
    %reshape3A_1666 = vector.shape_cast %select_n3A_1665 : vector<64x128xf32> to vector<8x8x128xf32>
    %swap3A_1667 = arith.constant 1 : index
    %swap3A_1668 = arith.constant 0 : index
    %swap3A_1669 = arith.constant 27 : index
    %swap3A_1670 = arith.constant 0 : index
    %swap3A_1671 = arith.constant 0 : index
    %swap3A_1672 = vector.load %arg4[%swap3A_1667, %swap3A_1668, %swap3A_1669, %swap3A_1670, %swap3A_1671] : memref<4x8x32x8x128xf32, #tpu.memory_space<vmem>>, vector<1x8x1x8x128xf32>
    %swap3A_1673 = vector.shape_cast %swap3A_1672 : vector<1x8x1x8x128xf32> to vector<8x8x128xf32>
    %swap3A_1674 = vector.shape_cast %reshape3A_1666 : vector<8x8x128xf32> to vector<1x8x1x8x128xf32>
    tpu.vector_store %arg4[%swap3A_1667, %swap3A_1668, %swap3A_1669, %swap3A_1670, %swap3A_1671], %swap3A_1674 {strides = array<i32>} : memref<4x8x32x8x128xf32, #tpu.memory_space<vmem>>, vector<1x8x1x8x128xf32>,
    %get3A_1675 = arith.constant 7680 : index
    %get3A_1676 = arith.constant 0 : index
    %get3A_1677 = vector.load %arg1[%get3A_1675, %get3A_1676] : memref<16384x128xf32, #tpu.memory_space<vmem>>, vector<128x128xf32>
    %dot_general3A_1678 = arith.constant dense<0.000000e+00> : vector<128x128xf32>
    %dot_general3A_1679 = tpu.matmul %get3A_1677, %get3A_1, %dot_general3A_1678 {dimension_numbers = #tpu.dot_dimension_numbers<[0], [0], [1], [1], [0, 1, 1, 1], [], []>, transpose_lhs_hint = false} : vector<128x128xf32>, vector<128x128xf32>, vector<128x128xf32> -> vector<128x128xf32>
    %get3A_1680 = arith.constant 1 : index
    %get3A_1681 = arith.constant 28 : index
    %get3A_1682 = arith.constant 0 : index
    %get3A_1683 = vector.load %arg2[%get3A_1680, %get3A_1681, %get3A_1682] : memref<4x32x128xi32, #tpu.memory_space<vmem>>, vector<1x1x128xi32>
    %get3A_1684 = vector.shape_cast %get3A_1683 : vector<1x1x128xi32> to vector<128xi32>
    %ge3A_1685 = arith.constant 503808 : i32
    %ge3A_1686 = vector.broadcast %ge3A_1685 : i32 to vector<128xi32>
    %ge3A_1687 = arith.cmpi sge, %get3A_1684, %ge3A_1686 : vector<128xi32>
    %broadcast_in_dim3A_1688 = vector.shape_cast %ge3A_1687 : vector<128xi1> to vector<1x128xi1>
    %slice3A_1689 = vector.extract_strided_slice %dot_general3A_1679 {offsets = [64, 0], sizes = [64, 128], strides = [1, 1]} : vector<128x128xf32> to vector<64x128xf32>
    %slice3A_1690 = vector.extract_strided_slice %dot_general3A_1679 {offsets = [0, 0], sizes = [64, 128], strides = [1, 1]} : vector<128x128xf32> to vector<64x128xf32>
    %broadcast_in_dim3A_1691 = vector.shape_cast %broadcast_in_dim3A_1688 : vector<1x128xi1> to vector<1x128xi1>
    %broadcast_in_dim3A_1692 = vector.broadcast %broadcast_in_dim3A_1691 : vector<1x128xi1> to vector<64x128xi1>
    %select_n3A_1693 = arith.select %broadcast_in_dim3A_1692, %slice3A_1689, %slice3A_1690 : vector<64x128xi1>, vector<64x128xf32>
    %reshape3A_1694 = vector.shape_cast %select_n3A_1693 : vector<64x128xf32> to vector<8x8x128xf32>
    %swap3A_1695 = arith.constant 1 : index
    %swap3A_1696 = arith.constant 0 : index
    %swap3A_1697 = arith.constant 28 : index
    %swap3A_1698 = arith.constant 0 : index
    %swap3A_1699 = arith.constant 0 : index
    %swap3A_1700 = vector.load %arg4[%swap3A_1695, %swap3A_1696, %swap3A_1697, %swap3A_1698, %swap3A_1699] : memref<4x8x32x8x128xf32, #tpu.memory_space<vmem>>, vector<1x8x1x8x128xf32>
    %swap3A_1701 = vector.shape_cast %swap3A_1700 : vector<1x8x1x8x128xf32> to vector<8x8x128xf32>
    %swap3A_1702 = vector.shape_cast %reshape3A_1694 : vector<8x8x128xf32> to vector<1x8x1x8x128xf32>
    tpu.vector_store %arg4[%swap3A_1695, %swap3A_1696, %swap3A_1697, %swap3A_1698, %swap3A_1699], %swap3A_1702 {strides = array<i32>} : memref<4x8x32x8x128xf32, #tpu.memory_space<vmem>>, vector<1x8x1x8x128xf32>,
    %get3A_1703 = arith.constant 7808 : index
    %get3A_1704 = arith.constant 0 : index
    %get3A_1705 = vector.load %arg1[%get3A_1703, %get3A_1704] : memref<16384x128xf32, #tpu.memory_space<vmem>>, vector<128x128xf32>
    %dot_general3A_1706 = arith.constant dense<0.000000e+00> : vector<128x128xf32>
    %dot_general3A_1707 = tpu.matmul %get3A_1705, %get3A_1, %dot_general3A_1706 {dimension_numbers = #tpu.dot_dimension_numbers<[0], [0], [1], [1], [0, 1, 1, 1], [], []>, transpose_lhs_hint = false} : vector<128x128xf32>, vector<128x128xf32>, vector<128x128xf32> -> vector<128x128xf32>
    %get3A_1708 = arith.constant 1 : index
    %get3A_1709 = arith.constant 29 : index
    %get3A_1710 = arith.constant 0 : index
    %get3A_1711 = vector.load %arg2[%get3A_1708, %get3A_1709, %get3A_1710] : memref<4x32x128xi32, #tpu.memory_space<vmem>>, vector<1x1x128xi32>
    %get3A_1712 = vector.shape_cast %get3A_1711 : vector<1x1x128xi32> to vector<128xi32>
    %ge3A_1713 = arith.constant 503808 : i32
    %ge3A_1714 = vector.broadcast %ge3A_1713 : i32 to vector<128xi32>
    %ge3A_1715 = arith.cmpi sge, %get3A_1712, %ge3A_1714 : vector<128xi32>
    %broadcast_in_dim3A_1716 = vector.shape_cast %ge3A_1715 : vector<128xi1> to vector<1x128xi1>
    %slice3A_1717 = vector.extract_strided_slice %dot_general3A_1707 {offsets = [64, 0], sizes = [64, 128], strides = [1, 1]} : vector<128x128xf32> to vector<64x128xf32>
    %slice3A_1718 = vector.extract_strided_slice %dot_general3A_1707 {offsets = [0, 0], sizes = [64, 128], strides = [1, 1]} : vector<128x128xf32> to vector<64x128xf32>
    %broadcast_in_dim3A_1719 = vector.shape_cast %broadcast_in_dim3A_1716 : vector<1x128xi1> to vector<1x128xi1>
    %broadcast_in_dim3A_1720 = vector.broadcast %broadcast_in_dim3A_1719 : vector<1x128xi1> to vector<64x128xi1>
    %select_n3A_1721 = arith.select %broadcast_in_dim3A_1720, %slice3A_1717, %slice3A_1718 : vector<64x128xi1>, vector<64x128xf32>
    %reshape3A_1722 = vector.shape_cast %select_n3A_1721 : vector<64x128xf32> to vector<8x8x128xf32>
    %swap3A_1723 = arith.constant 1 : index
    %swap3A_1724 = arith.constant 0 : index
    %swap3A_1725 = arith.constant 29 : index
    %swap3A_1726 = arith.constant 0 : index
    %swap3A_1727 = arith.constant 0 : index
    %swap3A_1728 = vector.load %arg4[%swap3A_1723, %swap3A_1724, %swap3A_1725, %swap3A_1726, %swap3A_1727] : memref<4x8x32x8x128xf32, #tpu.memory_space<vmem>>, vector<1x8x1x8x128xf32>
    %swap3A_1729 = vector.shape_cast %swap3A_1728 : vector<1x8x1x8x128xf32> to vector<8x8x128xf32>
    %swap3A_1730 = vector.shape_cast %reshape3A_1722 : vector<8x8x128xf32> to vector<1x8x1x8x128xf32>
    tpu.vector_store %arg4[%swap3A_1723, %swap3A_1724, %swap3A_1725, %swap3A_1726, %swap3A_1727], %swap3A_1730 {strides = array<i32>} : memref<4x8x32x8x128xf32, #tpu.memory_space<vmem>>, vector<1x8x1x8x128xf32>,
    %get3A_1731 = arith.constant 7936 : index
    %get3A_1732 = arith.constant 0 : index
    %get3A_1733 = vector.load %arg1[%get3A_1731, %get3A_1732] : memref<16384x128xf32, #tpu.memory_space<vmem>>, vector<128x128xf32>
    %dot_general3A_1734 = arith.constant dense<0.000000e+00> : vector<128x128xf32>
    %dot_general3A_1735 = tpu.matmul %get3A_1733, %get3A_1, %dot_general3A_1734 {dimension_numbers = #tpu.dot_dimension_numbers<[0], [0], [1], [1], [0, 1, 1, 1], [], []>, transpose_lhs_hint = false} : vector<128x128xf32>, vector<128x128xf32>, vector<128x128xf32> -> vector<128x128xf32>
    %get3A_1736 = arith.constant 1 : index
    %get3A_1737 = arith.constant 30 : index
    %get3A_1738 = arith.constant 0 : index
    %get3A_1739 = vector.load %arg2[%get3A_1736, %get3A_1737, %get3A_1738] : memref<4x32x128xi32, #tpu.memory_space<vmem>>, vector<1x1x128xi32>
    %get3A_1740 = vector.shape_cast %get3A_1739 : vector<1x1x128xi32> to vector<128xi32>
    %ge3A_1741 = arith.constant 503808 : i32
    %ge3A_1742 = vector.broadcast %ge3A_1741 : i32 to vector<128xi32>
    %ge3A_1743 = arith.cmpi sge, %get3A_1740, %ge3A_1742 : vector<128xi32>
    %broadcast_in_dim3A_1744 = vector.shape_cast %ge3A_1743 : vector<128xi1> to vector<1x128xi1>
    %slice3A_1745 = vector.extract_strided_slice %dot_general3A_1735 {offsets = [64, 0], sizes = [64, 128], strides = [1, 1]} : vector<128x128xf32> to vector<64x128xf32>
    %slice3A_1746 = vector.extract_strided_slice %dot_general3A_1735 {offsets = [0, 0], sizes = [64, 128], strides = [1, 1]} : vector<128x128xf32> to vector<64x128xf32>
    %broadcast_in_dim3A_1747 = vector.shape_cast %broadcast_in_dim3A_1744 : vector<1x128xi1> to vector<1x128xi1>
    %broadcast_in_dim3A_1748 = vector.broadcast %broadcast_in_dim3A_1747 : vector<1x128xi1> to vector<64x128xi1>
    %select_n3A_1749 = arith.select %broadcast_in_dim3A_1748, %slice3A_1745, %slice3A_1746 : vector<64x128xi1>, vector<64x128xf32>
    %reshape3A_1750 = vector.shape_cast %select_n3A_1749 : vector<64x128xf32> to vector<8x8x128xf32>
    %swap3A_1751 = arith.constant 1 : index
    %swap3A_1752 = arith.constant 0 : index
    %swap3A_1753 = arith.constant 30 : index
    %swap3A_1754 = arith.constant 0 : index
    %swap3A_1755 = arith.constant 0 : index
    %swap3A_1756 = vector.load %arg4[%swap3A_1751, %swap3A_1752, %swap3A_1753, %swap3A_1754, %swap3A_1755] : memref<4x8x32x8x128xf32, #tpu.memory_space<vmem>>, vector<1x8x1x8x128xf32>
    %swap3A_1757 = vector.shape_cast %swap3A_1756 : vector<1x8x1x8x128xf32> to vector<8x8x128xf32>
    %swap3A_1758 = vector.shape_cast %reshape3A_1750 : vector<8x8x128xf32> to vector<1x8x1x8x128xf32>
    tpu.vector_store %arg4[%swap3A_1751, %swap3A_1752, %swap3A_1753, %swap3A_1754, %swap3A_1755], %swap3A_1758 {strides = array<i32>} : memref<4x8x32x8x128xf32, #tpu.memory_space<vmem>>, vector<1x8x1x8x128xf32>,
    %get3A_1759 = arith.constant 8064 : index
    %get3A_1760 = arith.constant 0 : index
    %get3A_1761 = vector.load %arg1[%get3A_1759, %get3A_1760] : memref<16384x128xf32, #tpu.memory_space<vmem>>, vector<128x128xf32>
    %dot_general3A_1762 = arith.constant dense<0.000000e+00> : vector<128x128xf32>
    %dot_general3A_1763 = tpu.matmul %get3A_1761, %get3A_1, %dot_general3A_1762 {dimension_numbers = #tpu.dot_dimension_numbers<[0], [0], [1], [1], [0, 1, 1, 1], [], []>, transpose_lhs_hint = false} : vector<128x128xf32>, vector<128x128xf32>, vector<128x128xf32> -> vector<128x128xf32>
    %get3A_1764 = arith.constant 1 : index
    %get3A_1765 = arith.constant 31 : index
    %get3A_1766 = arith.constant 0 : index
    %get3A_1767 = vector.load %arg2[%get3A_1764, %get3A_1765, %get3A_1766] : memref<4x32x128xi32, #tpu.memory_space<vmem>>, vector<1x1x128xi32>
    %get3A_1768 = vector.shape_cast %get3A_1767 : vector<1x1x128xi32> to vector<128xi32>
    %ge3A_1769 = arith.constant 503808 : i32
    %ge3A_1770 = vector.broadcast %ge3A_1769 : i32 to vector<128xi32>
    %ge3A_1771 = arith.cmpi sge, %get3A_1768, %ge3A_1770 : vector<128xi32>
    %broadcast_in_dim3A_1772 = vector.shape_cast %ge3A_1771 : vector<128xi1> to vector<1x128xi1>
    %slice3A_1773 = vector.extract_strided_slice %dot_general3A_1763 {offsets = [64, 0], sizes = [64, 128], strides = [1, 1]} : vector<128x128xf32> to vector<64x128xf32>
    %slice3A_1774 = vector.extract_strided_slice %dot_general3A_1763 {offsets = [0, 0], sizes = [64, 128], strides = [1, 1]} : vector<128x128xf32> to vector<64x128xf32>
    %broadcast_in_dim3A_1775 = vector.shape_cast %broadcast_in_dim3A_1772 : vector<1x128xi1> to vector<1x128xi1>
    %broadcast_in_dim3A_1776 = vector.broadcast %broadcast_in_dim3A_1775 : vector<1x128xi1> to vector<64x128xi1>
    %select_n3A_1777 = arith.select %broadcast_in_dim3A_1776, %slice3A_1773, %slice3A_1774 : vector<64x128xi1>, vector<64x128xf32>
    %reshape3A_1778 = vector.shape_cast %select_n3A_1777 : vector<64x128xf32> to vector<8x8x128xf32>
    %swap3A_1779 = arith.constant 1 : index
    %swap3A_1780 = arith.constant 0 : index
    %swap3A_1781 = arith.constant 31 : index
    %swap3A_1782 = arith.constant 0 : index
    %swap3A_1783 = arith.constant 0 : index
    %swap3A_1784 = vector.load %arg4[%swap3A_1779, %swap3A_1780, %swap3A_1781, %swap3A_1782, %swap3A_1783] : memref<4x8x32x8x128xf32, #tpu.memory_space<vmem>>, vector<1x8x1x8x128xf32>
    %swap3A_1785 = vector.shape_cast %swap3A_1784 : vector<1x8x1x8x128xf32> to vector<8x8x128xf32>
    %swap3A_1786 = vector.shape_cast %reshape3A_1778 : vector<8x8x128xf32> to vector<1x8x1x8x128xf32>
    tpu.vector_store %arg4[%swap3A_1779, %swap3A_1780, %swap3A_1781, %swap3A_1782, %swap3A_1783], %swap3A_1786 {strides = array<i32>} : memref<4x8x32x8x128xf32, #tpu.memory_space<vmem>>, vector<1x8x1x8x128xf32>,
    %get3A_1787 = arith.constant 8192 : index
    %get3A_1788 = arith.constant 0 : index
    %get3A_1789 = vector.load %arg1[%get3A_1787, %get3A_1788] : memref<16384x128xf32, #tpu.memory_space<vmem>>, vector<128x128xf32>
    %dot_general3A_1790 = arith.constant dense<0.000000e+00> : vector<128x128xf32>
    %dot_general3A_1791 = tpu.matmul %get3A_1789, %get3A_1, %dot_general3A_1790 {dimension_numbers = #tpu.dot_dimension_numbers<[0], [0], [1], [1], [0, 1, 1, 1], [], []>, transpose_lhs_hint = false} : vector<128x128xf32>, vector<128x128xf32>, vector<128x128xf32> -> vector<128x128xf32>
    %get3A_1792 = arith.constant 2 : index
    %get3A_1793 = arith.constant 0 : index
    %get3A_1794 = arith.constant 0 : index
    %get3A_1795 = vector.load %arg2[%get3A_1792, %get3A_1793, %get3A_1794] : memref<4x32x128xi32, #tpu.memory_space<vmem>>, vector<1x1x128xi32>
    %get3A_1796 = vector.shape_cast %get3A_1795 : vector<1x1x128xi32> to vector<128xi32>
    %ge3A_1797 = arith.constant 503808 : i32
    %ge3A_1798 = vector.broadcast %ge3A_1797 : i32 to vector<128xi32>
    %ge3A_1799 = arith.cmpi sge, %get3A_1796, %ge3A_1798 : vector<128xi32>
    %broadcast_in_dim3A_1800 = vector.shape_cast %ge3A_1799 : vector<128xi1> to vector<1x128xi1>
    %slice3A_1801 = vector.extract_strided_slice %dot_general3A_1791 {offsets = [64, 0], sizes = [64, 128], strides = [1, 1]} : vector<128x128xf32> to vector<64x128xf32>
    %slice3A_1802 = vector.extract_strided_slice %dot_general3A_1791 {offsets = [0, 0], sizes = [64, 128], strides = [1, 1]} : vector<128x128xf32> to vector<64x128xf32>
    %broadcast_in_dim3A_1803 = vector.shape_cast %broadcast_in_dim3A_1800 : vector<1x128xi1> to vector<1x128xi1>
    %broadcast_in_dim3A_1804 = vector.broadcast %broadcast_in_dim3A_1803 : vector<1x128xi1> to vector<64x128xi1>
    %select_n3A_1805 = arith.select %broadcast_in_dim3A_1804, %slice3A_1801, %slice3A_1802 : vector<64x128xi1>, vector<64x128xf32>
    %reshape3A_1806 = vector.shape_cast %select_n3A_1805 : vector<64x128xf32> to vector<8x8x128xf32>
    %swap3A_1807 = arith.constant 2 : index
    %swap3A_1808 = arith.constant 0 : index
    %swap3A_1809 = arith.constant 0 : index
    %swap3A_1810 = arith.constant 0 : index
    %swap3A_1811 = arith.constant 0 : index
    %swap3A_1812 = vector.load %arg4[%swap3A_1807, %swap3A_1808, %swap3A_1809, %swap3A_1810, %swap3A_1811] : memref<4x8x32x8x128xf32, #tpu.memory_space<vmem>>, vector<1x8x1x8x128xf32>
    %swap3A_1813 = vector.shape_cast %swap3A_1812 : vector<1x8x1x8x128xf32> to vector<8x8x128xf32>
    %swap3A_1814 = vector.shape_cast %reshape3A_1806 : vector<8x8x128xf32> to vector<1x8x1x8x128xf32>
    tpu.vector_store %arg4[%swap3A_1807, %swap3A_1808, %swap3A_1809, %swap3A_1810, %swap3A_1811], %swap3A_1814 {strides = array<i32>} : memref<4x8x32x8x128xf32, #tpu.memory_space<vmem>>, vector<1x8x1x8x128xf32>,
    %get3A_1815 = arith.constant 8320 : index
    %get3A_1816 = arith.constant 0 : index
    %get3A_1817 = vector.load %arg1[%get3A_1815, %get3A_1816] : memref<16384x128xf32, #tpu.memory_space<vmem>>, vector<128x128xf32>
    %dot_general3A_1818 = arith.constant dense<0.000000e+00> : vector<128x128xf32>
    %dot_general3A_1819 = tpu.matmul %get3A_1817, %get3A_1, %dot_general3A_1818 {dimension_numbers = #tpu.dot_dimension_numbers<[0], [0], [1], [1], [0, 1, 1, 1], [], []>, transpose_lhs_hint = false} : vector<128x128xf32>, vector<128x128xf32>, vector<128x128xf32> -> vector<128x128xf32>
    %get3A_1820 = arith.constant 2 : index
    %get3A_1821 = arith.constant 1 : index
    %get3A_1822 = arith.constant 0 : index
    %get3A_1823 = vector.load %arg2[%get3A_1820, %get3A_1821, %get3A_1822] : memref<4x32x128xi32, #tpu.memory_space<vmem>>, vector<1x1x128xi32>
    %get3A_1824 = vector.shape_cast %get3A_1823 : vector<1x1x128xi32> to vector<128xi32>
    %ge3A_1825 = arith.constant 503808 : i32
    %ge3A_1826 = vector.broadcast %ge3A_1825 : i32 to vector<128xi32>
    %ge3A_1827 = arith.cmpi sge, %get3A_1824, %ge3A_1826 : vector<128xi32>
    %broadcast_in_dim3A_1828 = vector.shape_cast %ge3A_1827 : vector<128xi1> to vector<1x128xi1>
    %slice3A_1829 = vector.extract_strided_slice %dot_general3A_1819 {offsets = [64, 0], sizes = [64, 128], strides = [1, 1]} : vector<128x128xf32> to vector<64x128xf32>
    %slice3A_1830 = vector.extract_strided_slice %dot_general3A_1819 {offsets = [0, 0], sizes = [64, 128], strides = [1, 1]} : vector<128x128xf32> to vector<64x128xf32>
    %broadcast_in_dim3A_1831 = vector.shape_cast %broadcast_in_dim3A_1828 : vector<1x128xi1> to vector<1x128xi1>
    %broadcast_in_dim3A_1832 = vector.broadcast %broadcast_in_dim3A_1831 : vector<1x128xi1> to vector<64x128xi1>
    %select_n3A_1833 = arith.select %broadcast_in_dim3A_1832, %slice3A_1829, %slice3A_1830 : vector<64x128xi1>, vector<64x128xf32>
    %reshape3A_1834 = vector.shape_cast %select_n3A_1833 : vector<64x128xf32> to vector<8x8x128xf32>
    %swap3A_1835 = arith.constant 2 : index
    %swap3A_1836 = arith.constant 0 : index
    %swap3A_1837 = arith.constant 1 : index
    %swap3A_1838 = arith.constant 0 : index
    %swap3A_1839 = arith.constant 0 : index
    %swap3A_1840 = vector.load %arg4[%swap3A_1835, %swap3A_1836, %swap3A_1837, %swap3A_1838, %swap3A_1839] : memref<4x8x32x8x128xf32, #tpu.memory_space<vmem>>, vector<1x8x1x8x128xf32>
    %swap3A_1841 = vector.shape_cast %swap3A_1840 : vector<1x8x1x8x128xf32> to vector<8x8x128xf32>
    %swap3A_1842 = vector.shape_cast %reshape3A_1834 : vector<8x8x128xf32> to vector<1x8x1x8x128xf32>
    tpu.vector_store %arg4[%swap3A_1835, %swap3A_1836, %swap3A_1837, %swap3A_1838, %swap3A_1839], %swap3A_1842 {strides = array<i32>} : memref<4x8x32x8x128xf32, #tpu.memory_space<vmem>>, vector<1x8x1x8x128xf32>,
    %get3A_1843 = arith.constant 8448 : index
    %get3A_1844 = arith.constant 0 : index
    %get3A_1845 = vector.load %arg1[%get3A_1843, %get3A_1844] : memref<16384x128xf32, #tpu.memory_space<vmem>>, vector<128x128xf32>
    %dot_general3A_1846 = arith.constant dense<0.000000e+00> : vector<128x128xf32>
    %dot_general3A_1847 = tpu.matmul %get3A_1845, %get3A_1, %dot_general3A_1846 {dimension_numbers = #tpu.dot_dimension_numbers<[0], [0], [1], [1], [0, 1, 1, 1], [], []>, transpose_lhs_hint = false} : vector<128x128xf32>, vector<128x128xf32>, vector<128x128xf32> -> vector<128x128xf32>
    %get3A_1848 = arith.constant 2 : index
    %get3A_1849 = arith.constant 2 : index
    %get3A_1850 = arith.constant 0 : index
    %get3A_1851 = vector.load %arg2[%get3A_1848, %get3A_1849, %get3A_1850] : memref<4x32x128xi32, #tpu.memory_space<vmem>>, vector<1x1x128xi32>
    %get3A_1852 = vector.shape_cast %get3A_1851 : vector<1x1x128xi32> to vector<128xi32>
    %ge3A_1853 = arith.constant 503808 : i32
    %ge3A_1854 = vector.broadcast %ge3A_1853 : i32 to vector<128xi32>
    %ge3A_1855 = arith.cmpi sge, %get3A_1852, %ge3A_1854 : vector<128xi32>
    %broadcast_in_dim3A_1856 = vector.shape_cast %ge3A_1855 : vector<128xi1> to vector<1x128xi1>
    %slice3A_1857 = vector.extract_strided_slice %dot_general3A_1847 {offsets = [64, 0], sizes = [64, 128], strides = [1, 1]} : vector<128x128xf32> to vector<64x128xf32>
    %slice3A_1858 = vector.extract_strided_slice %dot_general3A_1847 {offsets = [0, 0], sizes = [64, 128], strides = [1, 1]} : vector<128x128xf32> to vector<64x128xf32>
    %broadcast_in_dim3A_1859 = vector.shape_cast %broadcast_in_dim3A_1856 : vector<1x128xi1> to vector<1x128xi1>
    %broadcast_in_dim3A_1860 = vector.broadcast %broadcast_in_dim3A_1859 : vector<1x128xi1> to vector<64x128xi1>
    %select_n3A_1861 = arith.select %broadcast_in_dim3A_1860, %slice3A_1857, %slice3A_1858 : vector<64x128xi1>, vector<64x128xf32>
    %reshape3A_1862 = vector.shape_cast %select_n3A_1861 : vector<64x128xf32> to vector<8x8x128xf32>
    %swap3A_1863 = arith.constant 2 : index
    %swap3A_1864 = arith.constant 0 : index
    %swap3A_1865 = arith.constant 2 : index
    %swap3A_1866 = arith.constant 0 : index
    %swap3A_1867 = arith.constant 0 : index
    %swap3A_1868 = vector.load %arg4[%swap3A_1863, %swap3A_1864, %swap3A_1865, %swap3A_1866, %swap3A_1867] : memref<4x8x32x8x128xf32, #tpu.memory_space<vmem>>, vector<1x8x1x8x128xf32>
    %swap3A_1869 = vector.shape_cast %swap3A_1868 : vector<1x8x1x8x128xf32> to vector<8x8x128xf32>
    %swap3A_1870 = vector.shape_cast %reshape3A_1862 : vector<8x8x128xf32> to vector<1x8x1x8x128xf32>
    tpu.vector_store %arg4[%swap3A_1863, %swap3A_1864, %swap3A_1865, %swap3A_1866, %swap3A_1867], %swap3A_1870 {strides = array<i32>} : memref<4x8x32x8x128xf32, #tpu.memory_space<vmem>>, vector<1x8x1x8x128xf32>,
    %get3A_1871 = arith.constant 8576 : index
    %get3A_1872 = arith.constant 0 : index
    %get3A_1873 = vector.load %arg1[%get3A_1871, %get3A_1872] : memref<16384x128xf32, #tpu.memory_space<vmem>>, vector<128x128xf32>
    %dot_general3A_1874 = arith.constant dense<0.000000e+00> : vector<128x128xf32>
    %dot_general3A_1875 = tpu.matmul %get3A_1873, %get3A_1, %dot_general3A_1874 {dimension_numbers = #tpu.dot_dimension_numbers<[0], [0], [1], [1], [0, 1, 1, 1], [], []>, transpose_lhs_hint = false} : vector<128x128xf32>, vector<128x128xf32>, vector<128x128xf32> -> vector<128x128xf32>
    %get3A_1876 = arith.constant 2 : index
    %get3A_1877 = arith.constant 3 : index
    %get3A_1878 = arith.constant 0 : index
    %get3A_1879 = vector.load %arg2[%get3A_1876, %get3A_1877, %get3A_1878] : memref<4x32x128xi32, #tpu.memory_space<vmem>>, vector<1x1x128xi32>
    %get3A_1880 = vector.shape_cast %get3A_1879 : vector<1x1x128xi32> to vector<128xi32>
    %ge3A_1881 = arith.constant 503808 : i32
    %ge3A_1882 = vector.broadcast %ge3A_1881 : i32 to vector<128xi32>
    %ge3A_1883 = arith.cmpi sge, %get3A_1880, %ge3A_1882 : vector<128xi32>
    %broadcast_in_dim3A_1884 = vector.shape_cast %ge3A_1883 : vector<128xi1> to vector<1x128xi1>
    %slice3A_1885 = vector.extract_strided_slice %dot_general3A_1875 {offsets = [64, 0], sizes = [64, 128], strides = [1, 1]} : vector<128x128xf32> to vector<64x128xf32>
    %slice3A_1886 = vector.extract_strided_slice %dot_general3A_1875 {offsets = [0, 0], sizes = [64, 128], strides = [1, 1]} : vector<128x128xf32> to vector<64x128xf32>
    %broadcast_in_dim3A_1887 = vector.shape_cast %broadcast_in_dim3A_1884 : vector<1x128xi1> to vector<1x128xi1>
    %broadcast_in_dim3A_1888 = vector.broadcast %broadcast_in_dim3A_1887 : vector<1x128xi1> to vector<64x128xi1>
    %select_n3A_1889 = arith.select %broadcast_in_dim3A_1888, %slice3A_1885, %slice3A_1886 : vector<64x128xi1>, vector<64x128xf32>
    %reshape3A_1890 = vector.shape_cast %select_n3A_1889 : vector<64x128xf32> to vector<8x8x128xf32>
    %swap3A_1891 = arith.constant 2 : index
    %swap3A_1892 = arith.constant 0 : index
    %swap3A_1893 = arith.constant 3 : index
    %swap3A_1894 = arith.constant 0 : index
    %swap3A_1895 = arith.constant 0 : index
    %swap3A_1896 = vector.load %arg4[%swap3A_1891, %swap3A_1892, %swap3A_1893, %swap3A_1894, %swap3A_1895] : memref<4x8x32x8x128xf32, #tpu.memory_space<vmem>>, vector<1x8x1x8x128xf32>
    %swap3A_1897 = vector.shape_cast %swap3A_1896 : vector<1x8x1x8x128xf32> to vector<8x8x128xf32>
    %swap3A_1898 = vector.shape_cast %reshape3A_1890 : vector<8x8x128xf32> to vector<1x8x1x8x128xf32>
    tpu.vector_store %arg4[%swap3A_1891, %swap3A_1892, %swap3A_1893, %swap3A_1894, %swap3A_1895], %swap3A_1898 {strides = array<i32>} : memref<4x8x32x8x128xf32, #tpu.memory_space<vmem>>, vector<1x8x1x8x128xf32>,
    %get3A_1899 = arith.constant 8704 : index
    %get3A_1900 = arith.constant 0 : index
    %get3A_1901 = vector.load %arg1[%get3A_1899, %get3A_1900] : memref<16384x128xf32, #tpu.memory_space<vmem>>, vector<128x128xf32>
    %dot_general3A_1902 = arith.constant dense<0.000000e+00> : vector<128x128xf32>
    %dot_general3A_1903 = tpu.matmul %get3A_1901, %get3A_1, %dot_general3A_1902 {dimension_numbers = #tpu.dot_dimension_numbers<[0], [0], [1], [1], [0, 1, 1, 1], [], []>, transpose_lhs_hint = false} : vector<128x128xf32>, vector<128x128xf32>, vector<128x128xf32> -> vector<128x128xf32>
    %get3A_1904 = arith.constant 2 : index
    %get3A_1905 = arith.constant 4 : index
    %get3A_1906 = arith.constant 0 : index
    %get3A_1907 = vector.load %arg2[%get3A_1904, %get3A_1905, %get3A_1906] : memref<4x32x128xi32, #tpu.memory_space<vmem>>, vector<1x1x128xi32>
    %get3A_1908 = vector.shape_cast %get3A_1907 : vector<1x1x128xi32> to vector<128xi32>
    %ge3A_1909 = arith.constant 503808 : i32
    %ge3A_1910 = vector.broadcast %ge3A_1909 : i32 to vector<128xi32>
    %ge3A_1911 = arith.cmpi sge, %get3A_1908, %ge3A_1910 : vector<128xi32>
    %broadcast_in_dim3A_1912 = vector.shape_cast %ge3A_1911 : vector<128xi1> to vector<1x128xi1>
    %slice3A_1913 = vector.extract_strided_slice %dot_general3A_1903 {offsets = [64, 0], sizes = [64, 128], strides = [1, 1]} : vector<128x128xf32> to vector<64x128xf32>
    %slice3A_1914 = vector.extract_strided_slice %dot_general3A_1903 {offsets = [0, 0], sizes = [64, 128], strides = [1, 1]} : vector<128x128xf32> to vector<64x128xf32>
    %broadcast_in_dim3A_1915 = vector.shape_cast %broadcast_in_dim3A_1912 : vector<1x128xi1> to vector<1x128xi1>
    %broadcast_in_dim3A_1916 = vector.broadcast %broadcast_in_dim3A_1915 : vector<1x128xi1> to vector<64x128xi1>
    %select_n3A_1917 = arith.select %broadcast_in_dim3A_1916, %slice3A_1913, %slice3A_1914 : vector<64x128xi1>, vector<64x128xf32>
    %reshape3A_1918 = vector.shape_cast %select_n3A_1917 : vector<64x128xf32> to vector<8x8x128xf32>
    %swap3A_1919 = arith.constant 2 : index
    %swap3A_1920 = arith.constant 0 : index
    %swap3A_1921 = arith.constant 4 : index
    %swap3A_1922 = arith.constant 0 : index
    %swap3A_1923 = arith.constant 0 : index
    %swap3A_1924 = vector.load %arg4[%swap3A_1919, %swap3A_1920, %swap3A_1921, %swap3A_1922, %swap3A_1923] : memref<4x8x32x8x128xf32, #tpu.memory_space<vmem>>, vector<1x8x1x8x128xf32>
    %swap3A_1925 = vector.shape_cast %swap3A_1924 : vector<1x8x1x8x128xf32> to vector<8x8x128xf32>
    %swap3A_1926 = vector.shape_cast %reshape3A_1918 : vector<8x8x128xf32> to vector<1x8x1x8x128xf32>
    tpu.vector_store %arg4[%swap3A_1919, %swap3A_1920, %swap3A_1921, %swap3A_1922, %swap3A_1923], %swap3A_1926 {strides = array<i32>} : memref<4x8x32x8x128xf32, #tpu.memory_space<vmem>>, vector<1x8x1x8x128xf32>,
    %get3A_1927 = arith.constant 8832 : index
    %get3A_1928 = arith.constant 0 : index
    %get3A_1929 = vector.load %arg1[%get3A_1927, %get3A_1928] : memref<16384x128xf32, #tpu.memory_space<vmem>>, vector<128x128xf32>
    %dot_general3A_1930 = arith.constant dense<0.000000e+00> : vector<128x128xf32>
    %dot_general3A_1931 = tpu.matmul %get3A_1929, %get3A_1, %dot_general3A_1930 {dimension_numbers = #tpu.dot_dimension_numbers<[0], [0], [1], [1], [0, 1, 1, 1], [], []>, transpose_lhs_hint = false} : vector<128x128xf32>, vector<128x128xf32>, vector<128x128xf32> -> vector<128x128xf32>
    %get3A_1932 = arith.constant 2 : index
    %get3A_1933 = arith.constant 5 : index
    %get3A_1934 = arith.constant 0 : index
    %get3A_1935 = vector.load %arg2[%get3A_1932, %get3A_1933, %get3A_1934] : memref<4x32x128xi32, #tpu.memory_space<vmem>>, vector<1x1x128xi32>
    %get3A_1936 = vector.shape_cast %get3A_1935 : vector<1x1x128xi32> to vector<128xi32>
    %ge3A_1937 = arith.constant 503808 : i32
    %ge3A_1938 = vector.broadcast %ge3A_1937 : i32 to vector<128xi32>
    %ge3A_1939 = arith.cmpi sge, %get3A_1936, %ge3A_1938 : vector<128xi32>
    %broadcast_in_dim3A_1940 = vector.shape_cast %ge3A_1939 : vector<128xi1> to vector<1x128xi1>
    %slice3A_1941 = vector.extract_strided_slice %dot_general3A_1931 {offsets = [64, 0], sizes = [64, 128], strides = [1, 1]} : vector<128x128xf32> to vector<64x128xf32>
    %slice3A_1942 = vector.extract_strided_slice %dot_general3A_1931 {offsets = [0, 0], sizes = [64, 128], strides = [1, 1]} : vector<128x128xf32> to vector<64x128xf32>
    %broadcast_in_dim3A_1943 = vector.shape_cast %broadcast_in_dim3A_1940 : vector<1x128xi1> to vector<1x128xi1>
    %broadcast_in_dim3A_1944 = vector.broadcast %broadcast_in_dim3A_1943 : vector<1x128xi1> to vector<64x128xi1>
    %select_n3A_1945 = arith.select %broadcast_in_dim3A_1944, %slice3A_1941, %slice3A_1942 : vector<64x128xi1>, vector<64x128xf32>
    %reshape3A_1946 = vector.shape_cast %select_n3A_1945 : vector<64x128xf32> to vector<8x8x128xf32>
    %swap3A_1947 = arith.constant 2 : index
    %swap3A_1948 = arith.constant 0 : index
    %swap3A_1949 = arith.constant 5 : index
    %swap3A_1950 = arith.constant 0 : index
    %swap3A_1951 = arith.constant 0 : index
    %swap3A_1952 = vector.load %arg4[%swap3A_1947, %swap3A_1948, %swap3A_1949, %swap3A_1950, %swap3A_1951] : memref<4x8x32x8x128xf32, #tpu.memory_space<vmem>>, vector<1x8x1x8x128xf32>
    %swap3A_1953 = vector.shape_cast %swap3A_1952 : vector<1x8x1x8x128xf32> to vector<8x8x128xf32>
    %swap3A_1954 = vector.shape_cast %reshape3A_1946 : vector<8x8x128xf32> to vector<1x8x1x8x128xf32>
    tpu.vector_store %arg4[%swap3A_1947, %swap3A_1948, %swap3A_1949, %swap3A_1950, %swap3A_1951], %swap3A_1954 {strides = array<i32>} : memref<4x8x32x8x128xf32, #tpu.memory_space<vmem>>, vector<1x8x1x8x128xf32>,
    %get3A_1955 = arith.constant 8960 : index
    %get3A_1956 = arith.constant 0 : index
    %get3A_1957 = vector.load %arg1[%get3A_1955, %get3A_1956] : memref<16384x128xf32, #tpu.memory_space<vmem>>, vector<128x128xf32>
    %dot_general3A_1958 = arith.constant dense<0.000000e+00> : vector<128x128xf32>
    %dot_general3A_1959 = tpu.matmul %get3A_1957, %get3A_1, %dot_general3A_1958 {dimension_numbers = #tpu.dot_dimension_numbers<[0], [0], [1], [1], [0, 1, 1, 1], [], []>, transpose_lhs_hint = false} : vector<128x128xf32>, vector<128x128xf32>, vector<128x128xf32> -> vector<128x128xf32>
    %get3A_1960 = arith.constant 2 : index
    %get3A_1961 = arith.constant 6 : index
    %get3A_1962 = arith.constant 0 : index
    %get3A_1963 = vector.load %arg2[%get3A_1960, %get3A_1961, %get3A_1962] : memref<4x32x128xi32, #tpu.memory_space<vmem>>, vector<1x1x128xi32>
    %get3A_1964 = vector.shape_cast %get3A_1963 : vector<1x1x128xi32> to vector<128xi32>
    %ge3A_1965 = arith.constant 503808 : i32
    %ge3A_1966 = vector.broadcast %ge3A_1965 : i32 to vector<128xi32>
    %ge3A_1967 = arith.cmpi sge, %get3A_1964, %ge3A_1966 : vector<128xi32>
    %broadcast_in_dim3A_1968 = vector.shape_cast %ge3A_1967 : vector<128xi1> to vector<1x128xi1>
    %slice3A_1969 = vector.extract_strided_slice %dot_general3A_1959 {offsets = [64, 0], sizes = [64, 128], strides = [1, 1]} : vector<128x128xf32> to vector<64x128xf32>
    %slice3A_1970 = vector.extract_strided_slice %dot_general3A_1959 {offsets = [0, 0], sizes = [64, 128], strides = [1, 1]} : vector<128x128xf32> to vector<64x128xf32>
    %broadcast_in_dim3A_1971 = vector.shape_cast %broadcast_in_dim3A_1968 : vector<1x128xi1> to vector<1x128xi1>
    %broadcast_in_dim3A_1972 = vector.broadcast %broadcast_in_dim3A_1971 : vector<1x128xi1> to vector<64x128xi1>
    %select_n3A_1973 = arith.select %broadcast_in_dim3A_1972, %slice3A_1969, %slice3A_1970 : vector<64x128xi1>, vector<64x128xf32>
    %reshape3A_1974 = vector.shape_cast %select_n3A_1973 : vector<64x128xf32> to vector<8x8x128xf32>
    %swap3A_1975 = arith.constant 2 : index
    %swap3A_1976 = arith.constant 0 : index
    %swap3A_1977 = arith.constant 6 : index
    %swap3A_1978 = arith.constant 0 : index
    %swap3A_1979 = arith.constant 0 : index
    %swap3A_1980 = vector.load %arg4[%swap3A_1975, %swap3A_1976, %swap3A_1977, %swap3A_1978, %swap3A_1979] : memref<4x8x32x8x128xf32, #tpu.memory_space<vmem>>, vector<1x8x1x8x128xf32>
    %swap3A_1981 = vector.shape_cast %swap3A_1980 : vector<1x8x1x8x128xf32> to vector<8x8x128xf32>
    %swap3A_1982 = vector.shape_cast %reshape3A_1974 : vector<8x8x128xf32> to vector<1x8x1x8x128xf32>
    tpu.vector_store %arg4[%swap3A_1975, %swap3A_1976, %swap3A_1977, %swap3A_1978, %swap3A_1979], %swap3A_1982 {strides = array<i32>} : memref<4x8x32x8x128xf32, #tpu.memory_space<vmem>>, vector<1x8x1x8x128xf32>,
    %get3A_1983 = arith.constant 9088 : index
    %get3A_1984 = arith.constant 0 : index
    %get3A_1985 = vector.load %arg1[%get3A_1983, %get3A_1984] : memref<16384x128xf32, #tpu.memory_space<vmem>>, vector<128x128xf32>
    %dot_general3A_1986 = arith.constant dense<0.000000e+00> : vector<128x128xf32>
    %dot_general3A_1987 = tpu.matmul %get3A_1985, %get3A_1, %dot_general3A_1986 {dimension_numbers = #tpu.dot_dimension_numbers<[0], [0], [1], [1], [0, 1, 1, 1], [], []>, transpose_lhs_hint = false} : vector<128x128xf32>, vector<128x128xf32>, vector<128x128xf32> -> vector<128x128xf32>
    %get3A_1988 = arith.constant 2 : index
    %get3A_1989 = arith.constant 7 : index
    %get3A_1990 = arith.constant 0 : index
    %get3A_1991 = vector.load %arg2[%get3A_1988, %get3A_1989, %get3A_1990] : memref<4x32x128xi32, #tpu.memory_space<vmem>>, vector<1x1x128xi32>
    %get3A_1992 = vector.shape_cast %get3A_1991 : vector<1x1x128xi32> to vector<128xi32>
    %ge3A_1993 = arith.constant 503808 : i32
    %ge3A_1994 = vector.broadcast %ge3A_1993 : i32 to vector<128xi32>
    %ge3A_1995 = arith.cmpi sge, %get3A_1992, %ge3A_1994 : vector<128xi32>
    %broadcast_in_dim3A_1996 = vector.shape_cast %ge3A_1995 : vector<128xi1> to vector<1x128xi1>
    %slice3A_1997 = vector.extract_strided_slice %dot_general3A_1987 {offsets = [64, 0], sizes = [64, 128], strides = [1, 1]} : vector<128x128xf32> to vector<64x128xf32>
    %slice3A_1998 = vector.extract_strided_slice %dot_general3A_1987 {offsets = [0, 0], sizes = [64, 128], strides = [1, 1]} : vector<128x128xf32> to vector<64x128xf32>
    %broadcast_in_dim3A_1999 = vector.shape_cast %broadcast_in_dim3A_1996 : vector<1x128xi1> to vector<1x128xi1>
    %broadcast_in_dim3A_2000 = vector.broadcast %broadcast_in_dim3A_1999 : vector<1x128xi1> to vector<64x128xi1>
    %select_n3A_2001 = arith.select %broadcast_in_dim3A_2000, %slice3A_1997, %slice3A_1998 : vector<64x128xi1>, vector<64x128xf32>
    %reshape3A_2002 = vector.shape_cast %select_n3A_2001 : vector<64x128xf32> to vector<8x8x128xf32>
    %swap3A_2003 = arith.constant 2 : index
    %swap3A_2004 = arith.constant 0 : index
    %swap3A_2005 = arith.constant 7 : index
    %swap3A_2006 = arith.constant 0 : index
    %swap3A_2007 = arith.constant 0 : index
    %swap3A_2008 = vector.load %arg4[%swap3A_2003, %swap3A_2004, %swap3A_2005, %swap3A_2006, %swap3A_2007] : memref<4x8x32x8x128xf32, #tpu.memory_space<vmem>>, vector<1x8x1x8x128xf32>
    %swap3A_2009 = vector.shape_cast %swap3A_2008 : vector<1x8x1x8x128xf32> to vector<8x8x128xf32>
    %swap3A_2010 = vector.shape_cast %reshape3A_2002 : vector<8x8x128xf32> to vector<1x8x1x8x128xf32>
    tpu.vector_store %arg4[%swap3A_2003, %swap3A_2004, %swap3A_2005, %swap3A_2006, %swap3A_2007], %swap3A_2010 {strides = array<i32>} : memref<4x8x32x8x128xf32, #tpu.memory_space<vmem>>, vector<1x8x1x8x128xf32>,
    %get3A_2011 = arith.constant 9216 : index
    %get3A_2012 = arith.constant 0 : index
    %get3A_2013 = vector.load %arg1[%get3A_2011, %get3A_2012] : memref<16384x128xf32, #tpu.memory_space<vmem>>, vector<128x128xf32>
    %dot_general3A_2014 = arith.constant dense<0.000000e+00> : vector<128x128xf32>
    %dot_general3A_2015 = tpu.matmul %get3A_2013, %get3A_1, %dot_general3A_2014 {dimension_numbers = #tpu.dot_dimension_numbers<[0], [0], [1], [1], [0, 1, 1, 1], [], []>, transpose_lhs_hint = false} : vector<128x128xf32>, vector<128x128xf32>, vector<128x128xf32> -> vector<128x128xf32>
    %get3A_2016 = arith.constant 2 : index
    %get3A_2017 = arith.constant 8 : index
    %get3A_2018 = arith.constant 0 : index
    %get3A_2019 = vector.load %arg2[%get3A_2016, %get3A_2017, %get3A_2018] : memref<4x32x128xi32, #tpu.memory_space<vmem>>, vector<1x1x128xi32>
    %get3A_2020 = vector.shape_cast %get3A_2019 : vector<1x1x128xi32> to vector<128xi32>
    %ge3A_2021 = arith.constant 503808 : i32
    %ge3A_2022 = vector.broadcast %ge3A_2021 : i32 to vector<128xi32>
    %ge3A_2023 = arith.cmpi sge, %get3A_2020, %ge3A_2022 : vector<128xi32>
    %broadcast_in_dim3A_2024 = vector.shape_cast %ge3A_2023 : vector<128xi1> to vector<1x128xi1>
    %slice3A_2025 = vector.extract_strided_slice %dot_general3A_2015 {offsets = [64, 0], sizes = [64, 128], strides = [1, 1]} : vector<128x128xf32> to vector<64x128xf32>
    %slice3A_2026 = vector.extract_strided_slice %dot_general3A_2015 {offsets = [0, 0], sizes = [64, 128], strides = [1, 1]} : vector<128x128xf32> to vector<64x128xf32>
    %broadcast_in_dim3A_2027 = vector.shape_cast %broadcast_in_dim3A_2024 : vector<1x128xi1> to vector<1x128xi1>
    %broadcast_in_dim3A_2028 = vector.broadcast %broadcast_in_dim3A_2027 : vector<1x128xi1> to vector<64x128xi1>
    %select_n3A_2029 = arith.select %broadcast_in_dim3A_2028, %slice3A_2025, %slice3A_2026 : vector<64x128xi1>, vector<64x128xf32>
    %reshape3A_2030 = vector.shape_cast %select_n3A_2029 : vector<64x128xf32> to vector<8x8x128xf32>
    %swap3A_2031 = arith.constant 2 : index
    %swap3A_2032 = arith.constant 0 : index
    %swap3A_2033 = arith.constant 8 : index
    %swap3A_2034 = arith.constant 0 : index
    %swap3A_2035 = arith.constant 0 : index
    %swap3A_2036 = vector.load %arg4[%swap3A_2031, %swap3A_2032, %swap3A_2033, %swap3A_2034, %swap3A_2035] : memref<4x8x32x8x128xf32, #tpu.memory_space<vmem>>, vector<1x8x1x8x128xf32>
    %swap3A_2037 = vector.shape_cast %swap3A_2036 : vector<1x8x1x8x128xf32> to vector<8x8x128xf32>
    %swap3A_2038 = vector.shape_cast %reshape3A_2030 : vector<8x8x128xf32> to vector<1x8x1x8x128xf32>
    tpu.vector_store %arg4[%swap3A_2031, %swap3A_2032, %swap3A_2033, %swap3A_2034, %swap3A_2035], %swap3A_2038 {strides = array<i32>} : memref<4x8x32x8x128xf32, #tpu.memory_space<vmem>>, vector<1x8x1x8x128xf32>,
    %get3A_2039 = arith.constant 9344 : index
    %get3A_2040 = arith.constant 0 : index
    %get3A_2041 = vector.load %arg1[%get3A_2039, %get3A_2040] : memref<16384x128xf32, #tpu.memory_space<vmem>>, vector<128x128xf32>
    %dot_general3A_2042 = arith.constant dense<0.000000e+00> : vector<128x128xf32>
    %dot_general3A_2043 = tpu.matmul %get3A_2041, %get3A_1, %dot_general3A_2042 {dimension_numbers = #tpu.dot_dimension_numbers<[0], [0], [1], [1], [0, 1, 1, 1], [], []>, transpose_lhs_hint = false} : vector<128x128xf32>, vector<128x128xf32>, vector<128x128xf32> -> vector<128x128xf32>
    %get3A_2044 = arith.constant 2 : index
    %get3A_2045 = arith.constant 9 : index
    %get3A_2046 = arith.constant 0 : index
    %get3A_2047 = vector.load %arg2[%get3A_2044, %get3A_2045, %get3A_2046] : memref<4x32x128xi32, #tpu.memory_space<vmem>>, vector<1x1x128xi32>
    %get3A_2048 = vector.shape_cast %get3A_2047 : vector<1x1x128xi32> to vector<128xi32>
    %ge3A_2049 = arith.constant 503808 : i32
    %ge3A_2050 = vector.broadcast %ge3A_2049 : i32 to vector<128xi32>
    %ge3A_2051 = arith.cmpi sge, %get3A_2048, %ge3A_2050 : vector<128xi32>
    %broadcast_in_dim3A_2052 = vector.shape_cast %ge3A_2051 : vector<128xi1> to vector<1x128xi1>
    %slice3A_2053 = vector.extract_strided_slice %dot_general3A_2043 {offsets = [64, 0], sizes = [64, 128], strides = [1, 1]} : vector<128x128xf32> to vector<64x128xf32>
    %slice3A_2054 = vector.extract_strided_slice %dot_general3A_2043 {offsets = [0, 0], sizes = [64, 128], strides = [1, 1]} : vector<128x128xf32> to vector<64x128xf32>
    %broadcast_in_dim3A_2055 = vector.shape_cast %broadcast_in_dim3A_2052 : vector<1x128xi1> to vector<1x128xi1>
    %broadcast_in_dim3A_2056 = vector.broadcast %broadcast_in_dim3A_2055 : vector<1x128xi1> to vector<64x128xi1>
    %select_n3A_2057 = arith.select %broadcast_in_dim3A_2056, %slice3A_2053, %slice3A_2054 : vector<64x128xi1>, vector<64x128xf32>
    %reshape3A_2058 = vector.shape_cast %select_n3A_2057 : vector<64x128xf32> to vector<8x8x128xf32>
    %swap3A_2059 = arith.constant 2 : index
    %swap3A_2060 = arith.constant 0 : index
    %swap3A_2061 = arith.constant 9 : index
    %swap3A_2062 = arith.constant 0 : index
    %swap3A_2063 = arith.constant 0 : index
    %swap3A_2064 = vector.load %arg4[%swap3A_2059, %swap3A_2060, %swap3A_2061, %swap3A_2062, %swap3A_2063] : memref<4x8x32x8x128xf32, #tpu.memory_space<vmem>>, vector<1x8x1x8x128xf32>
    %swap3A_2065 = vector.shape_cast %swap3A_2064 : vector<1x8x1x8x128xf32> to vector<8x8x128xf32>
    %swap3A_2066 = vector.shape_cast %reshape3A_2058 : vector<8x8x128xf32> to vector<1x8x1x8x128xf32>
    tpu.vector_store %arg4[%swap3A_2059, %swap3A_2060, %swap3A_2061, %swap3A_2062, %swap3A_2063], %swap3A_2066 {strides = array<i32>} : memref<4x8x32x8x128xf32, #tpu.memory_space<vmem>>, vector<1x8x1x8x128xf32>,
    %get3A_2067 = arith.constant 9472 : index
    %get3A_2068 = arith.constant 0 : index
    %get3A_2069 = vector.load %arg1[%get3A_2067, %get3A_2068] : memref<16384x128xf32, #tpu.memory_space<vmem>>, vector<128x128xf32>
    %dot_general3A_2070 = arith.constant dense<0.000000e+00> : vector<128x128xf32>
    %dot_general3A_2071 = tpu.matmul %get3A_2069, %get3A_1, %dot_general3A_2070 {dimension_numbers = #tpu.dot_dimension_numbers<[0], [0], [1], [1], [0, 1, 1, 1], [], []>, transpose_lhs_hint = false} : vector<128x128xf32>, vector<128x128xf32>, vector<128x128xf32> -> vector<128x128xf32>
    %get3A_2072 = arith.constant 2 : index
    %get3A_2073 = arith.constant 10 : index
    %get3A_2074 = arith.constant 0 : index
    %get3A_2075 = vector.load %arg2[%get3A_2072, %get3A_2073, %get3A_2074] : memref<4x32x128xi32, #tpu.memory_space<vmem>>, vector<1x1x128xi32>
    %get3A_2076 = vector.shape_cast %get3A_2075 : vector<1x1x128xi32> to vector<128xi32>
    %ge3A_2077 = arith.constant 503808 : i32
    %ge3A_2078 = vector.broadcast %ge3A_2077 : i32 to vector<128xi32>
    %ge3A_2079 = arith.cmpi sge, %get3A_2076, %ge3A_2078 : vector<128xi32>
    %broadcast_in_dim3A_2080 = vector.shape_cast %ge3A_2079 : vector<128xi1> to vector<1x128xi1>
    %slice3A_2081 = vector.extract_strided_slice %dot_general3A_2071 {offsets = [64, 0], sizes = [64, 128], strides = [1, 1]} : vector<128x128xf32> to vector<64x128xf32>
    %slice3A_2082 = vector.extract_strided_slice %dot_general3A_2071 {offsets = [0, 0], sizes = [64, 128], strides = [1, 1]} : vector<128x128xf32> to vector<64x128xf32>
    %broadcast_in_dim3A_2083 = vector.shape_cast %broadcast_in_dim3A_2080 : vector<1x128xi1> to vector<1x128xi1>
    %broadcast_in_dim3A_2084 = vector.broadcast %broadcast_in_dim3A_2083 : vector<1x128xi1> to vector<64x128xi1>
    %select_n3A_2085 = arith.select %broadcast_in_dim3A_2084, %slice3A_2081, %slice3A_2082 : vector<64x128xi1>, vector<64x128xf32>
    %reshape3A_2086 = vector.shape_cast %select_n3A_2085 : vector<64x128xf32> to vector<8x8x128xf32>
    %swap3A_2087 = arith.constant 2 : index
    %swap3A_2088 = arith.constant 0 : index
    %swap3A_2089 = arith.constant 10 : index
    %swap3A_2090 = arith.constant 0 : index
    %swap3A_2091 = arith.constant 0 : index
    %swap3A_2092 = vector.load %arg4[%swap3A_2087, %swap3A_2088, %swap3A_2089, %swap3A_2090, %swap3A_2091] : memref<4x8x32x8x128xf32, #tpu.memory_space<vmem>>, vector<1x8x1x8x128xf32>
    %swap3A_2093 = vector.shape_cast %swap3A_2092 : vector<1x8x1x8x128xf32> to vector<8x8x128xf32>
    %swap3A_2094 = vector.shape_cast %reshape3A_2086 : vector<8x8x128xf32> to vector<1x8x1x8x128xf32>
    tpu.vector_store %arg4[%swap3A_2087, %swap3A_2088, %swap3A_2089, %swap3A_2090, %swap3A_2091], %swap3A_2094 {strides = array<i32>} : memref<4x8x32x8x128xf32, #tpu.memory_space<vmem>>, vector<1x8x1x8x128xf32>,
    %get3A_2095 = arith.constant 9600 : index
    %get3A_2096 = arith.constant 0 : index
    %get3A_2097 = vector.load %arg1[%get3A_2095, %get3A_2096] : memref<16384x128xf32, #tpu.memory_space<vmem>>, vector<128x128xf32>
    %dot_general3A_2098 = arith.constant dense<0.000000e+00> : vector<128x128xf32>
    %dot_general3A_2099 = tpu.matmul %get3A_2097, %get3A_1, %dot_general3A_2098 {dimension_numbers = #tpu.dot_dimension_numbers<[0], [0], [1], [1], [0, 1, 1, 1], [], []>, transpose_lhs_hint = false} : vector<128x128xf32>, vector<128x128xf32>, vector<128x128xf32> -> vector<128x128xf32>
    %get3A_2100 = arith.constant 2 : index
    %get3A_2101 = arith.constant 11 : index
    %get3A_2102 = arith.constant 0 : index
    %get3A_2103 = vector.load %arg2[%get3A_2100, %get3A_2101, %get3A_2102] : memref<4x32x128xi32, #tpu.memory_space<vmem>>, vector<1x1x128xi32>
    %get3A_2104 = vector.shape_cast %get3A_2103 : vector<1x1x128xi32> to vector<128xi32>
    %ge3A_2105 = arith.constant 503808 : i32
    %ge3A_2106 = vector.broadcast %ge3A_2105 : i32 to vector<128xi32>
    %ge3A_2107 = arith.cmpi sge, %get3A_2104, %ge3A_2106 : vector<128xi32>
    %broadcast_in_dim3A_2108 = vector.shape_cast %ge3A_2107 : vector<128xi1> to vector<1x128xi1>
    %slice3A_2109 = vector.extract_strided_slice %dot_general3A_2099 {offsets = [64, 0], sizes = [64, 128], strides = [1, 1]} : vector<128x128xf32> to vector<64x128xf32>
    %slice3A_2110 = vector.extract_strided_slice %dot_general3A_2099 {offsets = [0, 0], sizes = [64, 128], strides = [1, 1]} : vector<128x128xf32> to vector<64x128xf32>
    %broadcast_in_dim3A_2111 = vector.shape_cast %broadcast_in_dim3A_2108 : vector<1x128xi1> to vector<1x128xi1>
    %broadcast_in_dim3A_2112 = vector.broadcast %broadcast_in_dim3A_2111 : vector<1x128xi1> to vector<64x128xi1>
    %select_n3A_2113 = arith.select %broadcast_in_dim3A_2112, %slice3A_2109, %slice3A_2110 : vector<64x128xi1>, vector<64x128xf32>
    %reshape3A_2114 = vector.shape_cast %select_n3A_2113 : vector<64x128xf32> to vector<8x8x128xf32>
    %swap3A_2115 = arith.constant 2 : index
    %swap3A_2116 = arith.constant 0 : index
    %swap3A_2117 = arith.constant 11 : index
    %swap3A_2118 = arith.constant 0 : index
    %swap3A_2119 = arith.constant 0 : index
    %swap3A_2120 = vector.load %arg4[%swap3A_2115, %swap3A_2116, %swap3A_2117, %swap3A_2118, %swap3A_2119] : memref<4x8x32x8x128xf32, #tpu.memory_space<vmem>>, vector<1x8x1x8x128xf32>
    %swap3A_2121 = vector.shape_cast %swap3A_2120 : vector<1x8x1x8x128xf32> to vector<8x8x128xf32>
    %swap3A_2122 = vector.shape_cast %reshape3A_2114 : vector<8x8x128xf32> to vector<1x8x1x8x128xf32>
    tpu.vector_store %arg4[%swap3A_2115, %swap3A_2116, %swap3A_2117, %swap3A_2118, %swap3A_2119], %swap3A_2122 {strides = array<i32>} : memref<4x8x32x8x128xf32, #tpu.memory_space<vmem>>, vector<1x8x1x8x128xf32>,
    %get3A_2123 = arith.constant 9728 : index
    %get3A_2124 = arith.constant 0 : index
    %get3A_2125 = vector.load %arg1[%get3A_2123, %get3A_2124] : memref<16384x128xf32, #tpu.memory_space<vmem>>, vector<128x128xf32>
    %dot_general3A_2126 = arith.constant dense<0.000000e+00> : vector<128x128xf32>
    %dot_general3A_2127 = tpu.matmul %get3A_2125, %get3A_1, %dot_general3A_2126 {dimension_numbers = #tpu.dot_dimension_numbers<[0], [0], [1], [1], [0, 1, 1, 1], [], []>, transpose_lhs_hint = false} : vector<128x128xf32>, vector<128x128xf32>, vector<128x128xf32> -> vector<128x128xf32>
    %get3A_2128 = arith.constant 2 : index
    %get3A_2129 = arith.constant 12 : index
    %get3A_2130 = arith.constant 0 : index
    %get3A_2131 = vector.load %arg2[%get3A_2128, %get3A_2129, %get3A_2130] : memref<4x32x128xi32, #tpu.memory_space<vmem>>, vector<1x1x128xi32>
    %get3A_2132 = vector.shape_cast %get3A_2131 : vector<1x1x128xi32> to vector<128xi32>
    %ge3A_2133 = arith.constant 503808 : i32
    %ge3A_2134 = vector.broadcast %ge3A_2133 : i32 to vector<128xi32>
    %ge3A_2135 = arith.cmpi sge, %get3A_2132, %ge3A_2134 : vector<128xi32>
    %broadcast_in_dim3A_2136 = vector.shape_cast %ge3A_2135 : vector<128xi1> to vector<1x128xi1>
    %slice3A_2137 = vector.extract_strided_slice %dot_general3A_2127 {offsets = [64, 0], sizes = [64, 128], strides = [1, 1]} : vector<128x128xf32> to vector<64x128xf32>
    %slice3A_2138 = vector.extract_strided_slice %dot_general3A_2127 {offsets = [0, 0], sizes = [64, 128], strides = [1, 1]} : vector<128x128xf32> to vector<64x128xf32>
    %broadcast_in_dim3A_2139 = vector.shape_cast %broadcast_in_dim3A_2136 : vector<1x128xi1> to vector<1x128xi1>
    %broadcast_in_dim3A_2140 = vector.broadcast %broadcast_in_dim3A_2139 : vector<1x128xi1> to vector<64x128xi1>
    %select_n3A_2141 = arith.select %broadcast_in_dim3A_2140, %slice3A_2137, %slice3A_2138 : vector<64x128xi1>, vector<64x128xf32>
    %reshape3A_2142 = vector.shape_cast %select_n3A_2141 : vector<64x128xf32> to vector<8x8x128xf32>
    %swap3A_2143 = arith.constant 2 : index
    %swap3A_2144 = arith.constant 0 : index
    %swap3A_2145 = arith.constant 12 : index
    %swap3A_2146 = arith.constant 0 : index
    %swap3A_2147 = arith.constant 0 : index
    %swap3A_2148 = vector.load %arg4[%swap3A_2143, %swap3A_2144, %swap3A_2145, %swap3A_2146, %swap3A_2147] : memref<4x8x32x8x128xf32, #tpu.memory_space<vmem>>, vector<1x8x1x8x128xf32>
    %swap3A_2149 = vector.shape_cast %swap3A_2148 : vector<1x8x1x8x128xf32> to vector<8x8x128xf32>
    %swap3A_2150 = vector.shape_cast %reshape3A_2142 : vector<8x8x128xf32> to vector<1x8x1x8x128xf32>
    tpu.vector_store %arg4[%swap3A_2143, %swap3A_2144, %swap3A_2145, %swap3A_2146, %swap3A_2147], %swap3A_2150 {strides = array<i32>} : memref<4x8x32x8x128xf32, #tpu.memory_space<vmem>>, vector<1x8x1x8x128xf32>,
    %get3A_2151 = arith.constant 9856 : index
    %get3A_2152 = arith.constant 0 : index
    %get3A_2153 = vector.load %arg1[%get3A_2151, %get3A_2152] : memref<16384x128xf32, #tpu.memory_space<vmem>>, vector<128x128xf32>
    %dot_general3A_2154 = arith.constant dense<0.000000e+00> : vector<128x128xf32>
    %dot_general3A_2155 = tpu.matmul %get3A_2153, %get3A_1, %dot_general3A_2154 {dimension_numbers = #tpu.dot_dimension_numbers<[0], [0], [1], [1], [0, 1, 1, 1], [], []>, transpose_lhs_hint = false} : vector<128x128xf32>, vector<128x128xf32>, vector<128x128xf32> -> vector<128x128xf32>
    %get3A_2156 = arith.constant 2 : index
    %get3A_2157 = arith.constant 13 : index
    %get3A_2158 = arith.constant 0 : index
    %get3A_2159 = vector.load %arg2[%get3A_2156, %get3A_2157, %get3A_2158] : memref<4x32x128xi32, #tpu.memory_space<vmem>>, vector<1x1x128xi32>
    %get3A_2160 = vector.shape_cast %get3A_2159 : vector<1x1x128xi32> to vector<128xi32>
    %ge3A_2161 = arith.constant 503808 : i32
    %ge3A_2162 = vector.broadcast %ge3A_2161 : i32 to vector<128xi32>
    %ge3A_2163 = arith.cmpi sge, %get3A_2160, %ge3A_2162 : vector<128xi32>
    %broadcast_in_dim3A_2164 = vector.shape_cast %ge3A_2163 : vector<128xi1> to vector<1x128xi1>
    %slice3A_2165 = vector.extract_strided_slice %dot_general3A_2155 {offsets = [64, 0], sizes = [64, 128], strides = [1, 1]} : vector<128x128xf32> to vector<64x128xf32>
    %slice3A_2166 = vector.extract_strided_slice %dot_general3A_2155 {offsets = [0, 0], sizes = [64, 128], strides = [1, 1]} : vector<128x128xf32> to vector<64x128xf32>
    %broadcast_in_dim3A_2167 = vector.shape_cast %broadcast_in_dim3A_2164 : vector<1x128xi1> to vector<1x128xi1>
    %broadcast_in_dim3A_2168 = vector.broadcast %broadcast_in_dim3A_2167 : vector<1x128xi1> to vector<64x128xi1>
    %select_n3A_2169 = arith.select %broadcast_in_dim3A_2168, %slice3A_2165, %slice3A_2166 : vector<64x128xi1>, vector<64x128xf32>
    %reshape3A_2170 = vector.shape_cast %select_n3A_2169 : vector<64x128xf32> to vector<8x8x128xf32>
    %swap3A_2171 = arith.constant 2 : index
    %swap3A_2172 = arith.constant 0 : index
    %swap3A_2173 = arith.constant 13 : index
    %swap3A_2174 = arith.constant 0 : index
    %swap3A_2175 = arith.constant 0 : index
    %swap3A_2176 = vector.load %arg4[%swap3A_2171, %swap3A_2172, %swap3A_2173, %swap3A_2174, %swap3A_2175] : memref<4x8x32x8x128xf32, #tpu.memory_space<vmem>>, vector<1x8x1x8x128xf32>
    %swap3A_2177 = vector.shape_cast %swap3A_2176 : vector<1x8x1x8x128xf32> to vector<8x8x128xf32>
    %swap3A_2178 = vector.shape_cast %reshape3A_2170 : vector<8x8x128xf32> to vector<1x8x1x8x128xf32>
    tpu.vector_store %arg4[%swap3A_2171, %swap3A_2172, %swap3A_2173, %swap3A_2174, %swap3A_2175], %swap3A_2178 {strides = array<i32>} : memref<4x8x32x8x128xf32, #tpu.memory_space<vmem>>, vector<1x8x1x8x128xf32>,
    %get3A_2179 = arith.constant 9984 : index
    %get3A_2180 = arith.constant 0 : index
    %get3A_2181 = vector.load %arg1[%get3A_2179, %get3A_2180] : memref<16384x128xf32, #tpu.memory_space<vmem>>, vector<128x128xf32>
    %dot_general3A_2182 = arith.constant dense<0.000000e+00> : vector<128x128xf32>
    %dot_general3A_2183 = tpu.matmul %get3A_2181, %get3A_1, %dot_general3A_2182 {dimension_numbers = #tpu.dot_dimension_numbers<[0], [0], [1], [1], [0, 1, 1, 1], [], []>, transpose_lhs_hint = false} : vector<128x128xf32>, vector<128x128xf32>, vector<128x128xf32> -> vector<128x128xf32>
    %get3A_2184 = arith.constant 2 : index
    %get3A_2185 = arith.constant 14 : index
    %get3A_2186 = arith.constant 0 : index
    %get3A_2187 = vector.load %arg2[%get3A_2184, %get3A_2185, %get3A_2186] : memref<4x32x128xi32, #tpu.memory_space<vmem>>, vector<1x1x128xi32>
    %get3A_2188 = vector.shape_cast %get3A_2187 : vector<1x1x128xi32> to vector<128xi32>
    %ge3A_2189 = arith.constant 503808 : i32
    %ge3A_2190 = vector.broadcast %ge3A_2189 : i32 to vector<128xi32>
    %ge3A_2191 = arith.cmpi sge, %get3A_2188, %ge3A_2190 : vector<128xi32>
    %broadcast_in_dim3A_2192 = vector.shape_cast %ge3A_2191 : vector<128xi1> to vector<1x128xi1>
    %slice3A_2193 = vector.extract_strided_slice %dot_general3A_2183 {offsets = [64, 0], sizes = [64, 128], strides = [1, 1]} : vector<128x128xf32> to vector<64x128xf32>
    %slice3A_2194 = vector.extract_strided_slice %dot_general3A_2183 {offsets = [0, 0], sizes = [64, 128], strides = [1, 1]} : vector<128x128xf32> to vector<64x128xf32>
    %broadcast_in_dim3A_2195 = vector.shape_cast %broadcast_in_dim3A_2192 : vector<1x128xi1> to vector<1x128xi1>
    %broadcast_in_dim3A_2196 = vector.broadcast %broadcast_in_dim3A_2195 : vector<1x128xi1> to vector<64x128xi1>
    %select_n3A_2197 = arith.select %broadcast_in_dim3A_2196, %slice3A_2193, %slice3A_2194 : vector<64x128xi1>, vector<64x128xf32>
    %reshape3A_2198 = vector.shape_cast %select_n3A_2197 : vector<64x128xf32> to vector<8x8x128xf32>
    %swap3A_2199 = arith.constant 2 : index
    %swap3A_2200 = arith.constant 0 : index
    %swap3A_2201 = arith.constant 14 : index
    %swap3A_2202 = arith.constant 0 : index
    %swap3A_2203 = arith.constant 0 : index
    %swap3A_2204 = vector.load %arg4[%swap3A_2199, %swap3A_2200, %swap3A_2201, %swap3A_2202, %swap3A_2203] : memref<4x8x32x8x128xf32, #tpu.memory_space<vmem>>, vector<1x8x1x8x128xf32>
    %swap3A_2205 = vector.shape_cast %swap3A_2204 : vector<1x8x1x8x128xf32> to vector<8x8x128xf32>
    %swap3A_2206 = vector.shape_cast %reshape3A_2198 : vector<8x8x128xf32> to vector<1x8x1x8x128xf32>
    tpu.vector_store %arg4[%swap3A_2199, %swap3A_2200, %swap3A_2201, %swap3A_2202, %swap3A_2203], %swap3A_2206 {strides = array<i32>} : memref<4x8x32x8x128xf32, #tpu.memory_space<vmem>>, vector<1x8x1x8x128xf32>,
    %get3A_2207 = arith.constant 10112 : index
    %get3A_2208 = arith.constant 0 : index
    %get3A_2209 = vector.load %arg1[%get3A_2207, %get3A_2208] : memref<16384x128xf32, #tpu.memory_space<vmem>>, vector<128x128xf32>
    %dot_general3A_2210 = arith.constant dense<0.000000e+00> : vector<128x128xf32>
    %dot_general3A_2211 = tpu.matmul %get3A_2209, %get3A_1, %dot_general3A_2210 {dimension_numbers = #tpu.dot_dimension_numbers<[0], [0], [1], [1], [0, 1, 1, 1], [], []>, transpose_lhs_hint = false} : vector<128x128xf32>, vector<128x128xf32>, vector<128x128xf32> -> vector<128x128xf32>
    %get3A_2212 = arith.constant 2 : index
    %get3A_2213 = arith.constant 15 : index
    %get3A_2214 = arith.constant 0 : index
    %get3A_2215 = vector.load %arg2[%get3A_2212, %get3A_2213, %get3A_2214] : memref<4x32x128xi32, #tpu.memory_space<vmem>>, vector<1x1x128xi32>
    %get3A_2216 = vector.shape_cast %get3A_2215 : vector<1x1x128xi32> to vector<128xi32>
    %ge3A_2217 = arith.constant 503808 : i32
    %ge3A_2218 = vector.broadcast %ge3A_2217 : i32 to vector<128xi32>
    %ge3A_2219 = arith.cmpi sge, %get3A_2216, %ge3A_2218 : vector<128xi32>
    %broadcast_in_dim3A_2220 = vector.shape_cast %ge3A_2219 : vector<128xi1> to vector<1x128xi1>
    %slice3A_2221 = vector.extract_strided_slice %dot_general3A_2211 {offsets = [64, 0], sizes = [64, 128], strides = [1, 1]} : vector<128x128xf32> to vector<64x128xf32>
    %slice3A_2222 = vector.extract_strided_slice %dot_general3A_2211 {offsets = [0, 0], sizes = [64, 128], strides = [1, 1]} : vector<128x128xf32> to vector<64x128xf32>
    %broadcast_in_dim3A_2223 = vector.shape_cast %broadcast_in_dim3A_2220 : vector<1x128xi1> to vector<1x128xi1>
    %broadcast_in_dim3A_2224 = vector.broadcast %broadcast_in_dim3A_2223 : vector<1x128xi1> to vector<64x128xi1>
    %select_n3A_2225 = arith.select %broadcast_in_dim3A_2224, %slice3A_2221, %slice3A_2222 : vector<64x128xi1>, vector<64x128xf32>
    %reshape3A_2226 = vector.shape_cast %select_n3A_2225 : vector<64x128xf32> to vector<8x8x128xf32>
    %swap3A_2227 = arith.constant 2 : index
    %swap3A_2228 = arith.constant 0 : index
    %swap3A_2229 = arith.constant 15 : index
    %swap3A_2230 = arith.constant 0 : index
    %swap3A_2231 = arith.constant 0 : index
    %swap3A_2232 = vector.load %arg4[%swap3A_2227, %swap3A_2228, %swap3A_2229, %swap3A_2230, %swap3A_2231] : memref<4x8x32x8x128xf32, #tpu.memory_space<vmem>>, vector<1x8x1x8x128xf32>
    %swap3A_2233 = vector.shape_cast %swap3A_2232 : vector<1x8x1x8x128xf32> to vector<8x8x128xf32>
    %swap3A_2234 = vector.shape_cast %reshape3A_2226 : vector<8x8x128xf32> to vector<1x8x1x8x128xf32>
    tpu.vector_store %arg4[%swap3A_2227, %swap3A_2228, %swap3A_2229, %swap3A_2230, %swap3A_2231], %swap3A_2234 {strides = array<i32>} : memref<4x8x32x8x128xf32, #tpu.memory_space<vmem>>, vector<1x8x1x8x128xf32>,
    %get3A_2235 = arith.constant 10240 : index
    %get3A_2236 = arith.constant 0 : index
    %get3A_2237 = vector.load %arg1[%get3A_2235, %get3A_2236] : memref<16384x128xf32, #tpu.memory_space<vmem>>, vector<128x128xf32>
    %dot_general3A_2238 = arith.constant dense<0.000000e+00> : vector<128x128xf32>
    %dot_general3A_2239 = tpu.matmul %get3A_2237, %get3A_1, %dot_general3A_2238 {dimension_numbers = #tpu.dot_dimension_numbers<[0], [0], [1], [1], [0, 1, 1, 1], [], []>, transpose_lhs_hint = false} : vector<128x128xf32>, vector<128x128xf32>, vector<128x128xf32> -> vector<128x128xf32>
    %get3A_2240 = arith.constant 2 : index
    %get3A_2241 = arith.constant 16 : index
    %get3A_2242 = arith.constant 0 : index
    %get3A_2243 = vector.load %arg2[%get3A_2240, %get3A_2241, %get3A_2242] : memref<4x32x128xi32, #tpu.memory_space<vmem>>, vector<1x1x128xi32>
    %get3A_2244 = vector.shape_cast %get3A_2243 : vector<1x1x128xi32> to vector<128xi32>
    %ge3A_2245 = arith.constant 503808 : i32
    %ge3A_2246 = vector.broadcast %ge3A_2245 : i32 to vector<128xi32>
    %ge3A_2247 = arith.cmpi sge, %get3A_2244, %ge3A_2246 : vector<128xi32>
    %broadcast_in_dim3A_2248 = vector.shape_cast %ge3A_2247 : vector<128xi1> to vector<1x128xi1>
    %slice3A_2249 = vector.extract_strided_slice %dot_general3A_2239 {offsets = [64, 0], sizes = [64, 128], strides = [1, 1]} : vector<128x128xf32> to vector<64x128xf32>
    %slice3A_2250 = vector.extract_strided_slice %dot_general3A_2239 {offsets = [0, 0], sizes = [64, 128], strides = [1, 1]} : vector<128x128xf32> to vector<64x128xf32>
    %broadcast_in_dim3A_2251 = vector.shape_cast %broadcast_in_dim3A_2248 : vector<1x128xi1> to vector<1x128xi1>
    %broadcast_in_dim3A_2252 = vector.broadcast %broadcast_in_dim3A_2251 : vector<1x128xi1> to vector<64x128xi1>
    %select_n3A_2253 = arith.select %broadcast_in_dim3A_2252, %slice3A_2249, %slice3A_2250 : vector<64x128xi1>, vector<64x128xf32>
    %reshape3A_2254 = vector.shape_cast %select_n3A_2253 : vector<64x128xf32> to vector<8x8x128xf32>
    %swap3A_2255 = arith.constant 2 : index
    %swap3A_2256 = arith.constant 0 : index
    %swap3A_2257 = arith.constant 16 : index
    %swap3A_2258 = arith.constant 0 : index
    %swap3A_2259 = arith.constant 0 : index
    %swap3A_2260 = vector.load %arg4[%swap3A_2255, %swap3A_2256, %swap3A_2257, %swap3A_2258, %swap3A_2259] : memref<4x8x32x8x128xf32, #tpu.memory_space<vmem>>, vector<1x8x1x8x128xf32>
    %swap3A_2261 = vector.shape_cast %swap3A_2260 : vector<1x8x1x8x128xf32> to vector<8x8x128xf32>
    %swap3A_2262 = vector.shape_cast %reshape3A_2254 : vector<8x8x128xf32> to vector<1x8x1x8x128xf32>
    tpu.vector_store %arg4[%swap3A_2255, %swap3A_2256, %swap3A_2257, %swap3A_2258, %swap3A_2259], %swap3A_2262 {strides = array<i32>} : memref<4x8x32x8x128xf32, #tpu.memory_space<vmem>>, vector<1x8x1x8x128xf32>,
    %get3A_2263 = arith.constant 10368 : index
    %get3A_2264 = arith.constant 0 : index
    %get3A_2265 = vector.load %arg1[%get3A_2263, %get3A_2264] : memref<16384x128xf32, #tpu.memory_space<vmem>>, vector<128x128xf32>
    %dot_general3A_2266 = arith.constant dense<0.000000e+00> : vector<128x128xf32>
    %dot_general3A_2267 = tpu.matmul %get3A_2265, %get3A_1, %dot_general3A_2266 {dimension_numbers = #tpu.dot_dimension_numbers<[0], [0], [1], [1], [0, 1, 1, 1], [], []>, transpose_lhs_hint = false} : vector<128x128xf32>, vector<128x128xf32>, vector<128x128xf32> -> vector<128x128xf32>
    %get3A_2268 = arith.constant 2 : index
    %get3A_2269 = arith.constant 17 : index
    %get3A_2270 = arith.constant 0 : index
    %get3A_2271 = vector.load %arg2[%get3A_2268, %get3A_2269, %get3A_2270] : memref<4x32x128xi32, #tpu.memory_space<vmem>>, vector<1x1x128xi32>
    %get3A_2272 = vector.shape_cast %get3A_2271 : vector<1x1x128xi32> to vector<128xi32>
    %ge3A_2273 = arith.constant 503808 : i32
    %ge3A_2274 = vector.broadcast %ge3A_2273 : i32 to vector<128xi32>
    %ge3A_2275 = arith.cmpi sge, %get3A_2272, %ge3A_2274 : vector<128xi32>
    %broadcast_in_dim3A_2276 = vector.shape_cast %ge3A_2275 : vector<128xi1> to vector<1x128xi1>
    %slice3A_2277 = vector.extract_strided_slice %dot_general3A_2267 {offsets = [64, 0], sizes = [64, 128], strides = [1, 1]} : vector<128x128xf32> to vector<64x128xf32>
    %slice3A_2278 = vector.extract_strided_slice %dot_general3A_2267 {offsets = [0, 0], sizes = [64, 128], strides = [1, 1]} : vector<128x128xf32> to vector<64x128xf32>
    %broadcast_in_dim3A_2279 = vector.shape_cast %broadcast_in_dim3A_2276 : vector<1x128xi1> to vector<1x128xi1>
    %broadcast_in_dim3A_2280 = vector.broadcast %broadcast_in_dim3A_2279 : vector<1x128xi1> to vector<64x128xi1>
    %select_n3A_2281 = arith.select %broadcast_in_dim3A_2280, %slice3A_2277, %slice3A_2278 : vector<64x128xi1>, vector<64x128xf32>
    %reshape3A_2282 = vector.shape_cast %select_n3A_2281 : vector<64x128xf32> to vector<8x8x128xf32>
    %swap3A_2283 = arith.constant 2 : index
    %swap3A_2284 = arith.constant 0 : index
    %swap3A_2285 = arith.constant 17 : index
    %swap3A_2286 = arith.constant 0 : index
    %swap3A_2287 = arith.constant 0 : index
    %swap3A_2288 = vector.load %arg4[%swap3A_2283, %swap3A_2284, %swap3A_2285, %swap3A_2286, %swap3A_2287] : memref<4x8x32x8x128xf32, #tpu.memory_space<vmem>>, vector<1x8x1x8x128xf32>
    %swap3A_2289 = vector.shape_cast %swap3A_2288 : vector<1x8x1x8x128xf32> to vector<8x8x128xf32>
    %swap3A_2290 = vector.shape_cast %reshape3A_2282 : vector<8x8x128xf32> to vector<1x8x1x8x128xf32>
    tpu.vector_store %arg4[%swap3A_2283, %swap3A_2284, %swap3A_2285, %swap3A_2286, %swap3A_2287], %swap3A_2290 {strides = array<i32>} : memref<4x8x32x8x128xf32, #tpu.memory_space<vmem>>, vector<1x8x1x8x128xf32>,
    %get3A_2291 = arith.constant 10496 : index
    %get3A_2292 = arith.constant 0 : index
    %get3A_2293 = vector.load %arg1[%get3A_2291, %get3A_2292] : memref<16384x128xf32, #tpu.memory_space<vmem>>, vector<128x128xf32>
    %dot_general3A_2294 = arith.constant dense<0.000000e+00> : vector<128x128xf32>
    %dot_general3A_2295 = tpu.matmul %get3A_2293, %get3A_1, %dot_general3A_2294 {dimension_numbers = #tpu.dot_dimension_numbers<[0], [0], [1], [1], [0, 1, 1, 1], [], []>, transpose_lhs_hint = false} : vector<128x128xf32>, vector<128x128xf32>, vector<128x128xf32> -> vector<128x128xf32>
    %get3A_2296 = arith.constant 2 : index
    %get3A_2297 = arith.constant 18 : index
    %get3A_2298 = arith.constant 0 : index
    %get3A_2299 = vector.load %arg2[%get3A_2296, %get3A_2297, %get3A_2298] : memref<4x32x128xi32, #tpu.memory_space<vmem>>, vector<1x1x128xi32>
    %get3A_2300 = vector.shape_cast %get3A_2299 : vector<1x1x128xi32> to vector<128xi32>
    %ge3A_2301 = arith.constant 503808 : i32
    %ge3A_2302 = vector.broadcast %ge3A_2301 : i32 to vector<128xi32>
    %ge3A_2303 = arith.cmpi sge, %get3A_2300, %ge3A_2302 : vector<128xi32>
    %broadcast_in_dim3A_2304 = vector.shape_cast %ge3A_2303 : vector<128xi1> to vector<1x128xi1>
    %slice3A_2305 = vector.extract_strided_slice %dot_general3A_2295 {offsets = [64, 0], sizes = [64, 128], strides = [1, 1]} : vector<128x128xf32> to vector<64x128xf32>
    %slice3A_2306 = vector.extract_strided_slice %dot_general3A_2295 {offsets = [0, 0], sizes = [64, 128], strides = [1, 1]} : vector<128x128xf32> to vector<64x128xf32>
    %broadcast_in_dim3A_2307 = vector.shape_cast %broadcast_in_dim3A_2304 : vector<1x128xi1> to vector<1x128xi1>
    %broadcast_in_dim3A_2308 = vector.broadcast %broadcast_in_dim3A_2307 : vector<1x128xi1> to vector<64x128xi1>
    %select_n3A_2309 = arith.select %broadcast_in_dim3A_2308, %slice3A_2305, %slice3A_2306 : vector<64x128xi1>, vector<64x128xf32>
    %reshape3A_2310 = vector.shape_cast %select_n3A_2309 : vector<64x128xf32> to vector<8x8x128xf32>
    %swap3A_2311 = arith.constant 2 : index
    %swap3A_2312 = arith.constant 0 : index
    %swap3A_2313 = arith.constant 18 : index
    %swap3A_2314 = arith.constant 0 : index
    %swap3A_2315 = arith.constant 0 : index
    %swap3A_2316 = vector.load %arg4[%swap3A_2311, %swap3A_2312, %swap3A_2313, %swap3A_2314, %swap3A_2315] : memref<4x8x32x8x128xf32, #tpu.memory_space<vmem>>, vector<1x8x1x8x128xf32>
    %swap3A_2317 = vector.shape_cast %swap3A_2316 : vector<1x8x1x8x128xf32> to vector<8x8x128xf32>
    %swap3A_2318 = vector.shape_cast %reshape3A_2310 : vector<8x8x128xf32> to vector<1x8x1x8x128xf32>
    tpu.vector_store %arg4[%swap3A_2311, %swap3A_2312, %swap3A_2313, %swap3A_2314, %swap3A_2315], %swap3A_2318 {strides = array<i32>} : memref<4x8x32x8x128xf32, #tpu.memory_space<vmem>>, vector<1x8x1x8x128xf32>,
    %get3A_2319 = arith.constant 10624 : index
    %get3A_2320 = arith.constant 0 : index
    %get3A_2321 = vector.load %arg1[%get3A_2319, %get3A_2320] : memref<16384x128xf32, #tpu.memory_space<vmem>>, vector<128x128xf32>
    %dot_general3A_2322 = arith.constant dense<0.000000e+00> : vector<128x128xf32>
    %dot_general3A_2323 = tpu.matmul %get3A_2321, %get3A_1, %dot_general3A_2322 {dimension_numbers = #tpu.dot_dimension_numbers<[0], [0], [1], [1], [0, 1, 1, 1], [], []>, transpose_lhs_hint = false} : vector<128x128xf32>, vector<128x128xf32>, vector<128x128xf32> -> vector<128x128xf32>
    %get3A_2324 = arith.constant 2 : index
    %get3A_2325 = arith.constant 19 : index
    %get3A_2326 = arith.constant 0 : index
    %get3A_2327 = vector.load %arg2[%get3A_2324, %get3A_2325, %get3A_2326] : memref<4x32x128xi32, #tpu.memory_space<vmem>>, vector<1x1x128xi32>
    %get3A_2328 = vector.shape_cast %get3A_2327 : vector<1x1x128xi32> to vector<128xi32>
    %ge3A_2329 = arith.constant 503808 : i32
    %ge3A_2330 = vector.broadcast %ge3A_2329 : i32 to vector<128xi32>
    %ge3A_2331 = arith.cmpi sge, %get3A_2328, %ge3A_2330 : vector<128xi32>
    %broadcast_in_dim3A_2332 = vector.shape_cast %ge3A_2331 : vector<128xi1> to vector<1x128xi1>
    %slice3A_2333 = vector.extract_strided_slice %dot_general3A_2323 {offsets = [64, 0], sizes = [64, 128], strides = [1, 1]} : vector<128x128xf32> to vector<64x128xf32>
    %slice3A_2334 = vector.extract_strided_slice %dot_general3A_2323 {offsets = [0, 0], sizes = [64, 128], strides = [1, 1]} : vector<128x128xf32> to vector<64x128xf32>
    %broadcast_in_dim3A_2335 = vector.shape_cast %broadcast_in_dim3A_2332 : vector<1x128xi1> to vector<1x128xi1>
    %broadcast_in_dim3A_2336 = vector.broadcast %broadcast_in_dim3A_2335 : vector<1x128xi1> to vector<64x128xi1>
    %select_n3A_2337 = arith.select %broadcast_in_dim3A_2336, %slice3A_2333, %slice3A_2334 : vector<64x128xi1>, vector<64x128xf32>
    %reshape3A_2338 = vector.shape_cast %select_n3A_2337 : vector<64x128xf32> to vector<8x8x128xf32>
    %swap3A_2339 = arith.constant 2 : index
    %swap3A_2340 = arith.constant 0 : index
    %swap3A_2341 = arith.constant 19 : index
    %swap3A_2342 = arith.constant 0 : index
    %swap3A_2343 = arith.constant 0 : index
    %swap3A_2344 = vector.load %arg4[%swap3A_2339, %swap3A_2340, %swap3A_2341, %swap3A_2342, %swap3A_2343] : memref<4x8x32x8x128xf32, #tpu.memory_space<vmem>>, vector<1x8x1x8x128xf32>
    %swap3A_2345 = vector.shape_cast %swap3A_2344 : vector<1x8x1x8x128xf32> to vector<8x8x128xf32>
    %swap3A_2346 = vector.shape_cast %reshape3A_2338 : vector<8x8x128xf32> to vector<1x8x1x8x128xf32>
    tpu.vector_store %arg4[%swap3A_2339, %swap3A_2340, %swap3A_2341, %swap3A_2342, %swap3A_2343], %swap3A_2346 {strides = array<i32>} : memref<4x8x32x8x128xf32, #tpu.memory_space<vmem>>, vector<1x8x1x8x128xf32>,
    %get3A_2347 = arith.constant 10752 : index
    %get3A_2348 = arith.constant 0 : index
    %get3A_2349 = vector.load %arg1[%get3A_2347, %get3A_2348] : memref<16384x128xf32, #tpu.memory_space<vmem>>, vector<128x128xf32>
    %dot_general3A_2350 = arith.constant dense<0.000000e+00> : vector<128x128xf32>
    %dot_general3A_2351 = tpu.matmul %get3A_2349, %get3A_1, %dot_general3A_2350 {dimension_numbers = #tpu.dot_dimension_numbers<[0], [0], [1], [1], [0, 1, 1, 1], [], []>, transpose_lhs_hint = false} : vector<128x128xf32>, vector<128x128xf32>, vector<128x128xf32> -> vector<128x128xf32>
    %get3A_2352 = arith.constant 2 : index
    %get3A_2353 = arith.constant 20 : index
    %get3A_2354 = arith.constant 0 : index
    %get3A_2355 = vector.load %arg2[%get3A_2352, %get3A_2353, %get3A_2354] : memref<4x32x128xi32, #tpu.memory_space<vmem>>, vector<1x1x128xi32>
    %get3A_2356 = vector.shape_cast %get3A_2355 : vector<1x1x128xi32> to vector<128xi32>
    %ge3A_2357 = arith.constant 503808 : i32
    %ge3A_2358 = vector.broadcast %ge3A_2357 : i32 to vector<128xi32>
    %ge3A_2359 = arith.cmpi sge, %get3A_2356, %ge3A_2358 : vector<128xi32>
    %broadcast_in_dim3A_2360 = vector.shape_cast %ge3A_2359 : vector<128xi1> to vector<1x128xi1>
    %slice3A_2361 = vector.extract_strided_slice %dot_general3A_2351 {offsets = [64, 0], sizes = [64, 128], strides = [1, 1]} : vector<128x128xf32> to vector<64x128xf32>
    %slice3A_2362 = vector.extract_strided_slice %dot_general3A_2351 {offsets = [0, 0], sizes = [64, 128], strides = [1, 1]} : vector<128x128xf32> to vector<64x128xf32>
    %broadcast_in_dim3A_2363 = vector.shape_cast %broadcast_in_dim3A_2360 : vector<1x128xi1> to vector<1x128xi1>
    %broadcast_in_dim3A_2364 = vector.broadcast %broadcast_in_dim3A_2363 : vector<1x128xi1> to vector<64x128xi1>
    %select_n3A_2365 = arith.select %broadcast_in_dim3A_2364, %slice3A_2361, %slice3A_2362 : vector<64x128xi1>, vector<64x128xf32>
    %reshape3A_2366 = vector.shape_cast %select_n3A_2365 : vector<64x128xf32> to vector<8x8x128xf32>
    %swap3A_2367 = arith.constant 2 : index
    %swap3A_2368 = arith.constant 0 : index
    %swap3A_2369 = arith.constant 20 : index
    %swap3A_2370 = arith.constant 0 : index
    %swap3A_2371 = arith.constant 0 : index
    %swap3A_2372 = vector.load %arg4[%swap3A_2367, %swap3A_2368, %swap3A_2369, %swap3A_2370, %swap3A_2371] : memref<4x8x32x8x128xf32, #tpu.memory_space<vmem>>, vector<1x8x1x8x128xf32>
    %swap3A_2373 = vector.shape_cast %swap3A_2372 : vector<1x8x1x8x128xf32> to vector<8x8x128xf32>
    %swap3A_2374 = vector.shape_cast %reshape3A_2366 : vector<8x8x128xf32> to vector<1x8x1x8x128xf32>
    tpu.vector_store %arg4[%swap3A_2367, %swap3A_2368, %swap3A_2369, %swap3A_2370, %swap3A_2371], %swap3A_2374 {strides = array<i32>} : memref<4x8x32x8x128xf32, #tpu.memory_space<vmem>>, vector<1x8x1x8x128xf32>,
    %get3A_2375 = arith.constant 10880 : index
    %get3A_2376 = arith.constant 0 : index
    %get3A_2377 = vector.load %arg1[%get3A_2375, %get3A_2376] : memref<16384x128xf32, #tpu.memory_space<vmem>>, vector<128x128xf32>
    %dot_general3A_2378 = arith.constant dense<0.000000e+00> : vector<128x128xf32>
    %dot_general3A_2379 = tpu.matmul %get3A_2377, %get3A_1, %dot_general3A_2378 {dimension_numbers = #tpu.dot_dimension_numbers<[0], [0], [1], [1], [0, 1, 1, 1], [], []>, transpose_lhs_hint = false} : vector<128x128xf32>, vector<128x128xf32>, vector<128x128xf32> -> vector<128x128xf32>
    %get3A_2380 = arith.constant 2 : index
    %get3A_2381 = arith.constant 21 : index
    %get3A_2382 = arith.constant 0 : index
    %get3A_2383 = vector.load %arg2[%get3A_2380, %get3A_2381, %get3A_2382] : memref<4x32x128xi32, #tpu.memory_space<vmem>>, vector<1x1x128xi32>
    %get3A_2384 = vector.shape_cast %get3A_2383 : vector<1x1x128xi32> to vector<128xi32>
    %ge3A_2385 = arith.constant 503808 : i32
    %ge3A_2386 = vector.broadcast %ge3A_2385 : i32 to vector<128xi32>
    %ge3A_2387 = arith.cmpi sge, %get3A_2384, %ge3A_2386 : vector<128xi32>
    %broadcast_in_dim3A_2388 = vector.shape_cast %ge3A_2387 : vector<128xi1> to vector<1x128xi1>
    %slice3A_2389 = vector.extract_strided_slice %dot_general3A_2379 {offsets = [64, 0], sizes = [64, 128], strides = [1, 1]} : vector<128x128xf32> to vector<64x128xf32>
    %slice3A_2390 = vector.extract_strided_slice %dot_general3A_2379 {offsets = [0, 0], sizes = [64, 128], strides = [1, 1]} : vector<128x128xf32> to vector<64x128xf32>
    %broadcast_in_dim3A_2391 = vector.shape_cast %broadcast_in_dim3A_2388 : vector<1x128xi1> to vector<1x128xi1>
    %broadcast_in_dim3A_2392 = vector.broadcast %broadcast_in_dim3A_2391 : vector<1x128xi1> to vector<64x128xi1>
    %select_n3A_2393 = arith.select %broadcast_in_dim3A_2392, %slice3A_2389, %slice3A_2390 : vector<64x128xi1>, vector<64x128xf32>
    %reshape3A_2394 = vector.shape_cast %select_n3A_2393 : vector<64x128xf32> to vector<8x8x128xf32>
    %swap3A_2395 = arith.constant 2 : index
    %swap3A_2396 = arith.constant 0 : index
    %swap3A_2397 = arith.constant 21 : index
    %swap3A_2398 = arith.constant 0 : index
    %swap3A_2399 = arith.constant 0 : index
    %swap3A_2400 = vector.load %arg4[%swap3A_2395, %swap3A_2396, %swap3A_2397, %swap3A_2398, %swap3A_2399] : memref<4x8x32x8x128xf32, #tpu.memory_space<vmem>>, vector<1x8x1x8x128xf32>
    %swap3A_2401 = vector.shape_cast %swap3A_2400 : vector<1x8x1x8x128xf32> to vector<8x8x128xf32>
    %swap3A_2402 = vector.shape_cast %reshape3A_2394 : vector<8x8x128xf32> to vector<1x8x1x8x128xf32>
    tpu.vector_store %arg4[%swap3A_2395, %swap3A_2396, %swap3A_2397, %swap3A_2398, %swap3A_2399], %swap3A_2402 {strides = array<i32>} : memref<4x8x32x8x128xf32, #tpu.memory_space<vmem>>, vector<1x8x1x8x128xf32>,
    %get3A_2403 = arith.constant 11008 : index
    %get3A_2404 = arith.constant 0 : index
    %get3A_2405 = vector.load %arg1[%get3A_2403, %get3A_2404] : memref<16384x128xf32, #tpu.memory_space<vmem>>, vector<128x128xf32>
    %dot_general3A_2406 = arith.constant dense<0.000000e+00> : vector<128x128xf32>
    %dot_general3A_2407 = tpu.matmul %get3A_2405, %get3A_1, %dot_general3A_2406 {dimension_numbers = #tpu.dot_dimension_numbers<[0], [0], [1], [1], [0, 1, 1, 1], [], []>, transpose_lhs_hint = false} : vector<128x128xf32>, vector<128x128xf32>, vector<128x128xf32> -> vector<128x128xf32>
    %get3A_2408 = arith.constant 2 : index
    %get3A_2409 = arith.constant 22 : index
    %get3A_2410 = arith.constant 0 : index
    %get3A_2411 = vector.load %arg2[%get3A_2408, %get3A_2409, %get3A_2410] : memref<4x32x128xi32, #tpu.memory_space<vmem>>, vector<1x1x128xi32>
    %get3A_2412 = vector.shape_cast %get3A_2411 : vector<1x1x128xi32> to vector<128xi32>
    %ge3A_2413 = arith.constant 503808 : i32
    %ge3A_2414 = vector.broadcast %ge3A_2413 : i32 to vector<128xi32>
    %ge3A_2415 = arith.cmpi sge, %get3A_2412, %ge3A_2414 : vector<128xi32>
    %broadcast_in_dim3A_2416 = vector.shape_cast %ge3A_2415 : vector<128xi1> to vector<1x128xi1>
    %slice3A_2417 = vector.extract_strided_slice %dot_general3A_2407 {offsets = [64, 0], sizes = [64, 128], strides = [1, 1]} : vector<128x128xf32> to vector<64x128xf32>
    %slice3A_2418 = vector.extract_strided_slice %dot_general3A_2407 {offsets = [0, 0], sizes = [64, 128], strides = [1, 1]} : vector<128x128xf32> to vector<64x128xf32>
    %broadcast_in_dim3A_2419 = vector.shape_cast %broadcast_in_dim3A_2416 : vector<1x128xi1> to vector<1x128xi1>
    %broadcast_in_dim3A_2420 = vector.broadcast %broadcast_in_dim3A_2419 : vector<1x128xi1> to vector<64x128xi1>
    %select_n3A_2421 = arith.select %broadcast_in_dim3A_2420, %slice3A_2417, %slice3A_2418 : vector<64x128xi1>, vector<64x128xf32>
    %reshape3A_2422 = vector.shape_cast %select_n3A_2421 : vector<64x128xf32> to vector<8x8x128xf32>
    %swap3A_2423 = arith.constant 2 : index
    %swap3A_2424 = arith.constant 0 : index
    %swap3A_2425 = arith.constant 22 : index
    %swap3A_2426 = arith.constant 0 : index
    %swap3A_2427 = arith.constant 0 : index
    %swap3A_2428 = vector.load %arg4[%swap3A_2423, %swap3A_2424, %swap3A_2425, %swap3A_2426, %swap3A_2427] : memref<4x8x32x8x128xf32, #tpu.memory_space<vmem>>, vector<1x8x1x8x128xf32>
    %swap3A_2429 = vector.shape_cast %swap3A_2428 : vector<1x8x1x8x128xf32> to vector<8x8x128xf32>
    %swap3A_2430 = vector.shape_cast %reshape3A_2422 : vector<8x8x128xf32> to vector<1x8x1x8x128xf32>
    tpu.vector_store %arg4[%swap3A_2423, %swap3A_2424, %swap3A_2425, %swap3A_2426, %swap3A_2427], %swap3A_2430 {strides = array<i32>} : memref<4x8x32x8x128xf32, #tpu.memory_space<vmem>>, vector<1x8x1x8x128xf32>,
    %get3A_2431 = arith.constant 11136 : index
    %get3A_2432 = arith.constant 0 : index
    %get3A_2433 = vector.load %arg1[%get3A_2431, %get3A_2432] : memref<16384x128xf32, #tpu.memory_space<vmem>>, vector<128x128xf32>
    %dot_general3A_2434 = arith.constant dense<0.000000e+00> : vector<128x128xf32>
    %dot_general3A_2435 = tpu.matmul %get3A_2433, %get3A_1, %dot_general3A_2434 {dimension_numbers = #tpu.dot_dimension_numbers<[0], [0], [1], [1], [0, 1, 1, 1], [], []>, transpose_lhs_hint = false} : vector<128x128xf32>, vector<128x128xf32>, vector<128x128xf32> -> vector<128x128xf32>
    %get3A_2436 = arith.constant 2 : index
    %get3A_2437 = arith.constant 23 : index
    %get3A_2438 = arith.constant 0 : index
    %get3A_2439 = vector.load %arg2[%get3A_2436, %get3A_2437, %get3A_2438] : memref<4x32x128xi32, #tpu.memory_space<vmem>>, vector<1x1x128xi32>
    %get3A_2440 = vector.shape_cast %get3A_2439 : vector<1x1x128xi32> to vector<128xi32>
    %ge3A_2441 = arith.constant 503808 : i32
    %ge3A_2442 = vector.broadcast %ge3A_2441 : i32 to vector<128xi32>
    %ge3A_2443 = arith.cmpi sge, %get3A_2440, %ge3A_2442 : vector<128xi32>
    %broadcast_in_dim3A_2444 = vector.shape_cast %ge3A_2443 : vector<128xi1> to vector<1x128xi1>
    %slice3A_2445 = vector.extract_strided_slice %dot_general3A_2435 {offsets = [64, 0], sizes = [64, 128], strides = [1, 1]} : vector<128x128xf32> to vector<64x128xf32>
    %slice3A_2446 = vector.extract_strided_slice %dot_general3A_2435 {offsets = [0, 0], sizes = [64, 128], strides = [1, 1]} : vector<128x128xf32> to vector<64x128xf32>
    %broadcast_in_dim3A_2447 = vector.shape_cast %broadcast_in_dim3A_2444 : vector<1x128xi1> to vector<1x128xi1>
    %broadcast_in_dim3A_2448 = vector.broadcast %broadcast_in_dim3A_2447 : vector<1x128xi1> to vector<64x128xi1>
    %select_n3A_2449 = arith.select %broadcast_in_dim3A_2448, %slice3A_2445, %slice3A_2446 : vector<64x128xi1>, vector<64x128xf32>
    %reshape3A_2450 = vector.shape_cast %select_n3A_2449 : vector<64x128xf32> to vector<8x8x128xf32>
    %swap3A_2451 = arith.constant 2 : index
    %swap3A_2452 = arith.constant 0 : index
    %swap3A_2453 = arith.constant 23 : index
    %swap3A_2454 = arith.constant 0 : index
    %swap3A_2455 = arith.constant 0 : index
    %swap3A_2456 = vector.load %arg4[%swap3A_2451, %swap3A_2452, %swap3A_2453, %swap3A_2454, %swap3A_2455] : memref<4x8x32x8x128xf32, #tpu.memory_space<vmem>>, vector<1x8x1x8x128xf32>
    %swap3A_2457 = vector.shape_cast %swap3A_2456 : vector<1x8x1x8x128xf32> to vector<8x8x128xf32>
    %swap3A_2458 = vector.shape_cast %reshape3A_2450 : vector<8x8x128xf32> to vector<1x8x1x8x128xf32>
    tpu.vector_store %arg4[%swap3A_2451, %swap3A_2452, %swap3A_2453, %swap3A_2454, %swap3A_2455], %swap3A_2458 {strides = array<i32>} : memref<4x8x32x8x128xf32, #tpu.memory_space<vmem>>, vector<1x8x1x8x128xf32>,
    %get3A_2459 = arith.constant 11264 : index
    %get3A_2460 = arith.constant 0 : index
    %get3A_2461 = vector.load %arg1[%get3A_2459, %get3A_2460] : memref<16384x128xf32, #tpu.memory_space<vmem>>, vector<128x128xf32>
    %dot_general3A_2462 = arith.constant dense<0.000000e+00> : vector<128x128xf32>
    %dot_general3A_2463 = tpu.matmul %get3A_2461, %get3A_1, %dot_general3A_2462 {dimension_numbers = #tpu.dot_dimension_numbers<[0], [0], [1], [1], [0, 1, 1, 1], [], []>, transpose_lhs_hint = false} : vector<128x128xf32>, vector<128x128xf32>, vector<128x128xf32> -> vector<128x128xf32>
    %get3A_2464 = arith.constant 2 : index
    %get3A_2465 = arith.constant 24 : index
    %get3A_2466 = arith.constant 0 : index
    %get3A_2467 = vector.load %arg2[%get3A_2464, %get3A_2465, %get3A_2466] : memref<4x32x128xi32, #tpu.memory_space<vmem>>, vector<1x1x128xi32>
    %get3A_2468 = vector.shape_cast %get3A_2467 : vector<1x1x128xi32> to vector<128xi32>
    %ge3A_2469 = arith.constant 503808 : i32
    %ge3A_2470 = vector.broadcast %ge3A_2469 : i32 to vector<128xi32>
    %ge3A_2471 = arith.cmpi sge, %get3A_2468, %ge3A_2470 : vector<128xi32>
    %broadcast_in_dim3A_2472 = vector.shape_cast %ge3A_2471 : vector<128xi1> to vector<1x128xi1>
    %slice3A_2473 = vector.extract_strided_slice %dot_general3A_2463 {offsets = [64, 0], sizes = [64, 128], strides = [1, 1]} : vector<128x128xf32> to vector<64x128xf32>
    %slice3A_2474 = vector.extract_strided_slice %dot_general3A_2463 {offsets = [0, 0], sizes = [64, 128], strides = [1, 1]} : vector<128x128xf32> to vector<64x128xf32>
    %broadcast_in_dim3A_2475 = vector.shape_cast %broadcast_in_dim3A_2472 : vector<1x128xi1> to vector<1x128xi1>
    %broadcast_in_dim3A_2476 = vector.broadcast %broadcast_in_dim3A_2475 : vector<1x128xi1> to vector<64x128xi1>
    %select_n3A_2477 = arith.select %broadcast_in_dim3A_2476, %slice3A_2473, %slice3A_2474 : vector<64x128xi1>, vector<64x128xf32>
    %reshape3A_2478 = vector.shape_cast %select_n3A_2477 : vector<64x128xf32> to vector<8x8x128xf32>
    %swap3A_2479 = arith.constant 2 : index
    %swap3A_2480 = arith.constant 0 : index
    %swap3A_2481 = arith.constant 24 : index
    %swap3A_2482 = arith.constant 0 : index
    %swap3A_2483 = arith.constant 0 : index
    %swap3A_2484 = vector.load %arg4[%swap3A_2479, %swap3A_2480, %swap3A_2481, %swap3A_2482, %swap3A_2483] : memref<4x8x32x8x128xf32, #tpu.memory_space<vmem>>, vector<1x8x1x8x128xf32>
    %swap3A_2485 = vector.shape_cast %swap3A_2484 : vector<1x8x1x8x128xf32> to vector<8x8x128xf32>
    %swap3A_2486 = vector.shape_cast %reshape3A_2478 : vector<8x8x128xf32> to vector<1x8x1x8x128xf32>
    tpu.vector_store %arg4[%swap3A_2479, %swap3A_2480, %swap3A_2481, %swap3A_2482, %swap3A_2483], %swap3A_2486 {strides = array<i32>} : memref<4x8x32x8x128xf32, #tpu.memory_space<vmem>>, vector<1x8x1x8x128xf32>,
    %get3A_2487 = arith.constant 11392 : index
    %get3A_2488 = arith.constant 0 : index
    %get3A_2489 = vector.load %arg1[%get3A_2487, %get3A_2488] : memref<16384x128xf32, #tpu.memory_space<vmem>>, vector<128x128xf32>
    %dot_general3A_2490 = arith.constant dense<0.000000e+00> : vector<128x128xf32>
    %dot_general3A_2491 = tpu.matmul %get3A_2489, %get3A_1, %dot_general3A_2490 {dimension_numbers = #tpu.dot_dimension_numbers<[0], [0], [1], [1], [0, 1, 1, 1], [], []>, transpose_lhs_hint = false} : vector<128x128xf32>, vector<128x128xf32>, vector<128x128xf32> -> vector<128x128xf32>
    %get3A_2492 = arith.constant 2 : index
    %get3A_2493 = arith.constant 25 : index
    %get3A_2494 = arith.constant 0 : index
    %get3A_2495 = vector.load %arg2[%get3A_2492, %get3A_2493, %get3A_2494] : memref<4x32x128xi32, #tpu.memory_space<vmem>>, vector<1x1x128xi32>
    %get3A_2496 = vector.shape_cast %get3A_2495 : vector<1x1x128xi32> to vector<128xi32>
    %ge3A_2497 = arith.constant 503808 : i32
    %ge3A_2498 = vector.broadcast %ge3A_2497 : i32 to vector<128xi32>
    %ge3A_2499 = arith.cmpi sge, %get3A_2496, %ge3A_2498 : vector<128xi32>
    %broadcast_in_dim3A_2500 = vector.shape_cast %ge3A_2499 : vector<128xi1> to vector<1x128xi1>
    %slice3A_2501 = vector.extract_strided_slice %dot_general3A_2491 {offsets = [64, 0], sizes = [64, 128], strides = [1, 1]} : vector<128x128xf32> to vector<64x128xf32>
    %slice3A_2502 = vector.extract_strided_slice %dot_general3A_2491 {offsets = [0, 0], sizes = [64, 128], strides = [1, 1]} : vector<128x128xf32> to vector<64x128xf32>
    %broadcast_in_dim3A_2503 = vector.shape_cast %broadcast_in_dim3A_2500 : vector<1x128xi1> to vector<1x128xi1>
    %broadcast_in_dim3A_2504 = vector.broadcast %broadcast_in_dim3A_2503 : vector<1x128xi1> to vector<64x128xi1>
    %select_n3A_2505 = arith.select %broadcast_in_dim3A_2504, %slice3A_2501, %slice3A_2502 : vector<64x128xi1>, vector<64x128xf32>
    %reshape3A_2506 = vector.shape_cast %select_n3A_2505 : vector<64x128xf32> to vector<8x8x128xf32>
    %swap3A_2507 = arith.constant 2 : index
    %swap3A_2508 = arith.constant 0 : index
    %swap3A_2509 = arith.constant 25 : index
    %swap3A_2510 = arith.constant 0 : index
    %swap3A_2511 = arith.constant 0 : index
    %swap3A_2512 = vector.load %arg4[%swap3A_2507, %swap3A_2508, %swap3A_2509, %swap3A_2510, %swap3A_2511] : memref<4x8x32x8x128xf32, #tpu.memory_space<vmem>>, vector<1x8x1x8x128xf32>
    %swap3A_2513 = vector.shape_cast %swap3A_2512 : vector<1x8x1x8x128xf32> to vector<8x8x128xf32>
    %swap3A_2514 = vector.shape_cast %reshape3A_2506 : vector<8x8x128xf32> to vector<1x8x1x8x128xf32>
    tpu.vector_store %arg4[%swap3A_2507, %swap3A_2508, %swap3A_2509, %swap3A_2510, %swap3A_2511], %swap3A_2514 {strides = array<i32>} : memref<4x8x32x8x128xf32, #tpu.memory_space<vmem>>, vector<1x8x1x8x128xf32>,
    %get3A_2515 = arith.constant 11520 : index
    %get3A_2516 = arith.constant 0 : index
    %get3A_2517 = vector.load %arg1[%get3A_2515, %get3A_2516] : memref<16384x128xf32, #tpu.memory_space<vmem>>, vector<128x128xf32>
    %dot_general3A_2518 = arith.constant dense<0.000000e+00> : vector<128x128xf32>
    %dot_general3A_2519 = tpu.matmul %get3A_2517, %get3A_1, %dot_general3A_2518 {dimension_numbers = #tpu.dot_dimension_numbers<[0], [0], [1], [1], [0, 1, 1, 1], [], []>, transpose_lhs_hint = false} : vector<128x128xf32>, vector<128x128xf32>, vector<128x128xf32> -> vector<128x128xf32>
    %get3A_2520 = arith.constant 2 : index
    %get3A_2521 = arith.constant 26 : index
    %get3A_2522 = arith.constant 0 : index
    %get3A_2523 = vector.load %arg2[%get3A_2520, %get3A_2521, %get3A_2522] : memref<4x32x128xi32, #tpu.memory_space<vmem>>, vector<1x1x128xi32>
    %get3A_2524 = vector.shape_cast %get3A_2523 : vector<1x1x128xi32> to vector<128xi32>
    %ge3A_2525 = arith.constant 503808 : i32
    %ge3A_2526 = vector.broadcast %ge3A_2525 : i32 to vector<128xi32>
    %ge3A_2527 = arith.cmpi sge, %get3A_2524, %ge3A_2526 : vector<128xi32>
    %broadcast_in_dim3A_2528 = vector.shape_cast %ge3A_2527 : vector<128xi1> to vector<1x128xi1>
    %slice3A_2529 = vector.extract_strided_slice %dot_general3A_2519 {offsets = [64, 0], sizes = [64, 128], strides = [1, 1]} : vector<128x128xf32> to vector<64x128xf32>
    %slice3A_2530 = vector.extract_strided_slice %dot_general3A_2519 {offsets = [0, 0], sizes = [64, 128], strides = [1, 1]} : vector<128x128xf32> to vector<64x128xf32>
    %broadcast_in_dim3A_2531 = vector.shape_cast %broadcast_in_dim3A_2528 : vector<1x128xi1> to vector<1x128xi1>
    %broadcast_in_dim3A_2532 = vector.broadcast %broadcast_in_dim3A_2531 : vector<1x128xi1> to vector<64x128xi1>
    %select_n3A_2533 = arith.select %broadcast_in_dim3A_2532, %slice3A_2529, %slice3A_2530 : vector<64x128xi1>, vector<64x128xf32>
    %reshape3A_2534 = vector.shape_cast %select_n3A_2533 : vector<64x128xf32> to vector<8x8x128xf32>
    %swap3A_2535 = arith.constant 2 : index
    %swap3A_2536 = arith.constant 0 : index
    %swap3A_2537 = arith.constant 26 : index
    %swap3A_2538 = arith.constant 0 : index
    %swap3A_2539 = arith.constant 0 : index
    %swap3A_2540 = vector.load %arg4[%swap3A_2535, %swap3A_2536, %swap3A_2537, %swap3A_2538, %swap3A_2539] : memref<4x8x32x8x128xf32, #tpu.memory_space<vmem>>, vector<1x8x1x8x128xf32>
    %swap3A_2541 = vector.shape_cast %swap3A_2540 : vector<1x8x1x8x128xf32> to vector<8x8x128xf32>
    %swap3A_2542 = vector.shape_cast %reshape3A_2534 : vector<8x8x128xf32> to vector<1x8x1x8x128xf32>
    tpu.vector_store %arg4[%swap3A_2535, %swap3A_2536, %swap3A_2537, %swap3A_2538, %swap3A_2539], %swap3A_2542 {strides = array<i32>} : memref<4x8x32x8x128xf32, #tpu.memory_space<vmem>>, vector<1x8x1x8x128xf32>,
    %get3A_2543 = arith.constant 11648 : index
    %get3A_2544 = arith.constant 0 : index
    %get3A_2545 = vector.load %arg1[%get3A_2543, %get3A_2544] : memref<16384x128xf32, #tpu.memory_space<vmem>>, vector<128x128xf32>
    %dot_general3A_2546 = arith.constant dense<0.000000e+00> : vector<128x128xf32>
    %dot_general3A_2547 = tpu.matmul %get3A_2545, %get3A_1, %dot_general3A_2546 {dimension_numbers = #tpu.dot_dimension_numbers<[0], [0], [1], [1], [0, 1, 1, 1], [], []>, transpose_lhs_hint = false} : vector<128x128xf32>, vector<128x128xf32>, vector<128x128xf32> -> vector<128x128xf32>
    %get3A_2548 = arith.constant 2 : index
    %get3A_2549 = arith.constant 27 : index
    %get3A_2550 = arith.constant 0 : index
    %get3A_2551 = vector.load %arg2[%get3A_2548, %get3A_2549, %get3A_2550] : memref<4x32x128xi32, #tpu.memory_space<vmem>>, vector<1x1x128xi32>
    %get3A_2552 = vector.shape_cast %get3A_2551 : vector<1x1x128xi32> to vector<128xi32>
    %ge3A_2553 = arith.constant 503808 : i32
    %ge3A_2554 = vector.broadcast %ge3A_2553 : i32 to vector<128xi32>
    %ge3A_2555 = arith.cmpi sge, %get3A_2552, %ge3A_2554 : vector<128xi32>
    %broadcast_in_dim3A_2556 = vector.shape_cast %ge3A_2555 : vector<128xi1> to vector<1x128xi1>
    %slice3A_2557 = vector.extract_strided_slice %dot_general3A_2547 {offsets = [64, 0], sizes = [64, 128], strides = [1, 1]} : vector<128x128xf32> to vector<64x128xf32>
    %slice3A_2558 = vector.extract_strided_slice %dot_general3A_2547 {offsets = [0, 0], sizes = [64, 128], strides = [1, 1]} : vector<128x128xf32> to vector<64x128xf32>
    %broadcast_in_dim3A_2559 = vector.shape_cast %broadcast_in_dim3A_2556 : vector<1x128xi1> to vector<1x128xi1>
    %broadcast_in_dim3A_2560 = vector.broadcast %broadcast_in_dim3A_2559 : vector<1x128xi1> to vector<64x128xi1>
    %select_n3A_2561 = arith.select %broadcast_in_dim3A_2560, %slice3A_2557, %slice3A_2558 : vector<64x128xi1>, vector<64x128xf32>
    %reshape3A_2562 = vector.shape_cast %select_n3A_2561 : vector<64x128xf32> to vector<8x8x128xf32>
    %swap3A_2563 = arith.constant 2 : index
    %swap3A_2564 = arith.constant 0 : index
    %swap3A_2565 = arith.constant 27 : index
    %swap3A_2566 = arith.constant 0 : index
    %swap3A_2567 = arith.constant 0 : index
    %swap3A_2568 = vector.load %arg4[%swap3A_2563, %swap3A_2564, %swap3A_2565, %swap3A_2566, %swap3A_2567] : memref<4x8x32x8x128xf32, #tpu.memory_space<vmem>>, vector<1x8x1x8x128xf32>
    %swap3A_2569 = vector.shape_cast %swap3A_2568 : vector<1x8x1x8x128xf32> to vector<8x8x128xf32>
    %swap3A_2570 = vector.shape_cast %reshape3A_2562 : vector<8x8x128xf32> to vector<1x8x1x8x128xf32>
    tpu.vector_store %arg4[%swap3A_2563, %swap3A_2564, %swap3A_2565, %swap3A_2566, %swap3A_2567], %swap3A_2570 {strides = array<i32>} : memref<4x8x32x8x128xf32, #tpu.memory_space<vmem>>, vector<1x8x1x8x128xf32>,
    %get3A_2571 = arith.constant 11776 : index
    %get3A_2572 = arith.constant 0 : index
    %get3A_2573 = vector.load %arg1[%get3A_2571, %get3A_2572] : memref<16384x128xf32, #tpu.memory_space<vmem>>, vector<128x128xf32>
    %dot_general3A_2574 = arith.constant dense<0.000000e+00> : vector<128x128xf32>
    %dot_general3A_2575 = tpu.matmul %get3A_2573, %get3A_1, %dot_general3A_2574 {dimension_numbers = #tpu.dot_dimension_numbers<[0], [0], [1], [1], [0, 1, 1, 1], [], []>, transpose_lhs_hint = false} : vector<128x128xf32>, vector<128x128xf32>, vector<128x128xf32> -> vector<128x128xf32>
    %get3A_2576 = arith.constant 2 : index
    %get3A_2577 = arith.constant 28 : index
    %get3A_2578 = arith.constant 0 : index
    %get3A_2579 = vector.load %arg2[%get3A_2576, %get3A_2577, %get3A_2578] : memref<4x32x128xi32, #tpu.memory_space<vmem>>, vector<1x1x128xi32>
    %get3A_2580 = vector.shape_cast %get3A_2579 : vector<1x1x128xi32> to vector<128xi32>
    %ge3A_2581 = arith.constant 503808 : i32
    %ge3A_2582 = vector.broadcast %ge3A_2581 : i32 to vector<128xi32>
    %ge3A_2583 = arith.cmpi sge, %get3A_2580, %ge3A_2582 : vector<128xi32>
    %broadcast_in_dim3A_2584 = vector.shape_cast %ge3A_2583 : vector<128xi1> to vector<1x128xi1>
    %slice3A_2585 = vector.extract_strided_slice %dot_general3A_2575 {offsets = [64, 0], sizes = [64, 128], strides = [1, 1]} : vector<128x128xf32> to vector<64x128xf32>
    %slice3A_2586 = vector.extract_strided_slice %dot_general3A_2575 {offsets = [0, 0], sizes = [64, 128], strides = [1, 1]} : vector<128x128xf32> to vector<64x128xf32>
    %broadcast_in_dim3A_2587 = vector.shape_cast %broadcast_in_dim3A_2584 : vector<1x128xi1> to vector<1x128xi1>
    %broadcast_in_dim3A_2588 = vector.broadcast %broadcast_in_dim3A_2587 : vector<1x128xi1> to vector<64x128xi1>
    %select_n3A_2589 = arith.select %broadcast_in_dim3A_2588, %slice3A_2585, %slice3A_2586 : vector<64x128xi1>, vector<64x128xf32>
    %reshape3A_2590 = vector.shape_cast %select_n3A_2589 : vector<64x128xf32> to vector<8x8x128xf32>
    %swap3A_2591 = arith.constant 2 : index
    %swap3A_2592 = arith.constant 0 : index
    %swap3A_2593 = arith.constant 28 : index
    %swap3A_2594 = arith.constant 0 : index
    %swap3A_2595 = arith.constant 0 : index
    %swap3A_2596 = vector.load %arg4[%swap3A_2591, %swap3A_2592, %swap3A_2593, %swap3A_2594, %swap3A_2595] : memref<4x8x32x8x128xf32, #tpu.memory_space<vmem>>, vector<1x8x1x8x128xf32>
    %swap3A_2597 = vector.shape_cast %swap3A_2596 : vector<1x8x1x8x128xf32> to vector<8x8x128xf32>
    %swap3A_2598 = vector.shape_cast %reshape3A_2590 : vector<8x8x128xf32> to vector<1x8x1x8x128xf32>
    tpu.vector_store %arg4[%swap3A_2591, %swap3A_2592, %swap3A_2593, %swap3A_2594, %swap3A_2595], %swap3A_2598 {strides = array<i32>} : memref<4x8x32x8x128xf32, #tpu.memory_space<vmem>>, vector<1x8x1x8x128xf32>,
    %get3A_2599 = arith.constant 11904 : index
    %get3A_2600 = arith.constant 0 : index
    %get3A_2601 = vector.load %arg1[%get3A_2599, %get3A_2600] : memref<16384x128xf32, #tpu.memory_space<vmem>>, vector<128x128xf32>
    %dot_general3A_2602 = arith.constant dense<0.000000e+00> : vector<128x128xf32>
    %dot_general3A_2603 = tpu.matmul %get3A_2601, %get3A_1, %dot_general3A_2602 {dimension_numbers = #tpu.dot_dimension_numbers<[0], [0], [1], [1], [0, 1, 1, 1], [], []>, transpose_lhs_hint = false} : vector<128x128xf32>, vector<128x128xf32>, vector<128x128xf32> -> vector<128x128xf32>
    %get3A_2604 = arith.constant 2 : index
    %get3A_2605 = arith.constant 29 : index
    %get3A_2606 = arith.constant 0 : index
    %get3A_2607 = vector.load %arg2[%get3A_2604, %get3A_2605, %get3A_2606] : memref<4x32x128xi32, #tpu.memory_space<vmem>>, vector<1x1x128xi32>
    %get3A_2608 = vector.shape_cast %get3A_2607 : vector<1x1x128xi32> to vector<128xi32>
    %ge3A_2609 = arith.constant 503808 : i32
    %ge3A_2610 = vector.broadcast %ge3A_2609 : i32 to vector<128xi32>
    %ge3A_2611 = arith.cmpi sge, %get3A_2608, %ge3A_2610 : vector<128xi32>
    %broadcast_in_dim3A_2612 = vector.shape_cast %ge3A_2611 : vector<128xi1> to vector<1x128xi1>
    %slice3A_2613 = vector.extract_strided_slice %dot_general3A_2603 {offsets = [64, 0], sizes = [64, 128], strides = [1, 1]} : vector<128x128xf32> to vector<64x128xf32>
    %slice3A_2614 = vector.extract_strided_slice %dot_general3A_2603 {offsets = [0, 0], sizes = [64, 128], strides = [1, 1]} : vector<128x128xf32> to vector<64x128xf32>
    %broadcast_in_dim3A_2615 = vector.shape_cast %broadcast_in_dim3A_2612 : vector<1x128xi1> to vector<1x128xi1>
    %broadcast_in_dim3A_2616 = vector.broadcast %broadcast_in_dim3A_2615 : vector<1x128xi1> to vector<64x128xi1>
    %select_n3A_2617 = arith.select %broadcast_in_dim3A_2616, %slice3A_2613, %slice3A_2614 : vector<64x128xi1>, vector<64x128xf32>
    %reshape3A_2618 = vector.shape_cast %select_n3A_2617 : vector<64x128xf32> to vector<8x8x128xf32>
    %swap3A_2619 = arith.constant 2 : index
    %swap3A_2620 = arith.constant 0 : index
    %swap3A_2621 = arith.constant 29 : index
    %swap3A_2622 = arith.constant 0 : index
    %swap3A_2623 = arith.constant 0 : index
    %swap3A_2624 = vector.load %arg4[%swap3A_2619, %swap3A_2620, %swap3A_2621, %swap3A_2622, %swap3A_2623] : memref<4x8x32x8x128xf32, #tpu.memory_space<vmem>>, vector<1x8x1x8x128xf32>
    %swap3A_2625 = vector.shape_cast %swap3A_2624 : vector<1x8x1x8x128xf32> to vector<8x8x128xf32>
    %swap3A_2626 = vector.shape_cast %reshape3A_2618 : vector<8x8x128xf32> to vector<1x8x1x8x128xf32>
    tpu.vector_store %arg4[%swap3A_2619, %swap3A_2620, %swap3A_2621, %swap3A_2622, %swap3A_2623], %swap3A_2626 {strides = array<i32>} : memref<4x8x32x8x128xf32, #tpu.memory_space<vmem>>, vector<1x8x1x8x128xf32>,
    %get3A_2627 = arith.constant 12032 : index
    %get3A_2628 = arith.constant 0 : index
    %get3A_2629 = vector.load %arg1[%get3A_2627, %get3A_2628] : memref<16384x128xf32, #tpu.memory_space<vmem>>, vector<128x128xf32>
    %dot_general3A_2630 = arith.constant dense<0.000000e+00> : vector<128x128xf32>
    %dot_general3A_2631 = tpu.matmul %get3A_2629, %get3A_1, %dot_general3A_2630 {dimension_numbers = #tpu.dot_dimension_numbers<[0], [0], [1], [1], [0, 1, 1, 1], [], []>, transpose_lhs_hint = false} : vector<128x128xf32>, vector<128x128xf32>, vector<128x128xf32> -> vector<128x128xf32>
    %get3A_2632 = arith.constant 2 : index
    %get3A_2633 = arith.constant 30 : index
    %get3A_2634 = arith.constant 0 : index
    %get3A_2635 = vector.load %arg2[%get3A_2632, %get3A_2633, %get3A_2634] : memref<4x32x128xi32, #tpu.memory_space<vmem>>, vector<1x1x128xi32>
    %get3A_2636 = vector.shape_cast %get3A_2635 : vector<1x1x128xi32> to vector<128xi32>
    %ge3A_2637 = arith.constant 503808 : i32
    %ge3A_2638 = vector.broadcast %ge3A_2637 : i32 to vector<128xi32>
    %ge3A_2639 = arith.cmpi sge, %get3A_2636, %ge3A_2638 : vector<128xi32>
    %broadcast_in_dim3A_2640 = vector.shape_cast %ge3A_2639 : vector<128xi1> to vector<1x128xi1>
    %slice3A_2641 = vector.extract_strided_slice %dot_general3A_2631 {offsets = [64, 0], sizes = [64, 128], strides = [1, 1]} : vector<128x128xf32> to vector<64x128xf32>
    %slice3A_2642 = vector.extract_strided_slice %dot_general3A_2631 {offsets = [0, 0], sizes = [64, 128], strides = [1, 1]} : vector<128x128xf32> to vector<64x128xf32>
    %broadcast_in_dim3A_2643 = vector.shape_cast %broadcast_in_dim3A_2640 : vector<1x128xi1> to vector<1x128xi1>
    %broadcast_in_dim3A_2644 = vector.broadcast %broadcast_in_dim3A_2643 : vector<1x128xi1> to vector<64x128xi1>
    %select_n3A_2645 = arith.select %broadcast_in_dim3A_2644, %slice3A_2641, %slice3A_2642 : vector<64x128xi1>, vector<64x128xf32>
    %reshape3A_2646 = vector.shape_cast %select_n3A_2645 : vector<64x128xf32> to vector<8x8x128xf32>
    %swap3A_2647 = arith.constant 2 : index
    %swap3A_2648 = arith.constant 0 : index
    %swap3A_2649 = arith.constant 30 : index
    %swap3A_2650 = arith.constant 0 : index
    %swap3A_2651 = arith.constant 0 : index
    %swap3A_2652 = vector.load %arg4[%swap3A_2647, %swap3A_2648, %swap3A_2649, %swap3A_2650, %swap3A_2651] : memref<4x8x32x8x128xf32, #tpu.memory_space<vmem>>, vector<1x8x1x8x128xf32>
    %swap3A_2653 = vector.shape_cast %swap3A_2652 : vector<1x8x1x8x128xf32> to vector<8x8x128xf32>
    %swap3A_2654 = vector.shape_cast %reshape3A_2646 : vector<8x8x128xf32> to vector<1x8x1x8x128xf32>
    tpu.vector_store %arg4[%swap3A_2647, %swap3A_2648, %swap3A_2649, %swap3A_2650, %swap3A_2651], %swap3A_2654 {strides = array<i32>} : memref<4x8x32x8x128xf32, #tpu.memory_space<vmem>>, vector<1x8x1x8x128xf32>,
    %get3A_2655 = arith.constant 12160 : index
    %get3A_2656 = arith.constant 0 : index
    %get3A_2657 = vector.load %arg1[%get3A_2655, %get3A_2656] : memref<16384x128xf32, #tpu.memory_space<vmem>>, vector<128x128xf32>
    %dot_general3A_2658 = arith.constant dense<0.000000e+00> : vector<128x128xf32>
    %dot_general3A_2659 = tpu.matmul %get3A_2657, %get3A_1, %dot_general3A_2658 {dimension_numbers = #tpu.dot_dimension_numbers<[0], [0], [1], [1], [0, 1, 1, 1], [], []>, transpose_lhs_hint = false} : vector<128x128xf32>, vector<128x128xf32>, vector<128x128xf32> -> vector<128x128xf32>
    %get3A_2660 = arith.constant 2 : index
    %get3A_2661 = arith.constant 31 : index
    %get3A_2662 = arith.constant 0 : index
    %get3A_2663 = vector.load %arg2[%get3A_2660, %get3A_2661, %get3A_2662] : memref<4x32x128xi32, #tpu.memory_space<vmem>>, vector<1x1x128xi32>
    %get3A_2664 = vector.shape_cast %get3A_2663 : vector<1x1x128xi32> to vector<128xi32>
    %ge3A_2665 = arith.constant 503808 : i32
    %ge3A_2666 = vector.broadcast %ge3A_2665 : i32 to vector<128xi32>
    %ge3A_2667 = arith.cmpi sge, %get3A_2664, %ge3A_2666 : vector<128xi32>
    %broadcast_in_dim3A_2668 = vector.shape_cast %ge3A_2667 : vector<128xi1> to vector<1x128xi1>
    %slice3A_2669 = vector.extract_strided_slice %dot_general3A_2659 {offsets = [64, 0], sizes = [64, 128], strides = [1, 1]} : vector<128x128xf32> to vector<64x128xf32>
    %slice3A_2670 = vector.extract_strided_slice %dot_general3A_2659 {offsets = [0, 0], sizes = [64, 128], strides = [1, 1]} : vector<128x128xf32> to vector<64x128xf32>
    %broadcast_in_dim3A_2671 = vector.shape_cast %broadcast_in_dim3A_2668 : vector<1x128xi1> to vector<1x128xi1>
    %broadcast_in_dim3A_2672 = vector.broadcast %broadcast_in_dim3A_2671 : vector<1x128xi1> to vector<64x128xi1>
    %select_n3A_2673 = arith.select %broadcast_in_dim3A_2672, %slice3A_2669, %slice3A_2670 : vector<64x128xi1>, vector<64x128xf32>
    %reshape3A_2674 = vector.shape_cast %select_n3A_2673 : vector<64x128xf32> to vector<8x8x128xf32>
    %swap3A_2675 = arith.constant 2 : index
    %swap3A_2676 = arith.constant 0 : index
    %swap3A_2677 = arith.constant 31 : index
    %swap3A_2678 = arith.constant 0 : index
    %swap3A_2679 = arith.constant 0 : index
    %swap3A_2680 = vector.load %arg4[%swap3A_2675, %swap3A_2676, %swap3A_2677, %swap3A_2678, %swap3A_2679] : memref<4x8x32x8x128xf32, #tpu.memory_space<vmem>>, vector<1x8x1x8x128xf32>
    %swap3A_2681 = vector.shape_cast %swap3A_2680 : vector<1x8x1x8x128xf32> to vector<8x8x128xf32>
    %swap3A_2682 = vector.shape_cast %reshape3A_2674 : vector<8x8x128xf32> to vector<1x8x1x8x128xf32>
    tpu.vector_store %arg4[%swap3A_2675, %swap3A_2676, %swap3A_2677, %swap3A_2678, %swap3A_2679], %swap3A_2682 {strides = array<i32>} : memref<4x8x32x8x128xf32, #tpu.memory_space<vmem>>, vector<1x8x1x8x128xf32>,
    %get3A_2683 = arith.constant 12288 : index
    %get3A_2684 = arith.constant 0 : index
    %get3A_2685 = vector.load %arg1[%get3A_2683, %get3A_2684] : memref<16384x128xf32, #tpu.memory_space<vmem>>, vector<128x128xf32>
    %dot_general3A_2686 = arith.constant dense<0.000000e+00> : vector<128x128xf32>
    %dot_general3A_2687 = tpu.matmul %get3A_2685, %get3A_1, %dot_general3A_2686 {dimension_numbers = #tpu.dot_dimension_numbers<[0], [0], [1], [1], [0, 1, 1, 1], [], []>, transpose_lhs_hint = false} : vector<128x128xf32>, vector<128x128xf32>, vector<128x128xf32> -> vector<128x128xf32>
    %get3A_2688 = arith.constant 3 : index
    %get3A_2689 = arith.constant 0 : index
    %get3A_2690 = arith.constant 0 : index
    %get3A_2691 = vector.load %arg2[%get3A_2688, %get3A_2689, %get3A_2690] : memref<4x32x128xi32, #tpu.memory_space<vmem>>, vector<1x1x128xi32>
    %get3A_2692 = vector.shape_cast %get3A_2691 : vector<1x1x128xi32> to vector<128xi32>
    %ge3A_2693 = arith.constant 503808 : i32
    %ge3A_2694 = vector.broadcast %ge3A_2693 : i32 to vector<128xi32>
    %ge3A_2695 = arith.cmpi sge, %get3A_2692, %ge3A_2694 : vector<128xi32>
    %broadcast_in_dim3A_2696 = vector.shape_cast %ge3A_2695 : vector<128xi1> to vector<1x128xi1>
    %slice3A_2697 = vector.extract_strided_slice %dot_general3A_2687 {offsets = [64, 0], sizes = [64, 128], strides = [1, 1]} : vector<128x128xf32> to vector<64x128xf32>
    %slice3A_2698 = vector.extract_strided_slice %dot_general3A_2687 {offsets = [0, 0], sizes = [64, 128], strides = [1, 1]} : vector<128x128xf32> to vector<64x128xf32>
    %broadcast_in_dim3A_2699 = vector.shape_cast %broadcast_in_dim3A_2696 : vector<1x128xi1> to vector<1x128xi1>
    %broadcast_in_dim3A_2700 = vector.broadcast %broadcast_in_dim3A_2699 : vector<1x128xi1> to vector<64x128xi1>
    %select_n3A_2701 = arith.select %broadcast_in_dim3A_2700, %slice3A_2697, %slice3A_2698 : vector<64x128xi1>, vector<64x128xf32>
    %reshape3A_2702 = vector.shape_cast %select_n3A_2701 : vector<64x128xf32> to vector<8x8x128xf32>
    %swap3A_2703 = arith.constant 3 : index
    %swap3A_2704 = arith.constant 0 : index
    %swap3A_2705 = arith.constant 0 : index
    %swap3A_2706 = arith.constant 0 : index
    %swap3A_2707 = arith.constant 0 : index
    %swap3A_2708 = vector.load %arg4[%swap3A_2703, %swap3A_2704, %swap3A_2705, %swap3A_2706, %swap3A_2707] : memref<4x8x32x8x128xf32, #tpu.memory_space<vmem>>, vector<1x8x1x8x128xf32>
    %swap3A_2709 = vector.shape_cast %swap3A_2708 : vector<1x8x1x8x128xf32> to vector<8x8x128xf32>
    %swap3A_2710 = vector.shape_cast %reshape3A_2702 : vector<8x8x128xf32> to vector<1x8x1x8x128xf32>
    tpu.vector_store %arg4[%swap3A_2703, %swap3A_2704, %swap3A_2705, %swap3A_2706, %swap3A_2707], %swap3A_2710 {strides = array<i32>} : memref<4x8x32x8x128xf32, #tpu.memory_space<vmem>>, vector<1x8x1x8x128xf32>,
    %get3A_2711 = arith.constant 12416 : index
    %get3A_2712 = arith.constant 0 : index
    %get3A_2713 = vector.load %arg1[%get3A_2711, %get3A_2712] : memref<16384x128xf32, #tpu.memory_space<vmem>>, vector<128x128xf32>
    %dot_general3A_2714 = arith.constant dense<0.000000e+00> : vector<128x128xf32>
    %dot_general3A_2715 = tpu.matmul %get3A_2713, %get3A_1, %dot_general3A_2714 {dimension_numbers = #tpu.dot_dimension_numbers<[0], [0], [1], [1], [0, 1, 1, 1], [], []>, transpose_lhs_hint = false} : vector<128x128xf32>, vector<128x128xf32>, vector<128x128xf32> -> vector<128x128xf32>
    %get3A_2716 = arith.constant 3 : index
    %get3A_2717 = arith.constant 1 : index
    %get3A_2718 = arith.constant 0 : index
    %get3A_2719 = vector.load %arg2[%get3A_2716, %get3A_2717, %get3A_2718] : memref<4x32x128xi32, #tpu.memory_space<vmem>>, vector<1x1x128xi32>
    %get3A_2720 = vector.shape_cast %get3A_2719 : vector<1x1x128xi32> to vector<128xi32>
    %ge3A_2721 = arith.constant 503808 : i32
    %ge3A_2722 = vector.broadcast %ge3A_2721 : i32 to vector<128xi32>
    %ge3A_2723 = arith.cmpi sge, %get3A_2720, %ge3A_2722 : vector<128xi32>
    %broadcast_in_dim3A_2724 = vector.shape_cast %ge3A_2723 : vector<128xi1> to vector<1x128xi1>
    %slice3A_2725 = vector.extract_strided_slice %dot_general3A_2715 {offsets = [64, 0], sizes = [64, 128], strides = [1, 1]} : vector<128x128xf32> to vector<64x128xf32>
    %slice3A_2726 = vector.extract_strided_slice %dot_general3A_2715 {offsets = [0, 0], sizes = [64, 128], strides = [1, 1]} : vector<128x128xf32> to vector<64x128xf32>
    %broadcast_in_dim3A_2727 = vector.shape_cast %broadcast_in_dim3A_2724 : vector<1x128xi1> to vector<1x128xi1>
    %broadcast_in_dim3A_2728 = vector.broadcast %broadcast_in_dim3A_2727 : vector<1x128xi1> to vector<64x128xi1>
    %select_n3A_2729 = arith.select %broadcast_in_dim3A_2728, %slice3A_2725, %slice3A_2726 : vector<64x128xi1>, vector<64x128xf32>
    %reshape3A_2730 = vector.shape_cast %select_n3A_2729 : vector<64x128xf32> to vector<8x8x128xf32>
    %swap3A_2731 = arith.constant 3 : index
    %swap3A_2732 = arith.constant 0 : index
    %swap3A_2733 = arith.constant 1 : index
    %swap3A_2734 = arith.constant 0 : index
    %swap3A_2735 = arith.constant 0 : index
    %swap3A_2736 = vector.load %arg4[%swap3A_2731, %swap3A_2732, %swap3A_2733, %swap3A_2734, %swap3A_2735] : memref<4x8x32x8x128xf32, #tpu.memory_space<vmem>>, vector<1x8x1x8x128xf32>
    %swap3A_2737 = vector.shape_cast %swap3A_2736 : vector<1x8x1x8x128xf32> to vector<8x8x128xf32>
    %swap3A_2738 = vector.shape_cast %reshape3A_2730 : vector<8x8x128xf32> to vector<1x8x1x8x128xf32>
    tpu.vector_store %arg4[%swap3A_2731, %swap3A_2732, %swap3A_2733, %swap3A_2734, %swap3A_2735], %swap3A_2738 {strides = array<i32>} : memref<4x8x32x8x128xf32, #tpu.memory_space<vmem>>, vector<1x8x1x8x128xf32>,
    %get3A_2739 = arith.constant 12544 : index
    %get3A_2740 = arith.constant 0 : index
    %get3A_2741 = vector.load %arg1[%get3A_2739, %get3A_2740] : memref<16384x128xf32, #tpu.memory_space<vmem>>, vector<128x128xf32>
    %dot_general3A_2742 = arith.constant dense<0.000000e+00> : vector<128x128xf32>
    %dot_general3A_2743 = tpu.matmul %get3A_2741, %get3A_1, %dot_general3A_2742 {dimension_numbers = #tpu.dot_dimension_numbers<[0], [0], [1], [1], [0, 1, 1, 1], [], []>, transpose_lhs_hint = false} : vector<128x128xf32>, vector<128x128xf32>, vector<128x128xf32> -> vector<128x128xf32>
    %get3A_2744 = arith.constant 3 : index
    %get3A_2745 = arith.constant 2 : index
    %get3A_2746 = arith.constant 0 : index
    %get3A_2747 = vector.load %arg2[%get3A_2744, %get3A_2745, %get3A_2746] : memref<4x32x128xi32, #tpu.memory_space<vmem>>, vector<1x1x128xi32>
    %get3A_2748 = vector.shape_cast %get3A_2747 : vector<1x1x128xi32> to vector<128xi32>
    %ge3A_2749 = arith.constant 503808 : i32
    %ge3A_2750 = vector.broadcast %ge3A_2749 : i32 to vector<128xi32>
    %ge3A_2751 = arith.cmpi sge, %get3A_2748, %ge3A_2750 : vector<128xi32>
    %broadcast_in_dim3A_2752 = vector.shape_cast %ge3A_2751 : vector<128xi1> to vector<1x128xi1>
    %slice3A_2753 = vector.extract_strided_slice %dot_general3A_2743 {offsets = [64, 0], sizes = [64, 128], strides = [1, 1]} : vector<128x128xf32> to vector<64x128xf32>
    %slice3A_2754 = vector.extract_strided_slice %dot_general3A_2743 {offsets = [0, 0], sizes = [64, 128], strides = [1, 1]} : vector<128x128xf32> to vector<64x128xf32>
    %broadcast_in_dim3A_2755 = vector.shape_cast %broadcast_in_dim3A_2752 : vector<1x128xi1> to vector<1x128xi1>
    %broadcast_in_dim3A_2756 = vector.broadcast %broadcast_in_dim3A_2755 : vector<1x128xi1> to vector<64x128xi1>
    %select_n3A_2757 = arith.select %broadcast_in_dim3A_2756, %slice3A_2753, %slice3A_2754 : vector<64x128xi1>, vector<64x128xf32>
    %reshape3A_2758 = vector.shape_cast %select_n3A_2757 : vector<64x128xf32> to vector<8x8x128xf32>
    %swap3A_2759 = arith.constant 3 : index
    %swap3A_2760 = arith.constant 0 : index
    %swap3A_2761 = arith.constant 2 : index
    %swap3A_2762 = arith.constant 0 : index
    %swap3A_2763 = arith.constant 0 : index
    %swap3A_2764 = vector.load %arg4[%swap3A_2759, %swap3A_2760, %swap3A_2761, %swap3A_2762, %swap3A_2763] : memref<4x8x32x8x128xf32, #tpu.memory_space<vmem>>, vector<1x8x1x8x128xf32>
    %swap3A_2765 = vector.shape_cast %swap3A_2764 : vector<1x8x1x8x128xf32> to vector<8x8x128xf32>
    %swap3A_2766 = vector.shape_cast %reshape3A_2758 : vector<8x8x128xf32> to vector<1x8x1x8x128xf32>
    tpu.vector_store %arg4[%swap3A_2759, %swap3A_2760, %swap3A_2761, %swap3A_2762, %swap3A_2763], %swap3A_2766 {strides = array<i32>} : memref<4x8x32x8x128xf32, #tpu.memory_space<vmem>>, vector<1x8x1x8x128xf32>,
    %get3A_2767 = arith.constant 12672 : index
    %get3A_2768 = arith.constant 0 : index
    %get3A_2769 = vector.load %arg1[%get3A_2767, %get3A_2768] : memref<16384x128xf32, #tpu.memory_space<vmem>>, vector<128x128xf32>
    %dot_general3A_2770 = arith.constant dense<0.000000e+00> : vector<128x128xf32>
    %dot_general3A_2771 = tpu.matmul %get3A_2769, %get3A_1, %dot_general3A_2770 {dimension_numbers = #tpu.dot_dimension_numbers<[0], [0], [1], [1], [0, 1, 1, 1], [], []>, transpose_lhs_hint = false} : vector<128x128xf32>, vector<128x128xf32>, vector<128x128xf32> -> vector<128x128xf32>
    %get3A_2772 = arith.constant 3 : index
    %get3A_2773 = arith.constant 3 : index
    %get3A_2774 = arith.constant 0 : index
    %get3A_2775 = vector.load %arg2[%get3A_2772, %get3A_2773, %get3A_2774] : memref<4x32x128xi32, #tpu.memory_space<vmem>>, vector<1x1x128xi32>
    %get3A_2776 = vector.shape_cast %get3A_2775 : vector<1x1x128xi32> to vector<128xi32>
    %ge3A_2777 = arith.constant 503808 : i32
    %ge3A_2778 = vector.broadcast %ge3A_2777 : i32 to vector<128xi32>
    %ge3A_2779 = arith.cmpi sge, %get3A_2776, %ge3A_2778 : vector<128xi32>
    %broadcast_in_dim3A_2780 = vector.shape_cast %ge3A_2779 : vector<128xi1> to vector<1x128xi1>
    %slice3A_2781 = vector.extract_strided_slice %dot_general3A_2771 {offsets = [64, 0], sizes = [64, 128], strides = [1, 1]} : vector<128x128xf32> to vector<64x128xf32>
    %slice3A_2782 = vector.extract_strided_slice %dot_general3A_2771 {offsets = [0, 0], sizes = [64, 128], strides = [1, 1]} : vector<128x128xf32> to vector<64x128xf32>
    %broadcast_in_dim3A_2783 = vector.shape_cast %broadcast_in_dim3A_2780 : vector<1x128xi1> to vector<1x128xi1>
    %broadcast_in_dim3A_2784 = vector.broadcast %broadcast_in_dim3A_2783 : vector<1x128xi1> to vector<64x128xi1>
    %select_n3A_2785 = arith.select %broadcast_in_dim3A_2784, %slice3A_2781, %slice3A_2782 : vector<64x128xi1>, vector<64x128xf32>
    %reshape3A_2786 = vector.shape_cast %select_n3A_2785 : vector<64x128xf32> to vector<8x8x128xf32>
    %swap3A_2787 = arith.constant 3 : index
    %swap3A_2788 = arith.constant 0 : index
    %swap3A_2789 = arith.constant 3 : index
    %swap3A_2790 = arith.constant 0 : index
    %swap3A_2791 = arith.constant 0 : index
    %swap3A_2792 = vector.load %arg4[%swap3A_2787, %swap3A_2788, %swap3A_2789, %swap3A_2790, %swap3A_2791] : memref<4x8x32x8x128xf32, #tpu.memory_space<vmem>>, vector<1x8x1x8x128xf32>
    %swap3A_2793 = vector.shape_cast %swap3A_2792 : vector<1x8x1x8x128xf32> to vector<8x8x128xf32>
    %swap3A_2794 = vector.shape_cast %reshape3A_2786 : vector<8x8x128xf32> to vector<1x8x1x8x128xf32>
    tpu.vector_store %arg4[%swap3A_2787, %swap3A_2788, %swap3A_2789, %swap3A_2790, %swap3A_2791], %swap3A_2794 {strides = array<i32>} : memref<4x8x32x8x128xf32, #tpu.memory_space<vmem>>, vector<1x8x1x8x128xf32>,
    %get3A_2795 = arith.constant 12800 : index
    %get3A_2796 = arith.constant 0 : index
    %get3A_2797 = vector.load %arg1[%get3A_2795, %get3A_2796] : memref<16384x128xf32, #tpu.memory_space<vmem>>, vector<128x128xf32>
    %dot_general3A_2798 = arith.constant dense<0.000000e+00> : vector<128x128xf32>
    %dot_general3A_2799 = tpu.matmul %get3A_2797, %get3A_1, %dot_general3A_2798 {dimension_numbers = #tpu.dot_dimension_numbers<[0], [0], [1], [1], [0, 1, 1, 1], [], []>, transpose_lhs_hint = false} : vector<128x128xf32>, vector<128x128xf32>, vector<128x128xf32> -> vector<128x128xf32>
    %get3A_2800 = arith.constant 3 : index
    %get3A_2801 = arith.constant 4 : index
    %get3A_2802 = arith.constant 0 : index
    %get3A_2803 = vector.load %arg2[%get3A_2800, %get3A_2801, %get3A_2802] : memref<4x32x128xi32, #tpu.memory_space<vmem>>, vector<1x1x128xi32>
    %get3A_2804 = vector.shape_cast %get3A_2803 : vector<1x1x128xi32> to vector<128xi32>
    %ge3A_2805 = arith.constant 503808 : i32
    %ge3A_2806 = vector.broadcast %ge3A_2805 : i32 to vector<128xi32>
    %ge3A_2807 = arith.cmpi sge, %get3A_2804, %ge3A_2806 : vector<128xi32>
    %broadcast_in_dim3A_2808 = vector.shape_cast %ge3A_2807 : vector<128xi1> to vector<1x128xi1>
    %slice3A_2809 = vector.extract_strided_slice %dot_general3A_2799 {offsets = [64, 0], sizes = [64, 128], strides = [1, 1]} : vector<128x128xf32> to vector<64x128xf32>
    %slice3A_2810 = vector.extract_strided_slice %dot_general3A_2799 {offsets = [0, 0], sizes = [64, 128], strides = [1, 1]} : vector<128x128xf32> to vector<64x128xf32>
    %broadcast_in_dim3A_2811 = vector.shape_cast %broadcast_in_dim3A_2808 : vector<1x128xi1> to vector<1x128xi1>
    %broadcast_in_dim3A_2812 = vector.broadcast %broadcast_in_dim3A_2811 : vector<1x128xi1> to vector<64x128xi1>
    %select_n3A_2813 = arith.select %broadcast_in_dim3A_2812, %slice3A_2809, %slice3A_2810 : vector<64x128xi1>, vector<64x128xf32>
    %reshape3A_2814 = vector.shape_cast %select_n3A_2813 : vector<64x128xf32> to vector<8x8x128xf32>
    %swap3A_2815 = arith.constant 3 : index
    %swap3A_2816 = arith.constant 0 : index
    %swap3A_2817 = arith.constant 4 : index
    %swap3A_2818 = arith.constant 0 : index
    %swap3A_2819 = arith.constant 0 : index
    %swap3A_2820 = vector.load %arg4[%swap3A_2815, %swap3A_2816, %swap3A_2817, %swap3A_2818, %swap3A_2819] : memref<4x8x32x8x128xf32, #tpu.memory_space<vmem>>, vector<1x8x1x8x128xf32>
    %swap3A_2821 = vector.shape_cast %swap3A_2820 : vector<1x8x1x8x128xf32> to vector<8x8x128xf32>
    %swap3A_2822 = vector.shape_cast %reshape3A_2814 : vector<8x8x128xf32> to vector<1x8x1x8x128xf32>
    tpu.vector_store %arg4[%swap3A_2815, %swap3A_2816, %swap3A_2817, %swap3A_2818, %swap3A_2819], %swap3A_2822 {strides = array<i32>} : memref<4x8x32x8x128xf32, #tpu.memory_space<vmem>>, vector<1x8x1x8x128xf32>,
    %get3A_2823 = arith.constant 12928 : index
    %get3A_2824 = arith.constant 0 : index
    %get3A_2825 = vector.load %arg1[%get3A_2823, %get3A_2824] : memref<16384x128xf32, #tpu.memory_space<vmem>>, vector<128x128xf32>
    %dot_general3A_2826 = arith.constant dense<0.000000e+00> : vector<128x128xf32>
    %dot_general3A_2827 = tpu.matmul %get3A_2825, %get3A_1, %dot_general3A_2826 {dimension_numbers = #tpu.dot_dimension_numbers<[0], [0], [1], [1], [0, 1, 1, 1], [], []>, transpose_lhs_hint = false} : vector<128x128xf32>, vector<128x128xf32>, vector<128x128xf32> -> vector<128x128xf32>
    %get3A_2828 = arith.constant 3 : index
    %get3A_2829 = arith.constant 5 : index
    %get3A_2830 = arith.constant 0 : index
    %get3A_2831 = vector.load %arg2[%get3A_2828, %get3A_2829, %get3A_2830] : memref<4x32x128xi32, #tpu.memory_space<vmem>>, vector<1x1x128xi32>
    %get3A_2832 = vector.shape_cast %get3A_2831 : vector<1x1x128xi32> to vector<128xi32>
    %ge3A_2833 = arith.constant 503808 : i32
    %ge3A_2834 = vector.broadcast %ge3A_2833 : i32 to vector<128xi32>
    %ge3A_2835 = arith.cmpi sge, %get3A_2832, %ge3A_2834 : vector<128xi32>
    %broadcast_in_dim3A_2836 = vector.shape_cast %ge3A_2835 : vector<128xi1> to vector<1x128xi1>
    %slice3A_2837 = vector.extract_strided_slice %dot_general3A_2827 {offsets = [64, 0], sizes = [64, 128], strides = [1, 1]} : vector<128x128xf32> to vector<64x128xf32>
    %slice3A_2838 = vector.extract_strided_slice %dot_general3A_2827 {offsets = [0, 0], sizes = [64, 128], strides = [1, 1]} : vector<128x128xf32> to vector<64x128xf32>
    %broadcast_in_dim3A_2839 = vector.shape_cast %broadcast_in_dim3A_2836 : vector<1x128xi1> to vector<1x128xi1>
    %broadcast_in_dim3A_2840 = vector.broadcast %broadcast_in_dim3A_2839 : vector<1x128xi1> to vector<64x128xi1>
    %select_n3A_2841 = arith.select %broadcast_in_dim3A_2840, %slice3A_2837, %slice3A_2838 : vector<64x128xi1>, vector<64x128xf32>
    %reshape3A_2842 = vector.shape_cast %select_n3A_2841 : vector<64x128xf32> to vector<8x8x128xf32>
    %swap3A_2843 = arith.constant 3 : index
    %swap3A_2844 = arith.constant 0 : index
    %swap3A_2845 = arith.constant 5 : index
    %swap3A_2846 = arith.constant 0 : index
    %swap3A_2847 = arith.constant 0 : index
    %swap3A_2848 = vector.load %arg4[%swap3A_2843, %swap3A_2844, %swap3A_2845, %swap3A_2846, %swap3A_2847] : memref<4x8x32x8x128xf32, #tpu.memory_space<vmem>>, vector<1x8x1x8x128xf32>
    %swap3A_2849 = vector.shape_cast %swap3A_2848 : vector<1x8x1x8x128xf32> to vector<8x8x128xf32>
    %swap3A_2850 = vector.shape_cast %reshape3A_2842 : vector<8x8x128xf32> to vector<1x8x1x8x128xf32>
    tpu.vector_store %arg4[%swap3A_2843, %swap3A_2844, %swap3A_2845, %swap3A_2846, %swap3A_2847], %swap3A_2850 {strides = array<i32>} : memref<4x8x32x8x128xf32, #tpu.memory_space<vmem>>, vector<1x8x1x8x128xf32>,
    %get3A_2851 = arith.constant 13056 : index
    %get3A_2852 = arith.constant 0 : index
    %get3A_2853 = vector.load %arg1[%get3A_2851, %get3A_2852] : memref<16384x128xf32, #tpu.memory_space<vmem>>, vector<128x128xf32>
    %dot_general3A_2854 = arith.constant dense<0.000000e+00> : vector<128x128xf32>
    %dot_general3A_2855 = tpu.matmul %get3A_2853, %get3A_1, %dot_general3A_2854 {dimension_numbers = #tpu.dot_dimension_numbers<[0], [0], [1], [1], [0, 1, 1, 1], [], []>, transpose_lhs_hint = false} : vector<128x128xf32>, vector<128x128xf32>, vector<128x128xf32> -> vector<128x128xf32>
    %get3A_2856 = arith.constant 3 : index
    %get3A_2857 = arith.constant 6 : index
    %get3A_2858 = arith.constant 0 : index
    %get3A_2859 = vector.load %arg2[%get3A_2856, %get3A_2857, %get3A_2858] : memref<4x32x128xi32, #tpu.memory_space<vmem>>, vector<1x1x128xi32>
    %get3A_2860 = vector.shape_cast %get3A_2859 : vector<1x1x128xi32> to vector<128xi32>
    %ge3A_2861 = arith.constant 503808 : i32
    %ge3A_2862 = vector.broadcast %ge3A_2861 : i32 to vector<128xi32>
    %ge3A_2863 = arith.cmpi sge, %get3A_2860, %ge3A_2862 : vector<128xi32>
    %broadcast_in_dim3A_2864 = vector.shape_cast %ge3A_2863 : vector<128xi1> to vector<1x128xi1>
    %slice3A_2865 = vector.extract_strided_slice %dot_general3A_2855 {offsets = [64, 0], sizes = [64, 128], strides = [1, 1]} : vector<128x128xf32> to vector<64x128xf32>
    %slice3A_2866 = vector.extract_strided_slice %dot_general3A_2855 {offsets = [0, 0], sizes = [64, 128], strides = [1, 1]} : vector<128x128xf32> to vector<64x128xf32>
    %broadcast_in_dim3A_2867 = vector.shape_cast %broadcast_in_dim3A_2864 : vector<1x128xi1> to vector<1x128xi1>
    %broadcast_in_dim3A_2868 = vector.broadcast %broadcast_in_dim3A_2867 : vector<1x128xi1> to vector<64x128xi1>
    %select_n3A_2869 = arith.select %broadcast_in_dim3A_2868, %slice3A_2865, %slice3A_2866 : vector<64x128xi1>, vector<64x128xf32>
    %reshape3A_2870 = vector.shape_cast %select_n3A_2869 : vector<64x128xf32> to vector<8x8x128xf32>
    %swap3A_2871 = arith.constant 3 : index
    %swap3A_2872 = arith.constant 0 : index
    %swap3A_2873 = arith.constant 6 : index
    %swap3A_2874 = arith.constant 0 : index
    %swap3A_2875 = arith.constant 0 : index
    %swap3A_2876 = vector.load %arg4[%swap3A_2871, %swap3A_2872, %swap3A_2873, %swap3A_2874, %swap3A_2875] : memref<4x8x32x8x128xf32, #tpu.memory_space<vmem>>, vector<1x8x1x8x128xf32>
    %swap3A_2877 = vector.shape_cast %swap3A_2876 : vector<1x8x1x8x128xf32> to vector<8x8x128xf32>
    %swap3A_2878 = vector.shape_cast %reshape3A_2870 : vector<8x8x128xf32> to vector<1x8x1x8x128xf32>
    tpu.vector_store %arg4[%swap3A_2871, %swap3A_2872, %swap3A_2873, %swap3A_2874, %swap3A_2875], %swap3A_2878 {strides = array<i32>} : memref<4x8x32x8x128xf32, #tpu.memory_space<vmem>>, vector<1x8x1x8x128xf32>,
    %get3A_2879 = arith.constant 13184 : index
    %get3A_2880 = arith.constant 0 : index
    %get3A_2881 = vector.load %arg1[%get3A_2879, %get3A_2880] : memref<16384x128xf32, #tpu.memory_space<vmem>>, vector<128x128xf32>
    %dot_general3A_2882 = arith.constant dense<0.000000e+00> : vector<128x128xf32>
    %dot_general3A_2883 = tpu.matmul %get3A_2881, %get3A_1, %dot_general3A_2882 {dimension_numbers = #tpu.dot_dimension_numbers<[0], [0], [1], [1], [0, 1, 1, 1], [], []>, transpose_lhs_hint = false} : vector<128x128xf32>, vector<128x128xf32>, vector<128x128xf32> -> vector<128x128xf32>
    %get3A_2884 = arith.constant 3 : index
    %get3A_2885 = arith.constant 7 : index
    %get3A_2886 = arith.constant 0 : index
    %get3A_2887 = vector.load %arg2[%get3A_2884, %get3A_2885, %get3A_2886] : memref<4x32x128xi32, #tpu.memory_space<vmem>>, vector<1x1x128xi32>
    %get3A_2888 = vector.shape_cast %get3A_2887 : vector<1x1x128xi32> to vector<128xi32>
    %ge3A_2889 = arith.constant 503808 : i32
    %ge3A_2890 = vector.broadcast %ge3A_2889 : i32 to vector<128xi32>
    %ge3A_2891 = arith.cmpi sge, %get3A_2888, %ge3A_2890 : vector<128xi32>
    %broadcast_in_dim3A_2892 = vector.shape_cast %ge3A_2891 : vector<128xi1> to vector<1x128xi1>
    %slice3A_2893 = vector.extract_strided_slice %dot_general3A_2883 {offsets = [64, 0], sizes = [64, 128], strides = [1, 1]} : vector<128x128xf32> to vector<64x128xf32>
    %slice3A_2894 = vector.extract_strided_slice %dot_general3A_2883 {offsets = [0, 0], sizes = [64, 128], strides = [1, 1]} : vector<128x128xf32> to vector<64x128xf32>
    %broadcast_in_dim3A_2895 = vector.shape_cast %broadcast_in_dim3A_2892 : vector<1x128xi1> to vector<1x128xi1>
    %broadcast_in_dim3A_2896 = vector.broadcast %broadcast_in_dim3A_2895 : vector<1x128xi1> to vector<64x128xi1>
    %select_n3A_2897 = arith.select %broadcast_in_dim3A_2896, %slice3A_2893, %slice3A_2894 : vector<64x128xi1>, vector<64x128xf32>
    %reshape3A_2898 = vector.shape_cast %select_n3A_2897 : vector<64x128xf32> to vector<8x8x128xf32>
    %swap3A_2899 = arith.constant 3 : index
    %swap3A_2900 = arith.constant 0 : index
    %swap3A_2901 = arith.constant 7 : index
    %swap3A_2902 = arith.constant 0 : index
    %swap3A_2903 = arith.constant 0 : index
    %swap3A_2904 = vector.load %arg4[%swap3A_2899, %swap3A_2900, %swap3A_2901, %swap3A_2902, %swap3A_2903] : memref<4x8x32x8x128xf32, #tpu.memory_space<vmem>>, vector<1x8x1x8x128xf32>
    %swap3A_2905 = vector.shape_cast %swap3A_2904 : vector<1x8x1x8x128xf32> to vector<8x8x128xf32>
    %swap3A_2906 = vector.shape_cast %reshape3A_2898 : vector<8x8x128xf32> to vector<1x8x1x8x128xf32>
    tpu.vector_store %arg4[%swap3A_2899, %swap3A_2900, %swap3A_2901, %swap3A_2902, %swap3A_2903], %swap3A_2906 {strides = array<i32>} : memref<4x8x32x8x128xf32, #tpu.memory_space<vmem>>, vector<1x8x1x8x128xf32>,
    %get3A_2907 = arith.constant 13312 : index
    %get3A_2908 = arith.constant 0 : index
    %get3A_2909 = vector.load %arg1[%get3A_2907, %get3A_2908] : memref<16384x128xf32, #tpu.memory_space<vmem>>, vector<128x128xf32>
    %dot_general3A_2910 = arith.constant dense<0.000000e+00> : vector<128x128xf32>
    %dot_general3A_2911 = tpu.matmul %get3A_2909, %get3A_1, %dot_general3A_2910 {dimension_numbers = #tpu.dot_dimension_numbers<[0], [0], [1], [1], [0, 1, 1, 1], [], []>, transpose_lhs_hint = false} : vector<128x128xf32>, vector<128x128xf32>, vector<128x128xf32> -> vector<128x128xf32>
    %get3A_2912 = arith.constant 3 : index
    %get3A_2913 = arith.constant 8 : index
    %get3A_2914 = arith.constant 0 : index
    %get3A_2915 = vector.load %arg2[%get3A_2912, %get3A_2913, %get3A_2914] : memref<4x32x128xi32, #tpu.memory_space<vmem>>, vector<1x1x128xi32>
    %get3A_2916 = vector.shape_cast %get3A_2915 : vector<1x1x128xi32> to vector<128xi32>
    %ge3A_2917 = arith.constant 503808 : i32
    %ge3A_2918 = vector.broadcast %ge3A_2917 : i32 to vector<128xi32>
    %ge3A_2919 = arith.cmpi sge, %get3A_2916, %ge3A_2918 : vector<128xi32>
    %broadcast_in_dim3A_2920 = vector.shape_cast %ge3A_2919 : vector<128xi1> to vector<1x128xi1>
    %slice3A_2921 = vector.extract_strided_slice %dot_general3A_2911 {offsets = [64, 0], sizes = [64, 128], strides = [1, 1]} : vector<128x128xf32> to vector<64x128xf32>
    %slice3A_2922 = vector.extract_strided_slice %dot_general3A_2911 {offsets = [0, 0], sizes = [64, 128], strides = [1, 1]} : vector<128x128xf32> to vector<64x128xf32>
    %broadcast_in_dim3A_2923 = vector.shape_cast %broadcast_in_dim3A_2920 : vector<1x128xi1> to vector<1x128xi1>
    %broadcast_in_dim3A_2924 = vector.broadcast %broadcast_in_dim3A_2923 : vector<1x128xi1> to vector<64x128xi1>
    %select_n3A_2925 = arith.select %broadcast_in_dim3A_2924, %slice3A_2921, %slice3A_2922 : vector<64x128xi1>, vector<64x128xf32>
    %reshape3A_2926 = vector.shape_cast %select_n3A_2925 : vector<64x128xf32> to vector<8x8x128xf32>
    %swap3A_2927 = arith.constant 3 : index
    %swap3A_2928 = arith.constant 0 : index
    %swap3A_2929 = arith.constant 8 : index
    %swap3A_2930 = arith.constant 0 : index
    %swap3A_2931 = arith.constant 0 : index
    %swap3A_2932 = vector.load %arg4[%swap3A_2927, %swap3A_2928, %swap3A_2929, %swap3A_2930, %swap3A_2931] : memref<4x8x32x8x128xf32, #tpu.memory_space<vmem>>, vector<1x8x1x8x128xf32>
    %swap3A_2933 = vector.shape_cast %swap3A_2932 : vector<1x8x1x8x128xf32> to vector<8x8x128xf32>
    %swap3A_2934 = vector.shape_cast %reshape3A_2926 : vector<8x8x128xf32> to vector<1x8x1x8x128xf32>
    tpu.vector_store %arg4[%swap3A_2927, %swap3A_2928, %swap3A_2929, %swap3A_2930, %swap3A_2931], %swap3A_2934 {strides = array<i32>} : memref<4x8x32x8x128xf32, #tpu.memory_space<vmem>>, vector<1x8x1x8x128xf32>,
    %get3A_2935 = arith.constant 13440 : index
    %get3A_2936 = arith.constant 0 : index
    %get3A_2937 = vector.load %arg1[%get3A_2935, %get3A_2936] : memref<16384x128xf32, #tpu.memory_space<vmem>>, vector<128x128xf32>
    %dot_general3A_2938 = arith.constant dense<0.000000e+00> : vector<128x128xf32>
    %dot_general3A_2939 = tpu.matmul %get3A_2937, %get3A_1, %dot_general3A_2938 {dimension_numbers = #tpu.dot_dimension_numbers<[0], [0], [1], [1], [0, 1, 1, 1], [], []>, transpose_lhs_hint = false} : vector<128x128xf32>, vector<128x128xf32>, vector<128x128xf32> -> vector<128x128xf32>
    %get3A_2940 = arith.constant 3 : index
    %get3A_2941 = arith.constant 9 : index
    %get3A_2942 = arith.constant 0 : index
    %get3A_2943 = vector.load %arg2[%get3A_2940, %get3A_2941, %get3A_2942] : memref<4x32x128xi32, #tpu.memory_space<vmem>>, vector<1x1x128xi32>
    %get3A_2944 = vector.shape_cast %get3A_2943 : vector<1x1x128xi32> to vector<128xi32>
    %ge3A_2945 = arith.constant 503808 : i32
    %ge3A_2946 = vector.broadcast %ge3A_2945 : i32 to vector<128xi32>
    %ge3A_2947 = arith.cmpi sge, %get3A_2944, %ge3A_2946 : vector<128xi32>
    %broadcast_in_dim3A_2948 = vector.shape_cast %ge3A_2947 : vector<128xi1> to vector<1x128xi1>
    %slice3A_2949 = vector.extract_strided_slice %dot_general3A_2939 {offsets = [64, 0], sizes = [64, 128], strides = [1, 1]} : vector<128x128xf32> to vector<64x128xf32>
    %slice3A_2950 = vector.extract_strided_slice %dot_general3A_2939 {offsets = [0, 0], sizes = [64, 128], strides = [1, 1]} : vector<128x128xf32> to vector<64x128xf32>
    %broadcast_in_dim3A_2951 = vector.shape_cast %broadcast_in_dim3A_2948 : vector<1x128xi1> to vector<1x128xi1>
    %broadcast_in_dim3A_2952 = vector.broadcast %broadcast_in_dim3A_2951 : vector<1x128xi1> to vector<64x128xi1>
    %select_n3A_2953 = arith.select %broadcast_in_dim3A_2952, %slice3A_2949, %slice3A_2950 : vector<64x128xi1>, vector<64x128xf32>
    %reshape3A_2954 = vector.shape_cast %select_n3A_2953 : vector<64x128xf32> to vector<8x8x128xf32>
    %swap3A_2955 = arith.constant 3 : index
    %swap3A_2956 = arith.constant 0 : index
    %swap3A_2957 = arith.constant 9 : index
    %swap3A_2958 = arith.constant 0 : index
    %swap3A_2959 = arith.constant 0 : index
    %swap3A_2960 = vector.load %arg4[%swap3A_2955, %swap3A_2956, %swap3A_2957, %swap3A_2958, %swap3A_2959] : memref<4x8x32x8x128xf32, #tpu.memory_space<vmem>>, vector<1x8x1x8x128xf32>
    %swap3A_2961 = vector.shape_cast %swap3A_2960 : vector<1x8x1x8x128xf32> to vector<8x8x128xf32>
    %swap3A_2962 = vector.shape_cast %reshape3A_2954 : vector<8x8x128xf32> to vector<1x8x1x8x128xf32>
    tpu.vector_store %arg4[%swap3A_2955, %swap3A_2956, %swap3A_2957, %swap3A_2958, %swap3A_2959], %swap3A_2962 {strides = array<i32>} : memref<4x8x32x8x128xf32, #tpu.memory_space<vmem>>, vector<1x8x1x8x128xf32>,
    %get3A_2963 = arith.constant 13568 : index
    %get3A_2964 = arith.constant 0 : index
    %get3A_2965 = vector.load %arg1[%get3A_2963, %get3A_2964] : memref<16384x128xf32, #tpu.memory_space<vmem>>, vector<128x128xf32>
    %dot_general3A_2966 = arith.constant dense<0.000000e+00> : vector<128x128xf32>
    %dot_general3A_2967 = tpu.matmul %get3A_2965, %get3A_1, %dot_general3A_2966 {dimension_numbers = #tpu.dot_dimension_numbers<[0], [0], [1], [1], [0, 1, 1, 1], [], []>, transpose_lhs_hint = false} : vector<128x128xf32>, vector<128x128xf32>, vector<128x128xf32> -> vector<128x128xf32>
    %get3A_2968 = arith.constant 3 : index
    %get3A_2969 = arith.constant 10 : index
    %get3A_2970 = arith.constant 0 : index
    %get3A_2971 = vector.load %arg2[%get3A_2968, %get3A_2969, %get3A_2970] : memref<4x32x128xi32, #tpu.memory_space<vmem>>, vector<1x1x128xi32>
    %get3A_2972 = vector.shape_cast %get3A_2971 : vector<1x1x128xi32> to vector<128xi32>
    %ge3A_2973 = arith.constant 503808 : i32
    %ge3A_2974 = vector.broadcast %ge3A_2973 : i32 to vector<128xi32>
    %ge3A_2975 = arith.cmpi sge, %get3A_2972, %ge3A_2974 : vector<128xi32>
    %broadcast_in_dim3A_2976 = vector.shape_cast %ge3A_2975 : vector<128xi1> to vector<1x128xi1>
    %slice3A_2977 = vector.extract_strided_slice %dot_general3A_2967 {offsets = [64, 0], sizes = [64, 128], strides = [1, 1]} : vector<128x128xf32> to vector<64x128xf32>
    %slice3A_2978 = vector.extract_strided_slice %dot_general3A_2967 {offsets = [0, 0], sizes = [64, 128], strides = [1, 1]} : vector<128x128xf32> to vector<64x128xf32>
    %broadcast_in_dim3A_2979 = vector.shape_cast %broadcast_in_dim3A_2976 : vector<1x128xi1> to vector<1x128xi1>
    %broadcast_in_dim3A_2980 = vector.broadcast %broadcast_in_dim3A_2979 : vector<1x128xi1> to vector<64x128xi1>
    %select_n3A_2981 = arith.select %broadcast_in_dim3A_2980, %slice3A_2977, %slice3A_2978 : vector<64x128xi1>, vector<64x128xf32>
    %reshape3A_2982 = vector.shape_cast %select_n3A_2981 : vector<64x128xf32> to vector<8x8x128xf32>
    %swap3A_2983 = arith.constant 3 : index
    %swap3A_2984 = arith.constant 0 : index
    %swap3A_2985 = arith.constant 10 : index
    %swap3A_2986 = arith.constant 0 : index
    %swap3A_2987 = arith.constant 0 : index
    %swap3A_2988 = vector.load %arg4[%swap3A_2983, %swap3A_2984, %swap3A_2985, %swap3A_2986, %swap3A_2987] : memref<4x8x32x8x128xf32, #tpu.memory_space<vmem>>, vector<1x8x1x8x128xf32>
    %swap3A_2989 = vector.shape_cast %swap3A_2988 : vector<1x8x1x8x128xf32> to vector<8x8x128xf32>
    %swap3A_2990 = vector.shape_cast %reshape3A_2982 : vector<8x8x128xf32> to vector<1x8x1x8x128xf32>
    tpu.vector_store %arg4[%swap3A_2983, %swap3A_2984, %swap3A_2985, %swap3A_2986, %swap3A_2987], %swap3A_2990 {strides = array<i32>} : memref<4x8x32x8x128xf32, #tpu.memory_space<vmem>>, vector<1x8x1x8x128xf32>,
    %get3A_2991 = arith.constant 13696 : index
    %get3A_2992 = arith.constant 0 : index
    %get3A_2993 = vector.load %arg1[%get3A_2991, %get3A_2992] : memref<16384x128xf32, #tpu.memory_space<vmem>>, vector<128x128xf32>
    %dot_general3A_2994 = arith.constant dense<0.000000e+00> : vector<128x128xf32>
    %dot_general3A_2995 = tpu.matmul %get3A_2993, %get3A_1, %dot_general3A_2994 {dimension_numbers = #tpu.dot_dimension_numbers<[0], [0], [1], [1], [0, 1, 1, 1], [], []>, transpose_lhs_hint = false} : vector<128x128xf32>, vector<128x128xf32>, vector<128x128xf32> -> vector<128x128xf32>
    %get3A_2996 = arith.constant 3 : index
    %get3A_2997 = arith.constant 11 : index
    %get3A_2998 = arith.constant 0 : index
    %get3A_2999 = vector.load %arg2[%get3A_2996, %get3A_2997, %get3A_2998] : memref<4x32x128xi32, #tpu.memory_space<vmem>>, vector<1x1x128xi32>
    %get3A_3000 = vector.shape_cast %get3A_2999 : vector<1x1x128xi32> to vector<128xi32>
    %ge3A_3001 = arith.constant 503808 : i32
    %ge3A_3002 = vector.broadcast %ge3A_3001 : i32 to vector<128xi32>
    %ge3A_3003 = arith.cmpi sge, %get3A_3000, %ge3A_3002 : vector<128xi32>
    %broadcast_in_dim3A_3004 = vector.shape_cast %ge3A_3003 : vector<128xi1> to vector<1x128xi1>
    %slice3A_3005 = vector.extract_strided_slice %dot_general3A_2995 {offsets = [64, 0], sizes = [64, 128], strides = [1, 1]} : vector<128x128xf32> to vector<64x128xf32>
    %slice3A_3006 = vector.extract_strided_slice %dot_general3A_2995 {offsets = [0, 0], sizes = [64, 128], strides = [1, 1]} : vector<128x128xf32> to vector<64x128xf32>
    %broadcast_in_dim3A_3007 = vector.shape_cast %broadcast_in_dim3A_3004 : vector<1x128xi1> to vector<1x128xi1>
    %broadcast_in_dim3A_3008 = vector.broadcast %broadcast_in_dim3A_3007 : vector<1x128xi1> to vector<64x128xi1>
    %select_n3A_3009 = arith.select %broadcast_in_dim3A_3008, %slice3A_3005, %slice3A_3006 : vector<64x128xi1>, vector<64x128xf32>
    %reshape3A_3010 = vector.shape_cast %select_n3A_3009 : vector<64x128xf32> to vector<8x8x128xf32>
    %swap3A_3011 = arith.constant 3 : index
    %swap3A_3012 = arith.constant 0 : index
    %swap3A_3013 = arith.constant 11 : index
    %swap3A_3014 = arith.constant 0 : index
    %swap3A_3015 = arith.constant 0 : index
    %swap3A_3016 = vector.load %arg4[%swap3A_3011, %swap3A_3012, %swap3A_3013, %swap3A_3014, %swap3A_3015] : memref<4x8x32x8x128xf32, #tpu.memory_space<vmem>>, vector<1x8x1x8x128xf32>
    %swap3A_3017 = vector.shape_cast %swap3A_3016 : vector<1x8x1x8x128xf32> to vector<8x8x128xf32>
    %swap3A_3018 = vector.shape_cast %reshape3A_3010 : vector<8x8x128xf32> to vector<1x8x1x8x128xf32>
    tpu.vector_store %arg4[%swap3A_3011, %swap3A_3012, %swap3A_3013, %swap3A_3014, %swap3A_3015], %swap3A_3018 {strides = array<i32>} : memref<4x8x32x8x128xf32, #tpu.memory_space<vmem>>, vector<1x8x1x8x128xf32>,
    %get3A_3019 = arith.constant 13824 : index
    %get3A_3020 = arith.constant 0 : index
    %get3A_3021 = vector.load %arg1[%get3A_3019, %get3A_3020] : memref<16384x128xf32, #tpu.memory_space<vmem>>, vector<128x128xf32>
    %dot_general3A_3022 = arith.constant dense<0.000000e+00> : vector<128x128xf32>
    %dot_general3A_3023 = tpu.matmul %get3A_3021, %get3A_1, %dot_general3A_3022 {dimension_numbers = #tpu.dot_dimension_numbers<[0], [0], [1], [1], [0, 1, 1, 1], [], []>, transpose_lhs_hint = false} : vector<128x128xf32>, vector<128x128xf32>, vector<128x128xf32> -> vector<128x128xf32>
    %get3A_3024 = arith.constant 3 : index
    %get3A_3025 = arith.constant 12 : index
    %get3A_3026 = arith.constant 0 : index
    %get3A_3027 = vector.load %arg2[%get3A_3024, %get3A_3025, %get3A_3026] : memref<4x32x128xi32, #tpu.memory_space<vmem>>, vector<1x1x128xi32>
    %get3A_3028 = vector.shape_cast %get3A_3027 : vector<1x1x128xi32> to vector<128xi32>
    %ge3A_3029 = arith.constant 503808 : i32
    %ge3A_3030 = vector.broadcast %ge3A_3029 : i32 to vector<128xi32>
    %ge3A_3031 = arith.cmpi sge, %get3A_3028, %ge3A_3030 : vector<128xi32>
    %broadcast_in_dim3A_3032 = vector.shape_cast %ge3A_3031 : vector<128xi1> to vector<1x128xi1>
    %slice3A_3033 = vector.extract_strided_slice %dot_general3A_3023 {offsets = [64, 0], sizes = [64, 128], strides = [1, 1]} : vector<128x128xf32> to vector<64x128xf32>
    %slice3A_3034 = vector.extract_strided_slice %dot_general3A_3023 {offsets = [0, 0], sizes = [64, 128], strides = [1, 1]} : vector<128x128xf32> to vector<64x128xf32>
    %broadcast_in_dim3A_3035 = vector.shape_cast %broadcast_in_dim3A_3032 : vector<1x128xi1> to vector<1x128xi1>
    %broadcast_in_dim3A_3036 = vector.broadcast %broadcast_in_dim3A_3035 : vector<1x128xi1> to vector<64x128xi1>
    %select_n3A_3037 = arith.select %broadcast_in_dim3A_3036, %slice3A_3033, %slice3A_3034 : vector<64x128xi1>, vector<64x128xf32>
    %reshape3A_3038 = vector.shape_cast %select_n3A_3037 : vector<64x128xf32> to vector<8x8x128xf32>
    %swap3A_3039 = arith.constant 3 : index
    %swap3A_3040 = arith.constant 0 : index
    %swap3A_3041 = arith.constant 12 : index
    %swap3A_3042 = arith.constant 0 : index
    %swap3A_3043 = arith.constant 0 : index
    %swap3A_3044 = vector.load %arg4[%swap3A_3039, %swap3A_3040, %swap3A_3041, %swap3A_3042, %swap3A_3043] : memref<4x8x32x8x128xf32, #tpu.memory_space<vmem>>, vector<1x8x1x8x128xf32>
    %swap3A_3045 = vector.shape_cast %swap3A_3044 : vector<1x8x1x8x128xf32> to vector<8x8x128xf32>
    %swap3A_3046 = vector.shape_cast %reshape3A_3038 : vector<8x8x128xf32> to vector<1x8x1x8x128xf32>
    tpu.vector_store %arg4[%swap3A_3039, %swap3A_3040, %swap3A_3041, %swap3A_3042, %swap3A_3043], %swap3A_3046 {strides = array<i32>} : memref<4x8x32x8x128xf32, #tpu.memory_space<vmem>>, vector<1x8x1x8x128xf32>,
    %get3A_3047 = arith.constant 13952 : index
    %get3A_3048 = arith.constant 0 : index
    %get3A_3049 = vector.load %arg1[%get3A_3047, %get3A_3048] : memref<16384x128xf32, #tpu.memory_space<vmem>>, vector<128x128xf32>
    %dot_general3A_3050 = arith.constant dense<0.000000e+00> : vector<128x128xf32>
    %dot_general3A_3051 = tpu.matmul %get3A_3049, %get3A_1, %dot_general3A_3050 {dimension_numbers = #tpu.dot_dimension_numbers<[0], [0], [1], [1], [0, 1, 1, 1], [], []>, transpose_lhs_hint = false} : vector<128x128xf32>, vector<128x128xf32>, vector<128x128xf32> -> vector<128x128xf32>
    %get3A_3052 = arith.constant 3 : index
    %get3A_3053 = arith.constant 13 : index
    %get3A_3054 = arith.constant 0 : index
    %get3A_3055 = vector.load %arg2[%get3A_3052, %get3A_3053, %get3A_3054] : memref<4x32x128xi32, #tpu.memory_space<vmem>>, vector<1x1x128xi32>
    %get3A_3056 = vector.shape_cast %get3A_3055 : vector<1x1x128xi32> to vector<128xi32>
    %ge3A_3057 = arith.constant 503808 : i32
    %ge3A_3058 = vector.broadcast %ge3A_3057 : i32 to vector<128xi32>
    %ge3A_3059 = arith.cmpi sge, %get3A_3056, %ge3A_3058 : vector<128xi32>
    %broadcast_in_dim3A_3060 = vector.shape_cast %ge3A_3059 : vector<128xi1> to vector<1x128xi1>
    %slice3A_3061 = vector.extract_strided_slice %dot_general3A_3051 {offsets = [64, 0], sizes = [64, 128], strides = [1, 1]} : vector<128x128xf32> to vector<64x128xf32>
    %slice3A_3062 = vector.extract_strided_slice %dot_general3A_3051 {offsets = [0, 0], sizes = [64, 128], strides = [1, 1]} : vector<128x128xf32> to vector<64x128xf32>
    %broadcast_in_dim3A_3063 = vector.shape_cast %broadcast_in_dim3A_3060 : vector<1x128xi1> to vector<1x128xi1>
    %broadcast_in_dim3A_3064 = vector.broadcast %broadcast_in_dim3A_3063 : vector<1x128xi1> to vector<64x128xi1>
    %select_n3A_3065 = arith.select %broadcast_in_dim3A_3064, %slice3A_3061, %slice3A_3062 : vector<64x128xi1>, vector<64x128xf32>
    %reshape3A_3066 = vector.shape_cast %select_n3A_3065 : vector<64x128xf32> to vector<8x8x128xf32>
    %swap3A_3067 = arith.constant 3 : index
    %swap3A_3068 = arith.constant 0 : index
    %swap3A_3069 = arith.constant 13 : index
    %swap3A_3070 = arith.constant 0 : index
    %swap3A_3071 = arith.constant 0 : index
    %swap3A_3072 = vector.load %arg4[%swap3A_3067, %swap3A_3068, %swap3A_3069, %swap3A_3070, %swap3A_3071] : memref<4x8x32x8x128xf32, #tpu.memory_space<vmem>>, vector<1x8x1x8x128xf32>
    %swap3A_3073 = vector.shape_cast %swap3A_3072 : vector<1x8x1x8x128xf32> to vector<8x8x128xf32>
    %swap3A_3074 = vector.shape_cast %reshape3A_3066 : vector<8x8x128xf32> to vector<1x8x1x8x128xf32>
    tpu.vector_store %arg4[%swap3A_3067, %swap3A_3068, %swap3A_3069, %swap3A_3070, %swap3A_3071], %swap3A_3074 {strides = array<i32>} : memref<4x8x32x8x128xf32, #tpu.memory_space<vmem>>, vector<1x8x1x8x128xf32>,
    %get3A_3075 = arith.constant 14080 : index
    %get3A_3076 = arith.constant 0 : index
    %get3A_3077 = vector.load %arg1[%get3A_3075, %get3A_3076] : memref<16384x128xf32, #tpu.memory_space<vmem>>, vector<128x128xf32>
    %dot_general3A_3078 = arith.constant dense<0.000000e+00> : vector<128x128xf32>
    %dot_general3A_3079 = tpu.matmul %get3A_3077, %get3A_1, %dot_general3A_3078 {dimension_numbers = #tpu.dot_dimension_numbers<[0], [0], [1], [1], [0, 1, 1, 1], [], []>, transpose_lhs_hint = false} : vector<128x128xf32>, vector<128x128xf32>, vector<128x128xf32> -> vector<128x128xf32>
    %get3A_3080 = arith.constant 3 : index
    %get3A_3081 = arith.constant 14 : index
    %get3A_3082 = arith.constant 0 : index
    %get3A_3083 = vector.load %arg2[%get3A_3080, %get3A_3081, %get3A_3082] : memref<4x32x128xi32, #tpu.memory_space<vmem>>, vector<1x1x128xi32>
    %get3A_3084 = vector.shape_cast %get3A_3083 : vector<1x1x128xi32> to vector<128xi32>
    %ge3A_3085 = arith.constant 503808 : i32
    %ge3A_3086 = vector.broadcast %ge3A_3085 : i32 to vector<128xi32>
    %ge3A_3087 = arith.cmpi sge, %get3A_3084, %ge3A_3086 : vector<128xi32>
    %broadcast_in_dim3A_3088 = vector.shape_cast %ge3A_3087 : vector<128xi1> to vector<1x128xi1>
    %slice3A_3089 = vector.extract_strided_slice %dot_general3A_3079 {offsets = [64, 0], sizes = [64, 128], strides = [1, 1]} : vector<128x128xf32> to vector<64x128xf32>
    %slice3A_3090 = vector.extract_strided_slice %dot_general3A_3079 {offsets = [0, 0], sizes = [64, 128], strides = [1, 1]} : vector<128x128xf32> to vector<64x128xf32>
    %broadcast_in_dim3A_3091 = vector.shape_cast %broadcast_in_dim3A_3088 : vector<1x128xi1> to vector<1x128xi1>
    %broadcast_in_dim3A_3092 = vector.broadcast %broadcast_in_dim3A_3091 : vector<1x128xi1> to vector<64x128xi1>
    %select_n3A_3093 = arith.select %broadcast_in_dim3A_3092, %slice3A_3089, %slice3A_3090 : vector<64x128xi1>, vector<64x128xf32>
    %reshape3A_3094 = vector.shape_cast %select_n3A_3093 : vector<64x128xf32> to vector<8x8x128xf32>
    %swap3A_3095 = arith.constant 3 : index
    %swap3A_3096 = arith.constant 0 : index
    %swap3A_3097 = arith.constant 14 : index
    %swap3A_3098 = arith.constant 0 : index
    %swap3A_3099 = arith.constant 0 : index
    %swap3A_3100 = vector.load %arg4[%swap3A_3095, %swap3A_3096, %swap3A_3097, %swap3A_3098, %swap3A_3099] : memref<4x8x32x8x128xf32, #tpu.memory_space<vmem>>, vector<1x8x1x8x128xf32>
    %swap3A_3101 = vector.shape_cast %swap3A_3100 : vector<1x8x1x8x128xf32> to vector<8x8x128xf32>
    %swap3A_3102 = vector.shape_cast %reshape3A_3094 : vector<8x8x128xf32> to vector<1x8x1x8x128xf32>
    tpu.vector_store %arg4[%swap3A_3095, %swap3A_3096, %swap3A_3097, %swap3A_3098, %swap3A_3099], %swap3A_3102 {strides = array<i32>} : memref<4x8x32x8x128xf32, #tpu.memory_space<vmem>>, vector<1x8x1x8x128xf32>,
    %get3A_3103 = arith.constant 14208 : index
    %get3A_3104 = arith.constant 0 : index
    %get3A_3105 = vector.load %arg1[%get3A_3103, %get3A_3104] : memref<16384x128xf32, #tpu.memory_space<vmem>>, vector<128x128xf32>
    %dot_general3A_3106 = arith.constant dense<0.000000e+00> : vector<128x128xf32>
    %dot_general3A_3107 = tpu.matmul %get3A_3105, %get3A_1, %dot_general3A_3106 {dimension_numbers = #tpu.dot_dimension_numbers<[0], [0], [1], [1], [0, 1, 1, 1], [], []>, transpose_lhs_hint = false} : vector<128x128xf32>, vector<128x128xf32>, vector<128x128xf32> -> vector<128x128xf32>
    %get3A_3108 = arith.constant 3 : index
    %get3A_3109 = arith.constant 15 : index
    %get3A_3110 = arith.constant 0 : index
    %get3A_3111 = vector.load %arg2[%get3A_3108, %get3A_3109, %get3A_3110] : memref<4x32x128xi32, #tpu.memory_space<vmem>>, vector<1x1x128xi32>
    %get3A_3112 = vector.shape_cast %get3A_3111 : vector<1x1x128xi32> to vector<128xi32>
    %ge3A_3113 = arith.constant 503808 : i32
    %ge3A_3114 = vector.broadcast %ge3A_3113 : i32 to vector<128xi32>
    %ge3A_3115 = arith.cmpi sge, %get3A_3112, %ge3A_3114 : vector<128xi32>
    %broadcast_in_dim3A_3116 = vector.shape_cast %ge3A_3115 : vector<128xi1> to vector<1x128xi1>
    %slice3A_3117 = vector.extract_strided_slice %dot_general3A_3107 {offsets = [64, 0], sizes = [64, 128], strides = [1, 1]} : vector<128x128xf32> to vector<64x128xf32>
    %slice3A_3118 = vector.extract_strided_slice %dot_general3A_3107 {offsets = [0, 0], sizes = [64, 128], strides = [1, 1]} : vector<128x128xf32> to vector<64x128xf32>
    %broadcast_in_dim3A_3119 = vector.shape_cast %broadcast_in_dim3A_3116 : vector<1x128xi1> to vector<1x128xi1>
    %broadcast_in_dim3A_3120 = vector.broadcast %broadcast_in_dim3A_3119 : vector<1x128xi1> to vector<64x128xi1>
    %select_n3A_3121 = arith.select %broadcast_in_dim3A_3120, %slice3A_3117, %slice3A_3118 : vector<64x128xi1>, vector<64x128xf32>
    %reshape3A_3122 = vector.shape_cast %select_n3A_3121 : vector<64x128xf32> to vector<8x8x128xf32>
    %swap3A_3123 = arith.constant 3 : index
    %swap3A_3124 = arith.constant 0 : index
    %swap3A_3125 = arith.constant 15 : index
    %swap3A_3126 = arith.constant 0 : index
    %swap3A_3127 = arith.constant 0 : index
    %swap3A_3128 = vector.load %arg4[%swap3A_3123, %swap3A_3124, %swap3A_3125, %swap3A_3126, %swap3A_3127] : memref<4x8x32x8x128xf32, #tpu.memory_space<vmem>>, vector<1x8x1x8x128xf32>
    %swap3A_3129 = vector.shape_cast %swap3A_3128 : vector<1x8x1x8x128xf32> to vector<8x8x128xf32>
    %swap3A_3130 = vector.shape_cast %reshape3A_3122 : vector<8x8x128xf32> to vector<1x8x1x8x128xf32>
    tpu.vector_store %arg4[%swap3A_3123, %swap3A_3124, %swap3A_3125, %swap3A_3126, %swap3A_3127], %swap3A_3130 {strides = array<i32>} : memref<4x8x32x8x128xf32, #tpu.memory_space<vmem>>, vector<1x8x1x8x128xf32>,
    %get3A_3131 = arith.constant 14336 : index
    %get3A_3132 = arith.constant 0 : index
    %get3A_3133 = vector.load %arg1[%get3A_3131, %get3A_3132] : memref<16384x128xf32, #tpu.memory_space<vmem>>, vector<128x128xf32>
    %dot_general3A_3134 = arith.constant dense<0.000000e+00> : vector<128x128xf32>
    %dot_general3A_3135 = tpu.matmul %get3A_3133, %get3A_1, %dot_general3A_3134 {dimension_numbers = #tpu.dot_dimension_numbers<[0], [0], [1], [1], [0, 1, 1, 1], [], []>, transpose_lhs_hint = false} : vector<128x128xf32>, vector<128x128xf32>, vector<128x128xf32> -> vector<128x128xf32>
    %get3A_3136 = arith.constant 3 : index
    %get3A_3137 = arith.constant 16 : index
    %get3A_3138 = arith.constant 0 : index
    %get3A_3139 = vector.load %arg2[%get3A_3136, %get3A_3137, %get3A_3138] : memref<4x32x128xi32, #tpu.memory_space<vmem>>, vector<1x1x128xi32>
    %get3A_3140 = vector.shape_cast %get3A_3139 : vector<1x1x128xi32> to vector<128xi32>
    %ge3A_3141 = arith.constant 503808 : i32
    %ge3A_3142 = vector.broadcast %ge3A_3141 : i32 to vector<128xi32>
    %ge3A_3143 = arith.cmpi sge, %get3A_3140, %ge3A_3142 : vector<128xi32>
    %broadcast_in_dim3A_3144 = vector.shape_cast %ge3A_3143 : vector<128xi1> to vector<1x128xi1>
    %slice3A_3145 = vector.extract_strided_slice %dot_general3A_3135 {offsets = [64, 0], sizes = [64, 128], strides = [1, 1]} : vector<128x128xf32> to vector<64x128xf32>
    %slice3A_3146 = vector.extract_strided_slice %dot_general3A_3135 {offsets = [0, 0], sizes = [64, 128], strides = [1, 1]} : vector<128x128xf32> to vector<64x128xf32>
    %broadcast_in_dim3A_3147 = vector.shape_cast %broadcast_in_dim3A_3144 : vector<1x128xi1> to vector<1x128xi1>
    %broadcast_in_dim3A_3148 = vector.broadcast %broadcast_in_dim3A_3147 : vector<1x128xi1> to vector<64x128xi1>
    %select_n3A_3149 = arith.select %broadcast_in_dim3A_3148, %slice3A_3145, %slice3A_3146 : vector<64x128xi1>, vector<64x128xf32>
    %reshape3A_3150 = vector.shape_cast %select_n3A_3149 : vector<64x128xf32> to vector<8x8x128xf32>
    %swap3A_3151 = arith.constant 3 : index
    %swap3A_3152 = arith.constant 0 : index
    %swap3A_3153 = arith.constant 16 : index
    %swap3A_3154 = arith.constant 0 : index
    %swap3A_3155 = arith.constant 0 : index
    %swap3A_3156 = vector.load %arg4[%swap3A_3151, %swap3A_3152, %swap3A_3153, %swap3A_3154, %swap3A_3155] : memref<4x8x32x8x128xf32, #tpu.memory_space<vmem>>, vector<1x8x1x8x128xf32>
    %swap3A_3157 = vector.shape_cast %swap3A_3156 : vector<1x8x1x8x128xf32> to vector<8x8x128xf32>
    %swap3A_3158 = vector.shape_cast %reshape3A_3150 : vector<8x8x128xf32> to vector<1x8x1x8x128xf32>
    tpu.vector_store %arg4[%swap3A_3151, %swap3A_3152, %swap3A_3153, %swap3A_3154, %swap3A_3155], %swap3A_3158 {strides = array<i32>} : memref<4x8x32x8x128xf32, #tpu.memory_space<vmem>>, vector<1x8x1x8x128xf32>,
    %get3A_3159 = arith.constant 14464 : index
    %get3A_3160 = arith.constant 0 : index
    %get3A_3161 = vector.load %arg1[%get3A_3159, %get3A_3160] : memref<16384x128xf32, #tpu.memory_space<vmem>>, vector<128x128xf32>
    %dot_general3A_3162 = arith.constant dense<0.000000e+00> : vector<128x128xf32>
    %dot_general3A_3163 = tpu.matmul %get3A_3161, %get3A_1, %dot_general3A_3162 {dimension_numbers = #tpu.dot_dimension_numbers<[0], [0], [1], [1], [0, 1, 1, 1], [], []>, transpose_lhs_hint = false} : vector<128x128xf32>, vector<128x128xf32>, vector<128x128xf32> -> vector<128x128xf32>
    %get3A_3164 = arith.constant 3 : index
    %get3A_3165 = arith.constant 17 : index
    %get3A_3166 = arith.constant 0 : index
    %get3A_3167 = vector.load %arg2[%get3A_3164, %get3A_3165, %get3A_3166] : memref<4x32x128xi32, #tpu.memory_space<vmem>>, vector<1x1x128xi32>
    %get3A_3168 = vector.shape_cast %get3A_3167 : vector<1x1x128xi32> to vector<128xi32>
    %ge3A_3169 = arith.constant 503808 : i32
    %ge3A_3170 = vector.broadcast %ge3A_3169 : i32 to vector<128xi32>
    %ge3A_3171 = arith.cmpi sge, %get3A_3168, %ge3A_3170 : vector<128xi32>
    %broadcast_in_dim3A_3172 = vector.shape_cast %ge3A_3171 : vector<128xi1> to vector<1x128xi1>
    %slice3A_3173 = vector.extract_strided_slice %dot_general3A_3163 {offsets = [64, 0], sizes = [64, 128], strides = [1, 1]} : vector<128x128xf32> to vector<64x128xf32>
    %slice3A_3174 = vector.extract_strided_slice %dot_general3A_3163 {offsets = [0, 0], sizes = [64, 128], strides = [1, 1]} : vector<128x128xf32> to vector<64x128xf32>
    %broadcast_in_dim3A_3175 = vector.shape_cast %broadcast_in_dim3A_3172 : vector<1x128xi1> to vector<1x128xi1>
    %broadcast_in_dim3A_3176 = vector.broadcast %broadcast_in_dim3A_3175 : vector<1x128xi1> to vector<64x128xi1>
    %select_n3A_3177 = arith.select %broadcast_in_dim3A_3176, %slice3A_3173, %slice3A_3174 : vector<64x128xi1>, vector<64x128xf32>
    %reshape3A_3178 = vector.shape_cast %select_n3A_3177 : vector<64x128xf32> to vector<8x8x128xf32>
    %swap3A_3179 = arith.constant 3 : index
    %swap3A_3180 = arith.constant 0 : index
    %swap3A_3181 = arith.constant 17 : index
    %swap3A_3182 = arith.constant 0 : index
    %swap3A_3183 = arith.constant 0 : index
    %swap3A_3184 = vector.load %arg4[%swap3A_3179, %swap3A_3180, %swap3A_3181, %swap3A_3182, %swap3A_3183] : memref<4x8x32x8x128xf32, #tpu.memory_space<vmem>>, vector<1x8x1x8x128xf32>
    %swap3A_3185 = vector.shape_cast %swap3A_3184 : vector<1x8x1x8x128xf32> to vector<8x8x128xf32>
    %swap3A_3186 = vector.shape_cast %reshape3A_3178 : vector<8x8x128xf32> to vector<1x8x1x8x128xf32>
    tpu.vector_store %arg4[%swap3A_3179, %swap3A_3180, %swap3A_3181, %swap3A_3182, %swap3A_3183], %swap3A_3186 {strides = array<i32>} : memref<4x8x32x8x128xf32, #tpu.memory_space<vmem>>, vector<1x8x1x8x128xf32>,
    %get3A_3187 = arith.constant 14592 : index
    %get3A_3188 = arith.constant 0 : index
    %get3A_3189 = vector.load %arg1[%get3A_3187, %get3A_3188] : memref<16384x128xf32, #tpu.memory_space<vmem>>, vector<128x128xf32>
    %dot_general3A_3190 = arith.constant dense<0.000000e+00> : vector<128x128xf32>
    %dot_general3A_3191 = tpu.matmul %get3A_3189, %get3A_1, %dot_general3A_3190 {dimension_numbers = #tpu.dot_dimension_numbers<[0], [0], [1], [1], [0, 1, 1, 1], [], []>, transpose_lhs_hint = false} : vector<128x128xf32>, vector<128x128xf32>, vector<128x128xf32> -> vector<128x128xf32>
    %get3A_3192 = arith.constant 3 : index
    %get3A_3193 = arith.constant 18 : index
    %get3A_3194 = arith.constant 0 : index
    %get3A_3195 = vector.load %arg2[%get3A_3192, %get3A_3193, %get3A_3194] : memref<4x32x128xi32, #tpu.memory_space<vmem>>, vector<1x1x128xi32>
    %get3A_3196 = vector.shape_cast %get3A_3195 : vector<1x1x128xi32> to vector<128xi32>
    %ge3A_3197 = arith.constant 503808 : i32
    %ge3A_3198 = vector.broadcast %ge3A_3197 : i32 to vector<128xi32>
    %ge3A_3199 = arith.cmpi sge, %get3A_3196, %ge3A_3198 : vector<128xi32>
    %broadcast_in_dim3A_3200 = vector.shape_cast %ge3A_3199 : vector<128xi1> to vector<1x128xi1>
    %slice3A_3201 = vector.extract_strided_slice %dot_general3A_3191 {offsets = [64, 0], sizes = [64, 128], strides = [1, 1]} : vector<128x128xf32> to vector<64x128xf32>
    %slice3A_3202 = vector.extract_strided_slice %dot_general3A_3191 {offsets = [0, 0], sizes = [64, 128], strides = [1, 1]} : vector<128x128xf32> to vector<64x128xf32>
    %broadcast_in_dim3A_3203 = vector.shape_cast %broadcast_in_dim3A_3200 : vector<1x128xi1> to vector<1x128xi1>
    %broadcast_in_dim3A_3204 = vector.broadcast %broadcast_in_dim3A_3203 : vector<1x128xi1> to vector<64x128xi1>
    %select_n3A_3205 = arith.select %broadcast_in_dim3A_3204, %slice3A_3201, %slice3A_3202 : vector<64x128xi1>, vector<64x128xf32>
    %reshape3A_3206 = vector.shape_cast %select_n3A_3205 : vector<64x128xf32> to vector<8x8x128xf32>
    %swap3A_3207 = arith.constant 3 : index
    %swap3A_3208 = arith.constant 0 : index
    %swap3A_3209 = arith.constant 18 : index
    %swap3A_3210 = arith.constant 0 : index
    %swap3A_3211 = arith.constant 0 : index
    %swap3A_3212 = vector.load %arg4[%swap3A_3207, %swap3A_3208, %swap3A_3209, %swap3A_3210, %swap3A_3211] : memref<4x8x32x8x128xf32, #tpu.memory_space<vmem>>, vector<1x8x1x8x128xf32>
    %swap3A_3213 = vector.shape_cast %swap3A_3212 : vector<1x8x1x8x128xf32> to vector<8x8x128xf32>
    %swap3A_3214 = vector.shape_cast %reshape3A_3206 : vector<8x8x128xf32> to vector<1x8x1x8x128xf32>
    tpu.vector_store %arg4[%swap3A_3207, %swap3A_3208, %swap3A_3209, %swap3A_3210, %swap3A_3211], %swap3A_3214 {strides = array<i32>} : memref<4x8x32x8x128xf32, #tpu.memory_space<vmem>>, vector<1x8x1x8x128xf32>,
    %get3A_3215 = arith.constant 14720 : index
    %get3A_3216 = arith.constant 0 : index
    %get3A_3217 = vector.load %arg1[%get3A_3215, %get3A_3216] : memref<16384x128xf32, #tpu.memory_space<vmem>>, vector<128x128xf32>
    %dot_general3A_3218 = arith.constant dense<0.000000e+00> : vector<128x128xf32>
    %dot_general3A_3219 = tpu.matmul %get3A_3217, %get3A_1, %dot_general3A_3218 {dimension_numbers = #tpu.dot_dimension_numbers<[0], [0], [1], [1], [0, 1, 1, 1], [], []>, transpose_lhs_hint = false} : vector<128x128xf32>, vector<128x128xf32>, vector<128x128xf32> -> vector<128x128xf32>
    %get3A_3220 = arith.constant 3 : index
    %get3A_3221 = arith.constant 19 : index
    %get3A_3222 = arith.constant 0 : index
    %get3A_3223 = vector.load %arg2[%get3A_3220, %get3A_3221, %get3A_3222] : memref<4x32x128xi32, #tpu.memory_space<vmem>>, vector<1x1x128xi32>
    %get3A_3224 = vector.shape_cast %get3A_3223 : vector<1x1x128xi32> to vector<128xi32>
    %ge3A_3225 = arith.constant 503808 : i32
    %ge3A_3226 = vector.broadcast %ge3A_3225 : i32 to vector<128xi32>
    %ge3A_3227 = arith.cmpi sge, %get3A_3224, %ge3A_3226 : vector<128xi32>
    %broadcast_in_dim3A_3228 = vector.shape_cast %ge3A_3227 : vector<128xi1> to vector<1x128xi1>
    %slice3A_3229 = vector.extract_strided_slice %dot_general3A_3219 {offsets = [64, 0], sizes = [64, 128], strides = [1, 1]} : vector<128x128xf32> to vector<64x128xf32>
    %slice3A_3230 = vector.extract_strided_slice %dot_general3A_3219 {offsets = [0, 0], sizes = [64, 128], strides = [1, 1]} : vector<128x128xf32> to vector<64x128xf32>
    %broadcast_in_dim3A_3231 = vector.shape_cast %broadcast_in_dim3A_3228 : vector<1x128xi1> to vector<1x128xi1>
    %broadcast_in_dim3A_3232 = vector.broadcast %broadcast_in_dim3A_3231 : vector<1x128xi1> to vector<64x128xi1>
    %select_n3A_3233 = arith.select %broadcast_in_dim3A_3232, %slice3A_3229, %slice3A_3230 : vector<64x128xi1>, vector<64x128xf32>
    %reshape3A_3234 = vector.shape_cast %select_n3A_3233 : vector<64x128xf32> to vector<8x8x128xf32>
    %swap3A_3235 = arith.constant 3 : index
    %swap3A_3236 = arith.constant 0 : index
    %swap3A_3237 = arith.constant 19 : index
    %swap3A_3238 = arith.constant 0 : index
    %swap3A_3239 = arith.constant 0 : index
    %swap3A_3240 = vector.load %arg4[%swap3A_3235, %swap3A_3236, %swap3A_3237, %swap3A_3238, %swap3A_3239] : memref<4x8x32x8x128xf32, #tpu.memory_space<vmem>>, vector<1x8x1x8x128xf32>
    %swap3A_3241 = vector.shape_cast %swap3A_3240 : vector<1x8x1x8x128xf32> to vector<8x8x128xf32>
    %swap3A_3242 = vector.shape_cast %reshape3A_3234 : vector<8x8x128xf32> to vector<1x8x1x8x128xf32>
    tpu.vector_store %arg4[%swap3A_3235, %swap3A_3236, %swap3A_3237, %swap3A_3238, %swap3A_3239], %swap3A_3242 {strides = array<i32>} : memref<4x8x32x8x128xf32, #tpu.memory_space<vmem>>, vector<1x8x1x8x128xf32>,
    %get3A_3243 = arith.constant 14848 : index
    %get3A_3244 = arith.constant 0 : index
    %get3A_3245 = vector.load %arg1[%get3A_3243, %get3A_3244] : memref<16384x128xf32, #tpu.memory_space<vmem>>, vector<128x128xf32>
    %dot_general3A_3246 = arith.constant dense<0.000000e+00> : vector<128x128xf32>
    %dot_general3A_3247 = tpu.matmul %get3A_3245, %get3A_1, %dot_general3A_3246 {dimension_numbers = #tpu.dot_dimension_numbers<[0], [0], [1], [1], [0, 1, 1, 1], [], []>, transpose_lhs_hint = false} : vector<128x128xf32>, vector<128x128xf32>, vector<128x128xf32> -> vector<128x128xf32>
    %get3A_3248 = arith.constant 3 : index
    %get3A_3249 = arith.constant 20 : index
    %get3A_3250 = arith.constant 0 : index
    %get3A_3251 = vector.load %arg2[%get3A_3248, %get3A_3249, %get3A_3250] : memref<4x32x128xi32, #tpu.memory_space<vmem>>, vector<1x1x128xi32>
    %get3A_3252 = vector.shape_cast %get3A_3251 : vector<1x1x128xi32> to vector<128xi32>
    %ge3A_3253 = arith.constant 503808 : i32
    %ge3A_3254 = vector.broadcast %ge3A_3253 : i32 to vector<128xi32>
    %ge3A_3255 = arith.cmpi sge, %get3A_3252, %ge3A_3254 : vector<128xi32>
    %broadcast_in_dim3A_3256 = vector.shape_cast %ge3A_3255 : vector<128xi1> to vector<1x128xi1>
    %slice3A_3257 = vector.extract_strided_slice %dot_general3A_3247 {offsets = [64, 0], sizes = [64, 128], strides = [1, 1]} : vector<128x128xf32> to vector<64x128xf32>
    %slice3A_3258 = vector.extract_strided_slice %dot_general3A_3247 {offsets = [0, 0], sizes = [64, 128], strides = [1, 1]} : vector<128x128xf32> to vector<64x128xf32>
    %broadcast_in_dim3A_3259 = vector.shape_cast %broadcast_in_dim3A_3256 : vector<1x128xi1> to vector<1x128xi1>
    %broadcast_in_dim3A_3260 = vector.broadcast %broadcast_in_dim3A_3259 : vector<1x128xi1> to vector<64x128xi1>
    %select_n3A_3261 = arith.select %broadcast_in_dim3A_3260, %slice3A_3257, %slice3A_3258 : vector<64x128xi1>, vector<64x128xf32>
    %reshape3A_3262 = vector.shape_cast %select_n3A_3261 : vector<64x128xf32> to vector<8x8x128xf32>
    %swap3A_3263 = arith.constant 3 : index
    %swap3A_3264 = arith.constant 0 : index
    %swap3A_3265 = arith.constant 20 : index
    %swap3A_3266 = arith.constant 0 : index
    %swap3A_3267 = arith.constant 0 : index
    %swap3A_3268 = vector.load %arg4[%swap3A_3263, %swap3A_3264, %swap3A_3265, %swap3A_3266, %swap3A_3267] : memref<4x8x32x8x128xf32, #tpu.memory_space<vmem>>, vector<1x8x1x8x128xf32>
    %swap3A_3269 = vector.shape_cast %swap3A_3268 : vector<1x8x1x8x128xf32> to vector<8x8x128xf32>
    %swap3A_3270 = vector.shape_cast %reshape3A_3262 : vector<8x8x128xf32> to vector<1x8x1x8x128xf32>
    tpu.vector_store %arg4[%swap3A_3263, %swap3A_3264, %swap3A_3265, %swap3A_3266, %swap3A_3267], %swap3A_3270 {strides = array<i32>} : memref<4x8x32x8x128xf32, #tpu.memory_space<vmem>>, vector<1x8x1x8x128xf32>,
    %get3A_3271 = arith.constant 14976 : index
    %get3A_3272 = arith.constant 0 : index
    %get3A_3273 = vector.load %arg1[%get3A_3271, %get3A_3272] : memref<16384x128xf32, #tpu.memory_space<vmem>>, vector<128x128xf32>
    %dot_general3A_3274 = arith.constant dense<0.000000e+00> : vector<128x128xf32>
    %dot_general3A_3275 = tpu.matmul %get3A_3273, %get3A_1, %dot_general3A_3274 {dimension_numbers = #tpu.dot_dimension_numbers<[0], [0], [1], [1], [0, 1, 1, 1], [], []>, transpose_lhs_hint = false} : vector<128x128xf32>, vector<128x128xf32>, vector<128x128xf32> -> vector<128x128xf32>
    %get3A_3276 = arith.constant 3 : index
    %get3A_3277 = arith.constant 21 : index
    %get3A_3278 = arith.constant 0 : index
    %get3A_3279 = vector.load %arg2[%get3A_3276, %get3A_3277, %get3A_3278] : memref<4x32x128xi32, #tpu.memory_space<vmem>>, vector<1x1x128xi32>
    %get3A_3280 = vector.shape_cast %get3A_3279 : vector<1x1x128xi32> to vector<128xi32>
    %ge3A_3281 = arith.constant 503808 : i32
    %ge3A_3282 = vector.broadcast %ge3A_3281 : i32 to vector<128xi32>
    %ge3A_3283 = arith.cmpi sge, %get3A_3280, %ge3A_3282 : vector<128xi32>
    %broadcast_in_dim3A_3284 = vector.shape_cast %ge3A_3283 : vector<128xi1> to vector<1x128xi1>
    %slice3A_3285 = vector.extract_strided_slice %dot_general3A_3275 {offsets = [64, 0], sizes = [64, 128], strides = [1, 1]} : vector<128x128xf32> to vector<64x128xf32>
    %slice3A_3286 = vector.extract_strided_slice %dot_general3A_3275 {offsets = [0, 0], sizes = [64, 128], strides = [1, 1]} : vector<128x128xf32> to vector<64x128xf32>
    %broadcast_in_dim3A_3287 = vector.shape_cast %broadcast_in_dim3A_3284 : vector<1x128xi1> to vector<1x128xi1>
    %broadcast_in_dim3A_3288 = vector.broadcast %broadcast_in_dim3A_3287 : vector<1x128xi1> to vector<64x128xi1>
    %select_n3A_3289 = arith.select %broadcast_in_dim3A_3288, %slice3A_3285, %slice3A_3286 : vector<64x128xi1>, vector<64x128xf32>
    %reshape3A_3290 = vector.shape_cast %select_n3A_3289 : vector<64x128xf32> to vector<8x8x128xf32>
    %swap3A_3291 = arith.constant 3 : index
    %swap3A_3292 = arith.constant 0 : index
    %swap3A_3293 = arith.constant 21 : index
    %swap3A_3294 = arith.constant 0 : index
    %swap3A_3295 = arith.constant 0 : index
    %swap3A_3296 = vector.load %arg4[%swap3A_3291, %swap3A_3292, %swap3A_3293, %swap3A_3294, %swap3A_3295] : memref<4x8x32x8x128xf32, #tpu.memory_space<vmem>>, vector<1x8x1x8x128xf32>
    %swap3A_3297 = vector.shape_cast %swap3A_3296 : vector<1x8x1x8x128xf32> to vector<8x8x128xf32>
    %swap3A_3298 = vector.shape_cast %reshape3A_3290 : vector<8x8x128xf32> to vector<1x8x1x8x128xf32>
    tpu.vector_store %arg4[%swap3A_3291, %swap3A_3292, %swap3A_3293, %swap3A_3294, %swap3A_3295], %swap3A_3298 {strides = array<i32>} : memref<4x8x32x8x128xf32, #tpu.memory_space<vmem>>, vector<1x8x1x8x128xf32>,
    %get3A_3299 = arith.constant 15104 : index
    %get3A_3300 = arith.constant 0 : index
    %get3A_3301 = vector.load %arg1[%get3A_3299, %get3A_3300] : memref<16384x128xf32, #tpu.memory_space<vmem>>, vector<128x128xf32>
    %dot_general3A_3302 = arith.constant dense<0.000000e+00> : vector<128x128xf32>
    %dot_general3A_3303 = tpu.matmul %get3A_3301, %get3A_1, %dot_general3A_3302 {dimension_numbers = #tpu.dot_dimension_numbers<[0], [0], [1], [1], [0, 1, 1, 1], [], []>, transpose_lhs_hint = false} : vector<128x128xf32>, vector<128x128xf32>, vector<128x128xf32> -> vector<128x128xf32>
    %get3A_3304 = arith.constant 3 : index
    %get3A_3305 = arith.constant 22 : index
    %get3A_3306 = arith.constant 0 : index
    %get3A_3307 = vector.load %arg2[%get3A_3304, %get3A_3305, %get3A_3306] : memref<4x32x128xi32, #tpu.memory_space<vmem>>, vector<1x1x128xi32>
    %get3A_3308 = vector.shape_cast %get3A_3307 : vector<1x1x128xi32> to vector<128xi32>
    %ge3A_3309 = arith.constant 503808 : i32
    %ge3A_3310 = vector.broadcast %ge3A_3309 : i32 to vector<128xi32>
    %ge3A_3311 = arith.cmpi sge, %get3A_3308, %ge3A_3310 : vector<128xi32>
    %broadcast_in_dim3A_3312 = vector.shape_cast %ge3A_3311 : vector<128xi1> to vector<1x128xi1>
    %slice3A_3313 = vector.extract_strided_slice %dot_general3A_3303 {offsets = [64, 0], sizes = [64, 128], strides = [1, 1]} : vector<128x128xf32> to vector<64x128xf32>
    %slice3A_3314 = vector.extract_strided_slice %dot_general3A_3303 {offsets = [0, 0], sizes = [64, 128], strides = [1, 1]} : vector<128x128xf32> to vector<64x128xf32>
    %broadcast_in_dim3A_3315 = vector.shape_cast %broadcast_in_dim3A_3312 : vector<1x128xi1> to vector<1x128xi1>
    %broadcast_in_dim3A_3316 = vector.broadcast %broadcast_in_dim3A_3315 : vector<1x128xi1> to vector<64x128xi1>
    %select_n3A_3317 = arith.select %broadcast_in_dim3A_3316, %slice3A_3313, %slice3A_3314 : vector<64x128xi1>, vector<64x128xf32>
    %reshape3A_3318 = vector.shape_cast %select_n3A_3317 : vector<64x128xf32> to vector<8x8x128xf32>
    %swap3A_3319 = arith.constant 3 : index
    %swap3A_3320 = arith.constant 0 : index
    %swap3A_3321 = arith.constant 22 : index
    %swap3A_3322 = arith.constant 0 : index
    %swap3A_3323 = arith.constant 0 : index
    %swap3A_3324 = vector.load %arg4[%swap3A_3319, %swap3A_3320, %swap3A_3321, %swap3A_3322, %swap3A_3323] : memref<4x8x32x8x128xf32, #tpu.memory_space<vmem>>, vector<1x8x1x8x128xf32>
    %swap3A_3325 = vector.shape_cast %swap3A_3324 : vector<1x8x1x8x128xf32> to vector<8x8x128xf32>
    %swap3A_3326 = vector.shape_cast %reshape3A_3318 : vector<8x8x128xf32> to vector<1x8x1x8x128xf32>
    tpu.vector_store %arg4[%swap3A_3319, %swap3A_3320, %swap3A_3321, %swap3A_3322, %swap3A_3323], %swap3A_3326 {strides = array<i32>} : memref<4x8x32x8x128xf32, #tpu.memory_space<vmem>>, vector<1x8x1x8x128xf32>,
    %get3A_3327 = arith.constant 15232 : index
    %get3A_3328 = arith.constant 0 : index
    %get3A_3329 = vector.load %arg1[%get3A_3327, %get3A_3328] : memref<16384x128xf32, #tpu.memory_space<vmem>>, vector<128x128xf32>
    %dot_general3A_3330 = arith.constant dense<0.000000e+00> : vector<128x128xf32>
    %dot_general3A_3331 = tpu.matmul %get3A_3329, %get3A_1, %dot_general3A_3330 {dimension_numbers = #tpu.dot_dimension_numbers<[0], [0], [1], [1], [0, 1, 1, 1], [], []>, transpose_lhs_hint = false} : vector<128x128xf32>, vector<128x128xf32>, vector<128x128xf32> -> vector<128x128xf32>
    %get3A_3332 = arith.constant 3 : index
    %get3A_3333 = arith.constant 23 : index
    %get3A_3334 = arith.constant 0 : index
    %get3A_3335 = vector.load %arg2[%get3A_3332, %get3A_3333, %get3A_3334] : memref<4x32x128xi32, #tpu.memory_space<vmem>>, vector<1x1x128xi32>
    %get3A_3336 = vector.shape_cast %get3A_3335 : vector<1x1x128xi32> to vector<128xi32>
    %ge3A_3337 = arith.constant 503808 : i32
    %ge3A_3338 = vector.broadcast %ge3A_3337 : i32 to vector<128xi32>
    %ge3A_3339 = arith.cmpi sge, %get3A_3336, %ge3A_3338 : vector<128xi32>
    %broadcast_in_dim3A_3340 = vector.shape_cast %ge3A_3339 : vector<128xi1> to vector<1x128xi1>
    %slice3A_3341 = vector.extract_strided_slice %dot_general3A_3331 {offsets = [64, 0], sizes = [64, 128], strides = [1, 1]} : vector<128x128xf32> to vector<64x128xf32>
    %slice3A_3342 = vector.extract_strided_slice %dot_general3A_3331 {offsets = [0, 0], sizes = [64, 128], strides = [1, 1]} : vector<128x128xf32> to vector<64x128xf32>
    %broadcast_in_dim3A_3343 = vector.shape_cast %broadcast_in_dim3A_3340 : vector<1x128xi1> to vector<1x128xi1>
    %broadcast_in_dim3A_3344 = vector.broadcast %broadcast_in_dim3A_3343 : vector<1x128xi1> to vector<64x128xi1>
    %select_n3A_3345 = arith.select %broadcast_in_dim3A_3344, %slice3A_3341, %slice3A_3342 : vector<64x128xi1>, vector<64x128xf32>
    %reshape3A_3346 = vector.shape_cast %select_n3A_3345 : vector<64x128xf32> to vector<8x8x128xf32>
    %swap3A_3347 = arith.constant 3 : index
    %swap3A_3348 = arith.constant 0 : index
    %swap3A_3349 = arith.constant 23 : index
    %swap3A_3350 = arith.constant 0 : index
    %swap3A_3351 = arith.constant 0 : index
    %swap3A_3352 = vector.load %arg4[%swap3A_3347, %swap3A_3348, %swap3A_3349, %swap3A_3350, %swap3A_3351] : memref<4x8x32x8x128xf32, #tpu.memory_space<vmem>>, vector<1x8x1x8x128xf32>
    %swap3A_3353 = vector.shape_cast %swap3A_3352 : vector<1x8x1x8x128xf32> to vector<8x8x128xf32>
    %swap3A_3354 = vector.shape_cast %reshape3A_3346 : vector<8x8x128xf32> to vector<1x8x1x8x128xf32>
    tpu.vector_store %arg4[%swap3A_3347, %swap3A_3348, %swap3A_3349, %swap3A_3350, %swap3A_3351], %swap3A_3354 {strides = array<i32>} : memref<4x8x32x8x128xf32, #tpu.memory_space<vmem>>, vector<1x8x1x8x128xf32>,
    %get3A_3355 = arith.constant 15360 : index
    %get3A_3356 = arith.constant 0 : index
    %get3A_3357 = vector.load %arg1[%get3A_3355, %get3A_3356] : memref<16384x128xf32, #tpu.memory_space<vmem>>, vector<128x128xf32>
    %dot_general3A_3358 = arith.constant dense<0.000000e+00> : vector<128x128xf32>
    %dot_general3A_3359 = tpu.matmul %get3A_3357, %get3A_1, %dot_general3A_3358 {dimension_numbers = #tpu.dot_dimension_numbers<[0], [0], [1], [1], [0, 1, 1, 1], [], []>, transpose_lhs_hint = false} : vector<128x128xf32>, vector<128x128xf32>, vector<128x128xf32> -> vector<128x128xf32>
    %get3A_3360 = arith.constant 3 : index
    %get3A_3361 = arith.constant 24 : index
    %get3A_3362 = arith.constant 0 : index
    %get3A_3363 = vector.load %arg2[%get3A_3360, %get3A_3361, %get3A_3362] : memref<4x32x128xi32, #tpu.memory_space<vmem>>, vector<1x1x128xi32>
    %get3A_3364 = vector.shape_cast %get3A_3363 : vector<1x1x128xi32> to vector<128xi32>
    %ge3A_3365 = arith.constant 503808 : i32
    %ge3A_3366 = vector.broadcast %ge3A_3365 : i32 to vector<128xi32>
    %ge3A_3367 = arith.cmpi sge, %get3A_3364, %ge3A_3366 : vector<128xi32>
    %broadcast_in_dim3A_3368 = vector.shape_cast %ge3A_3367 : vector<128xi1> to vector<1x128xi1>
    %slice3A_3369 = vector.extract_strided_slice %dot_general3A_3359 {offsets = [64, 0], sizes = [64, 128], strides = [1, 1]} : vector<128x128xf32> to vector<64x128xf32>
    %slice3A_3370 = vector.extract_strided_slice %dot_general3A_3359 {offsets = [0, 0], sizes = [64, 128], strides = [1, 1]} : vector<128x128xf32> to vector<64x128xf32>
    %broadcast_in_dim3A_3371 = vector.shape_cast %broadcast_in_dim3A_3368 : vector<1x128xi1> to vector<1x128xi1>
    %broadcast_in_dim3A_3372 = vector.broadcast %broadcast_in_dim3A_3371 : vector<1x128xi1> to vector<64x128xi1>
    %select_n3A_3373 = arith.select %broadcast_in_dim3A_3372, %slice3A_3369, %slice3A_3370 : vector<64x128xi1>, vector<64x128xf32>
    %reshape3A_3374 = vector.shape_cast %select_n3A_3373 : vector<64x128xf32> to vector<8x8x128xf32>
    %swap3A_3375 = arith.constant 3 : index
    %swap3A_3376 = arith.constant 0 : index
    %swap3A_3377 = arith.constant 24 : index
    %swap3A_3378 = arith.constant 0 : index
    %swap3A_3379 = arith.constant 0 : index
    %swap3A_3380 = vector.load %arg4[%swap3A_3375, %swap3A_3376, %swap3A_3377, %swap3A_3378, %swap3A_3379] : memref<4x8x32x8x128xf32, #tpu.memory_space<vmem>>, vector<1x8x1x8x128xf32>
    %swap3A_3381 = vector.shape_cast %swap3A_3380 : vector<1x8x1x8x128xf32> to vector<8x8x128xf32>
    %swap3A_3382 = vector.shape_cast %reshape3A_3374 : vector<8x8x128xf32> to vector<1x8x1x8x128xf32>
    tpu.vector_store %arg4[%swap3A_3375, %swap3A_3376, %swap3A_3377, %swap3A_3378, %swap3A_3379], %swap3A_3382 {strides = array<i32>} : memref<4x8x32x8x128xf32, #tpu.memory_space<vmem>>, vector<1x8x1x8x128xf32>,
    %get3A_3383 = arith.constant 15488 : index
    %get3A_3384 = arith.constant 0 : index
    %get3A_3385 = vector.load %arg1[%get3A_3383, %get3A_3384] : memref<16384x128xf32, #tpu.memory_space<vmem>>, vector<128x128xf32>
    %dot_general3A_3386 = arith.constant dense<0.000000e+00> : vector<128x128xf32>
    %dot_general3A_3387 = tpu.matmul %get3A_3385, %get3A_1, %dot_general3A_3386 {dimension_numbers = #tpu.dot_dimension_numbers<[0], [0], [1], [1], [0, 1, 1, 1], [], []>, transpose_lhs_hint = false} : vector<128x128xf32>, vector<128x128xf32>, vector<128x128xf32> -> vector<128x128xf32>
    %get3A_3388 = arith.constant 3 : index
    %get3A_3389 = arith.constant 25 : index
    %get3A_3390 = arith.constant 0 : index
    %get3A_3391 = vector.load %arg2[%get3A_3388, %get3A_3389, %get3A_3390] : memref<4x32x128xi32, #tpu.memory_space<vmem>>, vector<1x1x128xi32>
    %get3A_3392 = vector.shape_cast %get3A_3391 : vector<1x1x128xi32> to vector<128xi32>
    %ge3A_3393 = arith.constant 503808 : i32
    %ge3A_3394 = vector.broadcast %ge3A_3393 : i32 to vector<128xi32>
    %ge3A_3395 = arith.cmpi sge, %get3A_3392, %ge3A_3394 : vector<128xi32>
    %broadcast_in_dim3A_3396 = vector.shape_cast %ge3A_3395 : vector<128xi1> to vector<1x128xi1>
    %slice3A_3397 = vector.extract_strided_slice %dot_general3A_3387 {offsets = [64, 0], sizes = [64, 128], strides = [1, 1]} : vector<128x128xf32> to vector<64x128xf32>
    %slice3A_3398 = vector.extract_strided_slice %dot_general3A_3387 {offsets = [0, 0], sizes = [64, 128], strides = [1, 1]} : vector<128x128xf32> to vector<64x128xf32>
    %broadcast_in_dim3A_3399 = vector.shape_cast %broadcast_in_dim3A_3396 : vector<1x128xi1> to vector<1x128xi1>
    %broadcast_in_dim3A_3400 = vector.broadcast %broadcast_in_dim3A_3399 : vector<1x128xi1> to vector<64x128xi1>
    %select_n3A_3401 = arith.select %broadcast_in_dim3A_3400, %slice3A_3397, %slice3A_3398 : vector<64x128xi1>, vector<64x128xf32>
    %reshape3A_3402 = vector.shape_cast %select_n3A_3401 : vector<64x128xf32> to vector<8x8x128xf32>
    %swap3A_3403 = arith.constant 3 : index
    %swap3A_3404 = arith.constant 0 : index
    %swap3A_3405 = arith.constant 25 : index
    %swap3A_3406 = arith.constant 0 : index
    %swap3A_3407 = arith.constant 0 : index
    %swap3A_3408 = vector.load %arg4[%swap3A_3403, %swap3A_3404, %swap3A_3405, %swap3A_3406, %swap3A_3407] : memref<4x8x32x8x128xf32, #tpu.memory_space<vmem>>, vector<1x8x1x8x128xf32>
    %swap3A_3409 = vector.shape_cast %swap3A_3408 : vector<1x8x1x8x128xf32> to vector<8x8x128xf32>
    %swap3A_3410 = vector.shape_cast %reshape3A_3402 : vector<8x8x128xf32> to vector<1x8x1x8x128xf32>
    tpu.vector_store %arg4[%swap3A_3403, %swap3A_3404, %swap3A_3405, %swap3A_3406, %swap3A_3407], %swap3A_3410 {strides = array<i32>} : memref<4x8x32x8x128xf32, #tpu.memory_space<vmem>>, vector<1x8x1x8x128xf32>,
    %get3A_3411 = arith.constant 15616 : index
    %get3A_3412 = arith.constant 0 : index
    %get3A_3413 = vector.load %arg1[%get3A_3411, %get3A_3412] : memref<16384x128xf32, #tpu.memory_space<vmem>>, vector<128x128xf32>
    %dot_general3A_3414 = arith.constant dense<0.000000e+00> : vector<128x128xf32>
    %dot_general3A_3415 = tpu.matmul %get3A_3413, %get3A_1, %dot_general3A_3414 {dimension_numbers = #tpu.dot_dimension_numbers<[0], [0], [1], [1], [0, 1, 1, 1], [], []>, transpose_lhs_hint = false} : vector<128x128xf32>, vector<128x128xf32>, vector<128x128xf32> -> vector<128x128xf32>
    %get3A_3416 = arith.constant 3 : index
    %get3A_3417 = arith.constant 26 : index
    %get3A_3418 = arith.constant 0 : index
    %get3A_3419 = vector.load %arg2[%get3A_3416, %get3A_3417, %get3A_3418] : memref<4x32x128xi32, #tpu.memory_space<vmem>>, vector<1x1x128xi32>
    %get3A_3420 = vector.shape_cast %get3A_3419 : vector<1x1x128xi32> to vector<128xi32>
    %ge3A_3421 = arith.constant 503808 : i32
    %ge3A_3422 = vector.broadcast %ge3A_3421 : i32 to vector<128xi32>
    %ge3A_3423 = arith.cmpi sge, %get3A_3420, %ge3A_3422 : vector<128xi32>
    %broadcast_in_dim3A_3424 = vector.shape_cast %ge3A_3423 : vector<128xi1> to vector<1x128xi1>
    %slice3A_3425 = vector.extract_strided_slice %dot_general3A_3415 {offsets = [64, 0], sizes = [64, 128], strides = [1, 1]} : vector<128x128xf32> to vector<64x128xf32>
    %slice3A_3426 = vector.extract_strided_slice %dot_general3A_3415 {offsets = [0, 0], sizes = [64, 128], strides = [1, 1]} : vector<128x128xf32> to vector<64x128xf32>
    %broadcast_in_dim3A_3427 = vector.shape_cast %broadcast_in_dim3A_3424 : vector<1x128xi1> to vector<1x128xi1>
    %broadcast_in_dim3A_3428 = vector.broadcast %broadcast_in_dim3A_3427 : vector<1x128xi1> to vector<64x128xi1>
    %select_n3A_3429 = arith.select %broadcast_in_dim3A_3428, %slice3A_3425, %slice3A_3426 : vector<64x128xi1>, vector<64x128xf32>
    %reshape3A_3430 = vector.shape_cast %select_n3A_3429 : vector<64x128xf32> to vector<8x8x128xf32>
    %swap3A_3431 = arith.constant 3 : index
    %swap3A_3432 = arith.constant 0 : index
    %swap3A_3433 = arith.constant 26 : index
    %swap3A_3434 = arith.constant 0 : index
    %swap3A_3435 = arith.constant 0 : index
    %swap3A_3436 = vector.load %arg4[%swap3A_3431, %swap3A_3432, %swap3A_3433, %swap3A_3434, %swap3A_3435] : memref<4x8x32x8x128xf32, #tpu.memory_space<vmem>>, vector<1x8x1x8x128xf32>
    %swap3A_3437 = vector.shape_cast %swap3A_3436 : vector<1x8x1x8x128xf32> to vector<8x8x128xf32>
    %swap3A_3438 = vector.shape_cast %reshape3A_3430 : vector<8x8x128xf32> to vector<1x8x1x8x128xf32>
    tpu.vector_store %arg4[%swap3A_3431, %swap3A_3432, %swap3A_3433, %swap3A_3434, %swap3A_3435], %swap3A_3438 {strides = array<i32>} : memref<4x8x32x8x128xf32, #tpu.memory_space<vmem>>, vector<1x8x1x8x128xf32>,
    %get3A_3439 = arith.constant 15744 : index
    %get3A_3440 = arith.constant 0 : index
    %get3A_3441 = vector.load %arg1[%get3A_3439, %get3A_3440] : memref<16384x128xf32, #tpu.memory_space<vmem>>, vector<128x128xf32>
    %dot_general3A_3442 = arith.constant dense<0.000000e+00> : vector<128x128xf32>
    %dot_general3A_3443 = tpu.matmul %get3A_3441, %get3A_1, %dot_general3A_3442 {dimension_numbers = #tpu.dot_dimension_numbers<[0], [0], [1], [1], [0, 1, 1, 1], [], []>, transpose_lhs_hint = false} : vector<128x128xf32>, vector<128x128xf32>, vector<128x128xf32> -> vector<128x128xf32>
    %get3A_3444 = arith.constant 3 : index
    %get3A_3445 = arith.constant 27 : index
    %get3A_3446 = arith.constant 0 : index
    %get3A_3447 = vector.load %arg2[%get3A_3444, %get3A_3445, %get3A_3446] : memref<4x32x128xi32, #tpu.memory_space<vmem>>, vector<1x1x128xi32>
    %get3A_3448 = vector.shape_cast %get3A_3447 : vector<1x1x128xi32> to vector<128xi32>
    %ge3A_3449 = arith.constant 503808 : i32
    %ge3A_3450 = vector.broadcast %ge3A_3449 : i32 to vector<128xi32>
    %ge3A_3451 = arith.cmpi sge, %get3A_3448, %ge3A_3450 : vector<128xi32>
    %broadcast_in_dim3A_3452 = vector.shape_cast %ge3A_3451 : vector<128xi1> to vector<1x128xi1>
    %slice3A_3453 = vector.extract_strided_slice %dot_general3A_3443 {offsets = [64, 0], sizes = [64, 128], strides = [1, 1]} : vector<128x128xf32> to vector<64x128xf32>
    %slice3A_3454 = vector.extract_strided_slice %dot_general3A_3443 {offsets = [0, 0], sizes = [64, 128], strides = [1, 1]} : vector<128x128xf32> to vector<64x128xf32>
    %broadcast_in_dim3A_3455 = vector.shape_cast %broadcast_in_dim3A_3452 : vector<1x128xi1> to vector<1x128xi1>
    %broadcast_in_dim3A_3456 = vector.broadcast %broadcast_in_dim3A_3455 : vector<1x128xi1> to vector<64x128xi1>
    %select_n3A_3457 = arith.select %broadcast_in_dim3A_3456, %slice3A_3453, %slice3A_3454 : vector<64x128xi1>, vector<64x128xf32>
    %reshape3A_3458 = vector.shape_cast %select_n3A_3457 : vector<64x128xf32> to vector<8x8x128xf32>
    %swap3A_3459 = arith.constant 3 : index
    %swap3A_3460 = arith.constant 0 : index
    %swap3A_3461 = arith.constant 27 : index
    %swap3A_3462 = arith.constant 0 : index
    %swap3A_3463 = arith.constant 0 : index
    %swap3A_3464 = vector.load %arg4[%swap3A_3459, %swap3A_3460, %swap3A_3461, %swap3A_3462, %swap3A_3463] : memref<4x8x32x8x128xf32, #tpu.memory_space<vmem>>, vector<1x8x1x8x128xf32>
    %swap3A_3465 = vector.shape_cast %swap3A_3464 : vector<1x8x1x8x128xf32> to vector<8x8x128xf32>
    %swap3A_3466 = vector.shape_cast %reshape3A_3458 : vector<8x8x128xf32> to vector<1x8x1x8x128xf32>
    tpu.vector_store %arg4[%swap3A_3459, %swap3A_3460, %swap3A_3461, %swap3A_3462, %swap3A_3463], %swap3A_3466 {strides = array<i32>} : memref<4x8x32x8x128xf32, #tpu.memory_space<vmem>>, vector<1x8x1x8x128xf32>,
    %get3A_3467 = arith.constant 15872 : index
    %get3A_3468 = arith.constant 0 : index
    %get3A_3469 = vector.load %arg1[%get3A_3467, %get3A_3468] : memref<16384x128xf32, #tpu.memory_space<vmem>>, vector<128x128xf32>
    %dot_general3A_3470 = arith.constant dense<0.000000e+00> : vector<128x128xf32>
    %dot_general3A_3471 = tpu.matmul %get3A_3469, %get3A_1, %dot_general3A_3470 {dimension_numbers = #tpu.dot_dimension_numbers<[0], [0], [1], [1], [0, 1, 1, 1], [], []>, transpose_lhs_hint = false} : vector<128x128xf32>, vector<128x128xf32>, vector<128x128xf32> -> vector<128x128xf32>
    %get3A_3472 = arith.constant 3 : index
    %get3A_3473 = arith.constant 28 : index
    %get3A_3474 = arith.constant 0 : index
    %get3A_3475 = vector.load %arg2[%get3A_3472, %get3A_3473, %get3A_3474] : memref<4x32x128xi32, #tpu.memory_space<vmem>>, vector<1x1x128xi32>
    %get3A_3476 = vector.shape_cast %get3A_3475 : vector<1x1x128xi32> to vector<128xi32>
    %ge3A_3477 = arith.constant 503808 : i32
    %ge3A_3478 = vector.broadcast %ge3A_3477 : i32 to vector<128xi32>
    %ge3A_3479 = arith.cmpi sge, %get3A_3476, %ge3A_3478 : vector<128xi32>
    %broadcast_in_dim3A_3480 = vector.shape_cast %ge3A_3479 : vector<128xi1> to vector<1x128xi1>
    %slice3A_3481 = vector.extract_strided_slice %dot_general3A_3471 {offsets = [64, 0], sizes = [64, 128], strides = [1, 1]} : vector<128x128xf32> to vector<64x128xf32>
    %slice3A_3482 = vector.extract_strided_slice %dot_general3A_3471 {offsets = [0, 0], sizes = [64, 128], strides = [1, 1]} : vector<128x128xf32> to vector<64x128xf32>
    %broadcast_in_dim3A_3483 = vector.shape_cast %broadcast_in_dim3A_3480 : vector<1x128xi1> to vector<1x128xi1>
    %broadcast_in_dim3A_3484 = vector.broadcast %broadcast_in_dim3A_3483 : vector<1x128xi1> to vector<64x128xi1>
    %select_n3A_3485 = arith.select %broadcast_in_dim3A_3484, %slice3A_3481, %slice3A_3482 : vector<64x128xi1>, vector<64x128xf32>
    %reshape3A_3486 = vector.shape_cast %select_n3A_3485 : vector<64x128xf32> to vector<8x8x128xf32>
    %swap3A_3487 = arith.constant 3 : index
    %swap3A_3488 = arith.constant 0 : index
    %swap3A_3489 = arith.constant 28 : index
    %swap3A_3490 = arith.constant 0 : index
    %swap3A_3491 = arith.constant 0 : index
    %swap3A_3492 = vector.load %arg4[%swap3A_3487, %swap3A_3488, %swap3A_3489, %swap3A_3490, %swap3A_3491] : memref<4x8x32x8x128xf32, #tpu.memory_space<vmem>>, vector<1x8x1x8x128xf32>
    %swap3A_3493 = vector.shape_cast %swap3A_3492 : vector<1x8x1x8x128xf32> to vector<8x8x128xf32>
    %swap3A_3494 = vector.shape_cast %reshape3A_3486 : vector<8x8x128xf32> to vector<1x8x1x8x128xf32>
    tpu.vector_store %arg4[%swap3A_3487, %swap3A_3488, %swap3A_3489, %swap3A_3490, %swap3A_3491], %swap3A_3494 {strides = array<i32>} : memref<4x8x32x8x128xf32, #tpu.memory_space<vmem>>, vector<1x8x1x8x128xf32>,
    %get3A_3495 = arith.constant 16000 : index
    %get3A_3496 = arith.constant 0 : index
    %get3A_3497 = vector.load %arg1[%get3A_3495, %get3A_3496] : memref<16384x128xf32, #tpu.memory_space<vmem>>, vector<128x128xf32>
    %dot_general3A_3498 = arith.constant dense<0.000000e+00> : vector<128x128xf32>
    %dot_general3A_3499 = tpu.matmul %get3A_3497, %get3A_1, %dot_general3A_3498 {dimension_numbers = #tpu.dot_dimension_numbers<[0], [0], [1], [1], [0, 1, 1, 1], [], []>, transpose_lhs_hint = false} : vector<128x128xf32>, vector<128x128xf32>, vector<128x128xf32> -> vector<128x128xf32>
    %get3A_3500 = arith.constant 3 : index
    %get3A_3501 = arith.constant 29 : index
    %get3A_3502 = arith.constant 0 : index
    %get3A_3503 = vector.load %arg2[%get3A_3500, %get3A_3501, %get3A_3502] : memref<4x32x128xi32, #tpu.memory_space<vmem>>, vector<1x1x128xi32>
    %get3A_3504 = vector.shape_cast %get3A_3503 : vector<1x1x128xi32> to vector<128xi32>
    %ge3A_3505 = arith.constant 503808 : i32
    %ge3A_3506 = vector.broadcast %ge3A_3505 : i32 to vector<128xi32>
    %ge3A_3507 = arith.cmpi sge, %get3A_3504, %ge3A_3506 : vector<128xi32>
    %broadcast_in_dim3A_3508 = vector.shape_cast %ge3A_3507 : vector<128xi1> to vector<1x128xi1>
    %slice3A_3509 = vector.extract_strided_slice %dot_general3A_3499 {offsets = [64, 0], sizes = [64, 128], strides = [1, 1]} : vector<128x128xf32> to vector<64x128xf32>
    %slice3A_3510 = vector.extract_strided_slice %dot_general3A_3499 {offsets = [0, 0], sizes = [64, 128], strides = [1, 1]} : vector<128x128xf32> to vector<64x128xf32>
    %broadcast_in_dim3A_3511 = vector.shape_cast %broadcast_in_dim3A_3508 : vector<1x128xi1> to vector<1x128xi1>
    %broadcast_in_dim3A_3512 = vector.broadcast %broadcast_in_dim3A_3511 : vector<1x128xi1> to vector<64x128xi1>
    %select_n3A_3513 = arith.select %broadcast_in_dim3A_3512, %slice3A_3509, %slice3A_3510 : vector<64x128xi1>, vector<64x128xf32>
    %reshape3A_3514 = vector.shape_cast %select_n3A_3513 : vector<64x128xf32> to vector<8x8x128xf32>
    %swap3A_3515 = arith.constant 3 : index
    %swap3A_3516 = arith.constant 0 : index
    %swap3A_3517 = arith.constant 29 : index
    %swap3A_3518 = arith.constant 0 : index
    %swap3A_3519 = arith.constant 0 : index
    %swap3A_3520 = vector.load %arg4[%swap3A_3515, %swap3A_3516, %swap3A_3517, %swap3A_3518, %swap3A_3519] : memref<4x8x32x8x128xf32, #tpu.memory_space<vmem>>, vector<1x8x1x8x128xf32>
    %swap3A_3521 = vector.shape_cast %swap3A_3520 : vector<1x8x1x8x128xf32> to vector<8x8x128xf32>
    %swap3A_3522 = vector.shape_cast %reshape3A_3514 : vector<8x8x128xf32> to vector<1x8x1x8x128xf32>
    tpu.vector_store %arg4[%swap3A_3515, %swap3A_3516, %swap3A_3517, %swap3A_3518, %swap3A_3519], %swap3A_3522 {strides = array<i32>} : memref<4x8x32x8x128xf32, #tpu.memory_space<vmem>>, vector<1x8x1x8x128xf32>,
    %get3A_3523 = arith.constant 16128 : index
    %get3A_3524 = arith.constant 0 : index
    %get3A_3525 = vector.load %arg1[%get3A_3523, %get3A_3524] : memref<16384x128xf32, #tpu.memory_space<vmem>>, vector<128x128xf32>
    %dot_general3A_3526 = arith.constant dense<0.000000e+00> : vector<128x128xf32>
    %dot_general3A_3527 = tpu.matmul %get3A_3525, %get3A_1, %dot_general3A_3526 {dimension_numbers = #tpu.dot_dimension_numbers<[0], [0], [1], [1], [0, 1, 1, 1], [], []>, transpose_lhs_hint = false} : vector<128x128xf32>, vector<128x128xf32>, vector<128x128xf32> -> vector<128x128xf32>
    %get3A_3528 = arith.constant 3 : index
    %get3A_3529 = arith.constant 30 : index
    %get3A_3530 = arith.constant 0 : index
    %get3A_3531 = vector.load %arg2[%get3A_3528, %get3A_3529, %get3A_3530] : memref<4x32x128xi32, #tpu.memory_space<vmem>>, vector<1x1x128xi32>
    %get3A_3532 = vector.shape_cast %get3A_3531 : vector<1x1x128xi32> to vector<128xi32>
    %ge3A_3533 = arith.constant 503808 : i32
    %ge3A_3534 = vector.broadcast %ge3A_3533 : i32 to vector<128xi32>
    %ge3A_3535 = arith.cmpi sge, %get3A_3532, %ge3A_3534 : vector<128xi32>
    %broadcast_in_dim3A_3536 = vector.shape_cast %ge3A_3535 : vector<128xi1> to vector<1x128xi1>
    %slice3A_3537 = vector.extract_strided_slice %dot_general3A_3527 {offsets = [64, 0], sizes = [64, 128], strides = [1, 1]} : vector<128x128xf32> to vector<64x128xf32>
    %slice3A_3538 = vector.extract_strided_slice %dot_general3A_3527 {offsets = [0, 0], sizes = [64, 128], strides = [1, 1]} : vector<128x128xf32> to vector<64x128xf32>
    %broadcast_in_dim3A_3539 = vector.shape_cast %broadcast_in_dim3A_3536 : vector<1x128xi1> to vector<1x128xi1>
    %broadcast_in_dim3A_3540 = vector.broadcast %broadcast_in_dim3A_3539 : vector<1x128xi1> to vector<64x128xi1>
    %select_n3A_3541 = arith.select %broadcast_in_dim3A_3540, %slice3A_3537, %slice3A_3538 : vector<64x128xi1>, vector<64x128xf32>
    %reshape3A_3542 = vector.shape_cast %select_n3A_3541 : vector<64x128xf32> to vector<8x8x128xf32>
    %swap3A_3543 = arith.constant 3 : index
    %swap3A_3544 = arith.constant 0 : index
    %swap3A_3545 = arith.constant 30 : index
    %swap3A_3546 = arith.constant 0 : index
    %swap3A_3547 = arith.constant 0 : index
    %swap3A_3548 = vector.load %arg4[%swap3A_3543, %swap3A_3544, %swap3A_3545, %swap3A_3546, %swap3A_3547] : memref<4x8x32x8x128xf32, #tpu.memory_space<vmem>>, vector<1x8x1x8x128xf32>
    %swap3A_3549 = vector.shape_cast %swap3A_3548 : vector<1x8x1x8x128xf32> to vector<8x8x128xf32>
    %swap3A_3550 = vector.shape_cast %reshape3A_3542 : vector<8x8x128xf32> to vector<1x8x1x8x128xf32>
    tpu.vector_store %arg4[%swap3A_3543, %swap3A_3544, %swap3A_3545, %swap3A_3546, %swap3A_3547], %swap3A_3550 {strides = array<i32>} : memref<4x8x32x8x128xf32, #tpu.memory_space<vmem>>, vector<1x8x1x8x128xf32>,
    %get3A_3551 = arith.constant 16256 : index
    %get3A_3552 = arith.constant 0 : index
    %get3A_3553 = vector.load %arg1[%get3A_3551, %get3A_3552] : memref<16384x128xf32, #tpu.memory_space<vmem>>, vector<128x128xf32>
    %dot_general3A_3554 = arith.constant dense<0.000000e+00> : vector<128x128xf32>
    %dot_general3A_3555 = tpu.matmul %get3A_3553, %get3A_1, %dot_general3A_3554 {dimension_numbers = #tpu.dot_dimension_numbers<[0], [0], [1], [1], [0, 1, 1, 1], [], []>, transpose_lhs_hint = false} : vector<128x128xf32>, vector<128x128xf32>, vector<128x128xf32> -> vector<128x128xf32>
    %get3A_3556 = arith.constant 3 : index
    %get3A_3557 = arith.constant 31 : index
    %get3A_3558 = arith.constant 0 : index
    %get3A_3559 = vector.load %arg2[%get3A_3556, %get3A_3557, %get3A_3558] : memref<4x32x128xi32, #tpu.memory_space<vmem>>, vector<1x1x128xi32>
    %get3A_3560 = vector.shape_cast %get3A_3559 : vector<1x1x128xi32> to vector<128xi32>
    %ge3A_3561 = arith.constant 503808 : i32
    %ge3A_3562 = vector.broadcast %ge3A_3561 : i32 to vector<128xi32>
    %ge3A_3563 = arith.cmpi sge, %get3A_3560, %ge3A_3562 : vector<128xi32>
    %broadcast_in_dim3A_3564 = vector.shape_cast %ge3A_3563 : vector<128xi1> to vector<1x128xi1>
    %slice3A_3565 = vector.extract_strided_slice %dot_general3A_3555 {offsets = [64, 0], sizes = [64, 128], strides = [1, 1]} : vector<128x128xf32> to vector<64x128xf32>
    %slice3A_3566 = vector.extract_strided_slice %dot_general3A_3555 {offsets = [0, 0], sizes = [64, 128], strides = [1, 1]} : vector<128x128xf32> to vector<64x128xf32>
    %broadcast_in_dim3A_3567 = vector.shape_cast %broadcast_in_dim3A_3564 : vector<1x128xi1> to vector<1x128xi1>
    %broadcast_in_dim3A_3568 = vector.broadcast %broadcast_in_dim3A_3567 : vector<1x128xi1> to vector<64x128xi1>
    %select_n3A_3569 = arith.select %broadcast_in_dim3A_3568, %slice3A_3565, %slice3A_3566 : vector<64x128xi1>, vector<64x128xf32>
    %reshape3A_3570 = vector.shape_cast %select_n3A_3569 : vector<64x128xf32> to vector<8x8x128xf32>
    %swap3A_3571 = arith.constant 3 : index
    %swap3A_3572 = arith.constant 0 : index
    %swap3A_3573 = arith.constant 31 : index
    %swap3A_3574 = arith.constant 0 : index
    %swap3A_3575 = arith.constant 0 : index
    %swap3A_3576 = vector.load %arg4[%swap3A_3571, %swap3A_3572, %swap3A_3573, %swap3A_3574, %swap3A_3575] : memref<4x8x32x8x128xf32, #tpu.memory_space<vmem>>, vector<1x8x1x8x128xf32>
    %swap3A_3577 = vector.shape_cast %swap3A_3576 : vector<1x8x1x8x128xf32> to vector<8x8x128xf32>
    %swap3A_3578 = vector.shape_cast %reshape3A_3570 : vector<8x8x128xf32> to vector<1x8x1x8x128xf32>
    tpu.vector_store %arg4[%swap3A_3571, %swap3A_3572, %swap3A_3573, %swap3A_3574, %swap3A_3575], %swap3A_3578 {strides = array<i32>} : memref<4x8x32x8x128xf32, #tpu.memory_space<vmem>>, vector<1x8x1x8x128xf32>,
    return
  }
  func.func @transform_0(%arg0: i32) -> (i32, i32) {
    %c0_i32 = arith.constant 0 : i32
    %c0_i32_0 = arith.constant 0 : i32
    return %arg0, %c0_i32 : i32, i32
  }
  func.func @transform_1(%arg0: i32) -> (i32, i32, i32) {
    %c0_i32 = arith.constant 0 : i32
    %c0_i32_0 = arith.constant 0 : i32
    %c0_i32_1 = arith.constant 0 : i32
    return %arg0, %c0_i32, %c0_i32_0 : i32, i32, i32
  }
  func.func @transform_2(%arg0: i32) -> (i32, i32) {
    %c0_i32 = arith.constant 0 : i32
    %c0_i32_0 = arith.constant 0 : i32
    %c0_i32_1 = arith.constant 0 : i32
    return %c0_i32, %c0_i32_0 : i32, i32
  }
  func.func @transform_3(%arg0: i32) -> (i32, i32, i32, i32, i32) {
    %c0_i32 = arith.constant 0 : i32
    %c0_i32_0 = arith.constant 0 : i32
    %c0_i32_1 = arith.constant 0 : i32
    %c0_i32_2 = arith.constant 0 : i32
    %c0_i32_3 = arith.constant 0 : i32
    return %arg0, %c0_i32, %c0_i32_0, %c0_i32_1, %c0_i32_2 : i32, i32, i32, i32, i32
  }
}

</mosaic_0001>

<sc_bundles>
// kernel: kernel.5.cloned.1.call-start
scs
__scs_entry_jumppad:
0x0: {  	(pc) =	sbr.rel $0x88, $3  }
0x1: {  	(tag) =	ssettag $0x0;
	lr =	simm.s32 $0x1  }
0x2: {  	[smem:$0x3F9F] =	sst lr;
	_ =	strace $0xD0000000  }
0x3: {  	_ = 	snop  }
0x4: {  	_ = 	snop  }
0x5: {  	_ = 	snop  }
0x6: {  	_ = 	snop  }
0x7: {  	_ = 	snop  }
__scs_overlays_trampoline_lowered:
0x8: {  	[smem:$0x3FAE] =	sst s0  }
0x9: {  	[smem:$0x3FAF] =	sst s1  }
0xa: {  	[smem:$0x3FB0] =	sst s2  }
0xb: {  	[smem:$0x3FB1] =	sst s3  }
0xc: {  	[smem:$0x3FB2] =	sst s4  }
0xd: {  	[smem:$0x3FB3] =	sst s5  }
0xe: {  	[smem:$0x3FB4] =	sst s6  }
0xf: {  	[smem:$0x3FB5] =	sst s7  }
0x10: {  	[smem:$0x3FB6] =	sst s8  }
0x11: {  	[smem:$0x3FB7] =	sst s9;
	s0 =	simm.s32 @!p0 $0x0  }
0x12: {  	s1 =	sld [smem:$0x3F9D];
	s0 =	simm.s32 @p0 $0x1  }
0x13: {  	[smem:$0x3FB8] =	sst s0;
	s0 =	simm.s32 @!p1 $0x0  }
0x14: {  	s2 =	sld [smem:$0x3F9C];
	s0 =	simm.s32 @p1 $0x1  }
0x15: {  	[smem:$0x3FB9] =	sst s0;
	s0 =	simm.s32 @!p2 $0x0  }
0x16: {  	s3 =	sld [smem:$0x3FDB];
	s0 =	simm.s32 @p2 $0x1  }
0x17: {  	s4 =	simm.s32 $0x1BF5;
	[smem:$0x3FBB] =	sst s0  }
0x18: {  	s0 =	sld [smem:$0x3F9E];
	_ =	swait.ge [sflag:s4], $0x0  }
0x19: {  	s7 =	sld [smem:$0x3F9F]  }
0x1a: {  	s8 =	sadd.s32 $0xFFFFE003, lr  }
0x1b: {  	s9 =	sadd.s32 $0xFFFFFEF7, lr;
	s5 =	simm.s32 $0xFFFFFFFF;
	p2 =	slt.u32 s8, $0xFFFFF086  }
0x1c: {  	p1 =	slt.u32 s9, $0xF7A;
	s5 =	simm.s32 @!p2 $0x0  }
0x1d: {  	s5 =	simm.s32 @p1 $0x1;
	p0 =	seq.s32 s7, s2  }
0x1e: {  	s7 =	smul.u32 @!p0 $0xF7A, s2;
	p2 =	seq.s32 @!p0 s5, $0x0  }
0x1f: {  	s9 =	smul.u32 $0xF7A, s1;
	s8 =	simm.s32 @!p0 $0x1BF5;
	p2 =	por !p2, p0  }
0x20: {  	[sflag:s8] =	ssyncset.s32 @!p0 $0xFFFFF086;
	s6 =	sadd.s32 @!p0 s3, s7;
	s7 =	simm.s32 @!p0 $0x108  }
0x21: {  	s3 =	sadd.s32 s3, s9;
	s6 =	sadd.s32 @!p0 $0x88, s6;
	s7 =	simm.s32 @p2 $0x1082  }
0x22: {  	[simem:s7], [sflag:s8] =	dma.local @!p0 [hbm:s6], $0xF7A  }
0x23: {  	s9 =	sor.u32 $0xD0000000, s2;
	s6 =	simm.s32 $0x108;
	_ =	swait.ge @!p0 [sflag:s8], $0x0  }
0x24: {  	s3 =	sadd.s32 $0x88, s3;
	s6 =	simm.s32 @!p1 $0x1082;
	[sflag:s4] =	ssyncset.s32 $0xFFFFF086  }
0x25: {  	[simem:s6], [sflag:s4] =	dma.local [hbm:s3], $0xF7A  }
0x26: {  	[smem:$0x3F9F] =	sst s1;
	(tag) =	ssettag s2;
	_ =	strace s9  }
0x27: {  	s1 =	sld [smem:$0x3FAF]  }
0x28: {  	s2 =	sld [smem:$0x3FB0]  }
0x29: {  	s4 =	sld [smem:$0x3FB2]  }
0x2a: {  	p0 =	seq.s32 s5, $0x0;
	s5 =	sld [smem:$0x3FB3]  }
0x2b: {  	s6 =	sld [smem:$0x3FB4]  }
0x2c: {  	s7 =	sld [smem:$0x3FB5]  }
0x2d: {  	s3 =	simm.s32 $0x108;
	s8 =	sld [smem:$0x3FB6]  }
0x2e: {  	s3 =	simm.s32 @!p0 $0x1082;
	s9 =	sld [smem:$0x3FB7]  }
0x2f: {  	lr =	sadd.s32 s0, s3;
	s0 =	sld [smem:$0x3FAE]  }
0x30: {  	s3 =	sld [smem:$0x3FB1]  }
0x31: {  	[smem:$0x3FBA] =	sst s10  }
0x32: {  	s10 =	sld [smem:$0x3FB8];
	_ =	sdelay $0x3  }
0x33: {  	p0 =	seq.s32 s10, $0x1;
	s10 =	sld [smem:$0x3FBA];
	_ =	sdelay $0x3  }
0x34: {  	[smem:$0x3FBA] =	sst s10  }
0x35: {  	s10 =	sld [smem:$0x3FB9];
	_ =	sdelay $0x3  }
0x36: {  	p1 =	seq.s32 s10, $0x1;
	s10 =	sld [smem:$0x3FBA];
	_ =	sdelay $0x3  }
0x37: {  	[smem:$0x3FBA] =	sst s10  }
0x38: {  	s10 =	sld [smem:$0x3FBB]  }
0x39: {  	_ = 	snop;
	(pc) =	sbr.ind lr, $3  }
0x3a: {  	_ = 	snop  }
0x3b: {  	_ = 	snop  }
0x3c: {  	p2 =	seq.s32 s10, $0x1;
	s10 =	sld [smem:$0x3FBA]  }
0x3d: {  	_ =	shalt  }
0x3e: {  	_ =	shalt  }
0x3f: {  	_ =	shalt  }
0x40: {  	_ =	shalt  }
0x41: {  	_ =	shalt  }
0x42: {  	_ =	shalt  }
0x43: {  	_ =	shalt  }
0x44: {  	_ =	shalt  }
0x45: {  	_ =	shalt  }
0x46: {  	_ =	shalt  }
0x47: {  	_ =	shalt  }
0x48: {  	_ =	shalt  }
0x49: {  	_ =	shalt  }
0x4a: {  	_ =	shalt  }
0x4b: {  	_ =	shalt  }
0x4c: {  	_ =	shalt  }
0x4d: {  	_ =	shalt  }
0x4e: {  	_ =	shalt  }
0x4f: {  	_ =	shalt  }
0x50: {  	_ =	shalt  }
0x51: {  	_ =	shalt  }
0x52: {  	_ =	shalt  }
0x53: {  	_ =	shalt  }
0x54: {  	_ =	shalt  }
0x55: {  	_ =	shalt  }
0x56: {  	_ =	shalt  }
0x57: {  	_ =	shalt  }
0x58: {  	_ =	shalt  }
0x59: {  	_ =	shalt  }
0x5a: {  	_ =	shalt  }
0x5b: {  	_ =	shalt  }
0x5c: {  	_ =	shalt  }
0x5d: {  	_ =	shalt  }
0x5e: {  	_ =	shalt  }
0x5f: {  	_ =	shalt  }
0x60: {  	_ =	shalt  }
0x61: {  	_ =	shalt  }
0x62: {  	_ =	shalt  }
0x63: {  	_ =	shalt  }
0x64: {  	_ =	shalt  }
0x65: {  	_ =	shalt  }
0x66: {  	_ =	shalt  }
0x67: {  	_ =	shalt  }
0x68: {  	_ =	shalt  }
0x69: {  	_ =	shalt  }
0x6a: {  	_ =	shalt  }
0x6b: {  	_ =	shalt  }
0x6c: {  	_ =	shalt  }
0x6d: {  	_ =	shalt  }
0x6e: {  	_ =	shalt  }
0x6f: {  	_ =	shalt  }
0x70: {  	_ =	shalt  }
0x71: {  	_ =	shalt  }
0x72: {  	_ =	shalt  }
0x73: {  	_ =	shalt  }
0x74: {  	_ =	shalt  }
0x75: {  	_ =	shalt  }
0x76: {  	_ =	shalt  }
0x77: {  	_ =	shalt  }
0x78: {  	_ =	shalt  }
0x79: {  	_ =	shalt  }
0x7a: {  	_ =	shalt  }
0x7b: {  	_ =	shalt  }
0x7c: {  	_ =	shalt  }
0x7d: {  	_ =	shalt  }
0x7e: {  	_ =	shalt  }
0x7f: {  	_ =	shalt  }
0x80: {  	_ =	shalt  }
0x81: {  	_ =	shalt  }
0x82: {  	_ =	shalt  }
0x83: {  	_ =	shalt  }
0x84: {  	_ =	shalt  }
0x85: {  	_ =	shalt  }
0x86: {  	_ =	shalt  }
0x87: {  	_ =	shalt  }
.Lfunc_end0:
.L_simem_size_0:
called_computation_lowered:
.L_overlay_start_0:
0x88: {  	s2 =	sld [smem:$0x3FD9]  }
0x89: {  	s3 =	sld [smem:$0x3FFE];
	_ =	sdelay $0x1  }
0x8a: {  	s1 =	srdreg.scid  }
0x8b: {  	s0 =	sand.u32 $0x1, s1  }
0x8c: {  	s17 =	sshll.u32 s0, $0xA;
	s2 =	sadd.s32 s3, s2  }
0x8d: {  	s2 =	sadd.s32 s2, s17  }
0x8e: {  	[smem:$0x3FC6] =	sst s2  }
0x8f: {  	_ = 	snop  }
0x90: {  	s2 =	sld [smem:$0x3FD0];
	(tm) =	ssettm $0x1  }
0x91: {  	s18 =	sld [smem:$0x3FFB];
	_ =	sdelay $0x3  }
0x92: {  	_ =	strace s18  }
0x93: {  	s3 =	sld [smem:$0x3FFC];
	_ =	sdelay $0x3  }
0x94: {  	_ =	strace s3  }
0x95: {  	s3 =	sld [smem:$0x3FFD];
	_ =	sdelay $0x3  }
0x96: {  	_ =	strace s3  }
0x97: {  	_ =	strace $0x8FFFFFFF  }
0x98: {  	s19 =	sld [smem:$0x3FDB];
	_ =	sdelay $0x1  }
0x99: {  	s4 =	simm.s32 $_scs_section_size  }
0x9a: {  	s5 =	simm.s32 $_size__tile_overlayer_lowered;
	s6 =	simm.s32 $_tile_overlayer_lowered  }
0x9b: {  	s22 =	simm.s32 $0x1BFF;
	s21 =	sshll.u32 s6, $0x1;
	s3 =	sadd.s32 s4, s19  }
0x9c: {  	s7 =	simm.s32 $0x0;
	s20 =	sshll.u32 s5, $0x1;
	s5 =	sadd.s32 s21, s3  }
0x9d: {  	[timem:s7], [sflag:s22] =	dma.local [hbm:s5], s20  }
0x9e: {  	_ =	swait.ge [sflag:s22], s20  }
0x9f: {  	s4 =	ssub.s32 $0x0, s20;
	[sflag:s22] =	ssyncset.done $0x0  }
0xa0: {  	[sflag:s22] =	ssyncadd.s32 s4;
	_ =	sdelay $0x1  }
0xa1: {  	s23 =	simm.s32 $0x1B8B  }
0xa2: {  	_ =	swait.ge [sflag:s23], $0x1  }
0xa3: {  	[sflag:s23] =	ssyncset.done $0x0  }
0xa4: {  	s25 =	simm.s32 $0x1B8E;
	s24 =	sld [smem:$0x3FFE];
	[sflag:s23] =	ssyncadd.s32 $0xFFFFFFFF  }
0xa5: {  	s26 =	simm.s32 $execute0_lowered;
	[smem:$0x3FD2] =	sst s25  }
0xa6: {  	s5 =	sshll.u32 s26, $0x1;
	_ =	strace $0x80000046;
	[dreg:$0x1] =	wrdreg $0xFFFFFFFF  }
0xa7: {  	s28 =	simm.s32 $_size_execute0_lowered;
	s3 =	sadd.s32 s3, s5;
	[dreg:$0x0] =	wrdreg $0x0  }
0xa8: {  	s5 =	sshll.u32 s28, $0x1;
	[dreg:$0x2] =	wrdreg s3  }
0xa9: {  	[dreg:$0x3] =	wrdreg s5  }
0xaa: {  	[dreg:$0x4] =	wrdreg $0xC0  }
0xab: {  	_ =	task [dreg:s7], $0x5FFFF  }
0xac: {  	[dreg:$0x1] =	wrdreg $0xFFFFFFFF  }
0xad: {  	[dreg:$0x0] =	wrdreg $0x60  }
0xae: {  	[dreg:$0x2] =	wrdreg s2  }
0xaf: {  	[dreg:$0x3] =	wrdreg s24  }
0xb0: {  	[dreg:$0x4] =	wrdreg $0x9  }
0xb1: {  	_ =	task.clear_ibuf [dreg:s7], $0x5FFFF;
	_ =	strace $0x90000046  }
0xb2: {  	s29 =	simm.s32 $0x9;
	_ =	strace $0x80000048  }
0xb3: {  	_ =	swait.ge [sflag:s29], $0x1  }
0xb4: {  	[sflag:s29] =	ssyncadd.s32 $0xFFFFFFFF  }
0xb5: {  	_ =	strace $0x90000048  }
0xb6: {  	_ =	sfence  }
0xb7: {  	s30 =	sld [smem:$0x0];
	_ =	sdelay $0x2  }
0xb8: {  	s31 =	sshll.u32 s1, $0xD;
	s1 =	sshrl.u32 s1, $0x2  }
0xb9: {  	s3 =	sand.u32 $0x4000, s31;
	s1 =	sadd.s32 s1, s30  }
0xba: {  	s0 =	sor.u32 s3, s0;
	s1 =	sshll.u32 s1, $0x11  }
0xbb: {  	s0 =	sor.u32 s1, s0  }
0xbc: {  	s0 =	sadd.s32 $0x8F2B, s0  }
0xbd: {  	[sflag:s0] =	ssyncadd.remote.s32 $0x1  }
0xbe: {  	_ =	sfence.sel $0xFFFF  }
0xbf: {  	[dreg:$0x0] =	wrdreg $0xFFFFFFFF;
	(pc) =	sbr.abs _section_cstart, $3  }
0xc0: {  	[dreg:$0x1] =	wrdreg $0xFFFFFFFF  }
0xc1: {  	_ =	task.clear_ibuf [dreg:s7], $0x2FFFF;
	_ =	strace $0x9FFFFFFF  }
0xc2: {  	(tm) =	ssettm $0x7FFFFFFF  }
0xc3: {  	_ =	shalt  }
tec
execute0_lowered:
.L_overlay_start_1:
0x0: {  	(tag) =	ssettag $0x1  }
0x1: {  	s4 =	rddreg [dreg:$0x0]  }
0x2: {  	s5 =	rddreg [dreg:$0x1]  }
0x3: {  	s0 =	rddreg [dreg:$0x2]  }
0x4: {  	s3 =	srdreg.scid;
	s1 =	stileid.u32;
	s2 =	simm.s32 $0x0  }
0x5: {  	s13 =	simm.s32 $0x6480;
	s14 =	simm.s32 $0xA500;
	s15 =	simm.s32 $0x1  }
0x6: {  	s16 =	simm.s32 $0x2;
	s17 =	simm.s32 $0x3;
	s18 =	simm.s32 $0x4  }
0x7: {  	s19 =	simm.s32 $0x0;
	s6 =	sand.u32 $0x1, s3;
	s29 =	sshll.u32 s1, $0x1  }
0x8: {  	[smem:$0x7FF] =	sst s2;
	s3 =	sadd.s32 $0x600, s5;
	s11 =	smul.u32 $0xC8000, s1  }
0x9: {  	s9 =	sadd.s32 $0x7B0600, s5;
	s7 =	sor.u32 s6, s29;
	s12 =	smul.u32 $0x64000, s6  }
0xa: {  	_ =	strace $0x80000047;
	s30 =	ssub.s32 $0x2, s6;
	s8 =	smul.u32 $0x320000, s7  }
0xb: {  	s10 =	sshrl.u32 s30, $0x1;
	s7 =	smul.u32 $0xC80, s7;
	s31 =	sadd.s32 s11, s9  }
0xc: {  	s11 =	simm.s32 $0x6400;
	s10 =	ssub.s32 s30, s10;
	s8 =	sshrl.u32 s8, $0x3  }
0xd: {  	s4 =	sadd.s32 s4, s7;
	s7 =	smax.u32 s10, $0x1;
	s8 =	sadd.s32 s9, s8  }
0xe: {  	s10 =	simm.s32 $0x80;
	s9 =	simm.s32 $0x5;
	s5 =	sadd.s32 $0x63000, s8  }
0xf: {  	s6 =	sadd.s32 $0x63800, s8;
	s8 =	sadd.s32 s12, s31;
	s12 =	simm.s32 $0x6500  }
.LBB2_1:
0x10: {  	[tilespmem:s2], [sflag:$0x5] =	stream.linear.gather [hbm4b:s4+s2], $0x6400, $0x38;
	[tilespmem:$0xE500] =	vst v63  }
0x11: {  	_ =	swait.ge [sflag:s9], $0x6400  }
0x12: {  	[sflag:s9] =	ssyncset.done $0x0  }
0x13: {  	[sflag:s9] =	ssyncadd.s32 $0xFFFF9C00  }
0x14: {  	v0 =	vld [tilespmem:$0x0]  }
0x15: {  	v1 =	vld [tilespmem:$0x10]  }
0x16: {  	v2 =	vld [tilespmem:$0x20]  }
0x17: {  	v3 =	vld [tilespmem:$0x30]  }
0x18: {  	v4 =	vld [tilespmem:$0x40]  }
0x19: {  	v6 =	vld [tilespmem:$0x50];
	vm0 =	vgt.s32 v0, $0x7AFFF;
	v5 =	vadd.s32 $0xFFF85000, v0  }
0x1a: {  	v7 =	vld [tilespmem:$0x60];
	vm9 =	vgt.s32 v1, $0x7AFFF;
	v63 =	vadd.s32 $0xFFF85000, v1;
	v0 =	vsel vm0, v5, v0  }
0x1b: {  	v11 =	vld [tilespmem:$0x70];
	vm10 =	vgt.s32 v2, $0x7AFFF;
	v10 =	vadd.s32 $0xFFF85000, v2;
	v9 =	vsel vm9, v63, v1;
	[tilespmem:$0x6400] =	vst v0  }
0x1c: {  	vm11 =	vgt.s32 v3, $0x7AFFF;
	v13 =	vadd.s32 $0xFFF85000, v3;
	v12 =	vsel vm10, v10, v2;
	[tilespmem:$0x6410] =	vst v9  }
0x1d: {  	vm12 =	vgt.s32 v4, $0x7AFFF;
	v15 =	vadd.s32 $0xFFF85000, v4;
	v14 =	vsel vm11, v13, v3;
	[tilespmem:$0x6420] =	vst v12  }
0x1e: {  	vm13 =	vgt.s32 v6, $0x7AFFF;
	v17 =	vadd.s32 $0xFFF85000, v6;
	v16 =	vsel vm12, v15, v4;
	[tilespmem:$0x6430] =	vst v14  }
0x1f: {  	vm14 =	vgt.s32 v7, $0x7AFFF;
	v19 =	vadd.s32 $0xFFF85000, v7;
	v18 =	vsel vm13, v17, v6;
	[tilespmem:$0x6440] =	vst v16  }
0x20: {  	vm15 =	vgt.s32 v11, $0x7AFFF;
	v21 =	vadd.s32 $0xFFF85000, v11;
	v20 =	vsel vm14, v19, v7;
	[tilespmem:$0x6450] =	vst v18  }
0x21: {  	v22 =	vsel vm15, v21, v11;
	[tilespmem:$0x6460] =	vst v20  }
0x22: {  	[tilespmem:$0x6470] =	vst v22  }
0x23: {  	[tilespmem:s12], [sflag:$0x1] =	stream.indirect.gather [hbm4b:s3+s10], $0x80, s11, s10, $0xb8;
	[tilespmem:$0xE500] =	vst v63  }
0x24: {  	v23 =	vld [tilespmem:$0x80]  }
0x25: {  	v24 =	vld [tilespmem:$0x90]  }
0x26: {  	v25 =	vld [tilespmem:$0xA0]  }
0x27: {  	v26 =	vld [tilespmem:$0xB0]  }
0x28: {  	v27 =	vld [tilespmem:$0xC0]  }
0x29: {  	v29 =	vld [tilespmem:$0xD0];
	vm4 =	vgt.s32 v23, $0x7AFFF;
	v28 =	vadd.s32 $0xFFF85000, v23  }
0x2a: {  	v31 =	vld [tilespmem:$0xE0];
	vm5 =	vgt.s32 v24, $0x7AFFF;
	v30 =	vadd.s32 $0xFFF85000, v24;
	v0 =	vsel vm4, v28, v23  }
0x2b: {  	v34 =	vld [tilespmem:$0xF0];
	vm6 =	vgt.s32 v25, $0x7AFFF;
	v33 =	vadd.s32 $0xFFF85000, v25;
	v32 =	vsel vm5, v30, v24;
	[tilespmem:$0x6480] =	vst v0  }
0x2c: {  	vm7 =	vgt.s32 v26, $0x7AFFF;
	v36 =	vadd.s32 $0xFFF85000, v26;
	v35 =	vsel vm6, v33, v25;
	[tilespmem:$0x6490] =	vst v32  }
0x2d: {  	vm8 =	vgt.s32 v27, $0x7AFFF;
	v38 =	vadd.s32 $0xFFF85000, v27;
	v37 =	vsel vm7, v36, v26;
	[tilespmem:$0x64A0] =	vst v35  }
0x2e: {  	vm9 =	vgt.s32 v29, $0x7AFFF;
	v40 =	vadd.s32 $0xFFF85000, v29;
	v39 =	vsel vm8, v38, v27;
	[tilespmem:$0x64B0] =	vst v37  }
0x2f: {  	vm10 =	vgt.s32 v31, $0x7AFFF;
	v42 =	vadd.s32 $0xFFF85000, v31;
	v41 =	vsel vm9, v40, v29;
	[tilespmem:$0x64C0] =	vst v39  }
0x30: {  	vm11 =	vgt.s32 v34, $0x7AFFF;
	v44 =	vadd.s32 $0xFFF85000, v34;
	v43 =	vsel vm10, v42, v31;
	[tilespmem:$0x64D0] =	vst v41  }
0x31: {  	v45 =	vsel vm11, v44, v34;
	[tilespmem:$0x64E0] =	vst v43  }
0x32: {  	[tilespmem:$0x64F0] =	vst v45  }
0x33: {  	[tilespmem:s14], [sflag:$0x2] =	stream.indirect.gather [hbm4b:s3+s10], $0x80, s13, s10, $0xb8;
	[tilespmem:$0xE500] =	vst v63  }
0x34: {  	_ =	swait.ge [sflag:s15], $0x4000  }
0x35: {  	[sflag:s15] =	ssyncset.done $0x0  }
0x36: {  	s20 =	sadd.s32 $0x0, s8;
	[sflag:s15] =	ssyncadd.s32 $0xFFFFC000  }
0x37: {  	[hbm4b:s20+s2] =	stream.linear.scatter [tilespmem:s12], [sflag:$0x3], $0x4000, $0x38;
	[tilespmem:$0xE500] =	vst v63  }
0x38: {  	_ =	swait.ge [sflag:s16], $0x4000  }
0x39: {  	[sflag:s16] =	ssyncset.done $0x0  }
0x3a: {  	s20 =	sadd.s32 $0x800, s20;
	[sflag:s16] =	ssyncadd.s32 $0xFFFFC000  }
0x3b: {  	[hbm4b:s20+s2] =	stream.linear.scatter [tilespmem:s14], [sflag:$0x4], $0x4000, $0x38;
	[tilespmem:$0xE500] =	vst v63  }
0x3c: {  	_ =	swait.ge [sflag:s17], $0x4000  }
0x3d: {  	[sflag:s17] =	ssyncset.done $0x0  }
0x3e: {  	s31 =	simm.s32 $0x1F0;
	[sflag:s17] =	ssyncadd.s32 $0xFFFFC000  }
0x3f: {  	v46 =	vld [tilespmem:s31+$0xFFFFFF10];
	_ =	sdelay $0x4  }
0x40: {  	vm12 =	vgt.s32 v46, $0x7AFFF;
	v47 =	vadd.s32 $0xFFF85000, v46  }
0x41: {  	v0 =	vsel vm12, v47, v46  }
0x42: {  	[tilespmem:$0x6400] =	vst v0  }
0x43: {  	v0 =	vld [tilespmem:s31+$0xFFFFFF20];
	_ =	sdelay $0x4  }
0x44: {  	vm13 =	vgt.s32 v0, $0x7AFFF;
	v48 =	vadd.s32 $0xFFF85000, v0  }
0x45: {  	v0 =	vsel vm13, v48, v0  }
0x46: {  	[tilespmem:$0x6410] =	vst v0  }
0x47: {  	v0 =	vld [tilespmem:s31+$0xFFFFFF30];
	_ =	sdelay $0x4  }
0x48: {  	vm14 =	vgt.s32 v0, $0x7AFFF;
	v49 =	vadd.s32 $0xFFF85000, v0  }
0x49: {  	v0 =	vsel vm14, v49, v0  }
0x4a: {  	[tilespmem:$0x6420] =	vst v0  }
0x4b: {  	v0 =	vld [tilespmem:s31+$0xFFFFFF40];
	_ =	sdelay $0x4  }
0x4c: {  	vm15 =	vgt.s32 v0, $0x7AFFF;
	v50 =	vadd.s32 $0xFFF85000, v0  }
0x4d: {  	v0 =	vsel vm15, v50, v0  }
0x4e: {  	[tilespmem:$0x6430] =	vst v0  }
0x4f: {  	v0 =	vld [tilespmem:s31+$0xFFFFFF50];
	_ =	sdelay $0x4  }
0x50: {  	vm4 =	vgt.s32 v0, $0x7AFFF;
	v51 =	vadd.s32 $0xFFF85000, v0  }
0x51: {  	v0 =	vsel vm4, v51, v0  }
0x52: {  	[tilespmem:$0x6440] =	vst v0  }
0x53: {  	v0 =	vld [tilespmem:s31+$0xFFFFFF60];
	_ =	sdelay $0x4  }
0x54: {  	vm5 =	vgt.s32 v0, $0x7AFFF;
	v52 =	vadd.s32 $0xFFF85000, v0  }
0x55: {  	v0 =	vsel vm5, v52, v0  }
0x56: {  	[tilespmem:$0x6450] =	vst v0  }
0x57: {  	v0 =	vld [tilespmem:s31+$0xFFFFFF70];
	_ =	sdelay $0x4  }
0x58: {  	vm6 =	vgt.s32 v0, $0x7AFFF;
	v53 =	vadd.s32 $0xFFF85000, v0  }
0x59: {  	v0 =	vsel vm6, v53, v0  }
0x5a: {  	[tilespmem:$0x6460] =	vst v0  }
0x5b: {  	v0 =	vld [tilespmem:s31+$0xFFFFFF80];
	_ =	sdelay $0x4  }
0x5c: {  	vm7 =	vgt.s32 v0, $0x7AFFF;
	v54 =	vadd.s32 $0xFFF85000, v0  }
0x5d: {  	v0 =	vsel vm7, v54, v0  }
0x5e: {  	[tilespmem:$0x6470] =	vst v0  }
0x5f: {  	[tilespmem:s12], [sflag:$0x1] =	stream.indirect.gather [hbm4b:s3+s10], $0x80, s11, s10, $0xb8;
	[tilespmem:$0xE500] =	vst v63  }
0x60: {  	_ =	swait.ge [sflag:s18], $0x4000  }
0x61: {  	[sflag:s18] =	ssyncset.done $0x0  }
0x62: {  	[sflag:s18] =	ssyncadd.s32 $0xFFFFC000  }
0x63: {  	v55 =	vld [tilespmem:s31+$0xFFFFFF90];
	_ =	sdelay $0x4  }
0x64: {  	vm8 =	vgt.s32 v55, $0x7AFFF;
	v56 =	vadd.s32 $0xFFF85000, v55  }
0x65: {  	v0 =	vsel vm8, v56, v55  }
0x66: {  	[tilespmem:$0x6480] =	vst v0  }
0x67: {  	v0 =	vld [tilespmem:s31+$0xFFFFFFA0];
	_ =	sdelay $0x4  }
0x68: {  	vm9 =	vgt.s32 v0, $0x7AFFF;
	v57 =	vadd.s32 $0xFFF85000, v0  }
0x69: {  	v0 =	vsel vm9, v57, v0  }
0x6a: {  	[tilespmem:$0x6490] =	vst v0  }
0x6b: {  	v0 =	vld [tilespmem:s31+$0xFFFFFFB0];
	_ =	sdelay $0x4  }
0x6c: {  	vm10 =	vgt.s32 v0, $0x7AFFF;
	v58 =	vadd.s32 $0xFFF85000, v0  }
0x6d: {  	v0 =	vsel vm10, v58, v0  }
0x6e: {  	[tilespmem:$0x64A0] =	vst v0  }
0x6f: {  	v0 =	vld [tilespmem:s31+$0xFFFFFFC0];
	_ =	sdelay $0x4  }
0x70: {  	vm11 =	vgt.s32 v0, $0x7AFFF;
	v59 =	vadd.s32 $0xFFF85000, v0  }
0x71: {  	v0 =	vsel vm11, v59, v0  }
0x72: {  	[tilespmem:$0x64B0] =	vst v0  }
0x73: {  	v0 =	vld [tilespmem:s31+$0xFFFFFFD0];
	_ =	sdelay $0x4  }
0x74: {  	vm12 =	vgt.s32 v0, $0x7AFFF;
	v60 =	vadd.s32 $0xFFF85000, v0  }
0x75: {  	v0 =	vsel vm12, v60, v0  }
0x76: {  	[tilespmem:$0x64C0] =	vst v0  }
0x77: {  	v0 =	vld [tilespmem:s31+$0xFFFFFFE0];
	_ =	sdelay $0x4  }
0x78: {  	vm13 =	vgt.s32 v0, $0x7AFFF;
	v61 =	vadd.s32 $0xFFF85000, v0  }
0x79: {  	v0 =	vsel vm13, v61, v0  }
0x7a: {  	[tilespmem:$0x64D0] =	vst v0  }
0x7b: {  	v0 =	vld [tilespmem:s31+$0xFFFFFFF0];
	_ =	sdelay $0x4  }
0x7c: {  	vm14 =	vgt.s32 v0, $0x7AFFF;
	v62 =	vadd.s32 $0xFFF85000, v0  }
0x7d: {  	v0 =	vsel vm14, v62, v0  }
0x7e: {  	[tilespmem:$0x64E0] =	vst v0  }
0x7f: {  	v0 =	vld [tilespmem:s31+$0x0];
	_ =	sdelay $0x4  }
0x80: {  	vm15 =	vgt.s32 v0, $0x7AFFF;
	v63 =	vadd.s32 $0xFFF85000, v0  }
0x81: {  	v0 =	vsel vm15, v63, v0  }
0x82: {  	s21 =	simm.s32 $0x2F0;
	s20 =	simm.s32 $0x1000;
	[tilespmem:$0x64F0] =	vst v0  }
.LBB2_2:
0x83: {  	[tilespmem:s14], [sflag:$0x2] =	stream.indirect.gather [hbm4b:s3+s10], $0x80, s13, s10, $0xb8;
	[tilespmem:$0xE500] =	vst v63  }
0x84: {  	s22 =	smov.u32 s20  }
0x85: {  	p0 =	sne.s32 s20, $0x62000;
	s20 =	sadd.s32 $0x1000, s20;
	_ =	swait.ge [sflag:s15], $0x4000  }
0x86: {  	[sflag:s15] =	ssyncset.done $0x0  }
0x87: {  	s22 =	sadd.s32 s22, s8;
	[sflag:s15] =	ssyncadd.s32 $0xFFFFC000  }
0x88: {  	[hbm4b:s22+s2] =	stream.linear.scatter [tilespmem:s12], [sflag:$0x3], $0x4000, $0x38;
	[tilespmem:$0xE500] =	vst v63  }
0x89: {  	_ =	swait.ge [sflag:s16], $0x4000  }
0x8a: {  	[sflag:s16] =	ssyncset.done $0x0  }
0x8b: {  	s22 =	sadd.s32 $0x800, s22;
	[sflag:s16] =	ssyncadd.s32 $0xFFFFC000  }
0x8c: {  	[hbm4b:s22+s2] =	stream.linear.scatter [tilespmem:s14], [sflag:$0x4], $0x4000, $0x38;
	[tilespmem:$0xE500] =	vst v63  }
0x8d: {  	_ =	swait.ge [sflag:s17], $0x4000  }
0x8e: {  	[sflag:s17] =	ssyncset.done $0x0  }
0x8f: {  	[sflag:s17] =	ssyncadd.s32 $0xFFFFC000  }
0x90: {  	v0 =	vld [tilespmem:s21+$0xFFFFFF10];
	_ =	sdelay $0x4  }
0x91: {  	vm0 =	vgt.s32 v0, $0x7AFFF;
	v1 =	vadd.s32 $0xFFF85000, v0  }
0x92: {  	v0 =	vsel vm0, v1, v0  }
0x93: {  	[tilespmem:$0x6400] =	vst v0  }
0x94: {  	v0 =	vld [tilespmem:s21+$0xFFFFFF20];
	_ =	sdelay $0x4  }
0x95: {  	vm0 =	vgt.s32 v0, $0x7AFFF;
	v1 =	vadd.s32 $0xFFF85000, v0  }
0x96: {  	v0 =	vsel vm0, v1, v0  }
0x97: {  	[tilespmem:$0x6410] =	vst v0  }
0x98: {  	v0 =	vld [tilespmem:s21+$0xFFFFFF30];
	_ =	sdelay $0x4  }
0x99: {  	vm0 =	vgt.s32 v0, $0x7AFFF;
	v1 =	vadd.s32 $0xFFF85000, v0  }
0x9a: {  	v0 =	vsel vm0, v1, v0  }
0x9b: {  	[tilespmem:$0x6420] =	vst v0  }
0x9c: {  	v0 =	vld [tilespmem:s21+$0xFFFFFF40];
	_ =	sdelay $0x4  }
0x9d: {  	vm0 =	vgt.s32 v0, $0x7AFFF;
	v1 =	vadd.s32 $0xFFF85000, v0  }
0x9e: {  	v0 =	vsel vm0, v1, v0  }
0x9f: {  	[tilespmem:$0x6430] =	vst v0  }
0xa0: {  	v0 =	vld [tilespmem:s21+$0xFFFFFF50];
	_ =	sdelay $0x4  }
0xa1: {  	vm0 =	vgt.s32 v0, $0x7AFFF;
	v1 =	vadd.s32 $0xFFF85000, v0  }
0xa2: {  	v0 =	vsel vm0, v1, v0  }
0xa3: {  	[tilespmem:$0x6440] =	vst v0  }
0xa4: {  	v0 =	vld [tilespmem:s21+$0xFFFFFF60];
	_ =	sdelay $0x4  }
0xa5: {  	vm0 =	vgt.s32 v0, $0x7AFFF;
	v1 =	vadd.s32 $0xFFF85000, v0  }
0xa6: {  	v0 =	vsel vm0, v1, v0  }
0xa7: {  	[tilespmem:$0x6450] =	vst v0  }
0xa8: {  	v0 =	vld [tilespmem:s21+$0xFFFFFF70];
	_ =	sdelay $0x4  }
0xa9: {  	vm0 =	vgt.s32 v0, $0x7AFFF;
	v1 =	vadd.s32 $0xFFF85000, v0  }
0xaa: {  	v0 =	vsel vm0, v1, v0  }
0xab: {  	[tilespmem:$0x6460] =	vst v0  }
0xac: {  	v0 =	vld [tilespmem:s21+$0xFFFFFF80];
	_ =	sdelay $0x4  }
0xad: {  	vm0 =	vgt.s32 v0, $0x7AFFF;
	v1 =	vadd.s32 $0xFFF85000, v0  }
0xae: {  	v0 =	vsel vm0, v1, v0  }
0xaf: {  	[tilespmem:$0x6470] =	vst v0  }
0xb0: {  	[tilespmem:s12], [sflag:$0x1] =	stream.indirect.gather [hbm4b:s3+s10], $0x80, s11, s10, $0xb8;
	[tilespmem:$0xE500] =	vst v63  }
0xb1: {  	_ =	swait.ge [sflag:s18], $0x4000  }
0xb2: {  	[sflag:s18] =	ssyncset.done $0x0  }
0xb3: {  	[sflag:s18] =	ssyncadd.s32 $0xFFFFC000  }
0xb4: {  	v0 =	vld [tilespmem:s21+$0xFFFFFF90];
	_ =	sdelay $0x4  }
0xb5: {  	vm0 =	vgt.s32 v0, $0x7AFFF;
	v1 =	vadd.s32 $0xFFF85000, v0  }
0xb6: {  	v0 =	vsel vm0, v1, v0  }
0xb7: {  	[tilespmem:$0x6480] =	vst v0  }
0xb8: {  	v0 =	vld [tilespmem:s21+$0xFFFFFFA0];
	_ =	sdelay $0x4  }
0xb9: {  	vm0 =	vgt.s32 v0, $0x7AFFF;
	v1 =	vadd.s32 $0xFFF85000, v0  }
0xba: {  	v0 =	vsel vm0, v1, v0  }
0xbb: {  	[tilespmem:$0x6490] =	vst v0  }
0xbc: {  	v0 =	vld [tilespmem:s21+$0xFFFFFFB0];
	_ =	sdelay $0x4  }
0xbd: {  	vm0 =	vgt.s32 v0, $0x7AFFF;
	v1 =	vadd.s32 $0xFFF85000, v0  }
0xbe: {  	v0 =	vsel vm0, v1, v0  }
0xbf: {  	[tilespmem:$0x64A0] =	vst v0  }
0xc0: {  	v0 =	vld [tilespmem:s21+$0xFFFFFFC0];
	_ =	sdelay $0x4  }
0xc1: {  	vm0 =	vgt.s32 v0, $0x7AFFF;
	v1 =	vadd.s32 $0xFFF85000, v0  }
0xc2: {  	v0 =	vsel vm0, v1, v0  }
0xc3: {  	[tilespmem:$0x64B0] =	vst v0  }
0xc4: {  	v0 =	vld [tilespmem:s21+$0xFFFFFFD0];
	_ =	sdelay $0x4  }
0xc5: {  	vm0 =	vgt.s32 v0, $0x7AFFF;
	v1 =	vadd.s32 $0xFFF85000, v0  }
0xc6: {  	v0 =	vsel vm0, v1, v0  }
0xc7: {  	[tilespmem:$0x64C0] =	vst v0  }
0xc8: {  	v0 =	vld [tilespmem:s21+$0xFFFFFFE0];
	_ =	sdelay $0x4  }
0xc9: {  	vm0 =	vgt.s32 v0, $0x7AFFF;
	v1 =	vadd.s32 $0xFFF85000, v0  }
0xca: {  	v0 =	vsel vm0, v1, v0  }
0xcb: {  	[tilespmem:$0x64D0] =	vst v0  }
0xcc: {  	v0 =	vld [tilespmem:s21+$0xFFFFFFF0];
	_ =	sdelay $0x4  }
0xcd: {  	vm0 =	vgt.s32 v0, $0x7AFFF;
	v1 =	vadd.s32 $0xFFF85000, v0  }
0xce: {  	v0 =	vsel vm0, v1, v0  }
0xcf: {  	[tilespmem:$0x64E0] =	vst v0  }
0xd0: {  	v0 =	vld [tilespmem:s21+$0x0];
	_ =	sdelay $0x2  }
.Ltmp0:
0xd1: {  	(pc) =	sbr.rel @p0 .LBB2_2-.Ltmp0, $4  }
0xd2: {  	_ = 	snop  }
0xd3: {  	vm0 =	vgt.s32 v0, $0x7AFFF;
	v1 =	vadd.s32 $0xFFF85000, v0  }
0xd4: {  	v0 =	vsel vm0, v1, v0  }
0xd5: {  	s21 =	sadd.s32 $0x100, s21;
	[tilespmem:$0x64F0] =	vst v0  }
0xd6: {  	[tilespmem:s14], [sflag:$0x2] =	stream.indirect.gather [hbm4b:s3+s10], $0x80, s13, s10, $0xb8;
	[tilespmem:$0xE500] =	vst v63  }
0xd7: {  	_ =	swait.ge [sflag:s15], $0x4000  }
0xd8: {  	[sflag:s15] =	ssyncset.done $0x0  }
0xd9: {  	[sflag:s15] =	ssyncadd.s32 $0xFFFFC000  }
0xda: {  	[hbm4b:s5+s2] =	stream.linear.scatter [tilespmem:s12], [sflag:$0x3], $0x4000, $0x38;
	[tilespmem:$0xE500] =	vst v63  }
0xdb: {  	_ =	swait.ge [sflag:s16], $0x4000  }
0xdc: {  	[sflag:s16] =	ssyncset.done $0x0  }
0xdd: {  	s19 =	sadd.s32 $0x1, s19;
	[sflag:s16] =	ssyncadd.s32 $0xFFFFC000  }
0xde: {  	[hbm4b:s6+s2] =	stream.linear.scatter [tilespmem:s14], [sflag:$0x4], $0x4000, $0x38;
	[tilespmem:$0xE500] =	vst v63  }
0xdf: {  	p0 =	sne.s32 s19, s7;
	_ =	swait.ge [sflag:s17], $0x4000  }
.Ltmp1:
0xe0: {  	[sflag:s17] =	ssyncset.done $0x0;
	(pc) =	sbr.rel @p0 .LBB2_1-.Ltmp1, $4  }
0xe1: {  	[sflag:s17] =	ssyncadd.s32 $0xFFFFC000  }
0xe2: {  	_ =	swait.ge [sflag:s18], $0x4000  }
0xe3: {  	[sflag:s18] =	ssyncset.done $0x0  }
0xe4: {  	[sflag:s18] =	ssyncadd.s32 $0xFFFFC000  }
0xe5: {  	_ =	sfence.sel $0x180000  }
0xe6: {  	[bflag:$0x0] =	sbarrier.arrive $0xFFFF  }
0xe7: {  	p0 =	sne.s32 s1, $0x0;
	_ =	strace $0x90000047  }
0xe8: {  	s0 =	sadd.s32 @!p0 $0x100000, s0;
	[bflag:$0x2] =	sbarrier.arrive $0xFFFF  }
0xe9: {  	[sflag:s0] =	ssyncadd.tile.s32 @!p0 $0x1;
	_ =	shalt  }
.Lfunc_end2:
_tile_overlayer_lowered:
.L_overlay_start_2:
0xea: {  	(tag) =	ssettag $0x2  }
0xeb: {  	s0 =	rddreg [dreg:$0x0];
	s2 =	stileid.u32  }
0xec: {  	s1 =	rddreg [dreg:$0x1];
	p0 =	sne.s32 s2, $0x0  }
0xed: {  	s3 =	rddreg [dreg:$0x2];
	[bflag:$0x3] =	sbarrier.arrive $0xFFFF;
	s2 =	simm.s32 @!p0 $0x1C05  }
0xee: {  	[timem:s3], [sflag:s2] =	dma.local @!p0 [hbm:s0], s1  }
0xef: {  	s0 =	simm.s32 @!p0 $0x5  }
0xf0: {  	_ =	swait.ge @!p0 [sflag:s0], s1  }
0xf1: {  	s1 =	ssub.s32 @!p0 $0x0, s1;
	[sflag:s0] =	ssyncset.done @!p0 $0x0  }
0xf2: {  	[sflag:s0] =	ssyncadd.s32 @!p0 s1  }
0xf3: {  	[bflag:$0x3] =	sbarrier.arrive $0xFFFF  }
0xf4: {  	_ =	shalt  }

</sc_bundles>
